<compile_context>
chip_gen: v7x
topology: tpu7x:2x2x1
jax: 0.10.2.dev20260603
libtpu: 0.0.44.dev20260713+nightly
codegen_flags: <defaults>
</compile_context>

<pallas_src>
import jax
import jax.numpy as jnp
from jax import lax
from jax.experimental import pallas as pl
from jax.experimental.pallas import tpu as pltpu
from jax.experimental.pallas import tpu_sc as plsc

_N = 10000
_E = 160000

_NC = 2
_NS = 16
_CHUNK = 128
_EPAD = 163840
_NPAD = 10112
_RPT = _NPAD // _NS
_DUMMY = _NPAD - 8
_NCHS = 20

_BM = 1000
_BMF = 2000


def _make_sc_aggregate(wc: int, n_stages: int, core_split: bool,
                       with_deg: bool, chunk: int, nchs: int, depth: int,
                       async_scat: bool = False):
    mesh = plsc.VectorSubcoreMesh(
        core_axis_name="c", subcore_axis_name="s",
        num_cores=_NC, num_subcores=_NS)
    agg_t = jax.ShapeDtypeStruct((_NC, _NPAD, wc), jnp.float32)
    out_type = ([agg_t, jax.ShapeDtypeStruct((_NC, _NPAD, 16), jnp.float32)]
                if with_deg else agg_t)
    scratch = [
        pltpu.VMEM_SHARED((_NPAD, wc), jnp.float32),
        pltpu.VMEM((nchs, chunk), jnp.int32),
        pltpu.VMEM((nchs, chunk), jnp.int32),
    ]
    scratch += [pltpu.VMEM((chunk, wc), jnp.float32) for _ in range(depth)]
    scratch += [pltpu.SemaphoreType.DMA for _ in range(depth)]
    if async_scat:
        scratch.append(pltpu.SemaphoreType.DMA)
    if with_deg:
        scratch += [
            pltpu.VMEM_SHARED((_NPAD, 16), jnp.float32),
            pltpu.VMEM((chunk, 16), jnp.float32),
        ]

    def body(*args):
        if with_deg:
            (z_agg, z_deg, ones, table, src, dst, agg_out, deg_out,
             agg_sh, src_v, dst_v, *rest) = args
            bufs, sems = rest[:depth], rest[depth:2 * depth]
            deg_sh, ones_v = rest[2 * depth:]
        else:
            (z_agg, table, src, dst, agg_out,
             agg_sh, src_v, dst_v, *rest) = args
            bufs, sems = rest[:depth], rest[depth:2 * depth]
            sem_s = rest[2 * depth] if async_scat else None
        cid = lax.axis_index("c")
        sid = lax.axis_index("s")
        row0 = sid * _RPT

        pltpu.sync_copy(z_agg, agg_sh.at[pl.ds(row0, _RPT), :])
        if with_deg:
            pltpu.sync_copy(z_deg, deg_sh.at[pl.ds(row0, _RPT), :])
            pltpu.sync_copy(ones, ones_v)
        plsc.subcore_barrier()

        def fire(j, k):
            pltpu.async_copy(table.at[src_v.at[j]], bufs[k], sems[k])

        def drain(k):
            pltpu.make_async_copy(
                table.at[src_v.at[0]], bufs[k], sems[k]).wait()

        def scat(j, k, deg_on):
            pltpu.sync_copy(bufs[k], agg_sh.at[dst_v.at[j]], add=True)
            if with_deg:
                @pl.when(deg_on)
                def _():
                    pltpu.sync_copy(ones_v, deg_sh.at[dst_v.at[j]], add=True)

        for q in range(n_stages):
            pltpu.sync_copy(src.at[cid, sid, q], src_v)
            if core_split:
                pltpu.sync_copy(dst.at[cid, sid, q], dst_v)
            else:
                pltpu.sync_copy(dst.at[sid, q], dst_v)
            deg_on = q // max(1, n_stages // _NC) == cid

            if async_scat:
                def fire_s(j, k):
                    pltpu.async_copy(bufs[k], agg_sh.at[dst_v.at[j]],
                                     sem_s, add=True)

                def drain_s():
                    pltpu.make_async_copy(
                        bufs[0], agg_sh.at[dst_v.at[0]], sem_s).wait()

                fire(0, 0)
                fire(1, 1)
                for i in range(2):
                    fire(i + 2, i + 2)
                    drain(i)
                    fire_s(i, i)

                @pl.loop(0, (nchs - 4) // 4)
                def _(p):
                    for k in range(4):
                        ki = (2 + k) % 4
                        drain_s()
                        fire(4 * p + 4 + k, k)
                        drain(ki)
                        fire_s(4 * p + 2 + k, ki)

                for k in range(2):
                    ki = (2 + k) % 4
                    drain_s()
                    drain(ki)
                    fire_s(nchs - 2 + k, ki)
                drain_s()
                drain_s()
            else:
                for k in range(depth - 1):
                    fire(k, k)

                @pl.loop(0, nchs // depth - 1)
                def _(p):
                    for k in range(depth):
                        j = depth * p + k
                        fire(j + depth - 1, (k + depth - 1) % depth)
                        drain(k)
                        scat(j, k, deg_on)

                fire(nchs - 1, depth - 1)
                for k in range(depth):
                    drain(k)
                    scat(nchs - depth + k, k, deg_on)

        plsc.subcore_barrier()
        pltpu.sync_copy(agg_sh.at[pl.ds(row0, _RPT), :],
                        agg_out.at[cid, pl.ds(row0, _RPT), :])
        if with_deg:
            pltpu.sync_copy(deg_sh.at[pl.ds(row0, _RPT), :],
                            deg_out.at[cid, pl.ds(row0, _RPT), :])

    return pl.kernel(
        body, out_type=out_type, mesh=mesh, scratch_types=scratch,
        name=f"sc_agg_w{wc}",
        compiler_params=pltpu.CompilerParams(use_tc_tiling_on_sc=False))


_sc_agg_l1 = _make_sc_aggregate(128, 4, False, True, _CHUNK, _NCHS, 2)
_sc_agg_l2 = _make_sc_aggregate(32, 4, False, False, _CHUNK, _NCHS, 4,
                                async_scat=True)


def _rowspec(w, bm=_BM):
    return pl.BlockSpec((bm, w), lambda i: (i, 0))


def _pairspec(w, bm=_BM):
    return pl.BlockSpec((_NC, bm, w), lambda i: (0, i, 0))


def _full(shape):
    return pl.BlockSpec(shape, lambda i: (0, 0))


def _tcs_body(x_ref, ws_ref, b_ref, o_ref):
    o_ref[...] = jnp.dot(x_ref[...], ws_ref[...],
                         preferred_element_type=jnp.float32) + b_ref[...]


_tc_self1 = pl.pallas_call(
    _tcs_body,
    grid=(_N // _BM,),
    in_specs=[_rowspec(256), _full((256, 256)), _full((1, 256))],
    out_specs=_rowspec(256),
    out_shape=jax.ShapeDtypeStruct((_N, 256), jnp.float32),
)


def _tca_body(xs_ref, agg_ref, deg_ref, wn0_ref, wn1_ref, ws2_ref, wn2_ref,
              b2_ref, hs_ref, hw_ref):
    deg = deg_ref[0, :, 0:1] + deg_ref[1, :, 0:1]
    r = 1.0 / jnp.maximum(deg, 1.0)
    acc = xs_ref[...]
    acc += jnp.dot(agg_ref[0] * r, wn0_ref[...],
                   preferred_element_type=jnp.float32)
    acc += jnp.dot(agg_ref[1] * r, wn1_ref[...],
                   preferred_element_type=jnp.float32)
    h = jnp.maximum(acc, 0.0)
    hs_ref[...] = jnp.dot(h, ws2_ref[...],
                          preferred_element_type=jnp.float32) + b2_ref[...]
    hw_ref[...] = jnp.dot(h, wn2_ref[...], preferred_element_type=jnp.float32)


_tc_mid = pl.pallas_call(
    _tca_body,
    grid=(_N // _BM,),
    in_specs=[_rowspec(256), _pairspec(128), _pairspec(16),
              _full((128, 256)), _full((128, 256)),
              _full((256, 64)), _full((256, 64)), _full((1, 64))],
    out_specs=[_rowspec(64), _rowspec(64)],
    out_shape=[jax.ShapeDtypeStruct((_N, 64), jnp.float32),
               jax.ShapeDtypeStruct((_N, 64), jnp.float32)],
)


def _tcf_body(hs_ref, agg_ref, deg_ref, o_ref):
    deg = deg_ref[0, :, 0:1] + deg_ref[1, :, 0:1]
    r = 1.0 / jnp.maximum(deg, 1.0)
    o_ref[...] = hs_ref[...] + jnp.concatenate(
        [agg_ref[0] * r, agg_ref[1] * r], axis=1)


_tc_final = pl.pallas_call(
    _tcf_body,
    grid=(_N // _BMF,),
    in_specs=[_rowspec(64, _BMF), _pairspec(32, _BMF), _pairspec(16, _BMF)],
    out_specs=_rowspec(64, _BMF),
    out_shape=jax.ShapeDtypeStruct((_N, 64), jnp.float32),
)


def kernel(x, edge_index, W_self1, W_neigh1, b1, W_self2, W_neigh2, b2):
    src = edge_index[0].astype(jnp.int32)
    dst = edge_index[1].astype(jnp.int32)
    pad = _EPAD - _E
    srcp = jnp.concatenate([src, jnp.zeros((pad,), jnp.int32)])
    pad_dst = _N + jax.lax.rem(jnp.arange(pad, dtype=jnp.int32),
                               jnp.int32(_NPAD - _N))
    dstp = jnp.concatenate([dst, pad_dst])
    base = srcp * 2
    src3 = jnp.stack([base, base + 1]).reshape(_NC, _NS, 4, _NCHS, _CHUNK)
    dst3 = dstp.reshape(_NS, 4, _NCHS, _CHUNK)

    z1 = jnp.zeros((_RPT, 128), jnp.float32)
    zd = jnp.zeros((_RPT, 16), jnp.float32)
    ones = jnp.ones((_CHUNK, 16), jnp.float32)
    table1 = x.reshape(2 * _N, 128)
    agg1, deg = _sc_agg_l1(z1, zd, ones, table1, src3, dst3)

    xs = _tc_self1(x, W_self1, b1.reshape(1, 256))
    hs, hw = _tc_mid(xs, agg1, deg, W_neigh1[:128], W_neigh1[128:],
                     W_self2, W_neigh2, b2.reshape(1, 64))

    z2 = jnp.zeros((_RPT, 32), jnp.float32)
    table2 = hw.reshape(2 * _N, 32)
    agg2 = _sc_agg_l2(z2, table2, src3, dst3)

    return _tc_final(hs, agg2, deg)

# --- scband reference (transcript-rebuilt; emitter-appended) ---
"""Pipeline reference for scband-backbone-gnn-1056561955467 (READ-ONLY COPY).

The authoritative reference and input builder live on the scoring server;
editing this copy changes nothing except your own understanding.
"""

import jax, jax.numpy as jnp
import numpy as np

N_NODES = 10000
N_EDGES = 160000
D_FEAT = 256
D_HID = 256
N_CLASSES = 64


def setup_inputs(seed: int = 0) -> dict:
    key = jax.random.key(seed)
    ks = jax.random.split(key, 8)
    x = jax.random.normal(ks[0], (N_NODES, D_FEAT), dtype=jnp.float32)
    edge_index = jax.random.randint(ks[1], (2, N_EDGES), 0, N_NODES, dtype=jnp.int64 if jax.config.jax_enable_x64 else jnp.int32).astype(jnp.int32)
    # SAGEConv (mean aggr) parameters: fc_self + fc_neigh + bias, for 2 layers
    def glorot(k, shape):
        fan_in, fan_out = shape[0], shape[1]
        s = jnp.sqrt(6.0 / (fan_in + fan_out))
        return jax.random.uniform(k, shape, dtype=jnp.float32, minval=-s, maxval=s)
    W_self1 = glorot(ks[2], (D_FEAT, D_HID))
    W_neigh1 = glorot(ks[3], (D_FEAT, D_HID))
    b1 = jnp.zeros((D_HID,), dtype=jnp.float32)
    W_self2 = glorot(ks[4], (D_HID, N_CLASSES))
    W_neigh2 = glorot(ks[5], (D_HID, N_CLASSES))
    b2 = jnp.zeros((N_CLASSES,), dtype=jnp.float32)
    return {"x": x, "edge_index": edge_index, "W_self1": W_self1, "W_neigh1": W_neigh1, "b1": b1, "W_self2": W_self2, "W_neigh2": W_neigh2, "b2": b2}


def _sage_layer(x, src, dst, W_self, W_neigh, b):
    # DGL SAGEConv with 'mean' aggregator: out = fc_self(h) + fc_neigh(mean_{u->v} h_u) + b
    msgs = jnp.take(x, src, axis=0)
    agg = jax.ops.segment_sum(msgs, dst, num_segments=N_NODES)
    deg = jax.ops.segment_sum(jnp.ones((src.shape[0],), dtype=x.dtype), dst, num_segments=N_NODES)
    mean_neigh = agg / jnp.clip(deg, 1.0, None)[:, None]
    return x @ W_self + mean_neigh @ W_neigh + b


def reference(x, edge_index, W_self1, W_neigh1, b1, W_self2, W_neigh2, b2):
    src = edge_index[0]
    dst = edge_index[1]
    # BackboneGNN forward: dropout (p=0.0, no-op) -> layer -> relu (except last)
    h = _sage_layer(x, src, dst, W_self1, W_neigh1, b1)
    h = jax.nn.relu(h)
    out = _sage_layer(h, src, dst, W_self2, W_neigh2, b2)
    return out

if __name__ == "__main__":
    import jax
    _d = setup_inputs()
    print(jax.jit(kernel)(*tuple(_d.values())))

</pallas_src>

<mosaic_0001>
#map = affine_map<(d0, d1) -> (0, 0)>
#map1 = affine_map<(d0, d1) -> (0, 0, 0, 0, 0)>
#map2 = affine_map<(d0, d1) -> (0, 0, 0, 0)>
#map3 = affine_map<(d0, d1) -> (0, 0, 0)>
module attributes {stable_mosaic.version = 14 : i64} {
  func.func @sc_agg_w128(%arg0: i32, %arg1: i32, %arg2: memref<632x128xf32, #tpu.memory_space<hbm>>, %arg3: memref<632x16xf32, #tpu.memory_space<hbm>>, %arg4: memref<128x16xf32, #tpu.memory_space<hbm>>, %arg5: memref<20000x128xf32, #tpu.memory_space<hbm>>, %arg6: memref<2x16x4x20x128xi32, #tpu.memory_space<hbm>>, %arg7: memref<16x4x20x128xi32, #tpu.memory_space<hbm>>, %arg8: memref<2x10112x128xf32, #tpu.memory_space<hbm>>, %arg9: memref<2x10112x16xf32, #tpu.memory_space<hbm>>, %arg10: memref<10112x128xf32, #tpu.memory_space<vmem_shared>>, %arg11: memref<20x128xi32, #tpu.memory_space<vmem>>, %arg12: memref<20x128xi32, #tpu.memory_space<vmem>>, %arg13: memref<128x128xf32, #tpu.memory_space<vmem>>, %arg14: memref<128x128xf32, #tpu.memory_space<vmem>>, %arg15: memref<!tpu.dma_semaphore, #tpu.memory_space<semaphore_mem>>, %arg16: memref<!tpu.dma_semaphore, #tpu.memory_space<semaphore_mem>>, %arg17: memref<10112x16xf32, #tpu.memory_space<vmem_shared>>, %arg18: memref<128x16xf32, #tpu.memory_space<vmem>>) attributes {dimension_semantics = [#tpu.dimension_semantics<core_parallel>, #tpu.dimension_semantics<subcore_parallel>], iteration_bounds = array<i64: 2, 16>, scalar_prefetch = 0 : i64, scratch_operands = 9 : i64, tpu.core_type = #tpu.core_type<sc_vector_subcore>, window_params = [{transform_indices = #map}, {transform_indices = #map}, {transform_indices = #map}, {transform_indices = #map}, {transform_indices = #map1}, {transform_indices = #map2}, {transform_indices = #map3}, {transform_indices = #map3}]} {
    %mul3A = arith.constant 632 : i32
    %mul3A_0 = arith.muli %arg1, %mul3A : i32
    "tpu.region"() ({
      %run_scoped3A_175 = tpu.sem_alloc : memref<!tpu.dma_semaphore, #tpu.memory_space<semaphore_mem>>
      %dma_start3A_176 = arith.constant 0 : i32
      %dma_start3A_177 = tpu.memref_slice %arg10[%mul3A_0, %dma_start3A_176] : memref<10112x128xf32, #tpu.memory_space<vmem_shared>> -> memref<632x128xf32, #tpu.memory_space<vmem_shared>>
      tpu.enqueue_dma source(%arg2 : memref<632x128xf32, #tpu.memory_space<hbm>>) target(%dma_start3A_177 : memref<632x128xf32, #tpu.memory_space<vmem_shared>>) target_semaphore(%run_scoped3A_175 : memref<!tpu.dma_semaphore, #tpu.memory_space<semaphore_mem>>)
      %dma_wait3A_178 = arith.constant 0 : i32
      %dma_wait3A_179 = tpu.memref_slice %arg10[%mul3A_0, %dma_wait3A_178] : memref<10112x128xf32, #tpu.memory_space<vmem_shared>> -> memref<632x128xf32, #tpu.memory_space<vmem_shared>>
      tpu.wait_dma2 semaphore(%run_scoped3A_175 : memref<!tpu.dma_semaphore, #tpu.memory_space<semaphore_mem>>) src(%arg2 : memref<632x128xf32, #tpu.memory_space<hbm>>) dst(%dma_wait3A_179 : memref<632x128xf32, #tpu.memory_space<vmem_shared>>)
      tpu.yield
    }) : () -> ()
    "tpu.region"() ({
      %run_scoped3A_175 = tpu.sem_alloc : memref<!tpu.dma_semaphore, #tpu.memory_space<semaphore_mem>>
      %dma_start3A_176 = arith.constant 0 : i32
      %dma_start3A_177 = tpu.memref_slice %arg17[%mul3A_0, %dma_start3A_176] : memref<10112x16xf32, #tpu.memory_space<vmem_shared>> -> memref<632x16xf32, #tpu.memory_space<vmem_shared>>
      tpu.enqueue_dma source(%arg3 : memref<632x16xf32, #tpu.memory_space<hbm>>) target(%dma_start3A_177 : memref<632x16xf32, #tpu.memory_space<vmem_shared>>) target_semaphore(%run_scoped3A_175 : memref<!tpu.dma_semaphore, #tpu.memory_space<semaphore_mem>>)
      %dma_wait3A_178 = arith.constant 0 : i32
      %dma_wait3A_179 = tpu.memref_slice %arg17[%mul3A_0, %dma_wait3A_178] : memref<10112x16xf32, #tpu.memory_space<vmem_shared>> -> memref<632x16xf32, #tpu.memory_space<vmem_shared>>
      tpu.wait_dma2 semaphore(%run_scoped3A_175 : memref<!tpu.dma_semaphore, #tpu.memory_space<semaphore_mem>>) src(%arg3 : memref<632x16xf32, #tpu.memory_space<hbm>>) dst(%dma_wait3A_179 : memref<632x16xf32, #tpu.memory_space<vmem_shared>>)
      tpu.yield
    }) : () -> ()
    "tpu.region"() ({
      %run_scoped3A_175 = tpu.sem_alloc : memref<!tpu.dma_semaphore, #tpu.memory_space<semaphore_mem>>
      tpu.enqueue_dma source(%arg4 : memref<128x16xf32, #tpu.memory_space<hbm>>) target(%arg18 : memref<128x16xf32, #tpu.memory_space<vmem>>) target_semaphore(%run_scoped3A_175 : memref<!tpu.dma_semaphore, #tpu.memory_space<semaphore_mem>>)
      tpu.wait_dma2 semaphore(%run_scoped3A_175 : memref<!tpu.dma_semaphore, #tpu.memory_space<semaphore_mem>>) src(%arg4 : memref<128x16xf32, #tpu.memory_space<hbm>>) dst(%arg18 : memref<128x16xf32, #tpu.memory_space<vmem>>)
      tpu.yield
    }) : () -> ()
    %barrier3A = arith.constant 0 : index
    tpu.barrier barrier_id(%barrier3A)
    %run_scoped3A = arith.constant 0 : i32
    "tpu.region"() ({
      %run_scoped3A_175 = tpu.sem_alloc : memref<!tpu.dma_semaphore, #tpu.memory_space<semaphore_mem>>
      %dma_start3A_176 = arith.constant 0 : i32
      %dma_start3A_177 = arith.constant 0 : i32
      %dma_start3A_178 = tpu.memref_slice %arg6[%arg0, %arg1, %run_scoped3A, %dma_start3A_176, %dma_start3A_177] : memref<2x16x4x20x128xi32, #tpu.memory_space<hbm>> -> memref<1x1x1x20x128xi32, #tpu.memory_space<hbm>>
      %dma_start3A_179 = tpu.memref_squeeze %dma_start3A_178 : memref<1x1x1x20x128xi32, #tpu.memory_space<hbm>> -> memref<20x128xi32, #tpu.memory_space<hbm>>
      %dma_start3A_180 = arith.constant 0 : i32
      %dma_start3A_181 = arith.constant 0 : i32
      %dma_start3A_182 = tpu.memref_slice %arg6[%arg0, %arg1, %run_scoped3A, %dma_start3A_180, %dma_start3A_181] : memref<2x16x4x20x128xi32, #tpu.memory_space<hbm>> -> memref<1x1x1x20x128xi32, #tpu.memory_space<hbm>>
      %dma_start3A_183 = tpu.memref_squeeze %dma_start3A_182 : memref<1x1x1x20x128xi32, #tpu.memory_space<hbm>> -> memref<20x128xi32, #tpu.memory_space<hbm>>
      tpu.enqueue_dma source(%dma_start3A_183 : memref<20x128xi32, #tpu.memory_space<hbm>>) target(%arg11 : memref<20x128xi32, #tpu.memory_space<vmem>>) target_semaphore(%run_scoped3A_175 : memref<!tpu.dma_semaphore, #tpu.memory_space<semaphore_mem>>)
      %dma_wait3A_184 = arith.constant 0 : i32
      %dma_wait3A_185 = arith.constant 0 : i32
      %dma_wait3A_186 = tpu.memref_slice %arg6[%arg0, %arg1, %run_scoped3A, %dma_wait3A_184, %dma_wait3A_185] : memref<2x16x4x20x128xi32, #tpu.memory_space<hbm>> -> memref<1x1x1x20x128xi32, #tpu.memory_space<hbm>>
      %dma_wait3A_187 = tpu.memref_squeeze %dma_wait3A_186 : memref<1x1x1x20x128xi32, #tpu.memory_space<hbm>> -> memref<20x128xi32, #tpu.memory_space<hbm>>
      %dma_wait3A_188 = arith.constant 0 : i32
      %dma_wait3A_189 = arith.constant 0 : i32
      %dma_wait3A_190 = tpu.memref_slice %arg6[%arg0, %arg1, %run_scoped3A, %dma_wait3A_188, %dma_wait3A_189] : memref<2x16x4x20x128xi32, #tpu.memory_space<hbm>> -> memref<1x1x1x20x128xi32, #tpu.memory_space<hbm>>
      %dma_wait3A_191 = tpu.memref_squeeze %dma_wait3A_190 : memref<1x1x1x20x128xi32, #tpu.memory_space<hbm>> -> memref<20x128xi32, #tpu.memory_space<hbm>>
      tpu.wait_dma2 semaphore(%run_scoped3A_175 : memref<!tpu.dma_semaphore, #tpu.memory_space<semaphore_mem>>) src(%dma_wait3A_191 : memref<20x128xi32, #tpu.memory_space<hbm>>) dst(%arg11 : memref<20x128xi32, #tpu.memory_space<vmem>>)
      tpu.yield
    }) : () -> ()
    %run_scoped3A_1 = arith.constant 0 : i32
    "tpu.region"() ({
      %run_scoped3A_175 = tpu.sem_alloc : memref<!tpu.dma_semaphore, #tpu.memory_space<semaphore_mem>>
      %dma_start3A_176 = arith.constant 0 : i32
      %dma_start3A_177 = arith.constant 0 : i32
      %dma_start3A_178 = tpu.memref_slice %arg7[%arg1, %run_scoped3A_1, %dma_start3A_176, %dma_start3A_177] : memref<16x4x20x128xi32, #tpu.memory_space<hbm>> -> memref<1x1x20x128xi32, #tpu.memory_space<hbm>>
      %dma_start3A_179 = tpu.memref_squeeze %dma_start3A_178 : memref<1x1x20x128xi32, #tpu.memory_space<hbm>> -> memref<20x128xi32, #tpu.memory_space<hbm>>
      %dma_start3A_180 = arith.constant 0 : i32
      %dma_start3A_181 = arith.constant 0 : i32
      %dma_start3A_182 = tpu.memref_slice %arg7[%arg1, %run_scoped3A_1, %dma_start3A_180, %dma_start3A_181] : memref<16x4x20x128xi32, #tpu.memory_space<hbm>> -> memref<1x1x20x128xi32, #tpu.memory_space<hbm>>
      %dma_start3A_183 = tpu.memref_squeeze %dma_start3A_182 : memref<1x1x20x128xi32, #tpu.memory_space<hbm>> -> memref<20x128xi32, #tpu.memory_space<hbm>>
      tpu.enqueue_dma source(%dma_start3A_183 : memref<20x128xi32, #tpu.memory_space<hbm>>) target(%arg12 : memref<20x128xi32, #tpu.memory_space<vmem>>) target_semaphore(%run_scoped3A_175 : memref<!tpu.dma_semaphore, #tpu.memory_space<semaphore_mem>>)
      %dma_wait3A_184 = arith.constant 0 : i32
      %dma_wait3A_185 = arith.constant 0 : i32
      %dma_wait3A_186 = tpu.memref_slice %arg7[%arg1, %run_scoped3A_1, %dma_wait3A_184, %dma_wait3A_185] : memref<16x4x20x128xi32, #tpu.memory_space<hbm>> -> memref<1x1x20x128xi32, #tpu.memory_space<hbm>>
      %dma_wait3A_187 = tpu.memref_squeeze %dma_wait3A_186 : memref<1x1x20x128xi32, #tpu.memory_space<hbm>> -> memref<20x128xi32, #tpu.memory_space<hbm>>
      %dma_wait3A_188 = arith.constant 0 : i32
      %dma_wait3A_189 = arith.constant 0 : i32
      %dma_wait3A_190 = tpu.memref_slice %arg7[%arg1, %run_scoped3A_1, %dma_wait3A_188, %dma_wait3A_189] : memref<16x4x20x128xi32, #tpu.memory_space<hbm>> -> memref<1x1x20x128xi32, #tpu.memory_space<hbm>>
      %dma_wait3A_191 = tpu.memref_squeeze %dma_wait3A_190 : memref<1x1x20x128xi32, #tpu.memory_space<hbm>> -> memref<20x128xi32, #tpu.memory_space<hbm>>
      tpu.wait_dma2 semaphore(%run_scoped3A_175 : memref<!tpu.dma_semaphore, #tpu.memory_space<semaphore_mem>>) src(%dma_wait3A_191 : memref<20x128xi32, #tpu.memory_space<hbm>>) dst(%arg12 : memref<20x128xi32, #tpu.memory_space<vmem>>)
      tpu.yield
    }) : () -> ()
    %eq3A = arith.constant 0 : i32
    %eq3A_2 = arith.cmpi eq, %arg0, %eq3A : i32
    %dma_start3A = arith.constant 0 : i32
    %dma_start3A_3 = arith.constant 0 : i32
    %dma_start3A_4 = tpu.memref_slice %arg11[%dma_start3A, %dma_start3A_3] : memref<20x128xi32, #tpu.memory_space<vmem>> -> memref<1x128xi32, #tpu.memory_space<vmem>>
    %dma_start3A_5 = tpu.memref_squeeze %dma_start3A_4 : memref<1x128xi32, #tpu.memory_space<vmem>> -> memref<128xi32, #tpu.memory_space<vmem>>
    %dma_start3A_6 = arith.constant 0 : i32
    %dma_start3A_7 = arith.constant 0 : i32
    %dma_start3A_8 = tpu.memref_slice %arg5[%dma_start3A_6, %dma_start3A_7] : memref<20000x128xf32, #tpu.memory_space<hbm>> -> memref<20000x128xf32, #tpu.memory_space<hbm>>
    tpu.enqueue_indirect_dma source(%dma_start3A_8 : memref<20000x128xf32, #tpu.memory_space<hbm>>) target(%arg13 : memref<128x128xf32, #tpu.memory_space<vmem>>) offsets(%dma_start3A_5 : memref<128xi32, #tpu.memory_space<vmem>>) semaphore(%arg15 : memref<!tpu.dma_semaphore, #tpu.memory_space<semaphore_mem>>)
    %scan3A = arith.constant 0 : i32
    %scan3A_9 = arith.constant 9 : i32
    %scan3A_10 = arith.addi %scan3A, %scan3A_9 : i32
    %scan3A_11 = arith.constant 1 : i32
    scf.for %scan3A_175 = %scan3A to %scan3A_10 step %scan3A_11  : i32 {
      %mul3A_176 = arith.constant 1 : i32
      %mul3A_177 = arith.muli %scan3A_175, %mul3A_176 : i32
      %add3A = arith.constant 0 : i32
      %add3A_178 = arith.addi %add3A, %mul3A_177 : i32
      %mul3A_179 = arith.constant 2 : i32
      %mul3A_180 = arith.muli %mul3A_179, %add3A_178 : i32
      %add3A_181 = arith.constant 0 : i32
      %add3A_182 = arith.addi %mul3A_180, %add3A_181 : i32
      %add3A_183 = arith.constant 2 : i32
      %add3A_184 = arith.addi %add3A_182, %add3A_183 : i32
      %sub3A = arith.constant 1 : i32
      %sub3A_185 = arith.subi %add3A_184, %sub3A : i32
      %dma_start3A_186 = arith.constant 0 : i32
      %dma_start3A_187 = tpu.memref_slice %arg11[%sub3A_185, %dma_start3A_186] : memref<20x128xi32, #tpu.memory_space<vmem>> -> memref<1x128xi32, #tpu.memory_space<vmem>>
      %dma_start3A_188 = tpu.memref_squeeze %dma_start3A_187 : memref<1x128xi32, #tpu.memory_space<vmem>> -> memref<128xi32, #tpu.memory_space<vmem>>
      %dma_start3A_189 = arith.constant 0 : i32
      %dma_start3A_190 = arith.constant 0 : i32
      %dma_start3A_191 = tpu.memref_slice %arg5[%dma_start3A_189, %dma_start3A_190] : memref<20000x128xf32, #tpu.memory_space<hbm>> -> memref<20000x128xf32, #tpu.memory_space<hbm>>
      tpu.enqueue_indirect_dma source(%dma_start3A_191 : memref<20000x128xf32, #tpu.memory_space<hbm>>) target(%arg14 : memref<128x128xf32, #tpu.memory_space<vmem>>) offsets(%dma_start3A_188 : memref<128xi32, #tpu.memory_space<vmem>>) semaphore(%arg16 : memref<!tpu.dma_semaphore, #tpu.memory_space<semaphore_mem>>)
      %dma_wait3A_192 = arith.constant 0 : i32
      %dma_wait3A_193 = arith.constant 0 : i32
      %dma_wait3A_194 = tpu.memref_slice %arg11[%dma_wait3A_192, %dma_wait3A_193] : memref<20x128xi32, #tpu.memory_space<vmem>> -> memref<1x128xi32, #tpu.memory_space<vmem>>
      %dma_wait3A_195 = tpu.memref_squeeze %dma_wait3A_194 : memref<1x128xi32, #tpu.memory_space<vmem>> -> memref<128xi32, #tpu.memory_space<vmem>>
      %dma_wait3A_196 = arith.constant 0 : i32
      %dma_wait3A_197 = arith.constant 0 : i32
      %dma_wait3A_198 = tpu.memref_slice %arg5[%dma_wait3A_196, %dma_wait3A_197] : memref<20000x128xf32, #tpu.memory_space<hbm>> -> memref<20000x128xf32, #tpu.memory_space<hbm>>
      tpu.wait_indirect_dma semaphore(%arg15 : memref<!tpu.dma_semaphore, #tpu.memory_space<semaphore_mem>>) src(%dma_wait3A_198 : memref<20000x128xf32, #tpu.memory_space<hbm>>) dst(%arg13 : memref<128x128xf32, #tpu.memory_space<vmem>>)
      "tpu.region"() ({
        %run_scoped3A_226 = tpu.sem_alloc : memref<!tpu.dma_semaphore, #tpu.memory_space<semaphore_mem>>
        %dma_start3A_227 = arith.constant 0 : i32
        %dma_start3A_228 = tpu.memref_slice %arg12[%add3A_182, %dma_start3A_227] : memref<20x128xi32, #tpu.memory_space<vmem>> -> memref<1x128xi32, #tpu.memory_space<vmem>>
        %dma_start3A_229 = tpu.memref_squeeze %dma_start3A_228 : memref<1x128xi32, #tpu.memory_space<vmem>> -> memref<128xi32, #tpu.memory_space<vmem>>
        %dma_start3A_230 = arith.constant 0 : i32
        %dma_start3A_231 = arith.constant 0 : i32
        %dma_start3A_232 = tpu.memref_slice %arg10[%dma_start3A_230, %dma_start3A_231] : memref<10112x128xf32, #tpu.memory_space<vmem_shared>> -> memref<10112x128xf32, #tpu.memory_space<vmem_shared>>
        tpu.enqueue_indirect_dma source(%arg13 : memref<128x128xf32, #tpu.memory_space<vmem>>) target(%dma_start3A_232 : memref<10112x128xf32, #tpu.memory_space<vmem_shared>>) offsets(%dma_start3A_229 : memref<128xi32, #tpu.memory_space<vmem>>) semaphore(%run_scoped3A_226 : memref<!tpu.dma_semaphore, #tpu.memory_space<semaphore_mem>>) {add = true}
        %dma_wait3A_233 = arith.constant 0 : i32
        %dma_wait3A_234 = tpu.memref_slice %arg12[%add3A_182, %dma_wait3A_233] : memref<20x128xi32, #tpu.memory_space<vmem>> -> memref<1x128xi32, #tpu.memory_space<vmem>>
        %dma_wait3A_235 = tpu.memref_squeeze %dma_wait3A_234 : memref<1x128xi32, #tpu.memory_space<vmem>> -> memref<128xi32, #tpu.memory_space<vmem>>
        %dma_wait3A_236 = arith.constant 0 : i32
        %dma_wait3A_237 = arith.constant 0 : i32
        %dma_wait3A_238 = tpu.memref_slice %arg10[%dma_wait3A_236, %dma_wait3A_237] : memref<10112x128xf32, #tpu.memory_space<vmem_shared>> -> memref<10112x128xf32, #tpu.memory_space<vmem_shared>>
        tpu.wait_indirect_dma semaphore(%run_scoped3A_226 : memref<!tpu.dma_semaphore, #tpu.memory_space<semaphore_mem>>) src(%arg13 : memref<128x128xf32, #tpu.memory_space<vmem>>) dst(%dma_wait3A_238 : memref<10112x128xf32, #tpu.memory_space<vmem_shared>>)
        tpu.yield
      }) : () -> ()
      %convert_element_type3A_199 = arith.extui %eq3A_2 : i1 to i32
      %cond3A_200 = arith.constant 0 : i32
      %cond3A_201 = arith.cmpi ne, %convert_element_type3A_199, %cond3A_200 : i32
      scf.if %cond3A_201 {
        "tpu.region"() ({
          %run_scoped3A_226 = tpu.sem_alloc : memref<!tpu.dma_semaphore, #tpu.memory_space<semaphore_mem>>
          %dma_start3A_227 = arith.constant 0 : i32
          %dma_start3A_228 = tpu.memref_slice %arg12[%add3A_182, %dma_start3A_227] : memref<20x128xi32, #tpu.memory_space<vmem>> -> memref<1x128xi32, #tpu.memory_space<vmem>>
          %dma_start3A_229 = tpu.memref_squeeze %dma_start3A_228 : memref<1x128xi32, #tpu.memory_space<vmem>> -> memref<128xi32, #tpu.memory_space<vmem>>
          %dma_start3A_230 = arith.constant 0 : i32
          %dma_start3A_231 = arith.constant 0 : i32
          %dma_start3A_232 = tpu.memref_slice %arg17[%dma_start3A_230, %dma_start3A_231] : memref<10112x16xf32, #tpu.memory_space<vmem_shared>> -> memref<10112x16xf32, #tpu.memory_space<vmem_shared>>
          tpu.enqueue_indirect_dma source(%arg18 : memref<128x16xf32, #tpu.memory_space<vmem>>) target(%dma_start3A_232 : memref<10112x16xf32, #tpu.memory_space<vmem_shared>>) offsets(%dma_start3A_229 : memref<128xi32, #tpu.memory_space<vmem>>) semaphore(%run_scoped3A_226 : memref<!tpu.dma_semaphore, #tpu.memory_space<semaphore_mem>>) {add = true}
          %dma_wait3A_233 = arith.constant 0 : i32
          %dma_wait3A_234 = tpu.memref_slice %arg12[%add3A_182, %dma_wait3A_233] : memref<20x128xi32, #tpu.memory_space<vmem>> -> memref<1x128xi32, #tpu.memory_space<vmem>>
          %dma_wait3A_235 = tpu.memref_squeeze %dma_wait3A_234 : memref<1x128xi32, #tpu.memory_space<vmem>> -> memref<128xi32, #tpu.memory_space<vmem>>
          %dma_wait3A_236 = arith.constant 0 : i32
          %dma_wait3A_237 = arith.constant 0 : i32
          %dma_wait3A_238 = tpu.memref_slice %arg17[%dma_wait3A_236, %dma_wait3A_237] : memref<10112x16xf32, #tpu.memory_space<vmem_shared>> -> memref<10112x16xf32, #tpu.memory_space<vmem_shared>>
          tpu.wait_indirect_dma semaphore(%run_scoped3A_226 : memref<!tpu.dma_semaphore, #tpu.memory_space<semaphore_mem>>) src(%arg18 : memref<128x16xf32, #tpu.memory_space<vmem>>) dst(%dma_wait3A_238 : memref<10112x16xf32, #tpu.memory_space<vmem_shared>>)
          tpu.yield
        }) : () -> ()
      } else {
      }
      %mul3A_202 = arith.constant 2 : i32
      %mul3A_203 = arith.muli %mul3A_202, %add3A_178 : i32
      %add3A_204 = arith.constant 1 : i32
      %add3A_205 = arith.addi %mul3A_203, %add3A_204 : i32
      %add3A_206 = arith.constant 2 : i32
      %add3A_207 = arith.addi %add3A_205, %add3A_206 : i32
      %sub3A_208 = arith.constant 1 : i32
      %sub3A_209 = arith.subi %add3A_207, %sub3A_208 : i32
      %dma_start3A_210 = arith.constant 0 : i32
      %dma_start3A_211 = tpu.memref_slice %arg11[%sub3A_209, %dma_start3A_210] : memref<20x128xi32, #tpu.memory_space<vmem>> -> memref<1x128xi32, #tpu.memory_space<vmem>>
      %dma_start3A_212 = tpu.memref_squeeze %dma_start3A_211 : memref<1x128xi32, #tpu.memory_space<vmem>> -> memref<128xi32, #tpu.memory_space<vmem>>
      %dma_start3A_213 = arith.constant 0 : i32
      %dma_start3A_214 = arith.constant 0 : i32
      %dma_start3A_215 = tpu.memref_slice %arg5[%dma_start3A_213, %dma_start3A_214] : memref<20000x128xf32, #tpu.memory_space<hbm>> -> memref<20000x128xf32, #tpu.memory_space<hbm>>
      tpu.enqueue_indirect_dma source(%dma_start3A_215 : memref<20000x128xf32, #tpu.memory_space<hbm>>) target(%arg13 : memref<128x128xf32, #tpu.memory_space<vmem>>) offsets(%dma_start3A_212 : memref<128xi32, #tpu.memory_space<vmem>>) semaphore(%arg15 : memref<!tpu.dma_semaphore, #tpu.memory_space<semaphore_mem>>)
      %dma_wait3A_216 = arith.constant 0 : i32
      %dma_wait3A_217 = arith.constant 0 : i32
      %dma_wait3A_218 = tpu.memref_slice %arg11[%dma_wait3A_216, %dma_wait3A_217] : memref<20x128xi32, #tpu.memory_space<vmem>> -> memref<1x128xi32, #tpu.memory_space<vmem>>
      %dma_wait3A_219 = tpu.memref_squeeze %dma_wait3A_218 : memref<1x128xi32, #tpu.memory_space<vmem>> -> memref<128xi32, #tpu.memory_space<vmem>>
      %dma_wait3A_220 = arith.constant 0 : i32
      %dma_wait3A_221 = arith.constant 0 : i32
      %dma_wait3A_222 = tpu.memref_slice %arg5[%dma_wait3A_220, %dma_wait3A_221] : memref<20000x128xf32, #tpu.memory_space<hbm>> -> memref<20000x128xf32, #tpu.memory_space<hbm>>
      tpu.wait_indirect_dma semaphore(%arg16 : memref<!tpu.dma_semaphore, #tpu.memory_space<semaphore_mem>>) src(%dma_wait3A_222 : memref<20000x128xf32, #tpu.memory_space<hbm>>) dst(%arg14 : memref<128x128xf32, #tpu.memory_space<vmem>>)
      "tpu.region"() ({
        %run_scoped3A_226 = tpu.sem_alloc : memref<!tpu.dma_semaphore, #tpu.memory_space<semaphore_mem>>
        %dma_start3A_227 = arith.constant 0 : i32
        %dma_start3A_228 = tpu.memref_slice %arg12[%add3A_205, %dma_start3A_227] : memref<20x128xi32, #tpu.memory_space<vmem>> -> memref<1x128xi32, #tpu.memory_space<vmem>>
        %dma_start3A_229 = tpu.memref_squeeze %dma_start3A_228 : memref<1x128xi32, #tpu.memory_space<vmem>> -> memref<128xi32, #tpu.memory_space<vmem>>
        %dma_start3A_230 = arith.constant 0 : i32
        %dma_start3A_231 = arith.constant 0 : i32
        %dma_start3A_232 = tpu.memref_slice %arg10[%dma_start3A_230, %dma_start3A_231] : memref<10112x128xf32, #tpu.memory_space<vmem_shared>> -> memref<10112x128xf32, #tpu.memory_space<vmem_shared>>
        tpu.enqueue_indirect_dma source(%arg14 : memref<128x128xf32, #tpu.memory_space<vmem>>) target(%dma_start3A_232 : memref<10112x128xf32, #tpu.memory_space<vmem_shared>>) offsets(%dma_start3A_229 : memref<128xi32, #tpu.memory_space<vmem>>) semaphore(%run_scoped3A_226 : memref<!tpu.dma_semaphore, #tpu.memory_space<semaphore_mem>>) {add = true}
        %dma_wait3A_233 = arith.constant 0 : i32
        %dma_wait3A_234 = tpu.memref_slice %arg12[%add3A_205, %dma_wait3A_233] : memref<20x128xi32, #tpu.memory_space<vmem>> -> memref<1x128xi32, #tpu.memory_space<vmem>>
        %dma_wait3A_235 = tpu.memref_squeeze %dma_wait3A_234 : memref<1x128xi32, #tpu.memory_space<vmem>> -> memref<128xi32, #tpu.memory_space<vmem>>
        %dma_wait3A_236 = arith.constant 0 : i32
        %dma_wait3A_237 = arith.constant 0 : i32
        %dma_wait3A_238 = tpu.memref_slice %arg10[%dma_wait3A_236, %dma_wait3A_237] : memref<10112x128xf32, #tpu.memory_space<vmem_shared>> -> memref<10112x128xf32, #tpu.memory_space<vmem_shared>>
        tpu.wait_indirect_dma semaphore(%run_scoped3A_226 : memref<!tpu.dma_semaphore, #tpu.memory_space<semaphore_mem>>) src(%arg14 : memref<128x128xf32, #tpu.memory_space<vmem>>) dst(%dma_wait3A_238 : memref<10112x128xf32, #tpu.memory_space<vmem_shared>>)
        tpu.yield
      }) : () -> ()
      %convert_element_type3A_223 = arith.extui %eq3A_2 : i1 to i32
      %cond3A_224 = arith.constant 0 : i32
      %cond3A_225 = arith.cmpi ne, %convert_element_type3A_223, %cond3A_224 : i32
      scf.if %cond3A_225 {
        "tpu.region"() ({
          %run_scoped3A_226 = tpu.sem_alloc : memref<!tpu.dma_semaphore, #tpu.memory_space<semaphore_mem>>
          %dma_start3A_227 = arith.constant 0 : i32
          %dma_start3A_228 = tpu.memref_slice %arg12[%add3A_205, %dma_start3A_227] : memref<20x128xi32, #tpu.memory_space<vmem>> -> memref<1x128xi32, #tpu.memory_space<vmem>>
          %dma_start3A_229 = tpu.memref_squeeze %dma_start3A_228 : memref<1x128xi32, #tpu.memory_space<vmem>> -> memref<128xi32, #tpu.memory_space<vmem>>
          %dma_start3A_230 = arith.constant 0 : i32
          %dma_start3A_231 = arith.constant 0 : i32
          %dma_start3A_232 = tpu.memref_slice %arg17[%dma_start3A_230, %dma_start3A_231] : memref<10112x16xf32, #tpu.memory_space<vmem_shared>> -> memref<10112x16xf32, #tpu.memory_space<vmem_shared>>
          tpu.enqueue_indirect_dma source(%arg18 : memref<128x16xf32, #tpu.memory_space<vmem>>) target(%dma_start3A_232 : memref<10112x16xf32, #tpu.memory_space<vmem_shared>>) offsets(%dma_start3A_229 : memref<128xi32, #tpu.memory_space<vmem>>) semaphore(%run_scoped3A_226 : memref<!tpu.dma_semaphore, #tpu.memory_space<semaphore_mem>>) {add = true}
          %dma_wait3A_233 = arith.constant 0 : i32
          %dma_wait3A_234 = tpu.memref_slice %arg12[%add3A_205, %dma_wait3A_233] : memref<20x128xi32, #tpu.memory_space<vmem>> -> memref<1x128xi32, #tpu.memory_space<vmem>>
          %dma_wait3A_235 = tpu.memref_squeeze %dma_wait3A_234 : memref<1x128xi32, #tpu.memory_space<vmem>> -> memref<128xi32, #tpu.memory_space<vmem>>
          %dma_wait3A_236 = arith.constant 0 : i32
          %dma_wait3A_237 = arith.constant 0 : i32
          %dma_wait3A_238 = tpu.memref_slice %arg17[%dma_wait3A_236, %dma_wait3A_237] : memref<10112x16xf32, #tpu.memory_space<vmem_shared>> -> memref<10112x16xf32, #tpu.memory_space<vmem_shared>>
          tpu.wait_indirect_dma semaphore(%run_scoped3A_226 : memref<!tpu.dma_semaphore, #tpu.memory_space<semaphore_mem>>) src(%arg18 : memref<128x16xf32, #tpu.memory_space<vmem>>) dst(%dma_wait3A_238 : memref<10112x16xf32, #tpu.memory_space<vmem_shared>>)
          tpu.yield
        }) : () -> ()
      } else {
      }
    }
    %scan3A_12 = arith.constant 9 : i32
    %dma_start3A_13 = arith.constant 19 : i32
    %dma_start3A_14 = arith.constant 0 : i32
    %dma_start3A_15 = tpu.memref_slice %arg11[%dma_start3A_13, %dma_start3A_14] : memref<20x128xi32, #tpu.memory_space<vmem>> -> memref<1x128xi32, #tpu.memory_space<vmem>>
    %dma_start3A_16 = tpu.memref_squeeze %dma_start3A_15 : memref<1x128xi32, #tpu.memory_space<vmem>> -> memref<128xi32, #tpu.memory_space<vmem>>
    %dma_start3A_17 = arith.constant 0 : i32
    %dma_start3A_18 = arith.constant 0 : i32
    %dma_start3A_19 = tpu.memref_slice %arg5[%dma_start3A_17, %dma_start3A_18] : memref<20000x128xf32, #tpu.memory_space<hbm>> -> memref<20000x128xf32, #tpu.memory_space<hbm>>
    tpu.enqueue_indirect_dma source(%dma_start3A_19 : memref<20000x128xf32, #tpu.memory_space<hbm>>) target(%arg14 : memref<128x128xf32, #tpu.memory_space<vmem>>) offsets(%dma_start3A_16 : memref<128xi32, #tpu.memory_space<vmem>>) semaphore(%arg16 : memref<!tpu.dma_semaphore, #tpu.memory_space<semaphore_mem>>)
    %dma_wait3A = arith.constant 0 : i32
    %dma_wait3A_20 = arith.constant 0 : i32
    %dma_wait3A_21 = tpu.memref_slice %arg11[%dma_wait3A, %dma_wait3A_20] : memref<20x128xi32, #tpu.memory_space<vmem>> -> memref<1x128xi32, #tpu.memory_space<vmem>>
    %dma_wait3A_22 = tpu.memref_squeeze %dma_wait3A_21 : memref<1x128xi32, #tpu.memory_space<vmem>> -> memref<128xi32, #tpu.memory_space<vmem>>
    %dma_wait3A_23 = arith.constant 0 : i32
    %dma_wait3A_24 = arith.constant 0 : i32
    %dma_wait3A_25 = tpu.memref_slice %arg5[%dma_wait3A_23, %dma_wait3A_24] : memref<20000x128xf32, #tpu.memory_space<hbm>> -> memref<20000x128xf32, #tpu.memory_space<hbm>>
    tpu.wait_indirect_dma semaphore(%arg15 : memref<!tpu.dma_semaphore, #tpu.memory_space<semaphore_mem>>) src(%dma_wait3A_25 : memref<20000x128xf32, #tpu.memory_space<hbm>>) dst(%arg13 : memref<128x128xf32, #tpu.memory_space<vmem>>)
    %run_scoped3A_26 = arith.constant 18 : i32
    "tpu.region"() ({
      %run_scoped3A_175 = tpu.sem_alloc : memref<!tpu.dma_semaphore, #tpu.memory_space<semaphore_mem>>
      %dma_start3A_176 = arith.constant 0 : i32
      %dma_start3A_177 = tpu.memref_slice %arg12[%run_scoped3A_26, %dma_start3A_176] : memref<20x128xi32, #tpu.memory_space<vmem>> -> memref<1x128xi32, #tpu.memory_space<vmem>>
      %dma_start3A_178 = tpu.memref_squeeze %dma_start3A_177 : memref<1x128xi32, #tpu.memory_space<vmem>> -> memref<128xi32, #tpu.memory_space<vmem>>
      %dma_start3A_179 = arith.constant 0 : i32
      %dma_start3A_180 = arith.constant 0 : i32
      %dma_start3A_181 = tpu.memref_slice %arg10[%dma_start3A_179, %dma_start3A_180] : memref<10112x128xf32, #tpu.memory_space<vmem_shared>> -> memref<10112x128xf32, #tpu.memory_space<vmem_shared>>
      tpu.enqueue_indirect_dma source(%arg13 : memref<128x128xf32, #tpu.memory_space<vmem>>) target(%dma_start3A_181 : memref<10112x128xf32, #tpu.memory_space<vmem_shared>>) offsets(%dma_start3A_178 : memref<128xi32, #tpu.memory_space<vmem>>) semaphore(%run_scoped3A_175 : memref<!tpu.dma_semaphore, #tpu.memory_space<semaphore_mem>>) {add = true}
      %dma_wait3A_182 = arith.constant 0 : i32
      %dma_wait3A_183 = tpu.memref_slice %arg12[%run_scoped3A_26, %dma_wait3A_182] : memref<20x128xi32, #tpu.memory_space<vmem>> -> memref<1x128xi32, #tpu.memory_space<vmem>>
      %dma_wait3A_184 = tpu.memref_squeeze %dma_wait3A_183 : memref<1x128xi32, #tpu.memory_space<vmem>> -> memref<128xi32, #tpu.memory_space<vmem>>
      %dma_wait3A_185 = arith.constant 0 : i32
      %dma_wait3A_186 = arith.constant 0 : i32
      %dma_wait3A_187 = tpu.memref_slice %arg10[%dma_wait3A_185, %dma_wait3A_186] : memref<10112x128xf32, #tpu.memory_space<vmem_shared>> -> memref<10112x128xf32, #tpu.memory_space<vmem_shared>>
      tpu.wait_indirect_dma semaphore(%run_scoped3A_175 : memref<!tpu.dma_semaphore, #tpu.memory_space<semaphore_mem>>) src(%arg13 : memref<128x128xf32, #tpu.memory_space<vmem>>) dst(%dma_wait3A_187 : memref<10112x128xf32, #tpu.memory_space<vmem_shared>>)
      tpu.yield
    }) : () -> ()
    %convert_element_type3A = arith.extui %eq3A_2 : i1 to i32
    %cond3A = arith.constant 0 : i32
    %cond3A_27 = arith.cmpi ne, %convert_element_type3A, %cond3A : i32
    scf.if %cond3A_27 {
      %run_scoped3A_175 = arith.constant 18 : i32
      "tpu.region"() ({
        %run_scoped3A_176 = tpu.sem_alloc : memref<!tpu.dma_semaphore, #tpu.memory_space<semaphore_mem>>
        %dma_start3A_177 = arith.constant 0 : i32
        %dma_start3A_178 = tpu.memref_slice %arg12[%run_scoped3A_175, %dma_start3A_177] : memref<20x128xi32, #tpu.memory_space<vmem>> -> memref<1x128xi32, #tpu.memory_space<vmem>>
        %dma_start3A_179 = tpu.memref_squeeze %dma_start3A_178 : memref<1x128xi32, #tpu.memory_space<vmem>> -> memref<128xi32, #tpu.memory_space<vmem>>
        %dma_start3A_180 = arith.constant 0 : i32
        %dma_start3A_181 = arith.constant 0 : i32
        %dma_start3A_182 = tpu.memref_slice %arg17[%dma_start3A_180, %dma_start3A_181] : memref<10112x16xf32, #tpu.memory_space<vmem_shared>> -> memref<10112x16xf32, #tpu.memory_space<vmem_shared>>
        tpu.enqueue_indirect_dma source(%arg18 : memref<128x16xf32, #tpu.memory_space<vmem>>) target(%dma_start3A_182 : memref<10112x16xf32, #tpu.memory_space<vmem_shared>>) offsets(%dma_start3A_179 : memref<128xi32, #tpu.memory_space<vmem>>) semaphore(%run_scoped3A_176 : memref<!tpu.dma_semaphore, #tpu.memory_space<semaphore_mem>>) {add = true}
        %dma_wait3A_183 = arith.constant 0 : i32
        %dma_wait3A_184 = tpu.memref_slice %arg12[%run_scoped3A_175, %dma_wait3A_183] : memref<20x128xi32, #tpu.memory_space<vmem>> -> memref<1x128xi32, #tpu.memory_space<vmem>>
        %dma_wait3A_185 = tpu.memref_squeeze %dma_wait3A_184 : memref<1x128xi32, #tpu.memory_space<vmem>> -> memref<128xi32, #tpu.memory_space<vmem>>
        %dma_wait3A_186 = arith.constant 0 : i32
        %dma_wait3A_187 = arith.constant 0 : i32
        %dma_wait3A_188 = tpu.memref_slice %arg17[%dma_wait3A_186, %dma_wait3A_187] : memref<10112x16xf32, #tpu.memory_space<vmem_shared>> -> memref<10112x16xf32, #tpu.memory_space<vmem_shared>>
        tpu.wait_indirect_dma semaphore(%run_scoped3A_176 : memref<!tpu.dma_semaphore, #tpu.memory_space<semaphore_mem>>) src(%arg18 : memref<128x16xf32, #tpu.memory_space<vmem>>) dst(%dma_wait3A_188 : memref<10112x16xf32, #tpu.memory_space<vmem_shared>>)
        tpu.yield
      }) : () -> ()
    } else {
    }
    %dma_wait3A_28 = arith.constant 0 : i32
    %dma_wait3A_29 = arith.constant 0 : i32
    %dma_wait3A_30 = tpu.memref_slice %arg11[%dma_wait3A_28, %dma_wait3A_29] : memref<20x128xi32, #tpu.memory_space<vmem>> -> memref<1x128xi32, #tpu.memory_space<vmem>>
    %dma_wait3A_31 = tpu.memref_squeeze %dma_wait3A_30 : memref<1x128xi32, #tpu.memory_space<vmem>> -> memref<128xi32, #tpu.memory_space<vmem>>
    %dma_wait3A_32 = arith.constant 0 : i32
    %dma_wait3A_33 = arith.constant 0 : i32
    %dma_wait3A_34 = tpu.memref_slice %arg5[%dma_wait3A_32, %dma_wait3A_33] : memref<20000x128xf32, #tpu.memory_space<hbm>> -> memref<20000x128xf32, #tpu.memory_space<hbm>>
    tpu.wait_indirect_dma semaphore(%arg16 : memref<!tpu.dma_semaphore, #tpu.memory_space<semaphore_mem>>) src(%dma_wait3A_34 : memref<20000x128xf32, #tpu.memory_space<hbm>>) dst(%arg14 : memref<128x128xf32, #tpu.memory_space<vmem>>)
    %run_scoped3A_35 = arith.constant 19 : i32
    "tpu.region"() ({
      %run_scoped3A_175 = tpu.sem_alloc : memref<!tpu.dma_semaphore, #tpu.memory_space<semaphore_mem>>
      %dma_start3A_176 = arith.constant 0 : i32
      %dma_start3A_177 = tpu.memref_slice %arg12[%run_scoped3A_35, %dma_start3A_176] : memref<20x128xi32, #tpu.memory_space<vmem>> -> memref<1x128xi32, #tpu.memory_space<vmem>>
      %dma_start3A_178 = tpu.memref_squeeze %dma_start3A_177 : memref<1x128xi32, #tpu.memory_space<vmem>> -> memref<128xi32, #tpu.memory_space<vmem>>
      %dma_start3A_179 = arith.constant 0 : i32
      %dma_start3A_180 = arith.constant 0 : i32
      %dma_start3A_181 = tpu.memref_slice %arg10[%dma_start3A_179, %dma_start3A_180] : memref<10112x128xf32, #tpu.memory_space<vmem_shared>> -> memref<10112x128xf32, #tpu.memory_space<vmem_shared>>
      tpu.enqueue_indirect_dma source(%arg14 : memref<128x128xf32, #tpu.memory_space<vmem>>) target(%dma_start3A_181 : memref<10112x128xf32, #tpu.memory_space<vmem_shared>>) offsets(%dma_start3A_178 : memref<128xi32, #tpu.memory_space<vmem>>) semaphore(%run_scoped3A_175 : memref<!tpu.dma_semaphore, #tpu.memory_space<semaphore_mem>>) {add = true}
      %dma_wait3A_182 = arith.constant 0 : i32
      %dma_wait3A_183 = tpu.memref_slice %arg12[%run_scoped3A_35, %dma_wait3A_182] : memref<20x128xi32, #tpu.memory_space<vmem>> -> memref<1x128xi32, #tpu.memory_space<vmem>>
      %dma_wait3A_184 = tpu.memref_squeeze %dma_wait3A_183 : memref<1x128xi32, #tpu.memory_space<vmem>> -> memref<128xi32, #tpu.memory_space<vmem>>
      %dma_wait3A_185 = arith.constant 0 : i32
      %dma_wait3A_186 = arith.constant 0 : i32
      %dma_wait3A_187 = tpu.memref_slice %arg10[%dma_wait3A_185, %dma_wait3A_186] : memref<10112x128xf32, #tpu.memory_space<vmem_shared>> -> memref<10112x128xf32, #tpu.memory_space<vmem_shared>>
      tpu.wait_indirect_dma semaphore(%run_scoped3A_175 : memref<!tpu.dma_semaphore, #tpu.memory_space<semaphore_mem>>) src(%arg14 : memref<128x128xf32, #tpu.memory_space<vmem>>) dst(%dma_wait3A_187 : memref<10112x128xf32, #tpu.memory_space<vmem_shared>>)
      tpu.yield
    }) : () -> ()
    %convert_element_type3A_36 = arith.extui %eq3A_2 : i1 to i32
    %cond3A_37 = arith.constant 0 : i32
    %cond3A_38 = arith.cmpi ne, %convert_element_type3A_36, %cond3A_37 : i32
    scf.if %cond3A_38 {
      %run_scoped3A_175 = arith.constant 19 : i32
      "tpu.region"() ({
        %run_scoped3A_176 = tpu.sem_alloc : memref<!tpu.dma_semaphore, #tpu.memory_space<semaphore_mem>>
        %dma_start3A_177 = arith.constant 0 : i32
        %dma_start3A_178 = tpu.memref_slice %arg12[%run_scoped3A_175, %dma_start3A_177] : memref<20x128xi32, #tpu.memory_space<vmem>> -> memref<1x128xi32, #tpu.memory_space<vmem>>
        %dma_start3A_179 = tpu.memref_squeeze %dma_start3A_178 : memref<1x128xi32, #tpu.memory_space<vmem>> -> memref<128xi32, #tpu.memory_space<vmem>>
        %dma_start3A_180 = arith.constant 0 : i32
        %dma_start3A_181 = arith.constant 0 : i32
        %dma_start3A_182 = tpu.memref_slice %arg17[%dma_start3A_180, %dma_start3A_181] : memref<10112x16xf32, #tpu.memory_space<vmem_shared>> -> memref<10112x16xf32, #tpu.memory_space<vmem_shared>>
        tpu.enqueue_indirect_dma source(%arg18 : memref<128x16xf32, #tpu.memory_space<vmem>>) target(%dma_start3A_182 : memref<10112x16xf32, #tpu.memory_space<vmem_shared>>) offsets(%dma_start3A_179 : memref<128xi32, #tpu.memory_space<vmem>>) semaphore(%run_scoped3A_176 : memref<!tpu.dma_semaphore, #tpu.memory_space<semaphore_mem>>) {add = true}
        %dma_wait3A_183 = arith.constant 0 : i32
        %dma_wait3A_184 = tpu.memref_slice %arg12[%run_scoped3A_175, %dma_wait3A_183] : memref<20x128xi32, #tpu.memory_space<vmem>> -> memref<1x128xi32, #tpu.memory_space<vmem>>
        %dma_wait3A_185 = tpu.memref_squeeze %dma_wait3A_184 : memref<1x128xi32, #tpu.memory_space<vmem>> -> memref<128xi32, #tpu.memory_space<vmem>>
        %dma_wait3A_186 = arith.constant 0 : i32
        %dma_wait3A_187 = arith.constant 0 : i32
        %dma_wait3A_188 = tpu.memref_slice %arg17[%dma_wait3A_186, %dma_wait3A_187] : memref<10112x16xf32, #tpu.memory_space<vmem_shared>> -> memref<10112x16xf32, #tpu.memory_space<vmem_shared>>
        tpu.wait_indirect_dma semaphore(%run_scoped3A_176 : memref<!tpu.dma_semaphore, #tpu.memory_space<semaphore_mem>>) src(%arg18 : memref<128x16xf32, #tpu.memory_space<vmem>>) dst(%dma_wait3A_188 : memref<10112x16xf32, #tpu.memory_space<vmem_shared>>)
        tpu.yield
      }) : () -> ()
    } else {
    }
    %run_scoped3A_39 = arith.constant 1 : i32
    "tpu.region"() ({
      %run_scoped3A_175 = tpu.sem_alloc : memref<!tpu.dma_semaphore, #tpu.memory_space<semaphore_mem>>
      %dma_start3A_176 = arith.constant 0 : i32
      %dma_start3A_177 = arith.constant 0 : i32
      %dma_start3A_178 = tpu.memref_slice %arg6[%arg0, %arg1, %run_scoped3A_39, %dma_start3A_176, %dma_start3A_177] : memref<2x16x4x20x128xi32, #tpu.memory_space<hbm>> -> memref<1x1x1x20x128xi32, #tpu.memory_space<hbm>>
      %dma_start3A_179 = tpu.memref_squeeze %dma_start3A_178 : memref<1x1x1x20x128xi32, #tpu.memory_space<hbm>> -> memref<20x128xi32, #tpu.memory_space<hbm>>
      %dma_start3A_180 = arith.constant 0 : i32
      %dma_start3A_181 = arith.constant 0 : i32
      %dma_start3A_182 = tpu.memref_slice %arg6[%arg0, %arg1, %run_scoped3A_39, %dma_start3A_180, %dma_start3A_181] : memref<2x16x4x20x128xi32, #tpu.memory_space<hbm>> -> memref<1x1x1x20x128xi32, #tpu.memory_space<hbm>>
      %dma_start3A_183 = tpu.memref_squeeze %dma_start3A_182 : memref<1x1x1x20x128xi32, #tpu.memory_space<hbm>> -> memref<20x128xi32, #tpu.memory_space<hbm>>
      tpu.enqueue_dma source(%dma_start3A_183 : memref<20x128xi32, #tpu.memory_space<hbm>>) target(%arg11 : memref<20x128xi32, #tpu.memory_space<vmem>>) target_semaphore(%run_scoped3A_175 : memref<!tpu.dma_semaphore, #tpu.memory_space<semaphore_mem>>)
      %dma_wait3A_184 = arith.constant 0 : i32
      %dma_wait3A_185 = arith.constant 0 : i32
      %dma_wait3A_186 = tpu.memref_slice %arg6[%arg0, %arg1, %run_scoped3A_39, %dma_wait3A_184, %dma_wait3A_185] : memref<2x16x4x20x128xi32, #tpu.memory_space<hbm>> -> memref<1x1x1x20x128xi32, #tpu.memory_space<hbm>>
      %dma_wait3A_187 = tpu.memref_squeeze %dma_wait3A_186 : memref<1x1x1x20x128xi32, #tpu.memory_space<hbm>> -> memref<20x128xi32, #tpu.memory_space<hbm>>
      %dma_wait3A_188 = arith.constant 0 : i32
      %dma_wait3A_189 = arith.constant 0 : i32
      %dma_wait3A_190 = tpu.memref_slice %arg6[%arg0, %arg1, %run_scoped3A_39, %dma_wait3A_188, %dma_wait3A_189] : memref<2x16x4x20x128xi32, #tpu.memory_space<hbm>> -> memref<1x1x1x20x128xi32, #tpu.memory_space<hbm>>
      %dma_wait3A_191 = tpu.memref_squeeze %dma_wait3A_190 : memref<1x1x1x20x128xi32, #tpu.memory_space<hbm>> -> memref<20x128xi32, #tpu.memory_space<hbm>>
      tpu.wait_dma2 semaphore(%run_scoped3A_175 : memref<!tpu.dma_semaphore, #tpu.memory_space<semaphore_mem>>) src(%dma_wait3A_191 : memref<20x128xi32, #tpu.memory_space<hbm>>) dst(%arg11 : memref<20x128xi32, #tpu.memory_space<vmem>>)
      tpu.yield
    }) : () -> ()
    %run_scoped3A_40 = arith.constant 1 : i32
    "tpu.region"() ({
      %run_scoped3A_175 = tpu.sem_alloc : memref<!tpu.dma_semaphore, #tpu.memory_space<semaphore_mem>>
      %dma_start3A_176 = arith.constant 0 : i32
      %dma_start3A_177 = arith.constant 0 : i32
      %dma_start3A_178 = tpu.memref_slice %arg7[%arg1, %run_scoped3A_40, %dma_start3A_176, %dma_start3A_177] : memref<16x4x20x128xi32, #tpu.memory_space<hbm>> -> memref<1x1x20x128xi32, #tpu.memory_space<hbm>>
      %dma_start3A_179 = tpu.memref_squeeze %dma_start3A_178 : memref<1x1x20x128xi32, #tpu.memory_space<hbm>> -> memref<20x128xi32, #tpu.memory_space<hbm>>
      %dma_start3A_180 = arith.constant 0 : i32
      %dma_start3A_181 = arith.constant 0 : i32
      %dma_start3A_182 = tpu.memref_slice %arg7[%arg1, %run_scoped3A_40, %dma_start3A_180, %dma_start3A_181] : memref<16x4x20x128xi32, #tpu.memory_space<hbm>> -> memref<1x1x20x128xi32, #tpu.memory_space<hbm>>
      %dma_start3A_183 = tpu.memref_squeeze %dma_start3A_182 : memref<1x1x20x128xi32, #tpu.memory_space<hbm>> -> memref<20x128xi32, #tpu.memory_space<hbm>>
      tpu.enqueue_dma source(%dma_start3A_183 : memref<20x128xi32, #tpu.memory_space<hbm>>) target(%arg12 : memref<20x128xi32, #tpu.memory_space<vmem>>) target_semaphore(%run_scoped3A_175 : memref<!tpu.dma_semaphore, #tpu.memory_space<semaphore_mem>>)
      %dma_wait3A_184 = arith.constant 0 : i32
      %dma_wait3A_185 = arith.constant 0 : i32
      %dma_wait3A_186 = tpu.memref_slice %arg7[%arg1, %run_scoped3A_40, %dma_wait3A_184, %dma_wait3A_185] : memref<16x4x20x128xi32, #tpu.memory_space<hbm>> -> memref<1x1x20x128xi32, #tpu.memory_space<hbm>>
      %dma_wait3A_187 = tpu.memref_squeeze %dma_wait3A_186 : memref<1x1x20x128xi32, #tpu.memory_space<hbm>> -> memref<20x128xi32, #tpu.memory_space<hbm>>
      %dma_wait3A_188 = arith.constant 0 : i32
      %dma_wait3A_189 = arith.constant 0 : i32
      %dma_wait3A_190 = tpu.memref_slice %arg7[%arg1, %run_scoped3A_40, %dma_wait3A_188, %dma_wait3A_189] : memref<16x4x20x128xi32, #tpu.memory_space<hbm>> -> memref<1x1x20x128xi32, #tpu.memory_space<hbm>>
      %dma_wait3A_191 = tpu.memref_squeeze %dma_wait3A_190 : memref<1x1x20x128xi32, #tpu.memory_space<hbm>> -> memref<20x128xi32, #tpu.memory_space<hbm>>
      tpu.wait_dma2 semaphore(%run_scoped3A_175 : memref<!tpu.dma_semaphore, #tpu.memory_space<semaphore_mem>>) src(%dma_wait3A_191 : memref<20x128xi32, #tpu.memory_space<hbm>>) dst(%arg12 : memref<20x128xi32, #tpu.memory_space<vmem>>)
      tpu.yield
    }) : () -> ()
    %eq3A_41 = arith.constant 0 : i32
    %eq3A_42 = arith.cmpi eq, %arg0, %eq3A_41 : i32
    %dma_start3A_43 = arith.constant 0 : i32
    %dma_start3A_44 = arith.constant 0 : i32
    %dma_start3A_45 = tpu.memref_slice %arg11[%dma_start3A_43, %dma_start3A_44] : memref<20x128xi32, #tpu.memory_space<vmem>> -> memref<1x128xi32, #tpu.memory_space<vmem>>
    %dma_start3A_46 = tpu.memref_squeeze %dma_start3A_45 : memref<1x128xi32, #tpu.memory_space<vmem>> -> memref<128xi32, #tpu.memory_space<vmem>>
    %dma_start3A_47 = arith.constant 0 : i32
    %dma_start3A_48 = arith.constant 0 : i32
    %dma_start3A_49 = tpu.memref_slice %arg5[%dma_start3A_47, %dma_start3A_48] : memref<20000x128xf32, #tpu.memory_space<hbm>> -> memref<20000x128xf32, #tpu.memory_space<hbm>>
    tpu.enqueue_indirect_dma source(%dma_start3A_49 : memref<20000x128xf32, #tpu.memory_space<hbm>>) target(%arg13 : memref<128x128xf32, #tpu.memory_space<vmem>>) offsets(%dma_start3A_46 : memref<128xi32, #tpu.memory_space<vmem>>) semaphore(%arg15 : memref<!tpu.dma_semaphore, #tpu.memory_space<semaphore_mem>>)
    %scan3A_50 = arith.constant 0 : i32
    %scan3A_51 = arith.constant 9 : i32
    %scan3A_52 = arith.addi %scan3A_50, %scan3A_51 : i32
    %scan3A_53 = arith.constant 1 : i32
    scf.for %scan3A_175 = %scan3A_50 to %scan3A_52 step %scan3A_53  : i32 {
      %mul3A_176 = arith.constant 1 : i32
      %mul3A_177 = arith.muli %scan3A_175, %mul3A_176 : i32
      %add3A = arith.constant 0 : i32
      %add3A_178 = arith.addi %add3A, %mul3A_177 : i32
      %mul3A_179 = arith.constant 2 : i32
      %mul3A_180 = arith.muli %mul3A_179, %add3A_178 : i32
      %add3A_181 = arith.constant 0 : i32
      %add3A_182 = arith.addi %mul3A_180, %add3A_181 : i32
      %add3A_183 = arith.constant 2 : i32
      %add3A_184 = arith.addi %add3A_182, %add3A_183 : i32
      %sub3A = arith.constant 1 : i32
      %sub3A_185 = arith.subi %add3A_184, %sub3A : i32
      %dma_start3A_186 = arith.constant 0 : i32
      %dma_start3A_187 = tpu.memref_slice %arg11[%sub3A_185, %dma_start3A_186] : memref<20x128xi32, #tpu.memory_space<vmem>> -> memref<1x128xi32, #tpu.memory_space<vmem>>
      %dma_start3A_188 = tpu.memref_squeeze %dma_start3A_187 : memref<1x128xi32, #tpu.memory_space<vmem>> -> memref<128xi32, #tpu.memory_space<vmem>>
      %dma_start3A_189 = arith.constant 0 : i32
      %dma_start3A_190 = arith.constant 0 : i32
      %dma_start3A_191 = tpu.memref_slice %arg5[%dma_start3A_189, %dma_start3A_190] : memref<20000x128xf32, #tpu.memory_space<hbm>> -> memref<20000x128xf32, #tpu.memory_space<hbm>>
      tpu.enqueue_indirect_dma source(%dma_start3A_191 : memref<20000x128xf32, #tpu.memory_space<hbm>>) target(%arg14 : memref<128x128xf32, #tpu.memory_space<vmem>>) offsets(%dma_start3A_188 : memref<128xi32, #tpu.memory_space<vmem>>) semaphore(%arg16 : memref<!tpu.dma_semaphore, #tpu.memory_space<semaphore_mem>>)
      %dma_wait3A_192 = arith.constant 0 : i32
      %dma_wait3A_193 = arith.constant 0 : i32
      %dma_wait3A_194 = tpu.memref_slice %arg11[%dma_wait3A_192, %dma_wait3A_193] : memref<20x128xi32, #tpu.memory_space<vmem>> -> memref<1x128xi32, #tpu.memory_space<vmem>>
      %dma_wait3A_195 = tpu.memref_squeeze %dma_wait3A_194 : memref<1x128xi32, #tpu.memory_space<vmem>> -> memref<128xi32, #tpu.memory_space<vmem>>
      %dma_wait3A_196 = arith.constant 0 : i32
      %dma_wait3A_197 = arith.constant 0 : i32
      %dma_wait3A_198 = tpu.memref_slice %arg5[%dma_wait3A_196, %dma_wait3A_197] : memref<20000x128xf32, #tpu.memory_space<hbm>> -> memref<20000x128xf32, #tpu.memory_space<hbm>>
      tpu.wait_indirect_dma semaphore(%arg15 : memref<!tpu.dma_semaphore, #tpu.memory_space<semaphore_mem>>) src(%dma_wait3A_198 : memref<20000x128xf32, #tpu.memory_space<hbm>>) dst(%arg13 : memref<128x128xf32, #tpu.memory_space<vmem>>)
      "tpu.region"() ({
        %run_scoped3A_226 = tpu.sem_alloc : memref<!tpu.dma_semaphore, #tpu.memory_space<semaphore_mem>>
        %dma_start3A_227 = arith.constant 0 : i32
        %dma_start3A_228 = tpu.memref_slice %arg12[%add3A_182, %dma_start3A_227] : memref<20x128xi32, #tpu.memory_space<vmem>> -> memref<1x128xi32, #tpu.memory_space<vmem>>
        %dma_start3A_229 = tpu.memref_squeeze %dma_start3A_228 : memref<1x128xi32, #tpu.memory_space<vmem>> -> memref<128xi32, #tpu.memory_space<vmem>>
        %dma_start3A_230 = arith.constant 0 : i32
        %dma_start3A_231 = arith.constant 0 : i32
        %dma_start3A_232 = tpu.memref_slice %arg10[%dma_start3A_230, %dma_start3A_231] : memref<10112x128xf32, #tpu.memory_space<vmem_shared>> -> memref<10112x128xf32, #tpu.memory_space<vmem_shared>>
        tpu.enqueue_indirect_dma source(%arg13 : memref<128x128xf32, #tpu.memory_space<vmem>>) target(%dma_start3A_232 : memref<10112x128xf32, #tpu.memory_space<vmem_shared>>) offsets(%dma_start3A_229 : memref<128xi32, #tpu.memory_space<vmem>>) semaphore(%run_scoped3A_226 : memref<!tpu.dma_semaphore, #tpu.memory_space<semaphore_mem>>) {add = true}
        %dma_wait3A_233 = arith.constant 0 : i32
        %dma_wait3A_234 = tpu.memref_slice %arg12[%add3A_182, %dma_wait3A_233] : memref<20x128xi32, #tpu.memory_space<vmem>> -> memref<1x128xi32, #tpu.memory_space<vmem>>
        %dma_wait3A_235 = tpu.memref_squeeze %dma_wait3A_234 : memref<1x128xi32, #tpu.memory_space<vmem>> -> memref<128xi32, #tpu.memory_space<vmem>>
        %dma_wait3A_236 = arith.constant 0 : i32
        %dma_wait3A_237 = arith.constant 0 : i32
        %dma_wait3A_238 = tpu.memref_slice %arg10[%dma_wait3A_236, %dma_wait3A_237] : memref<10112x128xf32, #tpu.memory_space<vmem_shared>> -> memref<10112x128xf32, #tpu.memory_space<vmem_shared>>
        tpu.wait_indirect_dma semaphore(%run_scoped3A_226 : memref<!tpu.dma_semaphore, #tpu.memory_space<semaphore_mem>>) src(%arg13 : memref<128x128xf32, #tpu.memory_space<vmem>>) dst(%dma_wait3A_238 : memref<10112x128xf32, #tpu.memory_space<vmem_shared>>)
        tpu.yield
      }) : () -> ()
      %convert_element_type3A_199 = arith.extui %eq3A_42 : i1 to i32
      %cond3A_200 = arith.constant 0 : i32
      %cond3A_201 = arith.cmpi ne, %convert_element_type3A_199, %cond3A_200 : i32
      scf.if %cond3A_201 {
        "tpu.region"() ({
          %run_scoped3A_226 = tpu.sem_alloc : memref<!tpu.dma_semaphore, #tpu.memory_space<semaphore_mem>>
          %dma_start3A_227 = arith.constant 0 : i32
          %dma_start3A_228 = tpu.memref_slice %arg12[%add3A_182, %dma_start3A_227] : memref<20x128xi32, #tpu.memory_space<vmem>> -> memref<1x128xi32, #tpu.memory_space<vmem>>
          %dma_start3A_229 = tpu.memref_squeeze %dma_start3A_228 : memref<1x128xi32, #tpu.memory_space<vmem>> -> memref<128xi32, #tpu.memory_space<vmem>>
          %dma_start3A_230 = arith.constant 0 : i32
          %dma_start3A_231 = arith.constant 0 : i32
          %dma_start3A_232 = tpu.memref_slice %arg17[%dma_start3A_230, %dma_start3A_231] : memref<10112x16xf32, #tpu.memory_space<vmem_shared>> -> memref<10112x16xf32, #tpu.memory_space<vmem_shared>>
          tpu.enqueue_indirect_dma source(%arg18 : memref<128x16xf32, #tpu.memory_space<vmem>>) target(%dma_start3A_232 : memref<10112x16xf32, #tpu.memory_space<vmem_shared>>) offsets(%dma_start3A_229 : memref<128xi32, #tpu.memory_space<vmem>>) semaphore(%run_scoped3A_226 : memref<!tpu.dma_semaphore, #tpu.memory_space<semaphore_mem>>) {add = true}
          %dma_wait3A_233 = arith.constant 0 : i32
          %dma_wait3A_234 = tpu.memref_slice %arg12[%add3A_182, %dma_wait3A_233] : memref<20x128xi32, #tpu.memory_space<vmem>> -> memref<1x128xi32, #tpu.memory_space<vmem>>
          %dma_wait3A_235 = tpu.memref_squeeze %dma_wait3A_234 : memref<1x128xi32, #tpu.memory_space<vmem>> -> memref<128xi32, #tpu.memory_space<vmem>>
          %dma_wait3A_236 = arith.constant 0 : i32
          %dma_wait3A_237 = arith.constant 0 : i32
          %dma_wait3A_238 = tpu.memref_slice %arg17[%dma_wait3A_236, %dma_wait3A_237] : memref<10112x16xf32, #tpu.memory_space<vmem_shared>> -> memref<10112x16xf32, #tpu.memory_space<vmem_shared>>
          tpu.wait_indirect_dma semaphore(%run_scoped3A_226 : memref<!tpu.dma_semaphore, #tpu.memory_space<semaphore_mem>>) src(%arg18 : memref<128x16xf32, #tpu.memory_space<vmem>>) dst(%dma_wait3A_238 : memref<10112x16xf32, #tpu.memory_space<vmem_shared>>)
          tpu.yield
        }) : () -> ()
      } else {
      }
      %mul3A_202 = arith.constant 2 : i32
      %mul3A_203 = arith.muli %mul3A_202, %add3A_178 : i32
      %add3A_204 = arith.constant 1 : i32
      %add3A_205 = arith.addi %mul3A_203, %add3A_204 : i32
      %add3A_206 = arith.constant 2 : i32
      %add3A_207 = arith.addi %add3A_205, %add3A_206 : i32
      %sub3A_208 = arith.constant 1 : i32
      %sub3A_209 = arith.subi %add3A_207, %sub3A_208 : i32
      %dma_start3A_210 = arith.constant 0 : i32
      %dma_start3A_211 = tpu.memref_slice %arg11[%sub3A_209, %dma_start3A_210] : memref<20x128xi32, #tpu.memory_space<vmem>> -> memref<1x128xi32, #tpu.memory_space<vmem>>
      %dma_start3A_212 = tpu.memref_squeeze %dma_start3A_211 : memref<1x128xi32, #tpu.memory_space<vmem>> -> memref<128xi32, #tpu.memory_space<vmem>>
      %dma_start3A_213 = arith.constant 0 : i32
      %dma_start3A_214 = arith.constant 0 : i32
      %dma_start3A_215 = tpu.memref_slice %arg5[%dma_start3A_213, %dma_start3A_214] : memref<20000x128xf32, #tpu.memory_space<hbm>> -> memref<20000x128xf32, #tpu.memory_space<hbm>>
      tpu.enqueue_indirect_dma source(%dma_start3A_215 : memref<20000x128xf32, #tpu.memory_space<hbm>>) target(%arg13 : memref<128x128xf32, #tpu.memory_space<vmem>>) offsets(%dma_start3A_212 : memref<128xi32, #tpu.memory_space<vmem>>) semaphore(%arg15 : memref<!tpu.dma_semaphore, #tpu.memory_space<semaphore_mem>>)
      %dma_wait3A_216 = arith.constant 0 : i32
      %dma_wait3A_217 = arith.constant 0 : i32
      %dma_wait3A_218 = tpu.memref_slice %arg11[%dma_wait3A_216, %dma_wait3A_217] : memref<20x128xi32, #tpu.memory_space<vmem>> -> memref<1x128xi32, #tpu.memory_space<vmem>>
      %dma_wait3A_219 = tpu.memref_squeeze %dma_wait3A_218 : memref<1x128xi32, #tpu.memory_space<vmem>> -> memref<128xi32, #tpu.memory_space<vmem>>
      %dma_wait3A_220 = arith.constant 0 : i32
      %dma_wait3A_221 = arith.constant 0 : i32
      %dma_wait3A_222 = tpu.memref_slice %arg5[%dma_wait3A_220, %dma_wait3A_221] : memref<20000x128xf32, #tpu.memory_space<hbm>> -> memref<20000x128xf32, #tpu.memory_space<hbm>>
      tpu.wait_indirect_dma semaphore(%arg16 : memref<!tpu.dma_semaphore, #tpu.memory_space<semaphore_mem>>) src(%dma_wait3A_222 : memref<20000x128xf32, #tpu.memory_space<hbm>>) dst(%arg14 : memref<128x128xf32, #tpu.memory_space<vmem>>)
      "tpu.region"() ({
        %run_scoped3A_226 = tpu.sem_alloc : memref<!tpu.dma_semaphore, #tpu.memory_space<semaphore_mem>>
        %dma_start3A_227 = arith.constant 0 : i32
        %dma_start3A_228 = tpu.memref_slice %arg12[%add3A_205, %dma_start3A_227] : memref<20x128xi32, #tpu.memory_space<vmem>> -> memref<1x128xi32, #tpu.memory_space<vmem>>
        %dma_start3A_229 = tpu.memref_squeeze %dma_start3A_228 : memref<1x128xi32, #tpu.memory_space<vmem>> -> memref<128xi32, #tpu.memory_space<vmem>>
        %dma_start3A_230 = arith.constant 0 : i32
        %dma_start3A_231 = arith.constant 0 : i32
        %dma_start3A_232 = tpu.memref_slice %arg10[%dma_start3A_230, %dma_start3A_231] : memref<10112x128xf32, #tpu.memory_space<vmem_shared>> -> memref<10112x128xf32, #tpu.memory_space<vmem_shared>>
        tpu.enqueue_indirect_dma source(%arg14 : memref<128x128xf32, #tpu.memory_space<vmem>>) target(%dma_start3A_232 : memref<10112x128xf32, #tpu.memory_space<vmem_shared>>) offsets(%dma_start3A_229 : memref<128xi32, #tpu.memory_space<vmem>>) semaphore(%run_scoped3A_226 : memref<!tpu.dma_semaphore, #tpu.memory_space<semaphore_mem>>) {add = true}
        %dma_wait3A_233 = arith.constant 0 : i32
        %dma_wait3A_234 = tpu.memref_slice %arg12[%add3A_205, %dma_wait3A_233] : memref<20x128xi32, #tpu.memory_space<vmem>> -> memref<1x128xi32, #tpu.memory_space<vmem>>
        %dma_wait3A_235 = tpu.memref_squeeze %dma_wait3A_234 : memref<1x128xi32, #tpu.memory_space<vmem>> -> memref<128xi32, #tpu.memory_space<vmem>>
        %dma_wait3A_236 = arith.constant 0 : i32
        %dma_wait3A_237 = arith.constant 0 : i32
        %dma_wait3A_238 = tpu.memref_slice %arg10[%dma_wait3A_236, %dma_wait3A_237] : memref<10112x128xf32, #tpu.memory_space<vmem_shared>> -> memref<10112x128xf32, #tpu.memory_space<vmem_shared>>
        tpu.wait_indirect_dma semaphore(%run_scoped3A_226 : memref<!tpu.dma_semaphore, #tpu.memory_space<semaphore_mem>>) src(%arg14 : memref<128x128xf32, #tpu.memory_space<vmem>>) dst(%dma_wait3A_238 : memref<10112x128xf32, #tpu.memory_space<vmem_shared>>)
        tpu.yield
      }) : () -> ()
      %convert_element_type3A_223 = arith.extui %eq3A_42 : i1 to i32
      %cond3A_224 = arith.constant 0 : i32
      %cond3A_225 = arith.cmpi ne, %convert_element_type3A_223, %cond3A_224 : i32
      scf.if %cond3A_225 {
        "tpu.region"() ({
          %run_scoped3A_226 = tpu.sem_alloc : memref<!tpu.dma_semaphore, #tpu.memory_space<semaphore_mem>>
          %dma_start3A_227 = arith.constant 0 : i32
          %dma_start3A_228 = tpu.memref_slice %arg12[%add3A_205, %dma_start3A_227] : memref<20x128xi32, #tpu.memory_space<vmem>> -> memref<1x128xi32, #tpu.memory_space<vmem>>
          %dma_start3A_229 = tpu.memref_squeeze %dma_start3A_228 : memref<1x128xi32, #tpu.memory_space<vmem>> -> memref<128xi32, #tpu.memory_space<vmem>>
          %dma_start3A_230 = arith.constant 0 : i32
          %dma_start3A_231 = arith.constant 0 : i32
          %dma_start3A_232 = tpu.memref_slice %arg17[%dma_start3A_230, %dma_start3A_231] : memref<10112x16xf32, #tpu.memory_space<vmem_shared>> -> memref<10112x16xf32, #tpu.memory_space<vmem_shared>>
          tpu.enqueue_indirect_dma source(%arg18 : memref<128x16xf32, #tpu.memory_space<vmem>>) target(%dma_start3A_232 : memref<10112x16xf32, #tpu.memory_space<vmem_shared>>) offsets(%dma_start3A_229 : memref<128xi32, #tpu.memory_space<vmem>>) semaphore(%run_scoped3A_226 : memref<!tpu.dma_semaphore, #tpu.memory_space<semaphore_mem>>) {add = true}
          %dma_wait3A_233 = arith.constant 0 : i32
          %dma_wait3A_234 = tpu.memref_slice %arg12[%add3A_205, %dma_wait3A_233] : memref<20x128xi32, #tpu.memory_space<vmem>> -> memref<1x128xi32, #tpu.memory_space<vmem>>
          %dma_wait3A_235 = tpu.memref_squeeze %dma_wait3A_234 : memref<1x128xi32, #tpu.memory_space<vmem>> -> memref<128xi32, #tpu.memory_space<vmem>>
          %dma_wait3A_236 = arith.constant 0 : i32
          %dma_wait3A_237 = arith.constant 0 : i32
          %dma_wait3A_238 = tpu.memref_slice %arg17[%dma_wait3A_236, %dma_wait3A_237] : memref<10112x16xf32, #tpu.memory_space<vmem_shared>> -> memref<10112x16xf32, #tpu.memory_space<vmem_shared>>
          tpu.wait_indirect_dma semaphore(%run_scoped3A_226 : memref<!tpu.dma_semaphore, #tpu.memory_space<semaphore_mem>>) src(%arg18 : memref<128x16xf32, #tpu.memory_space<vmem>>) dst(%dma_wait3A_238 : memref<10112x16xf32, #tpu.memory_space<vmem_shared>>)
          tpu.yield
        }) : () -> ()
      } else {
      }
    }
    %scan3A_54 = arith.constant 9 : i32
    %dma_start3A_55 = arith.constant 19 : i32
    %dma_start3A_56 = arith.constant 0 : i32
    %dma_start3A_57 = tpu.memref_slice %arg11[%dma_start3A_55, %dma_start3A_56] : memref<20x128xi32, #tpu.memory_space<vmem>> -> memref<1x128xi32, #tpu.memory_space<vmem>>
    %dma_start3A_58 = tpu.memref_squeeze %dma_start3A_57 : memref<1x128xi32, #tpu.memory_space<vmem>> -> memref<128xi32, #tpu.memory_space<vmem>>
    %dma_start3A_59 = arith.constant 0 : i32
    %dma_start3A_60 = arith.constant 0 : i32
    %dma_start3A_61 = tpu.memref_slice %arg5[%dma_start3A_59, %dma_start3A_60] : memref<20000x128xf32, #tpu.memory_space<hbm>> -> memref<20000x128xf32, #tpu.memory_space<hbm>>
    tpu.enqueue_indirect_dma source(%dma_start3A_61 : memref<20000x128xf32, #tpu.memory_space<hbm>>) target(%arg14 : memref<128x128xf32, #tpu.memory_space<vmem>>) offsets(%dma_start3A_58 : memref<128xi32, #tpu.memory_space<vmem>>) semaphore(%arg16 : memref<!tpu.dma_semaphore, #tpu.memory_space<semaphore_mem>>)
    %dma_wait3A_62 = arith.constant 0 : i32
    %dma_wait3A_63 = arith.constant 0 : i32
    %dma_wait3A_64 = tpu.memref_slice %arg11[%dma_wait3A_62, %dma_wait3A_63] : memref<20x128xi32, #tpu.memory_space<vmem>> -> memref<1x128xi32, #tpu.memory_space<vmem>>
    %dma_wait3A_65 = tpu.memref_squeeze %dma_wait3A_64 : memref<1x128xi32, #tpu.memory_space<vmem>> -> memref<128xi32, #tpu.memory_space<vmem>>
    %dma_wait3A_66 = arith.constant 0 : i32
    %dma_wait3A_67 = arith.constant 0 : i32
    %dma_wait3A_68 = tpu.memref_slice %arg5[%dma_wait3A_66, %dma_wait3A_67] : memref<20000x128xf32, #tpu.memory_space<hbm>> -> memref<20000x128xf32, #tpu.memory_space<hbm>>
    tpu.wait_indirect_dma semaphore(%arg15 : memref<!tpu.dma_semaphore, #tpu.memory_space<semaphore_mem>>) src(%dma_wait3A_68 : memref<20000x128xf32, #tpu.memory_space<hbm>>) dst(%arg13 : memref<128x128xf32, #tpu.memory_space<vmem>>)
    %run_scoped3A_69 = arith.constant 18 : i32
    "tpu.region"() ({
      %run_scoped3A_175 = tpu.sem_alloc : memref<!tpu.dma_semaphore, #tpu.memory_space<semaphore_mem>>
      %dma_start3A_176 = arith.constant 0 : i32
      %dma_start3A_177 = tpu.memref_slice %arg12[%run_scoped3A_69, %dma_start3A_176] : memref<20x128xi32, #tpu.memory_space<vmem>> -> memref<1x128xi32, #tpu.memory_space<vmem>>
      %dma_start3A_178 = tpu.memref_squeeze %dma_start3A_177 : memref<1x128xi32, #tpu.memory_space<vmem>> -> memref<128xi32, #tpu.memory_space<vmem>>
      %dma_start3A_179 = arith.constant 0 : i32
      %dma_start3A_180 = arith.constant 0 : i32
      %dma_start3A_181 = tpu.memref_slice %arg10[%dma_start3A_179, %dma_start3A_180] : memref<10112x128xf32, #tpu.memory_space<vmem_shared>> -> memref<10112x128xf32, #tpu.memory_space<vmem_shared>>
      tpu.enqueue_indirect_dma source(%arg13 : memref<128x128xf32, #tpu.memory_space<vmem>>) target(%dma_start3A_181 : memref<10112x128xf32, #tpu.memory_space<vmem_shared>>) offsets(%dma_start3A_178 : memref<128xi32, #tpu.memory_space<vmem>>) semaphore(%run_scoped3A_175 : memref<!tpu.dma_semaphore, #tpu.memory_space<semaphore_mem>>) {add = true}
      %dma_wait3A_182 = arith.constant 0 : i32
      %dma_wait3A_183 = tpu.memref_slice %arg12[%run_scoped3A_69, %dma_wait3A_182] : memref<20x128xi32, #tpu.memory_space<vmem>> -> memref<1x128xi32, #tpu.memory_space<vmem>>
      %dma_wait3A_184 = tpu.memref_squeeze %dma_wait3A_183 : memref<1x128xi32, #tpu.memory_space<vmem>> -> memref<128xi32, #tpu.memory_space<vmem>>
      %dma_wait3A_185 = arith.constant 0 : i32
      %dma_wait3A_186 = arith.constant 0 : i32
      %dma_wait3A_187 = tpu.memref_slice %arg10[%dma_wait3A_185, %dma_wait3A_186] : memref<10112x128xf32, #tpu.memory_space<vmem_shared>> -> memref<10112x128xf32, #tpu.memory_space<vmem_shared>>
      tpu.wait_indirect_dma semaphore(%run_scoped3A_175 : memref<!tpu.dma_semaphore, #tpu.memory_space<semaphore_mem>>) src(%arg13 : memref<128x128xf32, #tpu.memory_space<vmem>>) dst(%dma_wait3A_187 : memref<10112x128xf32, #tpu.memory_space<vmem_shared>>)
      tpu.yield
    }) : () -> ()
    %convert_element_type3A_70 = arith.extui %eq3A_42 : i1 to i32
    %cond3A_71 = arith.constant 0 : i32
    %cond3A_72 = arith.cmpi ne, %convert_element_type3A_70, %cond3A_71 : i32
    scf.if %cond3A_72 {
      %run_scoped3A_175 = arith.constant 18 : i32
      "tpu.region"() ({
        %run_scoped3A_176 = tpu.sem_alloc : memref<!tpu.dma_semaphore, #tpu.memory_space<semaphore_mem>>
        %dma_start3A_177 = arith.constant 0 : i32
        %dma_start3A_178 = tpu.memref_slice %arg12[%run_scoped3A_175, %dma_start3A_177] : memref<20x128xi32, #tpu.memory_space<vmem>> -> memref<1x128xi32, #tpu.memory_space<vmem>>
        %dma_start3A_179 = tpu.memref_squeeze %dma_start3A_178 : memref<1x128xi32, #tpu.memory_space<vmem>> -> memref<128xi32, #tpu.memory_space<vmem>>
        %dma_start3A_180 = arith.constant 0 : i32
        %dma_start3A_181 = arith.constant 0 : i32
        %dma_start3A_182 = tpu.memref_slice %arg17[%dma_start3A_180, %dma_start3A_181] : memref<10112x16xf32, #tpu.memory_space<vmem_shared>> -> memref<10112x16xf32, #tpu.memory_space<vmem_shared>>
        tpu.enqueue_indirect_dma source(%arg18 : memref<128x16xf32, #tpu.memory_space<vmem>>) target(%dma_start3A_182 : memref<10112x16xf32, #tpu.memory_space<vmem_shared>>) offsets(%dma_start3A_179 : memref<128xi32, #tpu.memory_space<vmem>>) semaphore(%run_scoped3A_176 : memref<!tpu.dma_semaphore, #tpu.memory_space<semaphore_mem>>) {add = true}
        %dma_wait3A_183 = arith.constant 0 : i32
        %dma_wait3A_184 = tpu.memref_slice %arg12[%run_scoped3A_175, %dma_wait3A_183] : memref<20x128xi32, #tpu.memory_space<vmem>> -> memref<1x128xi32, #tpu.memory_space<vmem>>
        %dma_wait3A_185 = tpu.memref_squeeze %dma_wait3A_184 : memref<1x128xi32, #tpu.memory_space<vmem>> -> memref<128xi32, #tpu.memory_space<vmem>>
        %dma_wait3A_186 = arith.constant 0 : i32
        %dma_wait3A_187 = arith.constant 0 : i32
        %dma_wait3A_188 = tpu.memref_slice %arg17[%dma_wait3A_186, %dma_wait3A_187] : memref<10112x16xf32, #tpu.memory_space<vmem_shared>> -> memref<10112x16xf32, #tpu.memory_space<vmem_shared>>
        tpu.wait_indirect_dma semaphore(%run_scoped3A_176 : memref<!tpu.dma_semaphore, #tpu.memory_space<semaphore_mem>>) src(%arg18 : memref<128x16xf32, #tpu.memory_space<vmem>>) dst(%dma_wait3A_188 : memref<10112x16xf32, #tpu.memory_space<vmem_shared>>)
        tpu.yield
      }) : () -> ()
    } else {
    }
    %dma_wait3A_73 = arith.constant 0 : i32
    %dma_wait3A_74 = arith.constant 0 : i32
    %dma_wait3A_75 = tpu.memref_slice %arg11[%dma_wait3A_73, %dma_wait3A_74] : memref<20x128xi32, #tpu.memory_space<vmem>> -> memref<1x128xi32, #tpu.memory_space<vmem>>
    %dma_wait3A_76 = tpu.memref_squeeze %dma_wait3A_75 : memref<1x128xi32, #tpu.memory_space<vmem>> -> memref<128xi32, #tpu.memory_space<vmem>>
    %dma_wait3A_77 = arith.constant 0 : i32
    %dma_wait3A_78 = arith.constant 0 : i32
    %dma_wait3A_79 = tpu.memref_slice %arg5[%dma_wait3A_77, %dma_wait3A_78] : memref<20000x128xf32, #tpu.memory_space<hbm>> -> memref<20000x128xf32, #tpu.memory_space<hbm>>
    tpu.wait_indirect_dma semaphore(%arg16 : memref<!tpu.dma_semaphore, #tpu.memory_space<semaphore_mem>>) src(%dma_wait3A_79 : memref<20000x128xf32, #tpu.memory_space<hbm>>) dst(%arg14 : memref<128x128xf32, #tpu.memory_space<vmem>>)
    %run_scoped3A_80 = arith.constant 19 : i32
    "tpu.region"() ({
      %run_scoped3A_175 = tpu.sem_alloc : memref<!tpu.dma_semaphore, #tpu.memory_space<semaphore_mem>>
      %dma_start3A_176 = arith.constant 0 : i32
      %dma_start3A_177 = tpu.memref_slice %arg12[%run_scoped3A_80, %dma_start3A_176] : memref<20x128xi32, #tpu.memory_space<vmem>> -> memref<1x128xi32, #tpu.memory_space<vmem>>
      %dma_start3A_178 = tpu.memref_squeeze %dma_start3A_177 : memref<1x128xi32, #tpu.memory_space<vmem>> -> memref<128xi32, #tpu.memory_space<vmem>>
      %dma_start3A_179 = arith.constant 0 : i32
      %dma_start3A_180 = arith.constant 0 : i32
      %dma_start3A_181 = tpu.memref_slice %arg10[%dma_start3A_179, %dma_start3A_180] : memref<10112x128xf32, #tpu.memory_space<vmem_shared>> -> memref<10112x128xf32, #tpu.memory_space<vmem_shared>>
      tpu.enqueue_indirect_dma source(%arg14 : memref<128x128xf32, #tpu.memory_space<vmem>>) target(%dma_start3A_181 : memref<10112x128xf32, #tpu.memory_space<vmem_shared>>) offsets(%dma_start3A_178 : memref<128xi32, #tpu.memory_space<vmem>>) semaphore(%run_scoped3A_175 : memref<!tpu.dma_semaphore, #tpu.memory_space<semaphore_mem>>) {add = true}
      %dma_wait3A_182 = arith.constant 0 : i32
      %dma_wait3A_183 = tpu.memref_slice %arg12[%run_scoped3A_80, %dma_wait3A_182] : memref<20x128xi32, #tpu.memory_space<vmem>> -> memref<1x128xi32, #tpu.memory_space<vmem>>
      %dma_wait3A_184 = tpu.memref_squeeze %dma_wait3A_183 : memref<1x128xi32, #tpu.memory_space<vmem>> -> memref<128xi32, #tpu.memory_space<vmem>>
      %dma_wait3A_185 = arith.constant 0 : i32
      %dma_wait3A_186 = arith.constant 0 : i32
      %dma_wait3A_187 = tpu.memref_slice %arg10[%dma_wait3A_185, %dma_wait3A_186] : memref<10112x128xf32, #tpu.memory_space<vmem_shared>> -> memref<10112x128xf32, #tpu.memory_space<vmem_shared>>
      tpu.wait_indirect_dma semaphore(%run_scoped3A_175 : memref<!tpu.dma_semaphore, #tpu.memory_space<semaphore_mem>>) src(%arg14 : memref<128x128xf32, #tpu.memory_space<vmem>>) dst(%dma_wait3A_187 : memref<10112x128xf32, #tpu.memory_space<vmem_shared>>)
      tpu.yield
    }) : () -> ()
    %convert_element_type3A_81 = arith.extui %eq3A_42 : i1 to i32
    %cond3A_82 = arith.constant 0 : i32
    %cond3A_83 = arith.cmpi ne, %convert_element_type3A_81, %cond3A_82 : i32
    scf.if %cond3A_83 {
      %run_scoped3A_175 = arith.constant 19 : i32
      "tpu.region"() ({
        %run_scoped3A_176 = tpu.sem_alloc : memref<!tpu.dma_semaphore, #tpu.memory_space<semaphore_mem>>
        %dma_start3A_177 = arith.constant 0 : i32
        %dma_start3A_178 = tpu.memref_slice %arg12[%run_scoped3A_175, %dma_start3A_177] : memref<20x128xi32, #tpu.memory_space<vmem>> -> memref<1x128xi32, #tpu.memory_space<vmem>>
        %dma_start3A_179 = tpu.memref_squeeze %dma_start3A_178 : memref<1x128xi32, #tpu.memory_space<vmem>> -> memref<128xi32, #tpu.memory_space<vmem>>
        %dma_start3A_180 = arith.constant 0 : i32
        %dma_start3A_181 = arith.constant 0 : i32
        %dma_start3A_182 = tpu.memref_slice %arg17[%dma_start3A_180, %dma_start3A_181] : memref<10112x16xf32, #tpu.memory_space<vmem_shared>> -> memref<10112x16xf32, #tpu.memory_space<vmem_shared>>
        tpu.enqueue_indirect_dma source(%arg18 : memref<128x16xf32, #tpu.memory_space<vmem>>) target(%dma_start3A_182 : memref<10112x16xf32, #tpu.memory_space<vmem_shared>>) offsets(%dma_start3A_179 : memref<128xi32, #tpu.memory_space<vmem>>) semaphore(%run_scoped3A_176 : memref<!tpu.dma_semaphore, #tpu.memory_space<semaphore_mem>>) {add = true}
        %dma_wait3A_183 = arith.constant 0 : i32
        %dma_wait3A_184 = tpu.memref_slice %arg12[%run_scoped3A_175, %dma_wait3A_183] : memref<20x128xi32, #tpu.memory_space<vmem>> -> memref<1x128xi32, #tpu.memory_space<vmem>>
        %dma_wait3A_185 = tpu.memref_squeeze %dma_wait3A_184 : memref<1x128xi32, #tpu.memory_space<vmem>> -> memref<128xi32, #tpu.memory_space<vmem>>
        %dma_wait3A_186 = arith.constant 0 : i32
        %dma_wait3A_187 = arith.constant 0 : i32
        %dma_wait3A_188 = tpu.memref_slice %arg17[%dma_wait3A_186, %dma_wait3A_187] : memref<10112x16xf32, #tpu.memory_space<vmem_shared>> -> memref<10112x16xf32, #tpu.memory_space<vmem_shared>>
        tpu.wait_indirect_dma semaphore(%run_scoped3A_176 : memref<!tpu.dma_semaphore, #tpu.memory_space<semaphore_mem>>) src(%arg18 : memref<128x16xf32, #tpu.memory_space<vmem>>) dst(%dma_wait3A_188 : memref<10112x16xf32, #tpu.memory_space<vmem_shared>>)
        tpu.yield
      }) : () -> ()
    } else {
    }
    %run_scoped3A_84 = arith.constant 2 : i32
    "tpu.region"() ({
      %run_scoped3A_175 = tpu.sem_alloc : memref<!tpu.dma_semaphore, #tpu.memory_space<semaphore_mem>>
      %dma_start3A_176 = arith.constant 0 : i32
      %dma_start3A_177 = arith.constant 0 : i32
      %dma_start3A_178 = tpu.memref_slice %arg6[%arg0, %arg1, %run_scoped3A_84, %dma_start3A_176, %dma_start3A_177] : memref<2x16x4x20x128xi32, #tpu.memory_space<hbm>> -> memref<1x1x1x20x128xi32, #tpu.memory_space<hbm>>
      %dma_start3A_179 = tpu.memref_squeeze %dma_start3A_178 : memref<1x1x1x20x128xi32, #tpu.memory_space<hbm>> -> memref<20x128xi32, #tpu.memory_space<hbm>>
      %dma_start3A_180 = arith.constant 0 : i32
      %dma_start3A_181 = arith.constant 0 : i32
      %dma_start3A_182 = tpu.memref_slice %arg6[%arg0, %arg1, %run_scoped3A_84, %dma_start3A_180, %dma_start3A_181] : memref<2x16x4x20x128xi32, #tpu.memory_space<hbm>> -> memref<1x1x1x20x128xi32, #tpu.memory_space<hbm>>
      %dma_start3A_183 = tpu.memref_squeeze %dma_start3A_182 : memref<1x1x1x20x128xi32, #tpu.memory_space<hbm>> -> memref<20x128xi32, #tpu.memory_space<hbm>>
      tpu.enqueue_dma source(%dma_start3A_183 : memref<20x128xi32, #tpu.memory_space<hbm>>) target(%arg11 : memref<20x128xi32, #tpu.memory_space<vmem>>) target_semaphore(%run_scoped3A_175 : memref<!tpu.dma_semaphore, #tpu.memory_space<semaphore_mem>>)
      %dma_wait3A_184 = arith.constant 0 : i32
      %dma_wait3A_185 = arith.constant 0 : i32
      %dma_wait3A_186 = tpu.memref_slice %arg6[%arg0, %arg1, %run_scoped3A_84, %dma_wait3A_184, %dma_wait3A_185] : memref<2x16x4x20x128xi32, #tpu.memory_space<hbm>> -> memref<1x1x1x20x128xi32, #tpu.memory_space<hbm>>
      %dma_wait3A_187 = tpu.memref_squeeze %dma_wait3A_186 : memref<1x1x1x20x128xi32, #tpu.memory_space<hbm>> -> memref<20x128xi32, #tpu.memory_space<hbm>>
      %dma_wait3A_188 = arith.constant 0 : i32
      %dma_wait3A_189 = arith.constant 0 : i32
      %dma_wait3A_190 = tpu.memref_slice %arg6[%arg0, %arg1, %run_scoped3A_84, %dma_wait3A_188, %dma_wait3A_189] : memref<2x16x4x20x128xi32, #tpu.memory_space<hbm>> -> memref<1x1x1x20x128xi32, #tpu.memory_space<hbm>>
      %dma_wait3A_191 = tpu.memref_squeeze %dma_wait3A_190 : memref<1x1x1x20x128xi32, #tpu.memory_space<hbm>> -> memref<20x128xi32, #tpu.memory_space<hbm>>
      tpu.wait_dma2 semaphore(%run_scoped3A_175 : memref<!tpu.dma_semaphore, #tpu.memory_space<semaphore_mem>>) src(%dma_wait3A_191 : memref<20x128xi32, #tpu.memory_space<hbm>>) dst(%arg11 : memref<20x128xi32, #tpu.memory_space<vmem>>)
      tpu.yield
    }) : () -> ()
    %run_scoped3A_85 = arith.constant 2 : i32
    "tpu.region"() ({
      %run_scoped3A_175 = tpu.sem_alloc : memref<!tpu.dma_semaphore, #tpu.memory_space<semaphore_mem>>
      %dma_start3A_176 = arith.constant 0 : i32
      %dma_start3A_177 = arith.constant 0 : i32
      %dma_start3A_178 = tpu.memref_slice %arg7[%arg1, %run_scoped3A_85, %dma_start3A_176, %dma_start3A_177] : memref<16x4x20x128xi32, #tpu.memory_space<hbm>> -> memref<1x1x20x128xi32, #tpu.memory_space<hbm>>
      %dma_start3A_179 = tpu.memref_squeeze %dma_start3A_178 : memref<1x1x20x128xi32, #tpu.memory_space<hbm>> -> memref<20x128xi32, #tpu.memory_space<hbm>>
      %dma_start3A_180 = arith.constant 0 : i32
      %dma_start3A_181 = arith.constant 0 : i32
      %dma_start3A_182 = tpu.memref_slice %arg7[%arg1, %run_scoped3A_85, %dma_start3A_180, %dma_start3A_181] : memref<16x4x20x128xi32, #tpu.memory_space<hbm>> -> memref<1x1x20x128xi32, #tpu.memory_space<hbm>>
      %dma_start3A_183 = tpu.memref_squeeze %dma_start3A_182 : memref<1x1x20x128xi32, #tpu.memory_space<hbm>> -> memref<20x128xi32, #tpu.memory_space<hbm>>
      tpu.enqueue_dma source(%dma_start3A_183 : memref<20x128xi32, #tpu.memory_space<hbm>>) target(%arg12 : memref<20x128xi32, #tpu.memory_space<vmem>>) target_semaphore(%run_scoped3A_175 : memref<!tpu.dma_semaphore, #tpu.memory_space<semaphore_mem>>)
      %dma_wait3A_184 = arith.constant 0 : i32
      %dma_wait3A_185 = arith.constant 0 : i32
      %dma_wait3A_186 = tpu.memref_slice %arg7[%arg1, %run_scoped3A_85, %dma_wait3A_184, %dma_wait3A_185] : memref<16x4x20x128xi32, #tpu.memory_space<hbm>> -> memref<1x1x20x128xi32, #tpu.memory_space<hbm>>
      %dma_wait3A_187 = tpu.memref_squeeze %dma_wait3A_186 : memref<1x1x20x128xi32, #tpu.memory_space<hbm>> -> memref<20x128xi32, #tpu.memory_space<hbm>>
      %dma_wait3A_188 = arith.constant 0 : i32
      %dma_wait3A_189 = arith.constant 0 : i32
      %dma_wait3A_190 = tpu.memref_slice %arg7[%arg1, %run_scoped3A_85, %dma_wait3A_188, %dma_wait3A_189] : memref<16x4x20x128xi32, #tpu.memory_space<hbm>> -> memref<1x1x20x128xi32, #tpu.memory_space<hbm>>
      %dma_wait3A_191 = tpu.memref_squeeze %dma_wait3A_190 : memref<1x1x20x128xi32, #tpu.memory_space<hbm>> -> memref<20x128xi32, #tpu.memory_space<hbm>>
      tpu.wait_dma2 semaphore(%run_scoped3A_175 : memref<!tpu.dma_semaphore, #tpu.memory_space<semaphore_mem>>) src(%dma_wait3A_191 : memref<20x128xi32, #tpu.memory_space<hbm>>) dst(%arg12 : memref<20x128xi32, #tpu.memory_space<vmem>>)
      tpu.yield
    }) : () -> ()
    %eq3A_86 = arith.constant 1 : i32
    %eq3A_87 = arith.cmpi eq, %arg0, %eq3A_86 : i32
    %dma_start3A_88 = arith.constant 0 : i32
    %dma_start3A_89 = arith.constant 0 : i32
    %dma_start3A_90 = tpu.memref_slice %arg11[%dma_start3A_88, %dma_start3A_89] : memref<20x128xi32, #tpu.memory_space<vmem>> -> memref<1x128xi32, #tpu.memory_space<vmem>>
    %dma_start3A_91 = tpu.memref_squeeze %dma_start3A_90 : memref<1x128xi32, #tpu.memory_space<vmem>> -> memref<128xi32, #tpu.memory_space<vmem>>
    %dma_start3A_92 = arith.constant 0 : i32
    %dma_start3A_93 = arith.constant 0 : i32
    %dma_start3A_94 = tpu.memref_slice %arg5[%dma_start3A_92, %dma_start3A_93] : memref<20000x128xf32, #tpu.memory_space<hbm>> -> memref<20000x128xf32, #tpu.memory_space<hbm>>
    tpu.enqueue_indirect_dma source(%dma_start3A_94 : memref<20000x128xf32, #tpu.memory_space<hbm>>) target(%arg13 : memref<128x128xf32, #tpu.memory_space<vmem>>) offsets(%dma_start3A_91 : memref<128xi32, #tpu.memory_space<vmem>>) semaphore(%arg15 : memref<!tpu.dma_semaphore, #tpu.memory_space<semaphore_mem>>)
    %scan3A_95 = arith.constant 0 : i32
    %scan3A_96 = arith.constant 9 : i32
    %scan3A_97 = arith.addi %scan3A_95, %scan3A_96 : i32
    %scan3A_98 = arith.constant 1 : i32
    scf.for %scan3A_175 = %scan3A_95 to %scan3A_97 step %scan3A_98  : i32 {
      %mul3A_176 = arith.constant 1 : i32
      %mul3A_177 = arith.muli %scan3A_175, %mul3A_176 : i32
      %add3A = arith.constant 0 : i32
      %add3A_178 = arith.addi %add3A, %mul3A_177 : i32
      %mul3A_179 = arith.constant 2 : i32
      %mul3A_180 = arith.muli %mul3A_179, %add3A_178 : i32
      %add3A_181 = arith.constant 0 : i32
      %add3A_182 = arith.addi %mul3A_180, %add3A_181 : i32
      %add3A_183 = arith.constant 2 : i32
      %add3A_184 = arith.addi %add3A_182, %add3A_183 : i32
      %sub3A = arith.constant 1 : i32
      %sub3A_185 = arith.subi %add3A_184, %sub3A : i32
      %dma_start3A_186 = arith.constant 0 : i32
      %dma_start3A_187 = tpu.memref_slice %arg11[%sub3A_185, %dma_start3A_186] : memref<20x128xi32, #tpu.memory_space<vmem>> -> memref<1x128xi32, #tpu.memory_space<vmem>>
      %dma_start3A_188 = tpu.memref_squeeze %dma_start3A_187 : memref<1x128xi32, #tpu.memory_space<vmem>> -> memref<128xi32, #tpu.memory_space<vmem>>
      %dma_start3A_189 = arith.constant 0 : i32
      %dma_start3A_190 = arith.constant 0 : i32
      %dma_start3A_191 = tpu.memref_slice %arg5[%dma_start3A_189, %dma_start3A_190] : memref<20000x128xf32, #tpu.memory_space<hbm>> -> memref<20000x128xf32, #tpu.memory_space<hbm>>
      tpu.enqueue_indirect_dma source(%dma_start3A_191 : memref<20000x128xf32, #tpu.memory_space<hbm>>) target(%arg14 : memref<128x128xf32, #tpu.memory_space<vmem>>) offsets(%dma_start3A_188 : memref<128xi32, #tpu.memory_space<vmem>>) semaphore(%arg16 : memref<!tpu.dma_semaphore, #tpu.memory_space<semaphore_mem>>)
      %dma_wait3A_192 = arith.constant 0 : i32
      %dma_wait3A_193 = arith.constant 0 : i32
      %dma_wait3A_194 = tpu.memref_slice %arg11[%dma_wait3A_192, %dma_wait3A_193] : memref<20x128xi32, #tpu.memory_space<vmem>> -> memref<1x128xi32, #tpu.memory_space<vmem>>
      %dma_wait3A_195 = tpu.memref_squeeze %dma_wait3A_194 : memref<1x128xi32, #tpu.memory_space<vmem>> -> memref<128xi32, #tpu.memory_space<vmem>>
      %dma_wait3A_196 = arith.constant 0 : i32
      %dma_wait3A_197 = arith.constant 0 : i32
      %dma_wait3A_198 = tpu.memref_slice %arg5[%dma_wait3A_196, %dma_wait3A_197] : memref<20000x128xf32, #tpu.memory_space<hbm>> -> memref<20000x128xf32, #tpu.memory_space<hbm>>
      tpu.wait_indirect_dma semaphore(%arg15 : memref<!tpu.dma_semaphore, #tpu.memory_space<semaphore_mem>>) src(%dma_wait3A_198 : memref<20000x128xf32, #tpu.memory_space<hbm>>) dst(%arg13 : memref<128x128xf32, #tpu.memory_space<vmem>>)
      "tpu.region"() ({
        %run_scoped3A_226 = tpu.sem_alloc : memref<!tpu.dma_semaphore, #tpu.memory_space<semaphore_mem>>
        %dma_start3A_227 = arith.constant 0 : i32
        %dma_start3A_228 = tpu.memref_slice %arg12[%add3A_182, %dma_start3A_227] : memref<20x128xi32, #tpu.memory_space<vmem>> -> memref<1x128xi32, #tpu.memory_space<vmem>>
        %dma_start3A_229 = tpu.memref_squeeze %dma_start3A_228 : memref<1x128xi32, #tpu.memory_space<vmem>> -> memref<128xi32, #tpu.memory_space<vmem>>
        %dma_start3A_230 = arith.constant 0 : i32
        %dma_start3A_231 = arith.constant 0 : i32
        %dma_start3A_232 = tpu.memref_slice %arg10[%dma_start3A_230, %dma_start3A_231] : memref<10112x128xf32, #tpu.memory_space<vmem_shared>> -> memref<10112x128xf32, #tpu.memory_space<vmem_shared>>
        tpu.enqueue_indirect_dma source(%arg13 : memref<128x128xf32, #tpu.memory_space<vmem>>) target(%dma_start3A_232 : memref<10112x128xf32, #tpu.memory_space<vmem_shared>>) offsets(%dma_start3A_229 : memref<128xi32, #tpu.memory_space<vmem>>) semaphore(%run_scoped3A_226 : memref<!tpu.dma_semaphore, #tpu.memory_space<semaphore_mem>>) {add = true}
        %dma_wait3A_233 = arith.constant 0 : i32
        %dma_wait3A_234 = tpu.memref_slice %arg12[%add3A_182, %dma_wait3A_233] : memref<20x128xi32, #tpu.memory_space<vmem>> -> memref<1x128xi32, #tpu.memory_space<vmem>>
        %dma_wait3A_235 = tpu.memref_squeeze %dma_wait3A_234 : memref<1x128xi32, #tpu.memory_space<vmem>> -> memref<128xi32, #tpu.memory_space<vmem>>
        %dma_wait3A_236 = arith.constant 0 : i32
        %dma_wait3A_237 = arith.constant 0 : i32
        %dma_wait3A_238 = tpu.memref_slice %arg10[%dma_wait3A_236, %dma_wait3A_237] : memref<10112x128xf32, #tpu.memory_space<vmem_shared>> -> memref<10112x128xf32, #tpu.memory_space<vmem_shared>>
        tpu.wait_indirect_dma semaphore(%run_scoped3A_226 : memref<!tpu.dma_semaphore, #tpu.memory_space<semaphore_mem>>) src(%arg13 : memref<128x128xf32, #tpu.memory_space<vmem>>) dst(%dma_wait3A_238 : memref<10112x128xf32, #tpu.memory_space<vmem_shared>>)
        tpu.yield
      }) : () -> ()
      %convert_element_type3A_199 = arith.extui %eq3A_87 : i1 to i32
      %cond3A_200 = arith.constant 0 : i32
      %cond3A_201 = arith.cmpi ne, %convert_element_type3A_199, %cond3A_200 : i32
      scf.if %cond3A_201 {
        "tpu.region"() ({
          %run_scoped3A_226 = tpu.sem_alloc : memref<!tpu.dma_semaphore, #tpu.memory_space<semaphore_mem>>
          %dma_start3A_227 = arith.constant 0 : i32
          %dma_start3A_228 = tpu.memref_slice %arg12[%add3A_182, %dma_start3A_227] : memref<20x128xi32, #tpu.memory_space<vmem>> -> memref<1x128xi32, #tpu.memory_space<vmem>>
          %dma_start3A_229 = tpu.memref_squeeze %dma_start3A_228 : memref<1x128xi32, #tpu.memory_space<vmem>> -> memref<128xi32, #tpu.memory_space<vmem>>
          %dma_start3A_230 = arith.constant 0 : i32
          %dma_start3A_231 = arith.constant 0 : i32
          %dma_start3A_232 = tpu.memref_slice %arg17[%dma_start3A_230, %dma_start3A_231] : memref<10112x16xf32, #tpu.memory_space<vmem_shared>> -> memref<10112x16xf32, #tpu.memory_space<vmem_shared>>
          tpu.enqueue_indirect_dma source(%arg18 : memref<128x16xf32, #tpu.memory_space<vmem>>) target(%dma_start3A_232 : memref<10112x16xf32, #tpu.memory_space<vmem_shared>>) offsets(%dma_start3A_229 : memref<128xi32, #tpu.memory_space<vmem>>) semaphore(%run_scoped3A_226 : memref<!tpu.dma_semaphore, #tpu.memory_space<semaphore_mem>>) {add = true}
          %dma_wait3A_233 = arith.constant 0 : i32
          %dma_wait3A_234 = tpu.memref_slice %arg12[%add3A_182, %dma_wait3A_233] : memref<20x128xi32, #tpu.memory_space<vmem>> -> memref<1x128xi32, #tpu.memory_space<vmem>>
          %dma_wait3A_235 = tpu.memref_squeeze %dma_wait3A_234 : memref<1x128xi32, #tpu.memory_space<vmem>> -> memref<128xi32, #tpu.memory_space<vmem>>
          %dma_wait3A_236 = arith.constant 0 : i32
          %dma_wait3A_237 = arith.constant 0 : i32
          %dma_wait3A_238 = tpu.memref_slice %arg17[%dma_wait3A_236, %dma_wait3A_237] : memref<10112x16xf32, #tpu.memory_space<vmem_shared>> -> memref<10112x16xf32, #tpu.memory_space<vmem_shared>>
          tpu.wait_indirect_dma semaphore(%run_scoped3A_226 : memref<!tpu.dma_semaphore, #tpu.memory_space<semaphore_mem>>) src(%arg18 : memref<128x16xf32, #tpu.memory_space<vmem>>) dst(%dma_wait3A_238 : memref<10112x16xf32, #tpu.memory_space<vmem_shared>>)
          tpu.yield
        }) : () -> ()
      } else {
      }
      %mul3A_202 = arith.constant 2 : i32
      %mul3A_203 = arith.muli %mul3A_202, %add3A_178 : i32
      %add3A_204 = arith.constant 1 : i32
      %add3A_205 = arith.addi %mul3A_203, %add3A_204 : i32
      %add3A_206 = arith.constant 2 : i32
      %add3A_207 = arith.addi %add3A_205, %add3A_206 : i32
      %sub3A_208 = arith.constant 1 : i32
      %sub3A_209 = arith.subi %add3A_207, %sub3A_208 : i32
      %dma_start3A_210 = arith.constant 0 : i32
      %dma_start3A_211 = tpu.memref_slice %arg11[%sub3A_209, %dma_start3A_210] : memref<20x128xi32, #tpu.memory_space<vmem>> -> memref<1x128xi32, #tpu.memory_space<vmem>>
      %dma_start3A_212 = tpu.memref_squeeze %dma_start3A_211 : memref<1x128xi32, #tpu.memory_space<vmem>> -> memref<128xi32, #tpu.memory_space<vmem>>
      %dma_start3A_213 = arith.constant 0 : i32
      %dma_start3A_214 = arith.constant 0 : i32
      %dma_start3A_215 = tpu.memref_slice %arg5[%dma_start3A_213, %dma_start3A_214] : memref<20000x128xf32, #tpu.memory_space<hbm>> -> memref<20000x128xf32, #tpu.memory_space<hbm>>
      tpu.enqueue_indirect_dma source(%dma_start3A_215 : memref<20000x128xf32, #tpu.memory_space<hbm>>) target(%arg13 : memref<128x128xf32, #tpu.memory_space<vmem>>) offsets(%dma_start3A_212 : memref<128xi32, #tpu.memory_space<vmem>>) semaphore(%arg15 : memref<!tpu.dma_semaphore, #tpu.memory_space<semaphore_mem>>)
      %dma_wait3A_216 = arith.constant 0 : i32
      %dma_wait3A_217 = arith.constant 0 : i32
      %dma_wait3A_218 = tpu.memref_slice %arg11[%dma_wait3A_216, %dma_wait3A_217] : memref<20x128xi32, #tpu.memory_space<vmem>> -> memref<1x128xi32, #tpu.memory_space<vmem>>
      %dma_wait3A_219 = tpu.memref_squeeze %dma_wait3A_218 : memref<1x128xi32, #tpu.memory_space<vmem>> -> memref<128xi32, #tpu.memory_space<vmem>>
      %dma_wait3A_220 = arith.constant 0 : i32
      %dma_wait3A_221 = arith.constant 0 : i32
      %dma_wait3A_222 = tpu.memref_slice %arg5[%dma_wait3A_220, %dma_wait3A_221] : memref<20000x128xf32, #tpu.memory_space<hbm>> -> memref<20000x128xf32, #tpu.memory_space<hbm>>
      tpu.wait_indirect_dma semaphore(%arg16 : memref<!tpu.dma_semaphore, #tpu.memory_space<semaphore_mem>>) src(%dma_wait3A_222 : memref<20000x128xf32, #tpu.memory_space<hbm>>) dst(%arg14 : memref<128x128xf32, #tpu.memory_space<vmem>>)
      "tpu.region"() ({
        %run_scoped3A_226 = tpu.sem_alloc : memref<!tpu.dma_semaphore, #tpu.memory_space<semaphore_mem>>
        %dma_start3A_227 = arith.constant 0 : i32
        %dma_start3A_228 = tpu.memref_slice %arg12[%add3A_205, %dma_start3A_227] : memref<20x128xi32, #tpu.memory_space<vmem>> -> memref<1x128xi32, #tpu.memory_space<vmem>>
        %dma_start3A_229 = tpu.memref_squeeze %dma_start3A_228 : memref<1x128xi32, #tpu.memory_space<vmem>> -> memref<128xi32, #tpu.memory_space<vmem>>
        %dma_start3A_230 = arith.constant 0 : i32
        %dma_start3A_231 = arith.constant 0 : i32
        %dma_start3A_232 = tpu.memref_slice %arg10[%dma_start3A_230, %dma_start3A_231] : memref<10112x128xf32, #tpu.memory_space<vmem_shared>> -> memref<10112x128xf32, #tpu.memory_space<vmem_shared>>
        tpu.enqueue_indirect_dma source(%arg14 : memref<128x128xf32, #tpu.memory_space<vmem>>) target(%dma_start3A_232 : memref<10112x128xf32, #tpu.memory_space<vmem_shared>>) offsets(%dma_start3A_229 : memref<128xi32, #tpu.memory_space<vmem>>) semaphore(%run_scoped3A_226 : memref<!tpu.dma_semaphore, #tpu.memory_space<semaphore_mem>>) {add = true}
        %dma_wait3A_233 = arith.constant 0 : i32
        %dma_wait3A_234 = tpu.memref_slice %arg12[%add3A_205, %dma_wait3A_233] : memref<20x128xi32, #tpu.memory_space<vmem>> -> memref<1x128xi32, #tpu.memory_space<vmem>>
        %dma_wait3A_235 = tpu.memref_squeeze %dma_wait3A_234 : memref<1x128xi32, #tpu.memory_space<vmem>> -> memref<128xi32, #tpu.memory_space<vmem>>
        %dma_wait3A_236 = arith.constant 0 : i32
        %dma_wait3A_237 = arith.constant 0 : i32
        %dma_wait3A_238 = tpu.memref_slice %arg10[%dma_wait3A_236, %dma_wait3A_237] : memref<10112x128xf32, #tpu.memory_space<vmem_shared>> -> memref<10112x128xf32, #tpu.memory_space<vmem_shared>>
        tpu.wait_indirect_dma semaphore(%run_scoped3A_226 : memref<!tpu.dma_semaphore, #tpu.memory_space<semaphore_mem>>) src(%arg14 : memref<128x128xf32, #tpu.memory_space<vmem>>) dst(%dma_wait3A_238 : memref<10112x128xf32, #tpu.memory_space<vmem_shared>>)
        tpu.yield
      }) : () -> ()
      %convert_element_type3A_223 = arith.extui %eq3A_87 : i1 to i32
      %cond3A_224 = arith.constant 0 : i32
      %cond3A_225 = arith.cmpi ne, %convert_element_type3A_223, %cond3A_224 : i32
      scf.if %cond3A_225 {
        "tpu.region"() ({
          %run_scoped3A_226 = tpu.sem_alloc : memref<!tpu.dma_semaphore, #tpu.memory_space<semaphore_mem>>
          %dma_start3A_227 = arith.constant 0 : i32
          %dma_start3A_228 = tpu.memref_slice %arg12[%add3A_205, %dma_start3A_227] : memref<20x128xi32, #tpu.memory_space<vmem>> -> memref<1x128xi32, #tpu.memory_space<vmem>>
          %dma_start3A_229 = tpu.memref_squeeze %dma_start3A_228 : memref<1x128xi32, #tpu.memory_space<vmem>> -> memref<128xi32, #tpu.memory_space<vmem>>
          %dma_start3A_230 = arith.constant 0 : i32
          %dma_start3A_231 = arith.constant 0 : i32
          %dma_start3A_232 = tpu.memref_slice %arg17[%dma_start3A_230, %dma_start3A_231] : memref<10112x16xf32, #tpu.memory_space<vmem_shared>> -> memref<10112x16xf32, #tpu.memory_space<vmem_shared>>
          tpu.enqueue_indirect_dma source(%arg18 : memref<128x16xf32, #tpu.memory_space<vmem>>) target(%dma_start3A_232 : memref<10112x16xf32, #tpu.memory_space<vmem_shared>>) offsets(%dma_start3A_229 : memref<128xi32, #tpu.memory_space<vmem>>) semaphore(%run_scoped3A_226 : memref<!tpu.dma_semaphore, #tpu.memory_space<semaphore_mem>>) {add = true}
          %dma_wait3A_233 = arith.constant 0 : i32
          %dma_wait3A_234 = tpu.memref_slice %arg12[%add3A_205, %dma_wait3A_233] : memref<20x128xi32, #tpu.memory_space<vmem>> -> memref<1x128xi32, #tpu.memory_space<vmem>>
          %dma_wait3A_235 = tpu.memref_squeeze %dma_wait3A_234 : memref<1x128xi32, #tpu.memory_space<vmem>> -> memref<128xi32, #tpu.memory_space<vmem>>
          %dma_wait3A_236 = arith.constant 0 : i32
          %dma_wait3A_237 = arith.constant 0 : i32
          %dma_wait3A_238 = tpu.memref_slice %arg17[%dma_wait3A_236, %dma_wait3A_237] : memref<10112x16xf32, #tpu.memory_space<vmem_shared>> -> memref<10112x16xf32, #tpu.memory_space<vmem_shared>>
          tpu.wait_indirect_dma semaphore(%run_scoped3A_226 : memref<!tpu.dma_semaphore, #tpu.memory_space<semaphore_mem>>) src(%arg18 : memref<128x16xf32, #tpu.memory_space<vmem>>) dst(%dma_wait3A_238 : memref<10112x16xf32, #tpu.memory_space<vmem_shared>>)
          tpu.yield
        }) : () -> ()
      } else {
      }
    }
    %scan3A_99 = arith.constant 9 : i32
    %dma_start3A_100 = arith.constant 19 : i32
    %dma_start3A_101 = arith.constant 0 : i32
    %dma_start3A_102 = tpu.memref_slice %arg11[%dma_start3A_100, %dma_start3A_101] : memref<20x128xi32, #tpu.memory_space<vmem>> -> memref<1x128xi32, #tpu.memory_space<vmem>>
    %dma_start3A_103 = tpu.memref_squeeze %dma_start3A_102 : memref<1x128xi32, #tpu.memory_space<vmem>> -> memref<128xi32, #tpu.memory_space<vmem>>
    %dma_start3A_104 = arith.constant 0 : i32
    %dma_start3A_105 = arith.constant 0 : i32
    %dma_start3A_106 = tpu.memref_slice %arg5[%dma_start3A_104, %dma_start3A_105] : memref<20000x128xf32, #tpu.memory_space<hbm>> -> memref<20000x128xf32, #tpu.memory_space<hbm>>
    tpu.enqueue_indirect_dma source(%dma_start3A_106 : memref<20000x128xf32, #tpu.memory_space<hbm>>) target(%arg14 : memref<128x128xf32, #tpu.memory_space<vmem>>) offsets(%dma_start3A_103 : memref<128xi32, #tpu.memory_space<vmem>>) semaphore(%arg16 : memref<!tpu.dma_semaphore, #tpu.memory_space<semaphore_mem>>)
    %dma_wait3A_107 = arith.constant 0 : i32
    %dma_wait3A_108 = arith.constant 0 : i32
    %dma_wait3A_109 = tpu.memref_slice %arg11[%dma_wait3A_107, %dma_wait3A_108] : memref<20x128xi32, #tpu.memory_space<vmem>> -> memref<1x128xi32, #tpu.memory_space<vmem>>
    %dma_wait3A_110 = tpu.memref_squeeze %dma_wait3A_109 : memref<1x128xi32, #tpu.memory_space<vmem>> -> memref<128xi32, #tpu.memory_space<vmem>>
    %dma_wait3A_111 = arith.constant 0 : i32
    %dma_wait3A_112 = arith.constant 0 : i32
    %dma_wait3A_113 = tpu.memref_slice %arg5[%dma_wait3A_111, %dma_wait3A_112] : memref<20000x128xf32, #tpu.memory_space<hbm>> -> memref<20000x128xf32, #tpu.memory_space<hbm>>
    tpu.wait_indirect_dma semaphore(%arg15 : memref<!tpu.dma_semaphore, #tpu.memory_space<semaphore_mem>>) src(%dma_wait3A_113 : memref<20000x128xf32, #tpu.memory_space<hbm>>) dst(%arg13 : memref<128x128xf32, #tpu.memory_space<vmem>>)
    %run_scoped3A_114 = arith.constant 18 : i32
    "tpu.region"() ({
      %run_scoped3A_175 = tpu.sem_alloc : memref<!tpu.dma_semaphore, #tpu.memory_space<semaphore_mem>>
      %dma_start3A_176 = arith.constant 0 : i32
      %dma_start3A_177 = tpu.memref_slice %arg12[%run_scoped3A_114, %dma_start3A_176] : memref<20x128xi32, #tpu.memory_space<vmem>> -> memref<1x128xi32, #tpu.memory_space<vmem>>
      %dma_start3A_178 = tpu.memref_squeeze %dma_start3A_177 : memref<1x128xi32, #tpu.memory_space<vmem>> -> memref<128xi32, #tpu.memory_space<vmem>>
      %dma_start3A_179 = arith.constant 0 : i32
      %dma_start3A_180 = arith.constant 0 : i32
      %dma_start3A_181 = tpu.memref_slice %arg10[%dma_start3A_179, %dma_start3A_180] : memref<10112x128xf32, #tpu.memory_space<vmem_shared>> -> memref<10112x128xf32, #tpu.memory_space<vmem_shared>>
      tpu.enqueue_indirect_dma source(%arg13 : memref<128x128xf32, #tpu.memory_space<vmem>>) target(%dma_start3A_181 : memref<10112x128xf32, #tpu.memory_space<vmem_shared>>) offsets(%dma_start3A_178 : memref<128xi32, #tpu.memory_space<vmem>>) semaphore(%run_scoped3A_175 : memref<!tpu.dma_semaphore, #tpu.memory_space<semaphore_mem>>) {add = true}
      %dma_wait3A_182 = arith.constant 0 : i32
      %dma_wait3A_183 = tpu.memref_slice %arg12[%run_scoped3A_114, %dma_wait3A_182] : memref<20x128xi32, #tpu.memory_space<vmem>> -> memref<1x128xi32, #tpu.memory_space<vmem>>
      %dma_wait3A_184 = tpu.memref_squeeze %dma_wait3A_183 : memref<1x128xi32, #tpu.memory_space<vmem>> -> memref<128xi32, #tpu.memory_space<vmem>>
      %dma_wait3A_185 = arith.constant 0 : i32
      %dma_wait3A_186 = arith.constant 0 : i32
      %dma_wait3A_187 = tpu.memref_slice %arg10[%dma_wait3A_185, %dma_wait3A_186] : memref<10112x128xf32, #tpu.memory_space<vmem_shared>> -> memref<10112x128xf32, #tpu.memory_space<vmem_shared>>
      tpu.wait_indirect_dma semaphore(%run_scoped3A_175 : memref<!tpu.dma_semaphore, #tpu.memory_space<semaphore_mem>>) src(%arg13 : memref<128x128xf32, #tpu.memory_space<vmem>>) dst(%dma_wait3A_187 : memref<10112x128xf32, #tpu.memory_space<vmem_shared>>)
      tpu.yield
    }) : () -> ()
    %convert_element_type3A_115 = arith.extui %eq3A_87 : i1 to i32
    %cond3A_116 = arith.constant 0 : i32
    %cond3A_117 = arith.cmpi ne, %convert_element_type3A_115, %cond3A_116 : i32
    scf.if %cond3A_117 {
      %run_scoped3A_175 = arith.constant 18 : i32
      "tpu.region"() ({
        %run_scoped3A_176 = tpu.sem_alloc : memref<!tpu.dma_semaphore, #tpu.memory_space<semaphore_mem>>
        %dma_start3A_177 = arith.constant 0 : i32
        %dma_start3A_178 = tpu.memref_slice %arg12[%run_scoped3A_175, %dma_start3A_177] : memref<20x128xi32, #tpu.memory_space<vmem>> -> memref<1x128xi32, #tpu.memory_space<vmem>>
        %dma_start3A_179 = tpu.memref_squeeze %dma_start3A_178 : memref<1x128xi32, #tpu.memory_space<vmem>> -> memref<128xi32, #tpu.memory_space<vmem>>
        %dma_start3A_180 = arith.constant 0 : i32
        %dma_start3A_181 = arith.constant 0 : i32
        %dma_start3A_182 = tpu.memref_slice %arg17[%dma_start3A_180, %dma_start3A_181] : memref<10112x16xf32, #tpu.memory_space<vmem_shared>> -> memref<10112x16xf32, #tpu.memory_space<vmem_shared>>
        tpu.enqueue_indirect_dma source(%arg18 : memref<128x16xf32, #tpu.memory_space<vmem>>) target(%dma_start3A_182 : memref<10112x16xf32, #tpu.memory_space<vmem_shared>>) offsets(%dma_start3A_179 : memref<128xi32, #tpu.memory_space<vmem>>) semaphore(%run_scoped3A_176 : memref<!tpu.dma_semaphore, #tpu.memory_space<semaphore_mem>>) {add = true}
        %dma_wait3A_183 = arith.constant 0 : i32
        %dma_wait3A_184 = tpu.memref_slice %arg12[%run_scoped3A_175, %dma_wait3A_183] : memref<20x128xi32, #tpu.memory_space<vmem>> -> memref<1x128xi32, #tpu.memory_space<vmem>>
        %dma_wait3A_185 = tpu.memref_squeeze %dma_wait3A_184 : memref<1x128xi32, #tpu.memory_space<vmem>> -> memref<128xi32, #tpu.memory_space<vmem>>
        %dma_wait3A_186 = arith.constant 0 : i32
        %dma_wait3A_187 = arith.constant 0 : i32
        %dma_wait3A_188 = tpu.memref_slice %arg17[%dma_wait3A_186, %dma_wait3A_187] : memref<10112x16xf32, #tpu.memory_space<vmem_shared>> -> memref<10112x16xf32, #tpu.memory_space<vmem_shared>>
        tpu.wait_indirect_dma semaphore(%run_scoped3A_176 : memref<!tpu.dma_semaphore, #tpu.memory_space<semaphore_mem>>) src(%arg18 : memref<128x16xf32, #tpu.memory_space<vmem>>) dst(%dma_wait3A_188 : memref<10112x16xf32, #tpu.memory_space<vmem_shared>>)
        tpu.yield
      }) : () -> ()
    } else {
    }
    %dma_wait3A_118 = arith.constant 0 : i32
    %dma_wait3A_119 = arith.constant 0 : i32
    %dma_wait3A_120 = tpu.memref_slice %arg11[%dma_wait3A_118, %dma_wait3A_119] : memref<20x128xi32, #tpu.memory_space<vmem>> -> memref<1x128xi32, #tpu.memory_space<vmem>>
    %dma_wait3A_121 = tpu.memref_squeeze %dma_wait3A_120 : memref<1x128xi32, #tpu.memory_space<vmem>> -> memref<128xi32, #tpu.memory_space<vmem>>
    %dma_wait3A_122 = arith.constant 0 : i32
    %dma_wait3A_123 = arith.constant 0 : i32
    %dma_wait3A_124 = tpu.memref_slice %arg5[%dma_wait3A_122, %dma_wait3A_123] : memref<20000x128xf32, #tpu.memory_space<hbm>> -> memref<20000x128xf32, #tpu.memory_space<hbm>>
    tpu.wait_indirect_dma semaphore(%arg16 : memref<!tpu.dma_semaphore, #tpu.memory_space<semaphore_mem>>) src(%dma_wait3A_124 : memref<20000x128xf32, #tpu.memory_space<hbm>>) dst(%arg14 : memref<128x128xf32, #tpu.memory_space<vmem>>)
    %run_scoped3A_125 = arith.constant 19 : i32
    "tpu.region"() ({
      %run_scoped3A_175 = tpu.sem_alloc : memref<!tpu.dma_semaphore, #tpu.memory_space<semaphore_mem>>
      %dma_start3A_176 = arith.constant 0 : i32
      %dma_start3A_177 = tpu.memref_slice %arg12[%run_scoped3A_125, %dma_start3A_176] : memref<20x128xi32, #tpu.memory_space<vmem>> -> memref<1x128xi32, #tpu.memory_space<vmem>>
      %dma_start3A_178 = tpu.memref_squeeze %dma_start3A_177 : memref<1x128xi32, #tpu.memory_space<vmem>> -> memref<128xi32, #tpu.memory_space<vmem>>
      %dma_start3A_179 = arith.constant 0 : i32
      %dma_start3A_180 = arith.constant 0 : i32
      %dma_start3A_181 = tpu.memref_slice %arg10[%dma_start3A_179, %dma_start3A_180] : memref<10112x128xf32, #tpu.memory_space<vmem_shared>> -> memref<10112x128xf32, #tpu.memory_space<vmem_shared>>
      tpu.enqueue_indirect_dma source(%arg14 : memref<128x128xf32, #tpu.memory_space<vmem>>) target(%dma_start3A_181 : memref<10112x128xf32, #tpu.memory_space<vmem_shared>>) offsets(%dma_start3A_178 : memref<128xi32, #tpu.memory_space<vmem>>) semaphore(%run_scoped3A_175 : memref<!tpu.dma_semaphore, #tpu.memory_space<semaphore_mem>>) {add = true}
      %dma_wait3A_182 = arith.constant 0 : i32
      %dma_wait3A_183 = tpu.memref_slice %arg12[%run_scoped3A_125, %dma_wait3A_182] : memref<20x128xi32, #tpu.memory_space<vmem>> -> memref<1x128xi32, #tpu.memory_space<vmem>>
      %dma_wait3A_184 = tpu.memref_squeeze %dma_wait3A_183 : memref<1x128xi32, #tpu.memory_space<vmem>> -> memref<128xi32, #tpu.memory_space<vmem>>
      %dma_wait3A_185 = arith.constant 0 : i32
      %dma_wait3A_186 = arith.constant 0 : i32
      %dma_wait3A_187 = tpu.memref_slice %arg10[%dma_wait3A_185, %dma_wait3A_186] : memref<10112x128xf32, #tpu.memory_space<vmem_shared>> -> memref<10112x128xf32, #tpu.memory_space<vmem_shared>>
      tpu.wait_indirect_dma semaphore(%run_scoped3A_175 : memref<!tpu.dma_semaphore, #tpu.memory_space<semaphore_mem>>) src(%arg14 : memref<128x128xf32, #tpu.memory_space<vmem>>) dst(%dma_wait3A_187 : memref<10112x128xf32, #tpu.memory_space<vmem_shared>>)
      tpu.yield
    }) : () -> ()
    %convert_element_type3A_126 = arith.extui %eq3A_87 : i1 to i32
    %cond3A_127 = arith.constant 0 : i32
    %cond3A_128 = arith.cmpi ne, %convert_element_type3A_126, %cond3A_127 : i32
    scf.if %cond3A_128 {
      %run_scoped3A_175 = arith.constant 19 : i32
      "tpu.region"() ({
        %run_scoped3A_176 = tpu.sem_alloc : memref<!tpu.dma_semaphore, #tpu.memory_space<semaphore_mem>>
        %dma_start3A_177 = arith.constant 0 : i32
        %dma_start3A_178 = tpu.memref_slice %arg12[%run_scoped3A_175, %dma_start3A_177] : memref<20x128xi32, #tpu.memory_space<vmem>> -> memref<1x128xi32, #tpu.memory_space<vmem>>
        %dma_start3A_179 = tpu.memref_squeeze %dma_start3A_178 : memref<1x128xi32, #tpu.memory_space<vmem>> -> memref<128xi32, #tpu.memory_space<vmem>>
        %dma_start3A_180 = arith.constant 0 : i32
        %dma_start3A_181 = arith.constant 0 : i32
        %dma_start3A_182 = tpu.memref_slice %arg17[%dma_start3A_180, %dma_start3A_181] : memref<10112x16xf32, #tpu.memory_space<vmem_shared>> -> memref<10112x16xf32, #tpu.memory_space<vmem_shared>>
        tpu.enqueue_indirect_dma source(%arg18 : memref<128x16xf32, #tpu.memory_space<vmem>>) target(%dma_start3A_182 : memref<10112x16xf32, #tpu.memory_space<vmem_shared>>) offsets(%dma_start3A_179 : memref<128xi32, #tpu.memory_space<vmem>>) semaphore(%run_scoped3A_176 : memref<!tpu.dma_semaphore, #tpu.memory_space<semaphore_mem>>) {add = true}
        %dma_wait3A_183 = arith.constant 0 : i32
        %dma_wait3A_184 = tpu.memref_slice %arg12[%run_scoped3A_175, %dma_wait3A_183] : memref<20x128xi32, #tpu.memory_space<vmem>> -> memref<1x128xi32, #tpu.memory_space<vmem>>
        %dma_wait3A_185 = tpu.memref_squeeze %dma_wait3A_184 : memref<1x128xi32, #tpu.memory_space<vmem>> -> memref<128xi32, #tpu.memory_space<vmem>>
        %dma_wait3A_186 = arith.constant 0 : i32
        %dma_wait3A_187 = arith.constant 0 : i32
        %dma_wait3A_188 = tpu.memref_slice %arg17[%dma_wait3A_186, %dma_wait3A_187] : memref<10112x16xf32, #tpu.memory_space<vmem_shared>> -> memref<10112x16xf32, #tpu.memory_space<vmem_shared>>
        tpu.wait_indirect_dma semaphore(%run_scoped3A_176 : memref<!tpu.dma_semaphore, #tpu.memory_space<semaphore_mem>>) src(%arg18 : memref<128x16xf32, #tpu.memory_space<vmem>>) dst(%dma_wait3A_188 : memref<10112x16xf32, #tpu.memory_space<vmem_shared>>)
        tpu.yield
      }) : () -> ()
    } else {
    }
    %run_scoped3A_129 = arith.constant 3 : i32
    "tpu.region"() ({
      %run_scoped3A_175 = tpu.sem_alloc : memref<!tpu.dma_semaphore, #tpu.memory_space<semaphore_mem>>
      %dma_start3A_176 = arith.constant 0 : i32
      %dma_start3A_177 = arith.constant 0 : i32
      %dma_start3A_178 = tpu.memref_slice %arg6[%arg0, %arg1, %run_scoped3A_129, %dma_start3A_176, %dma_start3A_177] : memref<2x16x4x20x128xi32, #tpu.memory_space<hbm>> -> memref<1x1x1x20x128xi32, #tpu.memory_space<hbm>>
      %dma_start3A_179 = tpu.memref_squeeze %dma_start3A_178 : memref<1x1x1x20x128xi32, #tpu.memory_space<hbm>> -> memref<20x128xi32, #tpu.memory_space<hbm>>
      %dma_start3A_180 = arith.constant 0 : i32
      %dma_start3A_181 = arith.constant 0 : i32
      %dma_start3A_182 = tpu.memref_slice %arg6[%arg0, %arg1, %run_scoped3A_129, %dma_start3A_180, %dma_start3A_181] : memref<2x16x4x20x128xi32, #tpu.memory_space<hbm>> -> memref<1x1x1x20x128xi32, #tpu.memory_space<hbm>>
      %dma_start3A_183 = tpu.memref_squeeze %dma_start3A_182 : memref<1x1x1x20x128xi32, #tpu.memory_space<hbm>> -> memref<20x128xi32, #tpu.memory_space<hbm>>
      tpu.enqueue_dma source(%dma_start3A_183 : memref<20x128xi32, #tpu.memory_space<hbm>>) target(%arg11 : memref<20x128xi32, #tpu.memory_space<vmem>>) target_semaphore(%run_scoped3A_175 : memref<!tpu.dma_semaphore, #tpu.memory_space<semaphore_mem>>)
      %dma_wait3A_184 = arith.constant 0 : i32
      %dma_wait3A_185 = arith.constant 0 : i32
      %dma_wait3A_186 = tpu.memref_slice %arg6[%arg0, %arg1, %run_scoped3A_129, %dma_wait3A_184, %dma_wait3A_185] : memref<2x16x4x20x128xi32, #tpu.memory_space<hbm>> -> memref<1x1x1x20x128xi32, #tpu.memory_space<hbm>>
      %dma_wait3A_187 = tpu.memref_squeeze %dma_wait3A_186 : memref<1x1x1x20x128xi32, #tpu.memory_space<hbm>> -> memref<20x128xi32, #tpu.memory_space<hbm>>
      %dma_wait3A_188 = arith.constant 0 : i32
      %dma_wait3A_189 = arith.constant 0 : i32
      %dma_wait3A_190 = tpu.memref_slice %arg6[%arg0, %arg1, %run_scoped3A_129, %dma_wait3A_188, %dma_wait3A_189] : memref<2x16x4x20x128xi32, #tpu.memory_space<hbm>> -> memref<1x1x1x20x128xi32, #tpu.memory_space<hbm>>
      %dma_wait3A_191 = tpu.memref_squeeze %dma_wait3A_190 : memref<1x1x1x20x128xi32, #tpu.memory_space<hbm>> -> memref<20x128xi32, #tpu.memory_space<hbm>>
      tpu.wait_dma2 semaphore(%run_scoped3A_175 : memref<!tpu.dma_semaphore, #tpu.memory_space<semaphore_mem>>) src(%dma_wait3A_191 : memref<20x128xi32, #tpu.memory_space<hbm>>) dst(%arg11 : memref<20x128xi32, #tpu.memory_space<vmem>>)
      tpu.yield
    }) : () -> ()
    %run_scoped3A_130 = arith.constant 3 : i32
    "tpu.region"() ({
      %run_scoped3A_175 = tpu.sem_alloc : memref<!tpu.dma_semaphore, #tpu.memory_space<semaphore_mem>>
      %dma_start3A_176 = arith.constant 0 : i32
      %dma_start3A_177 = arith.constant 0 : i32
      %dma_start3A_178 = tpu.memref_slice %arg7[%arg1, %run_scoped3A_130, %dma_start3A_176, %dma_start3A_177] : memref<16x4x20x128xi32, #tpu.memory_space<hbm>> -> memref<1x1x20x128xi32, #tpu.memory_space<hbm>>
      %dma_start3A_179 = tpu.memref_squeeze %dma_start3A_178 : memref<1x1x20x128xi32, #tpu.memory_space<hbm>> -> memref<20x128xi32, #tpu.memory_space<hbm>>
      %dma_start3A_180 = arith.constant 0 : i32
      %dma_start3A_181 = arith.constant 0 : i32
      %dma_start3A_182 = tpu.memref_slice %arg7[%arg1, %run_scoped3A_130, %dma_start3A_180, %dma_start3A_181] : memref<16x4x20x128xi32, #tpu.memory_space<hbm>> -> memref<1x1x20x128xi32, #tpu.memory_space<hbm>>
      %dma_start3A_183 = tpu.memref_squeeze %dma_start3A_182 : memref<1x1x20x128xi32, #tpu.memory_space<hbm>> -> memref<20x128xi32, #tpu.memory_space<hbm>>
      tpu.enqueue_dma source(%dma_start3A_183 : memref<20x128xi32, #tpu.memory_space<hbm>>) target(%arg12 : memref<20x128xi32, #tpu.memory_space<vmem>>) target_semaphore(%run_scoped3A_175 : memref<!tpu.dma_semaphore, #tpu.memory_space<semaphore_mem>>)
      %dma_wait3A_184 = arith.constant 0 : i32
      %dma_wait3A_185 = arith.constant 0 : i32
      %dma_wait3A_186 = tpu.memref_slice %arg7[%arg1, %run_scoped3A_130, %dma_wait3A_184, %dma_wait3A_185] : memref<16x4x20x128xi32, #tpu.memory_space<hbm>> -> memref<1x1x20x128xi32, #tpu.memory_space<hbm>>
      %dma_wait3A_187 = tpu.memref_squeeze %dma_wait3A_186 : memref<1x1x20x128xi32, #tpu.memory_space<hbm>> -> memref<20x128xi32, #tpu.memory_space<hbm>>
      %dma_wait3A_188 = arith.constant 0 : i32
      %dma_wait3A_189 = arith.constant 0 : i32
      %dma_wait3A_190 = tpu.memref_slice %arg7[%arg1, %run_scoped3A_130, %dma_wait3A_188, %dma_wait3A_189] : memref<16x4x20x128xi32, #tpu.memory_space<hbm>> -> memref<1x1x20x128xi32, #tpu.memory_space<hbm>>
      %dma_wait3A_191 = tpu.memref_squeeze %dma_wait3A_190 : memref<1x1x20x128xi32, #tpu.memory_space<hbm>> -> memref<20x128xi32, #tpu.memory_space<hbm>>
      tpu.wait_dma2 semaphore(%run_scoped3A_175 : memref<!tpu.dma_semaphore, #tpu.memory_space<semaphore_mem>>) src(%dma_wait3A_191 : memref<20x128xi32, #tpu.memory_space<hbm>>) dst(%arg12 : memref<20x128xi32, #tpu.memory_space<vmem>>)
      tpu.yield
    }) : () -> ()
    %eq3A_131 = arith.constant 1 : i32
    %eq3A_132 = arith.cmpi eq, %arg0, %eq3A_131 : i32
    %dma_start3A_133 = arith.constant 0 : i32
    %dma_start3A_134 = arith.constant 0 : i32
    %dma_start3A_135 = tpu.memref_slice %arg11[%dma_start3A_133, %dma_start3A_134] : memref<20x128xi32, #tpu.memory_space<vmem>> -> memref<1x128xi32, #tpu.memory_space<vmem>>
    %dma_start3A_136 = tpu.memref_squeeze %dma_start3A_135 : memref<1x128xi32, #tpu.memory_space<vmem>> -> memref<128xi32, #tpu.memory_space<vmem>>
    %dma_start3A_137 = arith.constant 0 : i32
    %dma_start3A_138 = arith.constant 0 : i32
    %dma_start3A_139 = tpu.memref_slice %arg5[%dma_start3A_137, %dma_start3A_138] : memref<20000x128xf32, #tpu.memory_space<hbm>> -> memref<20000x128xf32, #tpu.memory_space<hbm>>
    tpu.enqueue_indirect_dma source(%dma_start3A_139 : memref<20000x128xf32, #tpu.memory_space<hbm>>) target(%arg13 : memref<128x128xf32, #tpu.memory_space<vmem>>) offsets(%dma_start3A_136 : memref<128xi32, #tpu.memory_space<vmem>>) semaphore(%arg15 : memref<!tpu.dma_semaphore, #tpu.memory_space<semaphore_mem>>)
    %scan3A_140 = arith.constant 0 : i32
    %scan3A_141 = arith.constant 9 : i32
    %scan3A_142 = arith.addi %scan3A_140, %scan3A_141 : i32
    %scan3A_143 = arith.constant 1 : i32
    scf.for %scan3A_175 = %scan3A_140 to %scan3A_142 step %scan3A_143  : i32 {
      %mul3A_176 = arith.constant 1 : i32
      %mul3A_177 = arith.muli %scan3A_175, %mul3A_176 : i32
      %add3A = arith.constant 0 : i32
      %add3A_178 = arith.addi %add3A, %mul3A_177 : i32
      %mul3A_179 = arith.constant 2 : i32
      %mul3A_180 = arith.muli %mul3A_179, %add3A_178 : i32
      %add3A_181 = arith.constant 0 : i32
      %add3A_182 = arith.addi %mul3A_180, %add3A_181 : i32
      %add3A_183 = arith.constant 2 : i32
      %add3A_184 = arith.addi %add3A_182, %add3A_183 : i32
      %sub3A = arith.constant 1 : i32
      %sub3A_185 = arith.subi %add3A_184, %sub3A : i32
      %dma_start3A_186 = arith.constant 0 : i32
      %dma_start3A_187 = tpu.memref_slice %arg11[%sub3A_185, %dma_start3A_186] : memref<20x128xi32, #tpu.memory_space<vmem>> -> memref<1x128xi32, #tpu.memory_space<vmem>>
      %dma_start3A_188 = tpu.memref_squeeze %dma_start3A_187 : memref<1x128xi32, #tpu.memory_space<vmem>> -> memref<128xi32, #tpu.memory_space<vmem>>
      %dma_start3A_189 = arith.constant 0 : i32
      %dma_start3A_190 = arith.constant 0 : i32
      %dma_start3A_191 = tpu.memref_slice %arg5[%dma_start3A_189, %dma_start3A_190] : memref<20000x128xf32, #tpu.memory_space<hbm>> -> memref<20000x128xf32, #tpu.memory_space<hbm>>
      tpu.enqueue_indirect_dma source(%dma_start3A_191 : memref<20000x128xf32, #tpu.memory_space<hbm>>) target(%arg14 : memref<128x128xf32, #tpu.memory_space<vmem>>) offsets(%dma_start3A_188 : memref<128xi32, #tpu.memory_space<vmem>>) semaphore(%arg16 : memref<!tpu.dma_semaphore, #tpu.memory_space<semaphore_mem>>)
      %dma_wait3A_192 = arith.constant 0 : i32
      %dma_wait3A_193 = arith.constant 0 : i32
      %dma_wait3A_194 = tpu.memref_slice %arg11[%dma_wait3A_192, %dma_wait3A_193] : memref<20x128xi32, #tpu.memory_space<vmem>> -> memref<1x128xi32, #tpu.memory_space<vmem>>
      %dma_wait3A_195 = tpu.memref_squeeze %dma_wait3A_194 : memref<1x128xi32, #tpu.memory_space<vmem>> -> memref<128xi32, #tpu.memory_space<vmem>>
      %dma_wait3A_196 = arith.constant 0 : i32
      %dma_wait3A_197 = arith.constant 0 : i32
      %dma_wait3A_198 = tpu.memref_slice %arg5[%dma_wait3A_196, %dma_wait3A_197] : memref<20000x128xf32, #tpu.memory_space<hbm>> -> memref<20000x128xf32, #tpu.memory_space<hbm>>
      tpu.wait_indirect_dma semaphore(%arg15 : memref<!tpu.dma_semaphore, #tpu.memory_space<semaphore_mem>>) src(%dma_wait3A_198 : memref<20000x128xf32, #tpu.memory_space<hbm>>) dst(%arg13 : memref<128x128xf32, #tpu.memory_space<vmem>>)
      "tpu.region"() ({
        %run_scoped3A_226 = tpu.sem_alloc : memref<!tpu.dma_semaphore, #tpu.memory_space<semaphore_mem>>
        %dma_start3A_227 = arith.constant 0 : i32
        %dma_start3A_228 = tpu.memref_slice %arg12[%add3A_182, %dma_start3A_227] : memref<20x128xi32, #tpu.memory_space<vmem>> -> memref<1x128xi32, #tpu.memory_space<vmem>>
        %dma_start3A_229 = tpu.memref_squeeze %dma_start3A_228 : memref<1x128xi32, #tpu.memory_space<vmem>> -> memref<128xi32, #tpu.memory_space<vmem>>
        %dma_start3A_230 = arith.constant 0 : i32
        %dma_start3A_231 = arith.constant 0 : i32
        %dma_start3A_232 = tpu.memref_slice %arg10[%dma_start3A_230, %dma_start3A_231] : memref<10112x128xf32, #tpu.memory_space<vmem_shared>> -> memref<10112x128xf32, #tpu.memory_space<vmem_shared>>
        tpu.enqueue_indirect_dma source(%arg13 : memref<128x128xf32, #tpu.memory_space<vmem>>) target(%dma_start3A_232 : memref<10112x128xf32, #tpu.memory_space<vmem_shared>>) offsets(%dma_start3A_229 : memref<128xi32, #tpu.memory_space<vmem>>) semaphore(%run_scoped3A_226 : memref<!tpu.dma_semaphore, #tpu.memory_space<semaphore_mem>>) {add = true}
        %dma_wait3A_233 = arith.constant 0 : i32
        %dma_wait3A_234 = tpu.memref_slice %arg12[%add3A_182, %dma_wait3A_233] : memref<20x128xi32, #tpu.memory_space<vmem>> -> memref<1x128xi32, #tpu.memory_space<vmem>>
        %dma_wait3A_235 = tpu.memref_squeeze %dma_wait3A_234 : memref<1x128xi32, #tpu.memory_space<vmem>> -> memref<128xi32, #tpu.memory_space<vmem>>
        %dma_wait3A_236 = arith.constant 0 : i32
        %dma_wait3A_237 = arith.constant 0 : i32
        %dma_wait3A_238 = tpu.memref_slice %arg10[%dma_wait3A_236, %dma_wait3A_237] : memref<10112x128xf32, #tpu.memory_space<vmem_shared>> -> memref<10112x128xf32, #tpu.memory_space<vmem_shared>>
        tpu.wait_indirect_dma semaphore(%run_scoped3A_226 : memref<!tpu.dma_semaphore, #tpu.memory_space<semaphore_mem>>) src(%arg13 : memref<128x128xf32, #tpu.memory_space<vmem>>) dst(%dma_wait3A_238 : memref<10112x128xf32, #tpu.memory_space<vmem_shared>>)
        tpu.yield
      }) : () -> ()
      %convert_element_type3A_199 = arith.extui %eq3A_132 : i1 to i32
      %cond3A_200 = arith.constant 0 : i32
      %cond3A_201 = arith.cmpi ne, %convert_element_type3A_199, %cond3A_200 : i32
      scf.if %cond3A_201 {
        "tpu.region"() ({
          %run_scoped3A_226 = tpu.sem_alloc : memref<!tpu.dma_semaphore, #tpu.memory_space<semaphore_mem>>
          %dma_start3A_227 = arith.constant 0 : i32
          %dma_start3A_228 = tpu.memref_slice %arg12[%add3A_182, %dma_start3A_227] : memref<20x128xi32, #tpu.memory_space<vmem>> -> memref<1x128xi32, #tpu.memory_space<vmem>>
          %dma_start3A_229 = tpu.memref_squeeze %dma_start3A_228 : memref<1x128xi32, #tpu.memory_space<vmem>> -> memref<128xi32, #tpu.memory_space<vmem>>
          %dma_start3A_230 = arith.constant 0 : i32
          %dma_start3A_231 = arith.constant 0 : i32
          %dma_start3A_232 = tpu.memref_slice %arg17[%dma_start3A_230, %dma_start3A_231] : memref<10112x16xf32, #tpu.memory_space<vmem_shared>> -> memref<10112x16xf32, #tpu.memory_space<vmem_shared>>
          tpu.enqueue_indirect_dma source(%arg18 : memref<128x16xf32, #tpu.memory_space<vmem>>) target(%dma_start3A_232 : memref<10112x16xf32, #tpu.memory_space<vmem_shared>>) offsets(%dma_start3A_229 : memref<128xi32, #tpu.memory_space<vmem>>) semaphore(%run_scoped3A_226 : memref<!tpu.dma_semaphore, #tpu.memory_space<semaphore_mem>>) {add = true}
          %dma_wait3A_233 = arith.constant 0 : i32
          %dma_wait3A_234 = tpu.memref_slice %arg12[%add3A_182, %dma_wait3A_233] : memref<20x128xi32, #tpu.memory_space<vmem>> -> memref<1x128xi32, #tpu.memory_space<vmem>>
          %dma_wait3A_235 = tpu.memref_squeeze %dma_wait3A_234 : memref<1x128xi32, #tpu.memory_space<vmem>> -> memref<128xi32, #tpu.memory_space<vmem>>
          %dma_wait3A_236 = arith.constant 0 : i32
          %dma_wait3A_237 = arith.constant 0 : i32
          %dma_wait3A_238 = tpu.memref_slice %arg17[%dma_wait3A_236, %dma_wait3A_237] : memref<10112x16xf32, #tpu.memory_space<vmem_shared>> -> memref<10112x16xf32, #tpu.memory_space<vmem_shared>>
          tpu.wait_indirect_dma semaphore(%run_scoped3A_226 : memref<!tpu.dma_semaphore, #tpu.memory_space<semaphore_mem>>) src(%arg18 : memref<128x16xf32, #tpu.memory_space<vmem>>) dst(%dma_wait3A_238 : memref<10112x16xf32, #tpu.memory_space<vmem_shared>>)
          tpu.yield
        }) : () -> ()
      } else {
      }
      %mul3A_202 = arith.constant 2 : i32
      %mul3A_203 = arith.muli %mul3A_202, %add3A_178 : i32
      %add3A_204 = arith.constant 1 : i32
      %add3A_205 = arith.addi %mul3A_203, %add3A_204 : i32
      %add3A_206 = arith.constant 2 : i32
      %add3A_207 = arith.addi %add3A_205, %add3A_206 : i32
      %sub3A_208 = arith.constant 1 : i32
      %sub3A_209 = arith.subi %add3A_207, %sub3A_208 : i32
      %dma_start3A_210 = arith.constant 0 : i32
      %dma_start3A_211 = tpu.memref_slice %arg11[%sub3A_209, %dma_start3A_210] : memref<20x128xi32, #tpu.memory_space<vmem>> -> memref<1x128xi32, #tpu.memory_space<vmem>>
      %dma_start3A_212 = tpu.memref_squeeze %dma_start3A_211 : memref<1x128xi32, #tpu.memory_space<vmem>> -> memref<128xi32, #tpu.memory_space<vmem>>
      %dma_start3A_213 = arith.constant 0 : i32
      %dma_start3A_214 = arith.constant 0 : i32
      %dma_start3A_215 = tpu.memref_slice %arg5[%dma_start3A_213, %dma_start3A_214] : memref<20000x128xf32, #tpu.memory_space<hbm>> -> memref<20000x128xf32, #tpu.memory_space<hbm>>
      tpu.enqueue_indirect_dma source(%dma_start3A_215 : memref<20000x128xf32, #tpu.memory_space<hbm>>) target(%arg13 : memref<128x128xf32, #tpu.memory_space<vmem>>) offsets(%dma_start3A_212 : memref<128xi32, #tpu.memory_space<vmem>>) semaphore(%arg15 : memref<!tpu.dma_semaphore, #tpu.memory_space<semaphore_mem>>)
      %dma_wait3A_216 = arith.constant 0 : i32
      %dma_wait3A_217 = arith.constant 0 : i32
      %dma_wait3A_218 = tpu.memref_slice %arg11[%dma_wait3A_216, %dma_wait3A_217] : memref<20x128xi32, #tpu.memory_space<vmem>> -> memref<1x128xi32, #tpu.memory_space<vmem>>
      %dma_wait3A_219 = tpu.memref_squeeze %dma_wait3A_218 : memref<1x128xi32, #tpu.memory_space<vmem>> -> memref<128xi32, #tpu.memory_space<vmem>>
      %dma_wait3A_220 = arith.constant 0 : i32
      %dma_wait3A_221 = arith.constant 0 : i32
      %dma_wait3A_222 = tpu.memref_slice %arg5[%dma_wait3A_220, %dma_wait3A_221] : memref<20000x128xf32, #tpu.memory_space<hbm>> -> memref<20000x128xf32, #tpu.memory_space<hbm>>
      tpu.wait_indirect_dma semaphore(%arg16 : memref<!tpu.dma_semaphore, #tpu.memory_space<semaphore_mem>>) src(%dma_wait3A_222 : memref<20000x128xf32, #tpu.memory_space<hbm>>) dst(%arg14 : memref<128x128xf32, #tpu.memory_space<vmem>>)
      "tpu.region"() ({
        %run_scoped3A_226 = tpu.sem_alloc : memref<!tpu.dma_semaphore, #tpu.memory_space<semaphore_mem>>
        %dma_start3A_227 = arith.constant 0 : i32
        %dma_start3A_228 = tpu.memref_slice %arg12[%add3A_205, %dma_start3A_227] : memref<20x128xi32, #tpu.memory_space<vmem>> -> memref<1x128xi32, #tpu.memory_space<vmem>>
        %dma_start3A_229 = tpu.memref_squeeze %dma_start3A_228 : memref<1x128xi32, #tpu.memory_space<vmem>> -> memref<128xi32, #tpu.memory_space<vmem>>
        %dma_start3A_230 = arith.constant 0 : i32
        %dma_start3A_231 = arith.constant 0 : i32
        %dma_start3A_232 = tpu.memref_slice %arg10[%dma_start3A_230, %dma_start3A_231] : memref<10112x128xf32, #tpu.memory_space<vmem_shared>> -> memref<10112x128xf32, #tpu.memory_space<vmem_shared>>
        tpu.enqueue_indirect_dma source(%arg14 : memref<128x128xf32, #tpu.memory_space<vmem>>) target(%dma_start3A_232 : memref<10112x128xf32, #tpu.memory_space<vmem_shared>>) offsets(%dma_start3A_229 : memref<128xi32, #tpu.memory_space<vmem>>) semaphore(%run_scoped3A_226 : memref<!tpu.dma_semaphore, #tpu.memory_space<semaphore_mem>>) {add = true}
        %dma_wait3A_233 = arith.constant 0 : i32
        %dma_wait3A_234 = tpu.memref_slice %arg12[%add3A_205, %dma_wait3A_233] : memref<20x128xi32, #tpu.memory_space<vmem>> -> memref<1x128xi32, #tpu.memory_space<vmem>>
        %dma_wait3A_235 = tpu.memref_squeeze %dma_wait3A_234 : memref<1x128xi32, #tpu.memory_space<vmem>> -> memref<128xi32, #tpu.memory_space<vmem>>
        %dma_wait3A_236 = arith.constant 0 : i32
        %dma_wait3A_237 = arith.constant 0 : i32
        %dma_wait3A_238 = tpu.memref_slice %arg10[%dma_wait3A_236, %dma_wait3A_237] : memref<10112x128xf32, #tpu.memory_space<vmem_shared>> -> memref<10112x128xf32, #tpu.memory_space<vmem_shared>>
        tpu.wait_indirect_dma semaphore(%run_scoped3A_226 : memref<!tpu.dma_semaphore, #tpu.memory_space<semaphore_mem>>) src(%arg14 : memref<128x128xf32, #tpu.memory_space<vmem>>) dst(%dma_wait3A_238 : memref<10112x128xf32, #tpu.memory_space<vmem_shared>>)
        tpu.yield
      }) : () -> ()
      %convert_element_type3A_223 = arith.extui %eq3A_132 : i1 to i32
      %cond3A_224 = arith.constant 0 : i32
      %cond3A_225 = arith.cmpi ne, %convert_element_type3A_223, %cond3A_224 : i32
      scf.if %cond3A_225 {
        "tpu.region"() ({
          %run_scoped3A_226 = tpu.sem_alloc : memref<!tpu.dma_semaphore, #tpu.memory_space<semaphore_mem>>
          %dma_start3A_227 = arith.constant 0 : i32
          %dma_start3A_228 = tpu.memref_slice %arg12[%add3A_205, %dma_start3A_227] : memref<20x128xi32, #tpu.memory_space<vmem>> -> memref<1x128xi32, #tpu.memory_space<vmem>>
          %dma_start3A_229 = tpu.memref_squeeze %dma_start3A_228 : memref<1x128xi32, #tpu.memory_space<vmem>> -> memref<128xi32, #tpu.memory_space<vmem>>
          %dma_start3A_230 = arith.constant 0 : i32
          %dma_start3A_231 = arith.constant 0 : i32
          %dma_start3A_232 = tpu.memref_slice %arg17[%dma_start3A_230, %dma_start3A_231] : memref<10112x16xf32, #tpu.memory_space<vmem_shared>> -> memref<10112x16xf32, #tpu.memory_space<vmem_shared>>
          tpu.enqueue_indirect_dma source(%arg18 : memref<128x16xf32, #tpu.memory_space<vmem>>) target(%dma_start3A_232 : memref<10112x16xf32, #tpu.memory_space<vmem_shared>>) offsets(%dma_start3A_229 : memref<128xi32, #tpu.memory_space<vmem>>) semaphore(%run_scoped3A_226 : memref<!tpu.dma_semaphore, #tpu.memory_space<semaphore_mem>>) {add = true}
          %dma_wait3A_233 = arith.constant 0 : i32
          %dma_wait3A_234 = tpu.memref_slice %arg12[%add3A_205, %dma_wait3A_233] : memref<20x128xi32, #tpu.memory_space<vmem>> -> memref<1x128xi32, #tpu.memory_space<vmem>>
          %dma_wait3A_235 = tpu.memref_squeeze %dma_wait3A_234 : memref<1x128xi32, #tpu.memory_space<vmem>> -> memref<128xi32, #tpu.memory_space<vmem>>
          %dma_wait3A_236 = arith.constant 0 : i32
          %dma_wait3A_237 = arith.constant 0 : i32
          %dma_wait3A_238 = tpu.memref_slice %arg17[%dma_wait3A_236, %dma_wait3A_237] : memref<10112x16xf32, #tpu.memory_space<vmem_shared>> -> memref<10112x16xf32, #tpu.memory_space<vmem_shared>>
          tpu.wait_indirect_dma semaphore(%run_scoped3A_226 : memref<!tpu.dma_semaphore, #tpu.memory_space<semaphore_mem>>) src(%arg18 : memref<128x16xf32, #tpu.memory_space<vmem>>) dst(%dma_wait3A_238 : memref<10112x16xf32, #tpu.memory_space<vmem_shared>>)
          tpu.yield
        }) : () -> ()
      } else {
      }
    }
    %scan3A_144 = arith.constant 9 : i32
    %dma_start3A_145 = arith.constant 19 : i32
    %dma_start3A_146 = arith.constant 0 : i32
    %dma_start3A_147 = tpu.memref_slice %arg11[%dma_start3A_145, %dma_start3A_146] : memref<20x128xi32, #tpu.memory_space<vmem>> -> memref<1x128xi32, #tpu.memory_space<vmem>>
    %dma_start3A_148 = tpu.memref_squeeze %dma_start3A_147 : memref<1x128xi32, #tpu.memory_space<vmem>> -> memref<128xi32, #tpu.memory_space<vmem>>
    %dma_start3A_149 = arith.constant 0 : i32
    %dma_start3A_150 = arith.constant 0 : i32
    %dma_start3A_151 = tpu.memref_slice %arg5[%dma_start3A_149, %dma_start3A_150] : memref<20000x128xf32, #tpu.memory_space<hbm>> -> memref<20000x128xf32, #tpu.memory_space<hbm>>
    tpu.enqueue_indirect_dma source(%dma_start3A_151 : memref<20000x128xf32, #tpu.memory_space<hbm>>) target(%arg14 : memref<128x128xf32, #tpu.memory_space<vmem>>) offsets(%dma_start3A_148 : memref<128xi32, #tpu.memory_space<vmem>>) semaphore(%arg16 : memref<!tpu.dma_semaphore, #tpu.memory_space<semaphore_mem>>)
    %dma_wait3A_152 = arith.constant 0 : i32
    %dma_wait3A_153 = arith.constant 0 : i32
    %dma_wait3A_154 = tpu.memref_slice %arg11[%dma_wait3A_152, %dma_wait3A_153] : memref<20x128xi32, #tpu.memory_space<vmem>> -> memref<1x128xi32, #tpu.memory_space<vmem>>
    %dma_wait3A_155 = tpu.memref_squeeze %dma_wait3A_154 : memref<1x128xi32, #tpu.memory_space<vmem>> -> memref<128xi32, #tpu.memory_space<vmem>>
    %dma_wait3A_156 = arith.constant 0 : i32
    %dma_wait3A_157 = arith.constant 0 : i32
    %dma_wait3A_158 = tpu.memref_slice %arg5[%dma_wait3A_156, %dma_wait3A_157] : memref<20000x128xf32, #tpu.memory_space<hbm>> -> memref<20000x128xf32, #tpu.memory_space<hbm>>
    tpu.wait_indirect_dma semaphore(%arg15 : memref<!tpu.dma_semaphore, #tpu.memory_space<semaphore_mem>>) src(%dma_wait3A_158 : memref<20000x128xf32, #tpu.memory_space<hbm>>) dst(%arg13 : memref<128x128xf32, #tpu.memory_space<vmem>>)
    %run_scoped3A_159 = arith.constant 18 : i32
    "tpu.region"() ({
      %run_scoped3A_175 = tpu.sem_alloc : memref<!tpu.dma_semaphore, #tpu.memory_space<semaphore_mem>>
      %dma_start3A_176 = arith.constant 0 : i32
      %dma_start3A_177 = tpu.memref_slice %arg12[%run_scoped3A_159, %dma_start3A_176] : memref<20x128xi32, #tpu.memory_space<vmem>> -> memref<1x128xi32, #tpu.memory_space<vmem>>
      %dma_start3A_178 = tpu.memref_squeeze %dma_start3A_177 : memref<1x128xi32, #tpu.memory_space<vmem>> -> memref<128xi32, #tpu.memory_space<vmem>>
      %dma_start3A_179 = arith.constant 0 : i32
      %dma_start3A_180 = arith.constant 0 : i32
      %dma_start3A_181 = tpu.memref_slice %arg10[%dma_start3A_179, %dma_start3A_180] : memref<10112x128xf32, #tpu.memory_space<vmem_shared>> -> memref<10112x128xf32, #tpu.memory_space<vmem_shared>>
      tpu.enqueue_indirect_dma source(%arg13 : memref<128x128xf32, #tpu.memory_space<vmem>>) target(%dma_start3A_181 : memref<10112x128xf32, #tpu.memory_space<vmem_shared>>) offsets(%dma_start3A_178 : memref<128xi32, #tpu.memory_space<vmem>>) semaphore(%run_scoped3A_175 : memref<!tpu.dma_semaphore, #tpu.memory_space<semaphore_mem>>) {add = true}
      %dma_wait3A_182 = arith.constant 0 : i32
      %dma_wait3A_183 = tpu.memref_slice %arg12[%run_scoped3A_159, %dma_wait3A_182] : memref<20x128xi32, #tpu.memory_space<vmem>> -> memref<1x128xi32, #tpu.memory_space<vmem>>
      %dma_wait3A_184 = tpu.memref_squeeze %dma_wait3A_183 : memref<1x128xi32, #tpu.memory_space<vmem>> -> memref<128xi32, #tpu.memory_space<vmem>>
      %dma_wait3A_185 = arith.constant 0 : i32
      %dma_wait3A_186 = arith.constant 0 : i32
      %dma_wait3A_187 = tpu.memref_slice %arg10[%dma_wait3A_185, %dma_wait3A_186] : memref<10112x128xf32, #tpu.memory_space<vmem_shared>> -> memref<10112x128xf32, #tpu.memory_space<vmem_shared>>
      tpu.wait_indirect_dma semaphore(%run_scoped3A_175 : memref<!tpu.dma_semaphore, #tpu.memory_space<semaphore_mem>>) src(%arg13 : memref<128x128xf32, #tpu.memory_space<vmem>>) dst(%dma_wait3A_187 : memref<10112x128xf32, #tpu.memory_space<vmem_shared>>)
      tpu.yield
    }) : () -> ()
    %convert_element_type3A_160 = arith.extui %eq3A_132 : i1 to i32
    %cond3A_161 = arith.constant 0 : i32
    %cond3A_162 = arith.cmpi ne, %convert_element_type3A_160, %cond3A_161 : i32
    scf.if %cond3A_162 {
      %run_scoped3A_175 = arith.constant 18 : i32
      "tpu.region"() ({
        %run_scoped3A_176 = tpu.sem_alloc : memref<!tpu.dma_semaphore, #tpu.memory_space<semaphore_mem>>
        %dma_start3A_177 = arith.constant 0 : i32
        %dma_start3A_178 = tpu.memref_slice %arg12[%run_scoped3A_175, %dma_start3A_177] : memref<20x128xi32, #tpu.memory_space<vmem>> -> memref<1x128xi32, #tpu.memory_space<vmem>>
        %dma_start3A_179 = tpu.memref_squeeze %dma_start3A_178 : memref<1x128xi32, #tpu.memory_space<vmem>> -> memref<128xi32, #tpu.memory_space<vmem>>
        %dma_start3A_180 = arith.constant 0 : i32
        %dma_start3A_181 = arith.constant 0 : i32
        %dma_start3A_182 = tpu.memref_slice %arg17[%dma_start3A_180, %dma_start3A_181] : memref<10112x16xf32, #tpu.memory_space<vmem_shared>> -> memref<10112x16xf32, #tpu.memory_space<vmem_shared>>
        tpu.enqueue_indirect_dma source(%arg18 : memref<128x16xf32, #tpu.memory_space<vmem>>) target(%dma_start3A_182 : memref<10112x16xf32, #tpu.memory_space<vmem_shared>>) offsets(%dma_start3A_179 : memref<128xi32, #tpu.memory_space<vmem>>) semaphore(%run_scoped3A_176 : memref<!tpu.dma_semaphore, #tpu.memory_space<semaphore_mem>>) {add = true}
        %dma_wait3A_183 = arith.constant 0 : i32
        %dma_wait3A_184 = tpu.memref_slice %arg12[%run_scoped3A_175, %dma_wait3A_183] : memref<20x128xi32, #tpu.memory_space<vmem>> -> memref<1x128xi32, #tpu.memory_space<vmem>>
        %dma_wait3A_185 = tpu.memref_squeeze %dma_wait3A_184 : memref<1x128xi32, #tpu.memory_space<vmem>> -> memref<128xi32, #tpu.memory_space<vmem>>
        %dma_wait3A_186 = arith.constant 0 : i32
        %dma_wait3A_187 = arith.constant 0 : i32
        %dma_wait3A_188 = tpu.memref_slice %arg17[%dma_wait3A_186, %dma_wait3A_187] : memref<10112x16xf32, #tpu.memory_space<vmem_shared>> -> memref<10112x16xf32, #tpu.memory_space<vmem_shared>>
        tpu.wait_indirect_dma semaphore(%run_scoped3A_176 : memref<!tpu.dma_semaphore, #tpu.memory_space<semaphore_mem>>) src(%arg18 : memref<128x16xf32, #tpu.memory_space<vmem>>) dst(%dma_wait3A_188 : memref<10112x16xf32, #tpu.memory_space<vmem_shared>>)
        tpu.yield
      }) : () -> ()
    } else {
    }
    %dma_wait3A_163 = arith.constant 0 : i32
    %dma_wait3A_164 = arith.constant 0 : i32
    %dma_wait3A_165 = tpu.memref_slice %arg11[%dma_wait3A_163, %dma_wait3A_164] : memref<20x128xi32, #tpu.memory_space<vmem>> -> memref<1x128xi32, #tpu.memory_space<vmem>>
    %dma_wait3A_166 = tpu.memref_squeeze %dma_wait3A_165 : memref<1x128xi32, #tpu.memory_space<vmem>> -> memref<128xi32, #tpu.memory_space<vmem>>
    %dma_wait3A_167 = arith.constant 0 : i32
    %dma_wait3A_168 = arith.constant 0 : i32
    %dma_wait3A_169 = tpu.memref_slice %arg5[%dma_wait3A_167, %dma_wait3A_168] : memref<20000x128xf32, #tpu.memory_space<hbm>> -> memref<20000x128xf32, #tpu.memory_space<hbm>>
    tpu.wait_indirect_dma semaphore(%arg16 : memref<!tpu.dma_semaphore, #tpu.memory_space<semaphore_mem>>) src(%dma_wait3A_169 : memref<20000x128xf32, #tpu.memory_space<hbm>>) dst(%arg14 : memref<128x128xf32, #tpu.memory_space<vmem>>)
    %run_scoped3A_170 = arith.constant 19 : i32
    "tpu.region"() ({
      %run_scoped3A_175 = tpu.sem_alloc : memref<!tpu.dma_semaphore, #tpu.memory_space<semaphore_mem>>
      %dma_start3A_176 = arith.constant 0 : i32
      %dma_start3A_177 = tpu.memref_slice %arg12[%run_scoped3A_170, %dma_start3A_176] : memref<20x128xi32, #tpu.memory_space<vmem>> -> memref<1x128xi32, #tpu.memory_space<vmem>>
      %dma_start3A_178 = tpu.memref_squeeze %dma_start3A_177 : memref<1x128xi32, #tpu.memory_space<vmem>> -> memref<128xi32, #tpu.memory_space<vmem>>
      %dma_start3A_179 = arith.constant 0 : i32
      %dma_start3A_180 = arith.constant 0 : i32
      %dma_start3A_181 = tpu.memref_slice %arg10[%dma_start3A_179, %dma_start3A_180] : memref<10112x128xf32, #tpu.memory_space<vmem_shared>> -> memref<10112x128xf32, #tpu.memory_space<vmem_shared>>
      tpu.enqueue_indirect_dma source(%arg14 : memref<128x128xf32, #tpu.memory_space<vmem>>) target(%dma_start3A_181 : memref<10112x128xf32, #tpu.memory_space<vmem_shared>>) offsets(%dma_start3A_178 : memref<128xi32, #tpu.memory_space<vmem>>) semaphore(%run_scoped3A_175 : memref<!tpu.dma_semaphore, #tpu.memory_space<semaphore_mem>>) {add = true}
      %dma_wait3A_182 = arith.constant 0 : i32
      %dma_wait3A_183 = tpu.memref_slice %arg12[%run_scoped3A_170, %dma_wait3A_182] : memref<20x128xi32, #tpu.memory_space<vmem>> -> memref<1x128xi32, #tpu.memory_space<vmem>>
      %dma_wait3A_184 = tpu.memref_squeeze %dma_wait3A_183 : memref<1x128xi32, #tpu.memory_space<vmem>> -> memref<128xi32, #tpu.memory_space<vmem>>
      %dma_wait3A_185 = arith.constant 0 : i32
      %dma_wait3A_186 = arith.constant 0 : i32
      %dma_wait3A_187 = tpu.memref_slice %arg10[%dma_wait3A_185, %dma_wait3A_186] : memref<10112x128xf32, #tpu.memory_space<vmem_shared>> -> memref<10112x128xf32, #tpu.memory_space<vmem_shared>>
      tpu.wait_indirect_dma semaphore(%run_scoped3A_175 : memref<!tpu.dma_semaphore, #tpu.memory_space<semaphore_mem>>) src(%arg14 : memref<128x128xf32, #tpu.memory_space<vmem>>) dst(%dma_wait3A_187 : memref<10112x128xf32, #tpu.memory_space<vmem_shared>>)
      tpu.yield
    }) : () -> ()
    %convert_element_type3A_171 = arith.extui %eq3A_132 : i1 to i32
    %cond3A_172 = arith.constant 0 : i32
    %cond3A_173 = arith.cmpi ne, %convert_element_type3A_171, %cond3A_172 : i32
    scf.if %cond3A_173 {
      %run_scoped3A_175 = arith.constant 19 : i32
      "tpu.region"() ({
        %run_scoped3A_176 = tpu.sem_alloc : memref<!tpu.dma_semaphore, #tpu.memory_space<semaphore_mem>>
        %dma_start3A_177 = arith.constant 0 : i32
        %dma_start3A_178 = tpu.memref_slice %arg12[%run_scoped3A_175, %dma_start3A_177] : memref<20x128xi32, #tpu.memory_space<vmem>> -> memref<1x128xi32, #tpu.memory_space<vmem>>
        %dma_start3A_179 = tpu.memref_squeeze %dma_start3A_178 : memref<1x128xi32, #tpu.memory_space<vmem>> -> memref<128xi32, #tpu.memory_space<vmem>>
        %dma_start3A_180 = arith.constant 0 : i32
        %dma_start3A_181 = arith.constant 0 : i32
        %dma_start3A_182 = tpu.memref_slice %arg17[%dma_start3A_180, %dma_start3A_181] : memref<10112x16xf32, #tpu.memory_space<vmem_shared>> -> memref<10112x16xf32, #tpu.memory_space<vmem_shared>>
        tpu.enqueue_indirect_dma source(%arg18 : memref<128x16xf32, #tpu.memory_space<vmem>>) target(%dma_start3A_182 : memref<10112x16xf32, #tpu.memory_space<vmem_shared>>) offsets(%dma_start3A_179 : memref<128xi32, #tpu.memory_space<vmem>>) semaphore(%run_scoped3A_176 : memref<!tpu.dma_semaphore, #tpu.memory_space<semaphore_mem>>) {add = true}
        %dma_wait3A_183 = arith.constant 0 : i32
        %dma_wait3A_184 = tpu.memref_slice %arg12[%run_scoped3A_175, %dma_wait3A_183] : memref<20x128xi32, #tpu.memory_space<vmem>> -> memref<1x128xi32, #tpu.memory_space<vmem>>
        %dma_wait3A_185 = tpu.memref_squeeze %dma_wait3A_184 : memref<1x128xi32, #tpu.memory_space<vmem>> -> memref<128xi32, #tpu.memory_space<vmem>>
        %dma_wait3A_186 = arith.constant 0 : i32
        %dma_wait3A_187 = arith.constant 0 : i32
        %dma_wait3A_188 = tpu.memref_slice %arg17[%dma_wait3A_186, %dma_wait3A_187] : memref<10112x16xf32, #tpu.memory_space<vmem_shared>> -> memref<10112x16xf32, #tpu.memory_space<vmem_shared>>
        tpu.wait_indirect_dma semaphore(%run_scoped3A_176 : memref<!tpu.dma_semaphore, #tpu.memory_space<semaphore_mem>>) src(%arg18 : memref<128x16xf32, #tpu.memory_space<vmem>>) dst(%dma_wait3A_188 : memref<10112x16xf32, #tpu.memory_space<vmem_shared>>)
        tpu.yield
      }) : () -> ()
    } else {
    }
    %barrier3A_174 = arith.constant 0 : index
    tpu.barrier barrier_id(%barrier3A_174)
    "tpu.region"() ({
      %run_scoped3A_175 = tpu.sem_alloc : memref<!tpu.dma_semaphore, #tpu.memory_space<semaphore_mem>>
      %dma_start3A_176 = arith.constant 0 : i32
      %dma_start3A_177 = tpu.memref_slice %arg8[%arg0, %mul3A_0, %dma_start3A_176] : memref<2x10112x128xf32, #tpu.memory_space<hbm>> -> memref<1x632x128xf32, #tpu.memory_space<hbm>>
      %dma_start3A_178 = tpu.memref_squeeze %dma_start3A_177 : memref<1x632x128xf32, #tpu.memory_space<hbm>> -> memref<632x128xf32, #tpu.memory_space<hbm>>
      %dma_start3A_179 = arith.constant 0 : i32
      %dma_start3A_180 = tpu.memref_slice %arg10[%mul3A_0, %dma_start3A_179] : memref<10112x128xf32, #tpu.memory_space<vmem_shared>> -> memref<632x128xf32, #tpu.memory_space<vmem_shared>>
      tpu.enqueue_dma source(%dma_start3A_180 : memref<632x128xf32, #tpu.memory_space<vmem_shared>>) target(%dma_start3A_178 : memref<632x128xf32, #tpu.memory_space<hbm>>) target_semaphore(%run_scoped3A_175 : memref<!tpu.dma_semaphore, #tpu.memory_space<semaphore_mem>>)
      %dma_wait3A_181 = arith.constant 0 : i32
      %dma_wait3A_182 = tpu.memref_slice %arg8[%arg0, %mul3A_0, %dma_wait3A_181] : memref<2x10112x128xf32, #tpu.memory_space<hbm>> -> memref<1x632x128xf32, #tpu.memory_space<hbm>>
      %dma_wait3A_183 = tpu.memref_squeeze %dma_wait3A_182 : memref<1x632x128xf32, #tpu.memory_space<hbm>> -> memref<632x128xf32, #tpu.memory_space<hbm>>
      %dma_wait3A_184 = arith.constant 0 : i32
      %dma_wait3A_185 = tpu.memref_slice %arg10[%mul3A_0, %dma_wait3A_184] : memref<10112x128xf32, #tpu.memory_space<vmem_shared>> -> memref<632x128xf32, #tpu.memory_space<vmem_shared>>
      tpu.wait_dma2 semaphore(%run_scoped3A_175 : memref<!tpu.dma_semaphore, #tpu.memory_space<semaphore_mem>>) src(%dma_wait3A_185 : memref<632x128xf32, #tpu.memory_space<vmem_shared>>) dst(%dma_wait3A_183 : memref<632x128xf32, #tpu.memory_space<hbm>>)
      tpu.yield
    }) : () -> ()
    "tpu.region"() ({
      %run_scoped3A_175 = tpu.sem_alloc : memref<!tpu.dma_semaphore, #tpu.memory_space<semaphore_mem>>
      %dma_start3A_176 = arith.constant 0 : i32
      %dma_start3A_177 = tpu.memref_slice %arg9[%arg0, %mul3A_0, %dma_start3A_176] : memref<2x10112x16xf32, #tpu.memory_space<hbm>> -> memref<1x632x16xf32, #tpu.memory_space<hbm>>
      %dma_start3A_178 = tpu.memref_squeeze %dma_start3A_177 : memref<1x632x16xf32, #tpu.memory_space<hbm>> -> memref<632x16xf32, #tpu.memory_space<hbm>>
      %dma_start3A_179 = arith.constant 0 : i32
      %dma_start3A_180 = tpu.memref_slice %arg17[%mul3A_0, %dma_start3A_179] : memref<10112x16xf32, #tpu.memory_space<vmem_shared>> -> memref<632x16xf32, #tpu.memory_space<vmem_shared>>
      tpu.enqueue_dma source(%dma_start3A_180 : memref<632x16xf32, #tpu.memory_space<vmem_shared>>) target(%dma_start3A_178 : memref<632x16xf32, #tpu.memory_space<hbm>>) target_semaphore(%run_scoped3A_175 : memref<!tpu.dma_semaphore, #tpu.memory_space<semaphore_mem>>)
      %dma_wait3A_181 = arith.constant 0 : i32
      %dma_wait3A_182 = tpu.memref_slice %arg9[%arg0, %mul3A_0, %dma_wait3A_181] : memref<2x10112x16xf32, #tpu.memory_space<hbm>> -> memref<1x632x16xf32, #tpu.memory_space<hbm>>
      %dma_wait3A_183 = tpu.memref_squeeze %dma_wait3A_182 : memref<1x632x16xf32, #tpu.memory_space<hbm>> -> memref<632x16xf32, #tpu.memory_space<hbm>>
      %dma_wait3A_184 = arith.constant 0 : i32
      %dma_wait3A_185 = tpu.memref_slice %arg17[%mul3A_0, %dma_wait3A_184] : memref<10112x16xf32, #tpu.memory_space<vmem_shared>> -> memref<632x16xf32, #tpu.memory_space<vmem_shared>>
      tpu.wait_dma2 semaphore(%run_scoped3A_175 : memref<!tpu.dma_semaphore, #tpu.memory_space<semaphore_mem>>) src(%dma_wait3A_185 : memref<632x16xf32, #tpu.memory_space<vmem_shared>>) dst(%dma_wait3A_183 : memref<632x16xf32, #tpu.memory_space<hbm>>)
      tpu.yield
    }) : () -> ()
    return
  }
}

#map = affine_map<(d0, d1) -> (0, 0)>
#map1 = affine_map<(d0, d1) -> (0, 0, 0, 0, 0)>
#map2 = affine_map<(d0, d1) -> (0, 0, 0, 0)>
#map3 = affine_map<(d0, d1) -> (0, 0, 0)>
module attributes {stable_mosaic.version = 14 : i64} {
  func.func @sc_agg_w32(%arg0: i32, %arg1: i32, %arg2: memref<632x32xf32, #tpu.memory_space<hbm>>, %arg3: memref<20000x32xf32, #tpu.memory_space<hbm>>, %arg4: memref<2x16x4x20x128xi32, #tpu.memory_space<hbm>>, %arg5: memref<16x4x20x128xi32, #tpu.memory_space<hbm>>, %arg6: memref<2x10112x32xf32, #tpu.memory_space<hbm>>, %arg7: memref<10112x32xf32, #tpu.memory_space<vmem_shared>>, %arg8: memref<20x128xi32, #tpu.memory_space<vmem>>, %arg9: memref<20x128xi32, #tpu.memory_space<vmem>>, %arg10: memref<128x32xf32, #tpu.memory_space<vmem>>, %arg11: memref<128x32xf32, #tpu.memory_space<vmem>>, %arg12: memref<128x32xf32, #tpu.memory_space<vmem>>, %arg13: memref<128x32xf32, #tpu.memory_space<vmem>>, %arg14: memref<!tpu.dma_semaphore, #tpu.memory_space<semaphore_mem>>, %arg15: memref<!tpu.dma_semaphore, #tpu.memory_space<semaphore_mem>>, %arg16: memref<!tpu.dma_semaphore, #tpu.memory_space<semaphore_mem>>, %arg17: memref<!tpu.dma_semaphore, #tpu.memory_space<semaphore_mem>>, %arg18: memref<!tpu.dma_semaphore, #tpu.memory_space<semaphore_mem>>) attributes {dimension_semantics = [#tpu.dimension_semantics<core_parallel>, #tpu.dimension_semantics<subcore_parallel>], iteration_bounds = array<i64: 2, 16>, scalar_prefetch = 0 : i64, scratch_operands = 12 : i64, tpu.core_type = #tpu.core_type<sc_vector_subcore>, window_params = [{transform_indices = #map}, {transform_indices = #map}, {transform_indices = #map1}, {transform_indices = #map2}, {transform_indices = #map3}]} {
    %mul3A = arith.constant 632 : i32
    %mul3A_0 = arith.muli %arg1, %mul3A : i32
    "tpu.region"() ({
      %run_scoped3A_481 = tpu.sem_alloc : memref<!tpu.dma_semaphore, #tpu.memory_space<semaphore_mem>>
      %dma_start3A_482 = arith.constant 0 : i32
      %dma_start3A_483 = tpu.memref_slice %arg7[%mul3A_0, %dma_start3A_482] : memref<10112x32xf32, #tpu.memory_space<vmem_shared>> -> memref<632x32xf32, #tpu.memory_space<vmem_shared>>
      tpu.enqueue_dma source(%arg2 : memref<632x32xf32, #tpu.memory_space<hbm>>) target(%dma_start3A_483 : memref<632x32xf32, #tpu.memory_space<vmem_shared>>) target_semaphore(%run_scoped3A_481 : memref<!tpu.dma_semaphore, #tpu.memory_space<semaphore_mem>>)
      %dma_wait3A_484 = arith.constant 0 : i32
      %dma_wait3A_485 = tpu.memref_slice %arg7[%mul3A_0, %dma_wait3A_484] : memref<10112x32xf32, #tpu.memory_space<vmem_shared>> -> memref<632x32xf32, #tpu.memory_space<vmem_shared>>
      tpu.wait_dma2 semaphore(%run_scoped3A_481 : memref<!tpu.dma_semaphore, #tpu.memory_space<semaphore_mem>>) src(%arg2 : memref<632x32xf32, #tpu.memory_space<hbm>>) dst(%dma_wait3A_485 : memref<632x32xf32, #tpu.memory_space<vmem_shared>>)
      tpu.yield
    }) : () -> ()
    %barrier3A = arith.constant 0 : index
    tpu.barrier barrier_id(%barrier3A)
    %run_scoped3A = arith.constant 0 : i32
    "tpu.region"() ({
      %run_scoped3A_481 = tpu.sem_alloc : memref<!tpu.dma_semaphore, #tpu.memory_space<semaphore_mem>>
      %dma_start3A_482 = arith.constant 0 : i32
      %dma_start3A_483 = arith.constant 0 : i32
      %dma_start3A_484 = tpu.memref_slice %arg4[%arg0, %arg1, %run_scoped3A, %dma_start3A_482, %dma_start3A_483] : memref<2x16x4x20x128xi32, #tpu.memory_space<hbm>> -> memref<1x1x1x20x128xi32, #tpu.memory_space<hbm>>
      %dma_start3A_485 = tpu.memref_squeeze %dma_start3A_484 : memref<1x1x1x20x128xi32, #tpu.memory_space<hbm>> -> memref<20x128xi32, #tpu.memory_space<hbm>>
      %dma_start3A_486 = arith.constant 0 : i32
      %dma_start3A_487 = arith.constant 0 : i32
      %dma_start3A_488 = tpu.memref_slice %arg4[%arg0, %arg1, %run_scoped3A, %dma_start3A_486, %dma_start3A_487] : memref<2x16x4x20x128xi32, #tpu.memory_space<hbm>> -> memref<1x1x1x20x128xi32, #tpu.memory_space<hbm>>
      %dma_start3A_489 = tpu.memref_squeeze %dma_start3A_488 : memref<1x1x1x20x128xi32, #tpu.memory_space<hbm>> -> memref<20x128xi32, #tpu.memory_space<hbm>>
      tpu.enqueue_dma source(%dma_start3A_489 : memref<20x128xi32, #tpu.memory_space<hbm>>) target(%arg8 : memref<20x128xi32, #tpu.memory_space<vmem>>) target_semaphore(%run_scoped3A_481 : memref<!tpu.dma_semaphore, #tpu.memory_space<semaphore_mem>>)
      %dma_wait3A_490 = arith.constant 0 : i32
      %dma_wait3A_491 = arith.constant 0 : i32
      %dma_wait3A_492 = tpu.memref_slice %arg4[%arg0, %arg1, %run_scoped3A, %dma_wait3A_490, %dma_wait3A_491] : memref<2x16x4x20x128xi32, #tpu.memory_space<hbm>> -> memref<1x1x1x20x128xi32, #tpu.memory_space<hbm>>
      %dma_wait3A_493 = tpu.memref_squeeze %dma_wait3A_492 : memref<1x1x1x20x128xi32, #tpu.memory_space<hbm>> -> memref<20x128xi32, #tpu.memory_space<hbm>>
      %dma_wait3A_494 = arith.constant 0 : i32
      %dma_wait3A_495 = arith.constant 0 : i32
      %dma_wait3A_496 = tpu.memref_slice %arg4[%arg0, %arg1, %run_scoped3A, %dma_wait3A_494, %dma_wait3A_495] : memref<2x16x4x20x128xi32, #tpu.memory_space<hbm>> -> memref<1x1x1x20x128xi32, #tpu.memory_space<hbm>>
      %dma_wait3A_497 = tpu.memref_squeeze %dma_wait3A_496 : memref<1x1x1x20x128xi32, #tpu.memory_space<hbm>> -> memref<20x128xi32, #tpu.memory_space<hbm>>
      tpu.wait_dma2 semaphore(%run_scoped3A_481 : memref<!tpu.dma_semaphore, #tpu.memory_space<semaphore_mem>>) src(%dma_wait3A_497 : memref<20x128xi32, #tpu.memory_space<hbm>>) dst(%arg8 : memref<20x128xi32, #tpu.memory_space<vmem>>)
      tpu.yield
    }) : () -> ()
    %run_scoped3A_1 = arith.constant 0 : i32
    "tpu.region"() ({
      %run_scoped3A_481 = tpu.sem_alloc : memref<!tpu.dma_semaphore, #tpu.memory_space<semaphore_mem>>
      %dma_start3A_482 = arith.constant 0 : i32
      %dma_start3A_483 = arith.constant 0 : i32
      %dma_start3A_484 = tpu.memref_slice %arg5[%arg1, %run_scoped3A_1, %dma_start3A_482, %dma_start3A_483] : memref<16x4x20x128xi32, #tpu.memory_space<hbm>> -> memref<1x1x20x128xi32, #tpu.memory_space<hbm>>
      %dma_start3A_485 = tpu.memref_squeeze %dma_start3A_484 : memref<1x1x20x128xi32, #tpu.memory_space<hbm>> -> memref<20x128xi32, #tpu.memory_space<hbm>>
      %dma_start3A_486 = arith.constant 0 : i32
      %dma_start3A_487 = arith.constant 0 : i32
      %dma_start3A_488 = tpu.memref_slice %arg5[%arg1, %run_scoped3A_1, %dma_start3A_486, %dma_start3A_487] : memref<16x4x20x128xi32, #tpu.memory_space<hbm>> -> memref<1x1x20x128xi32, #tpu.memory_space<hbm>>
      %dma_start3A_489 = tpu.memref_squeeze %dma_start3A_488 : memref<1x1x20x128xi32, #tpu.memory_space<hbm>> -> memref<20x128xi32, #tpu.memory_space<hbm>>
      tpu.enqueue_dma source(%dma_start3A_489 : memref<20x128xi32, #tpu.memory_space<hbm>>) target(%arg9 : memref<20x128xi32, #tpu.memory_space<vmem>>) target_semaphore(%run_scoped3A_481 : memref<!tpu.dma_semaphore, #tpu.memory_space<semaphore_mem>>)
      %dma_wait3A_490 = arith.constant 0 : i32
      %dma_wait3A_491 = arith.constant 0 : i32
      %dma_wait3A_492 = tpu.memref_slice %arg5[%arg1, %run_scoped3A_1, %dma_wait3A_490, %dma_wait3A_491] : memref<16x4x20x128xi32, #tpu.memory_space<hbm>> -> memref<1x1x20x128xi32, #tpu.memory_space<hbm>>
      %dma_wait3A_493 = tpu.memref_squeeze %dma_wait3A_492 : memref<1x1x20x128xi32, #tpu.memory_space<hbm>> -> memref<20x128xi32, #tpu.memory_space<hbm>>
      %dma_wait3A_494 = arith.constant 0 : i32
      %dma_wait3A_495 = arith.constant 0 : i32
      %dma_wait3A_496 = tpu.memref_slice %arg5[%arg1, %run_scoped3A_1, %dma_wait3A_494, %dma_wait3A_495] : memref<16x4x20x128xi32, #tpu.memory_space<hbm>> -> memref<1x1x20x128xi32, #tpu.memory_space<hbm>>
      %dma_wait3A_497 = tpu.memref_squeeze %dma_wait3A_496 : memref<1x1x20x128xi32, #tpu.memory_space<hbm>> -> memref<20x128xi32, #tpu.memory_space<hbm>>
      tpu.wait_dma2 semaphore(%run_scoped3A_481 : memref<!tpu.dma_semaphore, #tpu.memory_space<semaphore_mem>>) src(%dma_wait3A_497 : memref<20x128xi32, #tpu.memory_space<hbm>>) dst(%arg9 : memref<20x128xi32, #tpu.memory_space<vmem>>)
      tpu.yield
    }) : () -> ()
    %eq3A = arith.constant 0 : i32
    %eq3A_2 = arith.cmpi eq, %arg0, %eq3A : i32
    %dma_start3A = arith.constant 0 : i32
    %dma_start3A_3 = arith.constant 0 : i32
    %dma_start3A_4 = tpu.memref_slice %arg8[%dma_start3A, %dma_start3A_3] : memref<20x128xi32, #tpu.memory_space<vmem>> -> memref<1x128xi32, #tpu.memory_space<vmem>>
    %dma_start3A_5 = tpu.memref_squeeze %dma_start3A_4 : memref<1x128xi32, #tpu.memory_space<vmem>> -> memref<128xi32, #tpu.memory_space<vmem>>
    %dma_start3A_6 = arith.constant 0 : i32
    %dma_start3A_7 = arith.constant 0 : i32
    %dma_start3A_8 = tpu.memref_slice %arg3[%dma_start3A_6, %dma_start3A_7] : memref<20000x32xf32, #tpu.memory_space<hbm>> -> memref<20000x32xf32, #tpu.memory_space<hbm>>
    tpu.enqueue_indirect_dma source(%dma_start3A_8 : memref<20000x32xf32, #tpu.memory_space<hbm>>) target(%arg10 : memref<128x32xf32, #tpu.memory_space<vmem>>) offsets(%dma_start3A_5 : memref<128xi32, #tpu.memory_space<vmem>>) semaphore(%arg14 : memref<!tpu.dma_semaphore, #tpu.memory_space<semaphore_mem>>)
    %dma_start3A_9 = arith.constant 1 : i32
    %dma_start3A_10 = arith.constant 0 : i32
    %dma_start3A_11 = tpu.memref_slice %arg8[%dma_start3A_9, %dma_start3A_10] : memref<20x128xi32, #tpu.memory_space<vmem>> -> memref<1x128xi32, #tpu.memory_space<vmem>>
    %dma_start3A_12 = tpu.memref_squeeze %dma_start3A_11 : memref<1x128xi32, #tpu.memory_space<vmem>> -> memref<128xi32, #tpu.memory_space<vmem>>
    %dma_start3A_13 = arith.constant 0 : i32
    %dma_start3A_14 = arith.constant 0 : i32
    %dma_start3A_15 = tpu.memref_slice %arg3[%dma_start3A_13, %dma_start3A_14] : memref<20000x32xf32, #tpu.memory_space<hbm>> -> memref<20000x32xf32, #tpu.memory_space<hbm>>
    tpu.enqueue_indirect_dma source(%dma_start3A_15 : memref<20000x32xf32, #tpu.memory_space<hbm>>) target(%arg11 : memref<128x32xf32, #tpu.memory_space<vmem>>) offsets(%dma_start3A_12 : memref<128xi32, #tpu.memory_space<vmem>>) semaphore(%arg15 : memref<!tpu.dma_semaphore, #tpu.memory_space<semaphore_mem>>)
    %dma_start3A_16 = arith.constant 2 : i32
    %dma_start3A_17 = arith.constant 0 : i32
    %dma_start3A_18 = tpu.memref_slice %arg8[%dma_start3A_16, %dma_start3A_17] : memref<20x128xi32, #tpu.memory_space<vmem>> -> memref<1x128xi32, #tpu.memory_space<vmem>>
    %dma_start3A_19 = tpu.memref_squeeze %dma_start3A_18 : memref<1x128xi32, #tpu.memory_space<vmem>> -> memref<128xi32, #tpu.memory_space<vmem>>
    %dma_start3A_20 = arith.constant 0 : i32
    %dma_start3A_21 = arith.constant 0 : i32
    %dma_start3A_22 = tpu.memref_slice %arg3[%dma_start3A_20, %dma_start3A_21] : memref<20000x32xf32, #tpu.memory_space<hbm>> -> memref<20000x32xf32, #tpu.memory_space<hbm>>
    tpu.enqueue_indirect_dma source(%dma_start3A_22 : memref<20000x32xf32, #tpu.memory_space<hbm>>) target(%arg12 : memref<128x32xf32, #tpu.memory_space<vmem>>) offsets(%dma_start3A_19 : memref<128xi32, #tpu.memory_space<vmem>>) semaphore(%arg16 : memref<!tpu.dma_semaphore, #tpu.memory_space<semaphore_mem>>)
    %dma_wait3A = arith.constant 0 : i32
    %dma_wait3A_23 = arith.constant 0 : i32
    %dma_wait3A_24 = tpu.memref_slice %arg8[%dma_wait3A, %dma_wait3A_23] : memref<20x128xi32, #tpu.memory_space<vmem>> -> memref<1x128xi32, #tpu.memory_space<vmem>>
    %dma_wait3A_25 = tpu.memref_squeeze %dma_wait3A_24 : memref<1x128xi32, #tpu.memory_space<vmem>> -> memref<128xi32, #tpu.memory_space<vmem>>
    %dma_wait3A_26 = arith.constant 0 : i32
    %dma_wait3A_27 = arith.constant 0 : i32
    %dma_wait3A_28 = tpu.memref_slice %arg3[%dma_wait3A_26, %dma_wait3A_27] : memref<20000x32xf32, #tpu.memory_space<hbm>> -> memref<20000x32xf32, #tpu.memory_space<hbm>>
    tpu.wait_indirect_dma semaphore(%arg14 : memref<!tpu.dma_semaphore, #tpu.memory_space<semaphore_mem>>) src(%dma_wait3A_28 : memref<20000x32xf32, #tpu.memory_space<hbm>>) dst(%arg10 : memref<128x32xf32, #tpu.memory_space<vmem>>)
    %dma_start3A_29 = arith.constant 0 : i32
    %dma_start3A_30 = arith.constant 0 : i32
    %dma_start3A_31 = tpu.memref_slice %arg9[%dma_start3A_29, %dma_start3A_30] : memref<20x128xi32, #tpu.memory_space<vmem>> -> memref<1x128xi32, #tpu.memory_space<vmem>>
    %dma_start3A_32 = tpu.memref_squeeze %dma_start3A_31 : memref<1x128xi32, #tpu.memory_space<vmem>> -> memref<128xi32, #tpu.memory_space<vmem>>
    %dma_start3A_33 = arith.constant 0 : i32
    %dma_start3A_34 = arith.constant 0 : i32
    %dma_start3A_35 = tpu.memref_slice %arg7[%dma_start3A_33, %dma_start3A_34] : memref<10112x32xf32, #tpu.memory_space<vmem_shared>> -> memref<10112x32xf32, #tpu.memory_space<vmem_shared>>
    tpu.enqueue_indirect_dma source(%arg10 : memref<128x32xf32, #tpu.memory_space<vmem>>) target(%dma_start3A_35 : memref<10112x32xf32, #tpu.memory_space<vmem_shared>>) offsets(%dma_start3A_32 : memref<128xi32, #tpu.memory_space<vmem>>) semaphore(%arg18 : memref<!tpu.dma_semaphore, #tpu.memory_space<semaphore_mem>>) {add = true}
    %dma_start3A_36 = arith.constant 3 : i32
    %dma_start3A_37 = arith.constant 0 : i32
    %dma_start3A_38 = tpu.memref_slice %arg8[%dma_start3A_36, %dma_start3A_37] : memref<20x128xi32, #tpu.memory_space<vmem>> -> memref<1x128xi32, #tpu.memory_space<vmem>>
    %dma_start3A_39 = tpu.memref_squeeze %dma_start3A_38 : memref<1x128xi32, #tpu.memory_space<vmem>> -> memref<128xi32, #tpu.memory_space<vmem>>
    %dma_start3A_40 = arith.constant 0 : i32
    %dma_start3A_41 = arith.constant 0 : i32
    %dma_start3A_42 = tpu.memref_slice %arg3[%dma_start3A_40, %dma_start3A_41] : memref<20000x32xf32, #tpu.memory_space<hbm>> -> memref<20000x32xf32, #tpu.memory_space<hbm>>
    tpu.enqueue_indirect_dma source(%dma_start3A_42 : memref<20000x32xf32, #tpu.memory_space<hbm>>) target(%arg13 : memref<128x32xf32, #tpu.memory_space<vmem>>) offsets(%dma_start3A_39 : memref<128xi32, #tpu.memory_space<vmem>>) semaphore(%arg17 : memref<!tpu.dma_semaphore, #tpu.memory_space<semaphore_mem>>)
    %dma_wait3A_43 = arith.constant 0 : i32
    %dma_wait3A_44 = arith.constant 0 : i32
    %dma_wait3A_45 = tpu.memref_slice %arg8[%dma_wait3A_43, %dma_wait3A_44] : memref<20x128xi32, #tpu.memory_space<vmem>> -> memref<1x128xi32, #tpu.memory_space<vmem>>
    %dma_wait3A_46 = tpu.memref_squeeze %dma_wait3A_45 : memref<1x128xi32, #tpu.memory_space<vmem>> -> memref<128xi32, #tpu.memory_space<vmem>>
    %dma_wait3A_47 = arith.constant 0 : i32
    %dma_wait3A_48 = arith.constant 0 : i32
    %dma_wait3A_49 = tpu.memref_slice %arg3[%dma_wait3A_47, %dma_wait3A_48] : memref<20000x32xf32, #tpu.memory_space<hbm>> -> memref<20000x32xf32, #tpu.memory_space<hbm>>
    tpu.wait_indirect_dma semaphore(%arg15 : memref<!tpu.dma_semaphore, #tpu.memory_space<semaphore_mem>>) src(%dma_wait3A_49 : memref<20000x32xf32, #tpu.memory_space<hbm>>) dst(%arg11 : memref<128x32xf32, #tpu.memory_space<vmem>>)
    %dma_start3A_50 = arith.constant 1 : i32
    %dma_start3A_51 = arith.constant 0 : i32
    %dma_start3A_52 = tpu.memref_slice %arg9[%dma_start3A_50, %dma_start3A_51] : memref<20x128xi32, #tpu.memory_space<vmem>> -> memref<1x128xi32, #tpu.memory_space<vmem>>
    %dma_start3A_53 = tpu.memref_squeeze %dma_start3A_52 : memref<1x128xi32, #tpu.memory_space<vmem>> -> memref<128xi32, #tpu.memory_space<vmem>>
    %dma_start3A_54 = arith.constant 0 : i32
    %dma_start3A_55 = arith.constant 0 : i32
    %dma_start3A_56 = tpu.memref_slice %arg7[%dma_start3A_54, %dma_start3A_55] : memref<10112x32xf32, #tpu.memory_space<vmem_shared>> -> memref<10112x32xf32, #tpu.memory_space<vmem_shared>>
    tpu.enqueue_indirect_dma source(%arg11 : memref<128x32xf32, #tpu.memory_space<vmem>>) target(%dma_start3A_56 : memref<10112x32xf32, #tpu.memory_space<vmem_shared>>) offsets(%dma_start3A_53 : memref<128xi32, #tpu.memory_space<vmem>>) semaphore(%arg18 : memref<!tpu.dma_semaphore, #tpu.memory_space<semaphore_mem>>) {add = true}
    %scan3A = arith.constant 0 : i32
    %scan3A_57 = arith.constant 4 : i32
    %scan3A_58 = arith.addi %scan3A, %scan3A_57 : i32
    %scan3A_59 = arith.constant 1 : i32
    scf.for %scan3A_481 = %scan3A to %scan3A_58 step %scan3A_59  : i32 {
      %mul3A_482 = arith.constant 1 : i32
      %mul3A_483 = arith.muli %scan3A_481, %mul3A_482 : i32
      %add3A = arith.constant 0 : i32
      %add3A_484 = arith.addi %add3A, %mul3A_483 : i32
      %dma_wait3A_485 = arith.constant 0 : i32
      %dma_wait3A_486 = arith.constant 0 : i32
      %dma_wait3A_487 = tpu.memref_slice %arg9[%dma_wait3A_485, %dma_wait3A_486] : memref<20x128xi32, #tpu.memory_space<vmem>> -> memref<1x128xi32, #tpu.memory_space<vmem>>
      %dma_wait3A_488 = tpu.memref_squeeze %dma_wait3A_487 : memref<1x128xi32, #tpu.memory_space<vmem>> -> memref<128xi32, #tpu.memory_space<vmem>>
      %dma_wait3A_489 = arith.constant 0 : i32
      %dma_wait3A_490 = arith.constant 0 : i32
      %dma_wait3A_491 = tpu.memref_slice %arg7[%dma_wait3A_489, %dma_wait3A_490] : memref<10112x32xf32, #tpu.memory_space<vmem_shared>> -> memref<10112x32xf32, #tpu.memory_space<vmem_shared>>
      tpu.wait_indirect_dma semaphore(%arg18 : memref<!tpu.dma_semaphore, #tpu.memory_space<semaphore_mem>>) src(%arg10 : memref<128x32xf32, #tpu.memory_space<vmem>>) dst(%dma_wait3A_491 : memref<10112x32xf32, #tpu.memory_space<vmem_shared>>)
      %mul3A_492 = arith.constant 4 : i32
      %mul3A_493 = arith.muli %mul3A_492, %add3A_484 : i32
      %add3A_494 = arith.constant 4 : i32
      %add3A_495 = arith.addi %mul3A_493, %add3A_494 : i32
      %add3A_496 = arith.constant 0 : i32
      %add3A_497 = arith.addi %add3A_495, %add3A_496 : i32
      %dma_start3A_498 = arith.constant 0 : i32
      %dma_start3A_499 = tpu.memref_slice %arg8[%add3A_497, %dma_start3A_498] : memref<20x128xi32, #tpu.memory_space<vmem>> -> memref<1x128xi32, #tpu.memory_space<vmem>>
      %dma_start3A_500 = tpu.memref_squeeze %dma_start3A_499 : memref<1x128xi32, #tpu.memory_space<vmem>> -> memref<128xi32, #tpu.memory_space<vmem>>
      %dma_start3A_501 = arith.constant 0 : i32
      %dma_start3A_502 = arith.constant 0 : i32
      %dma_start3A_503 = tpu.memref_slice %arg3[%dma_start3A_501, %dma_start3A_502] : memref<20000x32xf32, #tpu.memory_space<hbm>> -> memref<20000x32xf32, #tpu.memory_space<hbm>>
      tpu.enqueue_indirect_dma source(%dma_start3A_503 : memref<20000x32xf32, #tpu.memory_space<hbm>>) target(%arg10 : memref<128x32xf32, #tpu.memory_space<vmem>>) offsets(%dma_start3A_500 : memref<128xi32, #tpu.memory_space<vmem>>) semaphore(%arg14 : memref<!tpu.dma_semaphore, #tpu.memory_space<semaphore_mem>>)
      %dma_wait3A_504 = arith.constant 0 : i32
      %dma_wait3A_505 = arith.constant 0 : i32
      %dma_wait3A_506 = tpu.memref_slice %arg8[%dma_wait3A_504, %dma_wait3A_505] : memref<20x128xi32, #tpu.memory_space<vmem>> -> memref<1x128xi32, #tpu.memory_space<vmem>>
      %dma_wait3A_507 = tpu.memref_squeeze %dma_wait3A_506 : memref<1x128xi32, #tpu.memory_space<vmem>> -> memref<128xi32, #tpu.memory_space<vmem>>
      %dma_wait3A_508 = arith.constant 0 : i32
      %dma_wait3A_509 = arith.constant 0 : i32
      %dma_wait3A_510 = tpu.memref_slice %arg3[%dma_wait3A_508, %dma_wait3A_509] : memref<20000x32xf32, #tpu.memory_space<hbm>> -> memref<20000x32xf32, #tpu.memory_space<hbm>>
      tpu.wait_indirect_dma semaphore(%arg16 : memref<!tpu.dma_semaphore, #tpu.memory_space<semaphore_mem>>) src(%dma_wait3A_510 : memref<20000x32xf32, #tpu.memory_space<hbm>>) dst(%arg12 : memref<128x32xf32, #tpu.memory_space<vmem>>)
      %mul3A_511 = arith.constant 4 : i32
      %mul3A_512 = arith.muli %mul3A_511, %add3A_484 : i32
      %add3A_513 = arith.constant 2 : i32
      %add3A_514 = arith.addi %mul3A_512, %add3A_513 : i32
      %add3A_515 = arith.constant 0 : i32
      %add3A_516 = arith.addi %add3A_514, %add3A_515 : i32
      %dma_start3A_517 = arith.constant 0 : i32
      %dma_start3A_518 = tpu.memref_slice %arg9[%add3A_516, %dma_start3A_517] : memref<20x128xi32, #tpu.memory_space<vmem>> -> memref<1x128xi32, #tpu.memory_space<vmem>>
      %dma_start3A_519 = tpu.memref_squeeze %dma_start3A_518 : memref<1x128xi32, #tpu.memory_space<vmem>> -> memref<128xi32, #tpu.memory_space<vmem>>
      %dma_start3A_520 = arith.constant 0 : i32
      %dma_start3A_521 = arith.constant 0 : i32
      %dma_start3A_522 = tpu.memref_slice %arg7[%dma_start3A_520, %dma_start3A_521] : memref<10112x32xf32, #tpu.memory_space<vmem_shared>> -> memref<10112x32xf32, #tpu.memory_space<vmem_shared>>
      tpu.enqueue_indirect_dma source(%arg12 : memref<128x32xf32, #tpu.memory_space<vmem>>) target(%dma_start3A_522 : memref<10112x32xf32, #tpu.memory_space<vmem_shared>>) offsets(%dma_start3A_519 : memref<128xi32, #tpu.memory_space<vmem>>) semaphore(%arg18 : memref<!tpu.dma_semaphore, #tpu.memory_space<semaphore_mem>>) {add = true}
      %dma_wait3A_523 = arith.constant 0 : i32
      %dma_wait3A_524 = arith.constant 0 : i32
      %dma_wait3A_525 = tpu.memref_slice %arg9[%dma_wait3A_523, %dma_wait3A_524] : memref<20x128xi32, #tpu.memory_space<vmem>> -> memref<1x128xi32, #tpu.memory_space<vmem>>
      %dma_wait3A_526 = tpu.memref_squeeze %dma_wait3A_525 : memref<1x128xi32, #tpu.memory_space<vmem>> -> memref<128xi32, #tpu.memory_space<vmem>>
      %dma_wait3A_527 = arith.constant 0 : i32
      %dma_wait3A_528 = arith.constant 0 : i32
      %dma_wait3A_529 = tpu.memref_slice %arg7[%dma_wait3A_527, %dma_wait3A_528] : memref<10112x32xf32, #tpu.memory_space<vmem_shared>> -> memref<10112x32xf32, #tpu.memory_space<vmem_shared>>
      tpu.wait_indirect_dma semaphore(%arg18 : memref<!tpu.dma_semaphore, #tpu.memory_space<semaphore_mem>>) src(%arg10 : memref<128x32xf32, #tpu.memory_space<vmem>>) dst(%dma_wait3A_529 : memref<10112x32xf32, #tpu.memory_space<vmem_shared>>)
      %mul3A_530 = arith.constant 4 : i32
      %mul3A_531 = arith.muli %mul3A_530, %add3A_484 : i32
      %add3A_532 = arith.constant 4 : i32
      %add3A_533 = arith.addi %mul3A_531, %add3A_532 : i32
      %add3A_534 = arith.constant 1 : i32
      %add3A_535 = arith.addi %add3A_533, %add3A_534 : i32
      %dma_start3A_536 = arith.constant 0 : i32
      %dma_start3A_537 = tpu.memref_slice %arg8[%add3A_535, %dma_start3A_536] : memref<20x128xi32, #tpu.memory_space<vmem>> -> memref<1x128xi32, #tpu.memory_space<vmem>>
      %dma_start3A_538 = tpu.memref_squeeze %dma_start3A_537 : memref<1x128xi32, #tpu.memory_space<vmem>> -> memref<128xi32, #tpu.memory_space<vmem>>
      %dma_start3A_539 = arith.constant 0 : i32
      %dma_start3A_540 = arith.constant 0 : i32
      %dma_start3A_541 = tpu.memref_slice %arg3[%dma_start3A_539, %dma_start3A_540] : memref<20000x32xf32, #tpu.memory_space<hbm>> -> memref<20000x32xf32, #tpu.memory_space<hbm>>
      tpu.enqueue_indirect_dma source(%dma_start3A_541 : memref<20000x32xf32, #tpu.memory_space<hbm>>) target(%arg11 : memref<128x32xf32, #tpu.memory_space<vmem>>) offsets(%dma_start3A_538 : memref<128xi32, #tpu.memory_space<vmem>>) semaphore(%arg15 : memref<!tpu.dma_semaphore, #tpu.memory_space<semaphore_mem>>)
      %dma_wait3A_542 = arith.constant 0 : i32
      %dma_wait3A_543 = arith.constant 0 : i32
      %dma_wait3A_544 = tpu.memref_slice %arg8[%dma_wait3A_542, %dma_wait3A_543] : memref<20x128xi32, #tpu.memory_space<vmem>> -> memref<1x128xi32, #tpu.memory_space<vmem>>
      %dma_wait3A_545 = tpu.memref_squeeze %dma_wait3A_544 : memref<1x128xi32, #tpu.memory_space<vmem>> -> memref<128xi32, #tpu.memory_space<vmem>>
      %dma_wait3A_546 = arith.constant 0 : i32
      %dma_wait3A_547 = arith.constant 0 : i32
      %dma_wait3A_548 = tpu.memref_slice %arg3[%dma_wait3A_546, %dma_wait3A_547] : memref<20000x32xf32, #tpu.memory_space<hbm>> -> memref<20000x32xf32, #tpu.memory_space<hbm>>
      tpu.wait_indirect_dma semaphore(%arg17 : memref<!tpu.dma_semaphore, #tpu.memory_space<semaphore_mem>>) src(%dma_wait3A_548 : memref<20000x32xf32, #tpu.memory_space<hbm>>) dst(%arg13 : memref<128x32xf32, #tpu.memory_space<vmem>>)
      %mul3A_549 = arith.constant 4 : i32
      %mul3A_550 = arith.muli %mul3A_549, %add3A_484 : i32
      %add3A_551 = arith.constant 2 : i32
      %add3A_552 = arith.addi %mul3A_550, %add3A_551 : i32
      %add3A_553 = arith.constant 1 : i32
      %add3A_554 = arith.addi %add3A_552, %add3A_553 : i32
      %dma_start3A_555 = arith.constant 0 : i32
      %dma_start3A_556 = tpu.memref_slice %arg9[%add3A_554, %dma_start3A_555] : memref<20x128xi32, #tpu.memory_space<vmem>> -> memref<1x128xi32, #tpu.memory_space<vmem>>
      %dma_start3A_557 = tpu.memref_squeeze %dma_start3A_556 : memref<1x128xi32, #tpu.memory_space<vmem>> -> memref<128xi32, #tpu.memory_space<vmem>>
      %dma_start3A_558 = arith.constant 0 : i32
      %dma_start3A_559 = arith.constant 0 : i32
      %dma_start3A_560 = tpu.memref_slice %arg7[%dma_start3A_558, %dma_start3A_559] : memref<10112x32xf32, #tpu.memory_space<vmem_shared>> -> memref<10112x32xf32, #tpu.memory_space<vmem_shared>>
      tpu.enqueue_indirect_dma source(%arg13 : memref<128x32xf32, #tpu.memory_space<vmem>>) target(%dma_start3A_560 : memref<10112x32xf32, #tpu.memory_space<vmem_shared>>) offsets(%dma_start3A_557 : memref<128xi32, #tpu.memory_space<vmem>>) semaphore(%arg18 : memref<!tpu.dma_semaphore, #tpu.memory_space<semaphore_mem>>) {add = true}
      %dma_wait3A_561 = arith.constant 0 : i32
      %dma_wait3A_562 = arith.constant 0 : i32
      %dma_wait3A_563 = tpu.memref_slice %arg9[%dma_wait3A_561, %dma_wait3A_562] : memref<20x128xi32, #tpu.memory_space<vmem>> -> memref<1x128xi32, #tpu.memory_space<vmem>>
      %dma_wait3A_564 = tpu.memref_squeeze %dma_wait3A_563 : memref<1x128xi32, #tpu.memory_space<vmem>> -> memref<128xi32, #tpu.memory_space<vmem>>
      %dma_wait3A_565 = arith.constant 0 : i32
      %dma_wait3A_566 = arith.constant 0 : i32
      %dma_wait3A_567 = tpu.memref_slice %arg7[%dma_wait3A_565, %dma_wait3A_566] : memref<10112x32xf32, #tpu.memory_space<vmem_shared>> -> memref<10112x32xf32, #tpu.memory_space<vmem_shared>>
      tpu.wait_indirect_dma semaphore(%arg18 : memref<!tpu.dma_semaphore, #tpu.memory_space<semaphore_mem>>) src(%arg10 : memref<128x32xf32, #tpu.memory_space<vmem>>) dst(%dma_wait3A_567 : memref<10112x32xf32, #tpu.memory_space<vmem_shared>>)
      %mul3A_568 = arith.constant 4 : i32
      %mul3A_569 = arith.muli %mul3A_568, %add3A_484 : i32
      %add3A_570 = arith.constant 4 : i32
      %add3A_571 = arith.addi %mul3A_569, %add3A_570 : i32
      %add3A_572 = arith.constant 2 : i32
      %add3A_573 = arith.addi %add3A_571, %add3A_572 : i32
      %dma_start3A_574 = arith.constant 0 : i32
      %dma_start3A_575 = tpu.memref_slice %arg8[%add3A_573, %dma_start3A_574] : memref<20x128xi32, #tpu.memory_space<vmem>> -> memref<1x128xi32, #tpu.memory_space<vmem>>
      %dma_start3A_576 = tpu.memref_squeeze %dma_start3A_575 : memref<1x128xi32, #tpu.memory_space<vmem>> -> memref<128xi32, #tpu.memory_space<vmem>>
      %dma_start3A_577 = arith.constant 0 : i32
      %dma_start3A_578 = arith.constant 0 : i32
      %dma_start3A_579 = tpu.memref_slice %arg3[%dma_start3A_577, %dma_start3A_578] : memref<20000x32xf32, #tpu.memory_space<hbm>> -> memref<20000x32xf32, #tpu.memory_space<hbm>>
      tpu.enqueue_indirect_dma source(%dma_start3A_579 : memref<20000x32xf32, #tpu.memory_space<hbm>>) target(%arg12 : memref<128x32xf32, #tpu.memory_space<vmem>>) offsets(%dma_start3A_576 : memref<128xi32, #tpu.memory_space<vmem>>) semaphore(%arg16 : memref<!tpu.dma_semaphore, #tpu.memory_space<semaphore_mem>>)
      %dma_wait3A_580 = arith.constant 0 : i32
      %dma_wait3A_581 = arith.constant 0 : i32
      %dma_wait3A_582 = tpu.memref_slice %arg8[%dma_wait3A_580, %dma_wait3A_581] : memref<20x128xi32, #tpu.memory_space<vmem>> -> memref<1x128xi32, #tpu.memory_space<vmem>>
      %dma_wait3A_583 = tpu.memref_squeeze %dma_wait3A_582 : memref<1x128xi32, #tpu.memory_space<vmem>> -> memref<128xi32, #tpu.memory_space<vmem>>
      %dma_wait3A_584 = arith.constant 0 : i32
      %dma_wait3A_585 = arith.constant 0 : i32
      %dma_wait3A_586 = tpu.memref_slice %arg3[%dma_wait3A_584, %dma_wait3A_585] : memref<20000x32xf32, #tpu.memory_space<hbm>> -> memref<20000x32xf32, #tpu.memory_space<hbm>>
      tpu.wait_indirect_dma semaphore(%arg14 : memref<!tpu.dma_semaphore, #tpu.memory_space<semaphore_mem>>) src(%dma_wait3A_586 : memref<20000x32xf32, #tpu.memory_space<hbm>>) dst(%arg10 : memref<128x32xf32, #tpu.memory_space<vmem>>)
      %mul3A_587 = arith.constant 4 : i32
      %mul3A_588 = arith.muli %mul3A_587, %add3A_484 : i32
      %add3A_589 = arith.constant 2 : i32
      %add3A_590 = arith.addi %mul3A_588, %add3A_589 : i32
      %add3A_591 = arith.constant 2 : i32
      %add3A_592 = arith.addi %add3A_590, %add3A_591 : i32
      %dma_start3A_593 = arith.constant 0 : i32
      %dma_start3A_594 = tpu.memref_slice %arg9[%add3A_592, %dma_start3A_593] : memref<20x128xi32, #tpu.memory_space<vmem>> -> memref<1x128xi32, #tpu.memory_space<vmem>>
      %dma_start3A_595 = tpu.memref_squeeze %dma_start3A_594 : memref<1x128xi32, #tpu.memory_space<vmem>> -> memref<128xi32, #tpu.memory_space<vmem>>
      %dma_start3A_596 = arith.constant 0 : i32
      %dma_start3A_597 = arith.constant 0 : i32
      %dma_start3A_598 = tpu.memref_slice %arg7[%dma_start3A_596, %dma_start3A_597] : memref<10112x32xf32, #tpu.memory_space<vmem_shared>> -> memref<10112x32xf32, #tpu.memory_space<vmem_shared>>
      tpu.enqueue_indirect_dma source(%arg10 : memref<128x32xf32, #tpu.memory_space<vmem>>) target(%dma_start3A_598 : memref<10112x32xf32, #tpu.memory_space<vmem_shared>>) offsets(%dma_start3A_595 : memref<128xi32, #tpu.memory_space<vmem>>) semaphore(%arg18 : memref<!tpu.dma_semaphore, #tpu.memory_space<semaphore_mem>>) {add = true}
      %dma_wait3A_599 = arith.constant 0 : i32
      %dma_wait3A_600 = arith.constant 0 : i32
      %dma_wait3A_601 = tpu.memref_slice %arg9[%dma_wait3A_599, %dma_wait3A_600] : memref<20x128xi32, #tpu.memory_space<vmem>> -> memref<1x128xi32, #tpu.memory_space<vmem>>
      %dma_wait3A_602 = tpu.memref_squeeze %dma_wait3A_601 : memref<1x128xi32, #tpu.memory_space<vmem>> -> memref<128xi32, #tpu.memory_space<vmem>>
      %dma_wait3A_603 = arith.constant 0 : i32
      %dma_wait3A_604 = arith.constant 0 : i32
      %dma_wait3A_605 = tpu.memref_slice %arg7[%dma_wait3A_603, %dma_wait3A_604] : memref<10112x32xf32, #tpu.memory_space<vmem_shared>> -> memref<10112x32xf32, #tpu.memory_space<vmem_shared>>
      tpu.wait_indirect_dma semaphore(%arg18 : memref<!tpu.dma_semaphore, #tpu.memory_space<semaphore_mem>>) src(%arg10 : memref<128x32xf32, #tpu.memory_space<vmem>>) dst(%dma_wait3A_605 : memref<10112x32xf32, #tpu.memory_space<vmem_shared>>)
      %mul3A_606 = arith.constant 4 : i32
      %mul3A_607 = arith.muli %mul3A_606, %add3A_484 : i32
      %add3A_608 = arith.constant 4 : i32
      %add3A_609 = arith.addi %mul3A_607, %add3A_608 : i32
      %add3A_610 = arith.constant 3 : i32
      %add3A_611 = arith.addi %add3A_609, %add3A_610 : i32
      %dma_start3A_612 = arith.constant 0 : i32
      %dma_start3A_613 = tpu.memref_slice %arg8[%add3A_611, %dma_start3A_612] : memref<20x128xi32, #tpu.memory_space<vmem>> -> memref<1x128xi32, #tpu.memory_space<vmem>>
      %dma_start3A_614 = tpu.memref_squeeze %dma_start3A_613 : memref<1x128xi32, #tpu.memory_space<vmem>> -> memref<128xi32, #tpu.memory_space<vmem>>
      %dma_start3A_615 = arith.constant 0 : i32
      %dma_start3A_616 = arith.constant 0 : i32
      %dma_start3A_617 = tpu.memref_slice %arg3[%dma_start3A_615, %dma_start3A_616] : memref<20000x32xf32, #tpu.memory_space<hbm>> -> memref<20000x32xf32, #tpu.memory_space<hbm>>
      tpu.enqueue_indirect_dma source(%dma_start3A_617 : memref<20000x32xf32, #tpu.memory_space<hbm>>) target(%arg13 : memref<128x32xf32, #tpu.memory_space<vmem>>) offsets(%dma_start3A_614 : memref<128xi32, #tpu.memory_space<vmem>>) semaphore(%arg17 : memref<!tpu.dma_semaphore, #tpu.memory_space<semaphore_mem>>)
      %dma_wait3A_618 = arith.constant 0 : i32
      %dma_wait3A_619 = arith.constant 0 : i32
      %dma_wait3A_620 = tpu.memref_slice %arg8[%dma_wait3A_618, %dma_wait3A_619] : memref<20x128xi32, #tpu.memory_space<vmem>> -> memref<1x128xi32, #tpu.memory_space<vmem>>
      %dma_wait3A_621 = tpu.memref_squeeze %dma_wait3A_620 : memref<1x128xi32, #tpu.memory_space<vmem>> -> memref<128xi32, #tpu.memory_space<vmem>>
      %dma_wait3A_622 = arith.constant 0 : i32
      %dma_wait3A_623 = arith.constant 0 : i32
      %dma_wait3A_624 = tpu.memref_slice %arg3[%dma_wait3A_622, %dma_wait3A_623] : memref<20000x32xf32, #tpu.memory_space<hbm>> -> memref<20000x32xf32, #tpu.memory_space<hbm>>
      tpu.wait_indirect_dma semaphore(%arg15 : memref<!tpu.dma_semaphore, #tpu.memory_space<semaphore_mem>>) src(%dma_wait3A_624 : memref<20000x32xf32, #tpu.memory_space<hbm>>) dst(%arg11 : memref<128x32xf32, #tpu.memory_space<vmem>>)
      %mul3A_625 = arith.constant 4 : i32
      %mul3A_626 = arith.muli %mul3A_625, %add3A_484 : i32
      %add3A_627 = arith.constant 2 : i32
      %add3A_628 = arith.addi %mul3A_626, %add3A_627 : i32
      %add3A_629 = arith.constant 3 : i32
      %add3A_630 = arith.addi %add3A_628, %add3A_629 : i32
      %dma_start3A_631 = arith.constant 0 : i32
      %dma_start3A_632 = tpu.memref_slice %arg9[%add3A_630, %dma_start3A_631] : memref<20x128xi32, #tpu.memory_space<vmem>> -> memref<1x128xi32, #tpu.memory_space<vmem>>
      %dma_start3A_633 = tpu.memref_squeeze %dma_start3A_632 : memref<1x128xi32, #tpu.memory_space<vmem>> -> memref<128xi32, #tpu.memory_space<vmem>>
      %dma_start3A_634 = arith.constant 0 : i32
      %dma_start3A_635 = arith.constant 0 : i32
      %dma_start3A_636 = tpu.memref_slice %arg7[%dma_start3A_634, %dma_start3A_635] : memref<10112x32xf32, #tpu.memory_space<vmem_shared>> -> memref<10112x32xf32, #tpu.memory_space<vmem_shared>>
      tpu.enqueue_indirect_dma source(%arg11 : memref<128x32xf32, #tpu.memory_space<vmem>>) target(%dma_start3A_636 : memref<10112x32xf32, #tpu.memory_space<vmem_shared>>) offsets(%dma_start3A_633 : memref<128xi32, #tpu.memory_space<vmem>>) semaphore(%arg18 : memref<!tpu.dma_semaphore, #tpu.memory_space<semaphore_mem>>) {add = true}
    }
    %scan3A_60 = arith.constant 4 : i32
    %dma_wait3A_61 = arith.constant 0 : i32
    %dma_wait3A_62 = arith.constant 0 : i32
    %dma_wait3A_63 = tpu.memref_slice %arg9[%dma_wait3A_61, %dma_wait3A_62] : memref<20x128xi32, #tpu.memory_space<vmem>> -> memref<1x128xi32, #tpu.memory_space<vmem>>
    %dma_wait3A_64 = tpu.memref_squeeze %dma_wait3A_63 : memref<1x128xi32, #tpu.memory_space<vmem>> -> memref<128xi32, #tpu.memory_space<vmem>>
    %dma_wait3A_65 = arith.constant 0 : i32
    %dma_wait3A_66 = arith.constant 0 : i32
    %dma_wait3A_67 = tpu.memref_slice %arg7[%dma_wait3A_65, %dma_wait3A_66] : memref<10112x32xf32, #tpu.memory_space<vmem_shared>> -> memref<10112x32xf32, #tpu.memory_space<vmem_shared>>
    tpu.wait_indirect_dma semaphore(%arg18 : memref<!tpu.dma_semaphore, #tpu.memory_space<semaphore_mem>>) src(%arg10 : memref<128x32xf32, #tpu.memory_space<vmem>>) dst(%dma_wait3A_67 : memref<10112x32xf32, #tpu.memory_space<vmem_shared>>)
    %dma_wait3A_68 = arith.constant 0 : i32
    %dma_wait3A_69 = arith.constant 0 : i32
    %dma_wait3A_70 = tpu.memref_slice %arg8[%dma_wait3A_68, %dma_wait3A_69] : memref<20x128xi32, #tpu.memory_space<vmem>> -> memref<1x128xi32, #tpu.memory_space<vmem>>
    %dma_wait3A_71 = tpu.memref_squeeze %dma_wait3A_70 : memref<1x128xi32, #tpu.memory_space<vmem>> -> memref<128xi32, #tpu.memory_space<vmem>>
    %dma_wait3A_72 = arith.constant 0 : i32
    %dma_wait3A_73 = arith.constant 0 : i32
    %dma_wait3A_74 = tpu.memref_slice %arg3[%dma_wait3A_72, %dma_wait3A_73] : memref<20000x32xf32, #tpu.memory_space<hbm>> -> memref<20000x32xf32, #tpu.memory_space<hbm>>
    tpu.wait_indirect_dma semaphore(%arg16 : memref<!tpu.dma_semaphore, #tpu.memory_space<semaphore_mem>>) src(%dma_wait3A_74 : memref<20000x32xf32, #tpu.memory_space<hbm>>) dst(%arg12 : memref<128x32xf32, #tpu.memory_space<vmem>>)
    %dma_start3A_75 = arith.constant 18 : i32
    %dma_start3A_76 = arith.constant 0 : i32
    %dma_start3A_77 = tpu.memref_slice %arg9[%dma_start3A_75, %dma_start3A_76] : memref<20x128xi32, #tpu.memory_space<vmem>> -> memref<1x128xi32, #tpu.memory_space<vmem>>
    %dma_start3A_78 = tpu.memref_squeeze %dma_start3A_77 : memref<1x128xi32, #tpu.memory_space<vmem>> -> memref<128xi32, #tpu.memory_space<vmem>>
    %dma_start3A_79 = arith.constant 0 : i32
    %dma_start3A_80 = arith.constant 0 : i32
    %dma_start3A_81 = tpu.memref_slice %arg7[%dma_start3A_79, %dma_start3A_80] : memref<10112x32xf32, #tpu.memory_space<vmem_shared>> -> memref<10112x32xf32, #tpu.memory_space<vmem_shared>>
    tpu.enqueue_indirect_dma source(%arg12 : memref<128x32xf32, #tpu.memory_space<vmem>>) target(%dma_start3A_81 : memref<10112x32xf32, #tpu.memory_space<vmem_shared>>) offsets(%dma_start3A_78 : memref<128xi32, #tpu.memory_space<vmem>>) semaphore(%arg18 : memref<!tpu.dma_semaphore, #tpu.memory_space<semaphore_mem>>) {add = true}
    %dma_wait3A_82 = arith.constant 0 : i32
    %dma_wait3A_83 = arith.constant 0 : i32
    %dma_wait3A_84 = tpu.memref_slice %arg9[%dma_wait3A_82, %dma_wait3A_83] : memref<20x128xi32, #tpu.memory_space<vmem>> -> memref<1x128xi32, #tpu.memory_space<vmem>>
    %dma_wait3A_85 = tpu.memref_squeeze %dma_wait3A_84 : memref<1x128xi32, #tpu.memory_space<vmem>> -> memref<128xi32, #tpu.memory_space<vmem>>
    %dma_wait3A_86 = arith.constant 0 : i32
    %dma_wait3A_87 = arith.constant 0 : i32
    %dma_wait3A_88 = tpu.memref_slice %arg7[%dma_wait3A_86, %dma_wait3A_87] : memref<10112x32xf32, #tpu.memory_space<vmem_shared>> -> memref<10112x32xf32, #tpu.memory_space<vmem_shared>>
    tpu.wait_indirect_dma semaphore(%arg18 : memref<!tpu.dma_semaphore, #tpu.memory_space<semaphore_mem>>) src(%arg10 : memref<128x32xf32, #tpu.memory_space<vmem>>) dst(%dma_wait3A_88 : memref<10112x32xf32, #tpu.memory_space<vmem_shared>>)
    %dma_wait3A_89 = arith.constant 0 : i32
    %dma_wait3A_90 = arith.constant 0 : i32
    %dma_wait3A_91 = tpu.memref_slice %arg8[%dma_wait3A_89, %dma_wait3A_90] : memref<20x128xi32, #tpu.memory_space<vmem>> -> memref<1x128xi32, #tpu.memory_space<vmem>>
    %dma_wait3A_92 = tpu.memref_squeeze %dma_wait3A_91 : memref<1x128xi32, #tpu.memory_space<vmem>> -> memref<128xi32, #tpu.memory_space<vmem>>
    %dma_wait3A_93 = arith.constant 0 : i32
    %dma_wait3A_94 = arith.constant 0 : i32
    %dma_wait3A_95 = tpu.memref_slice %arg3[%dma_wait3A_93, %dma_wait3A_94] : memref<20000x32xf32, #tpu.memory_space<hbm>> -> memref<20000x32xf32, #tpu.memory_space<hbm>>
    tpu.wait_indirect_dma semaphore(%arg17 : memref<!tpu.dma_semaphore, #tpu.memory_space<semaphore_mem>>) src(%dma_wait3A_95 : memref<20000x32xf32, #tpu.memory_space<hbm>>) dst(%arg13 : memref<128x32xf32, #tpu.memory_space<vmem>>)
    %dma_start3A_96 = arith.constant 19 : i32
    %dma_start3A_97 = arith.constant 0 : i32
    %dma_start3A_98 = tpu.memref_slice %arg9[%dma_start3A_96, %dma_start3A_97] : memref<20x128xi32, #tpu.memory_space<vmem>> -> memref<1x128xi32, #tpu.memory_space<vmem>>
    %dma_start3A_99 = tpu.memref_squeeze %dma_start3A_98 : memref<1x128xi32, #tpu.memory_space<vmem>> -> memref<128xi32, #tpu.memory_space<vmem>>
    %dma_start3A_100 = arith.constant 0 : i32
    %dma_start3A_101 = arith.constant 0 : i32
    %dma_start3A_102 = tpu.memref_slice %arg7[%dma_start3A_100, %dma_start3A_101] : memref<10112x32xf32, #tpu.memory_space<vmem_shared>> -> memref<10112x32xf32, #tpu.memory_space<vmem_shared>>
    tpu.enqueue_indirect_dma source(%arg13 : memref<128x32xf32, #tpu.memory_space<vmem>>) target(%dma_start3A_102 : memref<10112x32xf32, #tpu.memory_space<vmem_shared>>) offsets(%dma_start3A_99 : memref<128xi32, #tpu.memory_space<vmem>>) semaphore(%arg18 : memref<!tpu.dma_semaphore, #tpu.memory_space<semaphore_mem>>) {add = true}
    %dma_wait3A_103 = arith.constant 0 : i32
    %dma_wait3A_104 = arith.constant 0 : i32
    %dma_wait3A_105 = tpu.memref_slice %arg9[%dma_wait3A_103, %dma_wait3A_104] : memref<20x128xi32, #tpu.memory_space<vmem>> -> memref<1x128xi32, #tpu.memory_space<vmem>>
    %dma_wait3A_106 = tpu.memref_squeeze %dma_wait3A_105 : memref<1x128xi32, #tpu.memory_space<vmem>> -> memref<128xi32, #tpu.memory_space<vmem>>
    %dma_wait3A_107 = arith.constant 0 : i32
    %dma_wait3A_108 = arith.constant 0 : i32
    %dma_wait3A_109 = tpu.memref_slice %arg7[%dma_wait3A_107, %dma_wait3A_108] : memref<10112x32xf32, #tpu.memory_space<vmem_shared>> -> memref<10112x32xf32, #tpu.memory_space<vmem_shared>>
    tpu.wait_indirect_dma semaphore(%arg18 : memref<!tpu.dma_semaphore, #tpu.memory_space<semaphore_mem>>) src(%arg10 : memref<128x32xf32, #tpu.memory_space<vmem>>) dst(%dma_wait3A_109 : memref<10112x32xf32, #tpu.memory_space<vmem_shared>>)
    %dma_wait3A_110 = arith.constant 0 : i32
    %dma_wait3A_111 = arith.constant 0 : i32
    %dma_wait3A_112 = tpu.memref_slice %arg9[%dma_wait3A_110, %dma_wait3A_111] : memref<20x128xi32, #tpu.memory_space<vmem>> -> memref<1x128xi32, #tpu.memory_space<vmem>>
    %dma_wait3A_113 = tpu.memref_squeeze %dma_wait3A_112 : memref<1x128xi32, #tpu.memory_space<vmem>> -> memref<128xi32, #tpu.memory_space<vmem>>
    %dma_wait3A_114 = arith.constant 0 : i32
    %dma_wait3A_115 = arith.constant 0 : i32
    %dma_wait3A_116 = tpu.memref_slice %arg7[%dma_wait3A_114, %dma_wait3A_115] : memref<10112x32xf32, #tpu.memory_space<vmem_shared>> -> memref<10112x32xf32, #tpu.memory_space<vmem_shared>>
    tpu.wait_indirect_dma semaphore(%arg18 : memref<!tpu.dma_semaphore, #tpu.memory_space<semaphore_mem>>) src(%arg10 : memref<128x32xf32, #tpu.memory_space<vmem>>) dst(%dma_wait3A_116 : memref<10112x32xf32, #tpu.memory_space<vmem_shared>>)
    %run_scoped3A_117 = arith.constant 1 : i32
    "tpu.region"() ({
      %run_scoped3A_481 = tpu.sem_alloc : memref<!tpu.dma_semaphore, #tpu.memory_space<semaphore_mem>>
      %dma_start3A_482 = arith.constant 0 : i32
      %dma_start3A_483 = arith.constant 0 : i32
      %dma_start3A_484 = tpu.memref_slice %arg4[%arg0, %arg1, %run_scoped3A_117, %dma_start3A_482, %dma_start3A_483] : memref<2x16x4x20x128xi32, #tpu.memory_space<hbm>> -> memref<1x1x1x20x128xi32, #tpu.memory_space<hbm>>
      %dma_start3A_485 = tpu.memref_squeeze %dma_start3A_484 : memref<1x1x1x20x128xi32, #tpu.memory_space<hbm>> -> memref<20x128xi32, #tpu.memory_space<hbm>>
      %dma_start3A_486 = arith.constant 0 : i32
      %dma_start3A_487 = arith.constant 0 : i32
      %dma_start3A_488 = tpu.memref_slice %arg4[%arg0, %arg1, %run_scoped3A_117, %dma_start3A_486, %dma_start3A_487] : memref<2x16x4x20x128xi32, #tpu.memory_space<hbm>> -> memref<1x1x1x20x128xi32, #tpu.memory_space<hbm>>
      %dma_start3A_489 = tpu.memref_squeeze %dma_start3A_488 : memref<1x1x1x20x128xi32, #tpu.memory_space<hbm>> -> memref<20x128xi32, #tpu.memory_space<hbm>>
      tpu.enqueue_dma source(%dma_start3A_489 : memref<20x128xi32, #tpu.memory_space<hbm>>) target(%arg8 : memref<20x128xi32, #tpu.memory_space<vmem>>) target_semaphore(%run_scoped3A_481 : memref<!tpu.dma_semaphore, #tpu.memory_space<semaphore_mem>>)
      %dma_wait3A_490 = arith.constant 0 : i32
      %dma_wait3A_491 = arith.constant 0 : i32
      %dma_wait3A_492 = tpu.memref_slice %arg4[%arg0, %arg1, %run_scoped3A_117, %dma_wait3A_490, %dma_wait3A_491] : memref<2x16x4x20x128xi32, #tpu.memory_space<hbm>> -> memref<1x1x1x20x128xi32, #tpu.memory_space<hbm>>
      %dma_wait3A_493 = tpu.memref_squeeze %dma_wait3A_492 : memref<1x1x1x20x128xi32, #tpu.memory_space<hbm>> -> memref<20x128xi32, #tpu.memory_space<hbm>>
      %dma_wait3A_494 = arith.constant 0 : i32
      %dma_wait3A_495 = arith.constant 0 : i32
      %dma_wait3A_496 = tpu.memref_slice %arg4[%arg0, %arg1, %run_scoped3A_117, %dma_wait3A_494, %dma_wait3A_495] : memref<2x16x4x20x128xi32, #tpu.memory_space<hbm>> -> memref<1x1x1x20x128xi32, #tpu.memory_space<hbm>>
      %dma_wait3A_497 = tpu.memref_squeeze %dma_wait3A_496 : memref<1x1x1x20x128xi32, #tpu.memory_space<hbm>> -> memref<20x128xi32, #tpu.memory_space<hbm>>
      tpu.wait_dma2 semaphore(%run_scoped3A_481 : memref<!tpu.dma_semaphore, #tpu.memory_space<semaphore_mem>>) src(%dma_wait3A_497 : memref<20x128xi32, #tpu.memory_space<hbm>>) dst(%arg8 : memref<20x128xi32, #tpu.memory_space<vmem>>)
      tpu.yield
    }) : () -> ()
    %run_scoped3A_118 = arith.constant 1 : i32
    "tpu.region"() ({
      %run_scoped3A_481 = tpu.sem_alloc : memref<!tpu.dma_semaphore, #tpu.memory_space<semaphore_mem>>
      %dma_start3A_482 = arith.constant 0 : i32
      %dma_start3A_483 = arith.constant 0 : i32
      %dma_start3A_484 = tpu.memref_slice %arg5[%arg1, %run_scoped3A_118, %dma_start3A_482, %dma_start3A_483] : memref<16x4x20x128xi32, #tpu.memory_space<hbm>> -> memref<1x1x20x128xi32, #tpu.memory_space<hbm>>
      %dma_start3A_485 = tpu.memref_squeeze %dma_start3A_484 : memref<1x1x20x128xi32, #tpu.memory_space<hbm>> -> memref<20x128xi32, #tpu.memory_space<hbm>>
      %dma_start3A_486 = arith.constant 0 : i32
      %dma_start3A_487 = arith.constant 0 : i32
      %dma_start3A_488 = tpu.memref_slice %arg5[%arg1, %run_scoped3A_118, %dma_start3A_486, %dma_start3A_487] : memref<16x4x20x128xi32, #tpu.memory_space<hbm>> -> memref<1x1x20x128xi32, #tpu.memory_space<hbm>>
      %dma_start3A_489 = tpu.memref_squeeze %dma_start3A_488 : memref<1x1x20x128xi32, #tpu.memory_space<hbm>> -> memref<20x128xi32, #tpu.memory_space<hbm>>
      tpu.enqueue_dma source(%dma_start3A_489 : memref<20x128xi32, #tpu.memory_space<hbm>>) target(%arg9 : memref<20x128xi32, #tpu.memory_space<vmem>>) target_semaphore(%run_scoped3A_481 : memref<!tpu.dma_semaphore, #tpu.memory_space<semaphore_mem>>)
      %dma_wait3A_490 = arith.constant 0 : i32
      %dma_wait3A_491 = arith.constant 0 : i32
      %dma_wait3A_492 = tpu.memref_slice %arg5[%arg1, %run_scoped3A_118, %dma_wait3A_490, %dma_wait3A_491] : memref<16x4x20x128xi32, #tpu.memory_space<hbm>> -> memref<1x1x20x128xi32, #tpu.memory_space<hbm>>
      %dma_wait3A_493 = tpu.memref_squeeze %dma_wait3A_492 : memref<1x1x20x128xi32, #tpu.memory_space<hbm>> -> memref<20x128xi32, #tpu.memory_space<hbm>>
      %dma_wait3A_494 = arith.constant 0 : i32
      %dma_wait3A_495 = arith.constant 0 : i32
      %dma_wait3A_496 = tpu.memref_slice %arg5[%arg1, %run_scoped3A_118, %dma_wait3A_494, %dma_wait3A_495] : memref<16x4x20x128xi32, #tpu.memory_space<hbm>> -> memref<1x1x20x128xi32, #tpu.memory_space<hbm>>
      %dma_wait3A_497 = tpu.memref_squeeze %dma_wait3A_496 : memref<1x1x20x128xi32, #tpu.memory_space<hbm>> -> memref<20x128xi32, #tpu.memory_space<hbm>>
      tpu.wait_dma2 semaphore(%run_scoped3A_481 : memref<!tpu.dma_semaphore, #tpu.memory_space<semaphore_mem>>) src(%dma_wait3A_497 : memref<20x128xi32, #tpu.memory_space<hbm>>) dst(%arg9 : memref<20x128xi32, #tpu.memory_space<vmem>>)
      tpu.yield
    }) : () -> ()
    %eq3A_119 = arith.constant 0 : i32
    %eq3A_120 = arith.cmpi eq, %arg0, %eq3A_119 : i32
    %dma_start3A_121 = arith.constant 0 : i32
    %dma_start3A_122 = arith.constant 0 : i32
    %dma_start3A_123 = tpu.memref_slice %arg8[%dma_start3A_121, %dma_start3A_122] : memref<20x128xi32, #tpu.memory_space<vmem>> -> memref<1x128xi32, #tpu.memory_space<vmem>>
    %dma_start3A_124 = tpu.memref_squeeze %dma_start3A_123 : memref<1x128xi32, #tpu.memory_space<vmem>> -> memref<128xi32, #tpu.memory_space<vmem>>
    %dma_start3A_125 = arith.constant 0 : i32
    %dma_start3A_126 = arith.constant 0 : i32
    %dma_start3A_127 = tpu.memref_slice %arg3[%dma_start3A_125, %dma_start3A_126] : memref<20000x32xf32, #tpu.memory_space<hbm>> -> memref<20000x32xf32, #tpu.memory_space<hbm>>
    tpu.enqueue_indirect_dma source(%dma_start3A_127 : memref<20000x32xf32, #tpu.memory_space<hbm>>) target(%arg10 : memref<128x32xf32, #tpu.memory_space<vmem>>) offsets(%dma_start3A_124 : memref<128xi32, #tpu.memory_space<vmem>>) semaphore(%arg14 : memref<!tpu.dma_semaphore, #tpu.memory_space<semaphore_mem>>)
    %dma_start3A_128 = arith.constant 1 : i32
    %dma_start3A_129 = arith.constant 0 : i32
    %dma_start3A_130 = tpu.memref_slice %arg8[%dma_start3A_128, %dma_start3A_129] : memref<20x128xi32, #tpu.memory_space<vmem>> -> memref<1x128xi32, #tpu.memory_space<vmem>>
    %dma_start3A_131 = tpu.memref_squeeze %dma_start3A_130 : memref<1x128xi32, #tpu.memory_space<vmem>> -> memref<128xi32, #tpu.memory_space<vmem>>
    %dma_start3A_132 = arith.constant 0 : i32
    %dma_start3A_133 = arith.constant 0 : i32
    %dma_start3A_134 = tpu.memref_slice %arg3[%dma_start3A_132, %dma_start3A_133] : memref<20000x32xf32, #tpu.memory_space<hbm>> -> memref<20000x32xf32, #tpu.memory_space<hbm>>
    tpu.enqueue_indirect_dma source(%dma_start3A_134 : memref<20000x32xf32, #tpu.memory_space<hbm>>) target(%arg11 : memref<128x32xf32, #tpu.memory_space<vmem>>) offsets(%dma_start3A_131 : memref<128xi32, #tpu.memory_space<vmem>>) semaphore(%arg15 : memref<!tpu.dma_semaphore, #tpu.memory_space<semaphore_mem>>)
    %dma_start3A_135 = arith.constant 2 : i32
    %dma_start3A_136 = arith.constant 0 : i32
    %dma_start3A_137 = tpu.memref_slice %arg8[%dma_start3A_135, %dma_start3A_136] : memref<20x128xi32, #tpu.memory_space<vmem>> -> memref<1x128xi32, #tpu.memory_space<vmem>>
    %dma_start3A_138 = tpu.memref_squeeze %dma_start3A_137 : memref<1x128xi32, #tpu.memory_space<vmem>> -> memref<128xi32, #tpu.memory_space<vmem>>
    %dma_start3A_139 = arith.constant 0 : i32
    %dma_start3A_140 = arith.constant 0 : i32
    %dma_start3A_141 = tpu.memref_slice %arg3[%dma_start3A_139, %dma_start3A_140] : memref<20000x32xf32, #tpu.memory_space<hbm>> -> memref<20000x32xf32, #tpu.memory_space<hbm>>
    tpu.enqueue_indirect_dma source(%dma_start3A_141 : memref<20000x32xf32, #tpu.memory_space<hbm>>) target(%arg12 : memref<128x32xf32, #tpu.memory_space<vmem>>) offsets(%dma_start3A_138 : memref<128xi32, #tpu.memory_space<vmem>>) semaphore(%arg16 : memref<!tpu.dma_semaphore, #tpu.memory_space<semaphore_mem>>)
    %dma_wait3A_142 = arith.constant 0 : i32
    %dma_wait3A_143 = arith.constant 0 : i32
    %dma_wait3A_144 = tpu.memref_slice %arg8[%dma_wait3A_142, %dma_wait3A_143] : memref<20x128xi32, #tpu.memory_space<vmem>> -> memref<1x128xi32, #tpu.memory_space<vmem>>
    %dma_wait3A_145 = tpu.memref_squeeze %dma_wait3A_144 : memref<1x128xi32, #tpu.memory_space<vmem>> -> memref<128xi32, #tpu.memory_space<vmem>>
    %dma_wait3A_146 = arith.constant 0 : i32
    %dma_wait3A_147 = arith.constant 0 : i32
    %dma_wait3A_148 = tpu.memref_slice %arg3[%dma_wait3A_146, %dma_wait3A_147] : memref<20000x32xf32, #tpu.memory_space<hbm>> -> memref<20000x32xf32, #tpu.memory_space<hbm>>
    tpu.wait_indirect_dma semaphore(%arg14 : memref<!tpu.dma_semaphore, #tpu.memory_space<semaphore_mem>>) src(%dma_wait3A_148 : memref<20000x32xf32, #tpu.memory_space<hbm>>) dst(%arg10 : memref<128x32xf32, #tpu.memory_space<vmem>>)
    %dma_start3A_149 = arith.constant 0 : i32
    %dma_start3A_150 = arith.constant 0 : i32
    %dma_start3A_151 = tpu.memref_slice %arg9[%dma_start3A_149, %dma_start3A_150] : memref<20x128xi32, #tpu.memory_space<vmem>> -> memref<1x128xi32, #tpu.memory_space<vmem>>
    %dma_start3A_152 = tpu.memref_squeeze %dma_start3A_151 : memref<1x128xi32, #tpu.memory_space<vmem>> -> memref<128xi32, #tpu.memory_space<vmem>>
    %dma_start3A_153 = arith.constant 0 : i32
    %dma_start3A_154 = arith.constant 0 : i32
    %dma_start3A_155 = tpu.memref_slice %arg7[%dma_start3A_153, %dma_start3A_154] : memref<10112x32xf32, #tpu.memory_space<vmem_shared>> -> memref<10112x32xf32, #tpu.memory_space<vmem_shared>>
    tpu.enqueue_indirect_dma source(%arg10 : memref<128x32xf32, #tpu.memory_space<vmem>>) target(%dma_start3A_155 : memref<10112x32xf32, #tpu.memory_space<vmem_shared>>) offsets(%dma_start3A_152 : memref<128xi32, #tpu.memory_space<vmem>>) semaphore(%arg18 : memref<!tpu.dma_semaphore, #tpu.memory_space<semaphore_mem>>) {add = true}
    %dma_start3A_156 = arith.constant 3 : i32
    %dma_start3A_157 = arith.constant 0 : i32
    %dma_start3A_158 = tpu.memref_slice %arg8[%dma_start3A_156, %dma_start3A_157] : memref<20x128xi32, #tpu.memory_space<vmem>> -> memref<1x128xi32, #tpu.memory_space<vmem>>
    %dma_start3A_159 = tpu.memref_squeeze %dma_start3A_158 : memref<1x128xi32, #tpu.memory_space<vmem>> -> memref<128xi32, #tpu.memory_space<vmem>>
    %dma_start3A_160 = arith.constant 0 : i32
    %dma_start3A_161 = arith.constant 0 : i32
    %dma_start3A_162 = tpu.memref_slice %arg3[%dma_start3A_160, %dma_start3A_161] : memref<20000x32xf32, #tpu.memory_space<hbm>> -> memref<20000x32xf32, #tpu.memory_space<hbm>>
    tpu.enqueue_indirect_dma source(%dma_start3A_162 : memref<20000x32xf32, #tpu.memory_space<hbm>>) target(%arg13 : memref<128x32xf32, #tpu.memory_space<vmem>>) offsets(%dma_start3A_159 : memref<128xi32, #tpu.memory_space<vmem>>) semaphore(%arg17 : memref<!tpu.dma_semaphore, #tpu.memory_space<semaphore_mem>>)
    %dma_wait3A_163 = arith.constant 0 : i32
    %dma_wait3A_164 = arith.constant 0 : i32
    %dma_wait3A_165 = tpu.memref_slice %arg8[%dma_wait3A_163, %dma_wait3A_164] : memref<20x128xi32, #tpu.memory_space<vmem>> -> memref<1x128xi32, #tpu.memory_space<vmem>>
    %dma_wait3A_166 = tpu.memref_squeeze %dma_wait3A_165 : memref<1x128xi32, #tpu.memory_space<vmem>> -> memref<128xi32, #tpu.memory_space<vmem>>
    %dma_wait3A_167 = arith.constant 0 : i32
    %dma_wait3A_168 = arith.constant 0 : i32
    %dma_wait3A_169 = tpu.memref_slice %arg3[%dma_wait3A_167, %dma_wait3A_168] : memref<20000x32xf32, #tpu.memory_space<hbm>> -> memref<20000x32xf32, #tpu.memory_space<hbm>>
    tpu.wait_indirect_dma semaphore(%arg15 : memref<!tpu.dma_semaphore, #tpu.memory_space<semaphore_mem>>) src(%dma_wait3A_169 : memref<20000x32xf32, #tpu.memory_space<hbm>>) dst(%arg11 : memref<128x32xf32, #tpu.memory_space<vmem>>)
    %dma_start3A_170 = arith.constant 1 : i32
    %dma_start3A_171 = arith.constant 0 : i32
    %dma_start3A_172 = tpu.memref_slice %arg9[%dma_start3A_170, %dma_start3A_171] : memref<20x128xi32, #tpu.memory_space<vmem>> -> memref<1x128xi32, #tpu.memory_space<vmem>>
    %dma_start3A_173 = tpu.memref_squeeze %dma_start3A_172 : memref<1x128xi32, #tpu.memory_space<vmem>> -> memref<128xi32, #tpu.memory_space<vmem>>
    %dma_start3A_174 = arith.constant 0 : i32
    %dma_start3A_175 = arith.constant 0 : i32
    %dma_start3A_176 = tpu.memref_slice %arg7[%dma_start3A_174, %dma_start3A_175] : memref<10112x32xf32, #tpu.memory_space<vmem_shared>> -> memref<10112x32xf32, #tpu.memory_space<vmem_shared>>
    tpu.enqueue_indirect_dma source(%arg11 : memref<128x32xf32, #tpu.memory_space<vmem>>) target(%dma_start3A_176 : memref<10112x32xf32, #tpu.memory_space<vmem_shared>>) offsets(%dma_start3A_173 : memref<128xi32, #tpu.memory_space<vmem>>) semaphore(%arg18 : memref<!tpu.dma_semaphore, #tpu.memory_space<semaphore_mem>>) {add = true}
    %scan3A_177 = arith.constant 0 : i32
    %scan3A_178 = arith.constant 4 : i32
    %scan3A_179 = arith.addi %scan3A_177, %scan3A_178 : i32
    %scan3A_180 = arith.constant 1 : i32
    scf.for %scan3A_481 = %scan3A_177 to %scan3A_179 step %scan3A_180  : i32 {
      %mul3A_482 = arith.constant 1 : i32
      %mul3A_483 = arith.muli %scan3A_481, %mul3A_482 : i32
      %add3A = arith.constant 0 : i32
      %add3A_484 = arith.addi %add3A, %mul3A_483 : i32
      %dma_wait3A_485 = arith.constant 0 : i32
      %dma_wait3A_486 = arith.constant 0 : i32
      %dma_wait3A_487 = tpu.memref_slice %arg9[%dma_wait3A_485, %dma_wait3A_486] : memref<20x128xi32, #tpu.memory_space<vmem>> -> memref<1x128xi32, #tpu.memory_space<vmem>>
      %dma_wait3A_488 = tpu.memref_squeeze %dma_wait3A_487 : memref<1x128xi32, #tpu.memory_space<vmem>> -> memref<128xi32, #tpu.memory_space<vmem>>
      %dma_wait3A_489 = arith.constant 0 : i32
      %dma_wait3A_490 = arith.constant 0 : i32
      %dma_wait3A_491 = tpu.memref_slice %arg7[%dma_wait3A_489, %dma_wait3A_490] : memref<10112x32xf32, #tpu.memory_space<vmem_shared>> -> memref<10112x32xf32, #tpu.memory_space<vmem_shared>>
      tpu.wait_indirect_dma semaphore(%arg18 : memref<!tpu.dma_semaphore, #tpu.memory_space<semaphore_mem>>) src(%arg10 : memref<128x32xf32, #tpu.memory_space<vmem>>) dst(%dma_wait3A_491 : memref<10112x32xf32, #tpu.memory_space<vmem_shared>>)
      %mul3A_492 = arith.constant 4 : i32
      %mul3A_493 = arith.muli %mul3A_492, %add3A_484 : i32
      %add3A_494 = arith.constant 4 : i32
      %add3A_495 = arith.addi %mul3A_493, %add3A_494 : i32
      %add3A_496 = arith.constant 0 : i32
      %add3A_497 = arith.addi %add3A_495, %add3A_496 : i32
      %dma_start3A_498 = arith.constant 0 : i32
      %dma_start3A_499 = tpu.memref_slice %arg8[%add3A_497, %dma_start3A_498] : memref<20x128xi32, #tpu.memory_space<vmem>> -> memref<1x128xi32, #tpu.memory_space<vmem>>
      %dma_start3A_500 = tpu.memref_squeeze %dma_start3A_499 : memref<1x128xi32, #tpu.memory_space<vmem>> -> memref<128xi32, #tpu.memory_space<vmem>>
      %dma_start3A_501 = arith.constant 0 : i32
      %dma_start3A_502 = arith.constant 0 : i32
      %dma_start3A_503 = tpu.memref_slice %arg3[%dma_start3A_501, %dma_start3A_502] : memref<20000x32xf32, #tpu.memory_space<hbm>> -> memref<20000x32xf32, #tpu.memory_space<hbm>>
      tpu.enqueue_indirect_dma source(%dma_start3A_503 : memref<20000x32xf32, #tpu.memory_space<hbm>>) target(%arg10 : memref<128x32xf32, #tpu.memory_space<vmem>>) offsets(%dma_start3A_500 : memref<128xi32, #tpu.memory_space<vmem>>) semaphore(%arg14 : memref<!tpu.dma_semaphore, #tpu.memory_space<semaphore_mem>>)
      %dma_wait3A_504 = arith.constant 0 : i32
      %dma_wait3A_505 = arith.constant 0 : i32
      %dma_wait3A_506 = tpu.memref_slice %arg8[%dma_wait3A_504, %dma_wait3A_505] : memref<20x128xi32, #tpu.memory_space<vmem>> -> memref<1x128xi32, #tpu.memory_space<vmem>>
      %dma_wait3A_507 = tpu.memref_squeeze %dma_wait3A_506 : memref<1x128xi32, #tpu.memory_space<vmem>> -> memref<128xi32, #tpu.memory_space<vmem>>
      %dma_wait3A_508 = arith.constant 0 : i32
      %dma_wait3A_509 = arith.constant 0 : i32
      %dma_wait3A_510 = tpu.memref_slice %arg3[%dma_wait3A_508, %dma_wait3A_509] : memref<20000x32xf32, #tpu.memory_space<hbm>> -> memref<20000x32xf32, #tpu.memory_space<hbm>>
      tpu.wait_indirect_dma semaphore(%arg16 : memref<!tpu.dma_semaphore, #tpu.memory_space<semaphore_mem>>) src(%dma_wait3A_510 : memref<20000x32xf32, #tpu.memory_space<hbm>>) dst(%arg12 : memref<128x32xf32, #tpu.memory_space<vmem>>)
      %mul3A_511 = arith.constant 4 : i32
      %mul3A_512 = arith.muli %mul3A_511, %add3A_484 : i32
      %add3A_513 = arith.constant 2 : i32
      %add3A_514 = arith.addi %mul3A_512, %add3A_513 : i32
      %add3A_515 = arith.constant 0 : i32
      %add3A_516 = arith.addi %add3A_514, %add3A_515 : i32
      %dma_start3A_517 = arith.constant 0 : i32
      %dma_start3A_518 = tpu.memref_slice %arg9[%add3A_516, %dma_start3A_517] : memref<20x128xi32, #tpu.memory_space<vmem>> -> memref<1x128xi32, #tpu.memory_space<vmem>>
      %dma_start3A_519 = tpu.memref_squeeze %dma_start3A_518 : memref<1x128xi32, #tpu.memory_space<vmem>> -> memref<128xi32, #tpu.memory_space<vmem>>
      %dma_start3A_520 = arith.constant 0 : i32
      %dma_start3A_521 = arith.constant 0 : i32
      %dma_start3A_522 = tpu.memref_slice %arg7[%dma_start3A_520, %dma_start3A_521] : memref<10112x32xf32, #tpu.memory_space<vmem_shared>> -> memref<10112x32xf32, #tpu.memory_space<vmem_shared>>
      tpu.enqueue_indirect_dma source(%arg12 : memref<128x32xf32, #tpu.memory_space<vmem>>) target(%dma_start3A_522 : memref<10112x32xf32, #tpu.memory_space<vmem_shared>>) offsets(%dma_start3A_519 : memref<128xi32, #tpu.memory_space<vmem>>) semaphore(%arg18 : memref<!tpu.dma_semaphore, #tpu.memory_space<semaphore_mem>>) {add = true}
      %dma_wait3A_523 = arith.constant 0 : i32
      %dma_wait3A_524 = arith.constant 0 : i32
      %dma_wait3A_525 = tpu.memref_slice %arg9[%dma_wait3A_523, %dma_wait3A_524] : memref<20x128xi32, #tpu.memory_space<vmem>> -> memref<1x128xi32, #tpu.memory_space<vmem>>
      %dma_wait3A_526 = tpu.memref_squeeze %dma_wait3A_525 : memref<1x128xi32, #tpu.memory_space<vmem>> -> memref<128xi32, #tpu.memory_space<vmem>>
      %dma_wait3A_527 = arith.constant 0 : i32
      %dma_wait3A_528 = arith.constant 0 : i32
      %dma_wait3A_529 = tpu.memref_slice %arg7[%dma_wait3A_527, %dma_wait3A_528] : memref<10112x32xf32, #tpu.memory_space<vmem_shared>> -> memref<10112x32xf32, #tpu.memory_space<vmem_shared>>
      tpu.wait_indirect_dma semaphore(%arg18 : memref<!tpu.dma_semaphore, #tpu.memory_space<semaphore_mem>>) src(%arg10 : memref<128x32xf32, #tpu.memory_space<vmem>>) dst(%dma_wait3A_529 : memref<10112x32xf32, #tpu.memory_space<vmem_shared>>)
      %mul3A_530 = arith.constant 4 : i32
      %mul3A_531 = arith.muli %mul3A_530, %add3A_484 : i32
      %add3A_532 = arith.constant 4 : i32
      %add3A_533 = arith.addi %mul3A_531, %add3A_532 : i32
      %add3A_534 = arith.constant 1 : i32
      %add3A_535 = arith.addi %add3A_533, %add3A_534 : i32
      %dma_start3A_536 = arith.constant 0 : i32
      %dma_start3A_537 = tpu.memref_slice %arg8[%add3A_535, %dma_start3A_536] : memref<20x128xi32, #tpu.memory_space<vmem>> -> memref<1x128xi32, #tpu.memory_space<vmem>>
      %dma_start3A_538 = tpu.memref_squeeze %dma_start3A_537 : memref<1x128xi32, #tpu.memory_space<vmem>> -> memref<128xi32, #tpu.memory_space<vmem>>
      %dma_start3A_539 = arith.constant 0 : i32
      %dma_start3A_540 = arith.constant 0 : i32
      %dma_start3A_541 = tpu.memref_slice %arg3[%dma_start3A_539, %dma_start3A_540] : memref<20000x32xf32, #tpu.memory_space<hbm>> -> memref<20000x32xf32, #tpu.memory_space<hbm>>
      tpu.enqueue_indirect_dma source(%dma_start3A_541 : memref<20000x32xf32, #tpu.memory_space<hbm>>) target(%arg11 : memref<128x32xf32, #tpu.memory_space<vmem>>) offsets(%dma_start3A_538 : memref<128xi32, #tpu.memory_space<vmem>>) semaphore(%arg15 : memref<!tpu.dma_semaphore, #tpu.memory_space<semaphore_mem>>)
      %dma_wait3A_542 = arith.constant 0 : i32
      %dma_wait3A_543 = arith.constant 0 : i32
      %dma_wait3A_544 = tpu.memref_slice %arg8[%dma_wait3A_542, %dma_wait3A_543] : memref<20x128xi32, #tpu.memory_space<vmem>> -> memref<1x128xi32, #tpu.memory_space<vmem>>
      %dma_wait3A_545 = tpu.memref_squeeze %dma_wait3A_544 : memref<1x128xi32, #tpu.memory_space<vmem>> -> memref<128xi32, #tpu.memory_space<vmem>>
      %dma_wait3A_546 = arith.constant 0 : i32
      %dma_wait3A_547 = arith.constant 0 : i32
      %dma_wait3A_548 = tpu.memref_slice %arg3[%dma_wait3A_546, %dma_wait3A_547] : memref<20000x32xf32, #tpu.memory_space<hbm>> -> memref<20000x32xf32, #tpu.memory_space<hbm>>
      tpu.wait_indirect_dma semaphore(%arg17 : memref<!tpu.dma_semaphore, #tpu.memory_space<semaphore_mem>>) src(%dma_wait3A_548 : memref<20000x32xf32, #tpu.memory_space<hbm>>) dst(%arg13 : memref<128x32xf32, #tpu.memory_space<vmem>>)
      %mul3A_549 = arith.constant 4 : i32
      %mul3A_550 = arith.muli %mul3A_549, %add3A_484 : i32
      %add3A_551 = arith.constant 2 : i32
      %add3A_552 = arith.addi %mul3A_550, %add3A_551 : i32
      %add3A_553 = arith.constant 1 : i32
      %add3A_554 = arith.addi %add3A_552, %add3A_553 : i32
      %dma_start3A_555 = arith.constant 0 : i32
      %dma_start3A_556 = tpu.memref_slice %arg9[%add3A_554, %dma_start3A_555] : memref<20x128xi32, #tpu.memory_space<vmem>> -> memref<1x128xi32, #tpu.memory_space<vmem>>
      %dma_start3A_557 = tpu.memref_squeeze %dma_start3A_556 : memref<1x128xi32, #tpu.memory_space<vmem>> -> memref<128xi32, #tpu.memory_space<vmem>>
      %dma_start3A_558 = arith.constant 0 : i32
      %dma_start3A_559 = arith.constant 0 : i32
      %dma_start3A_560 = tpu.memref_slice %arg7[%dma_start3A_558, %dma_start3A_559] : memref<10112x32xf32, #tpu.memory_space<vmem_shared>> -> memref<10112x32xf32, #tpu.memory_space<vmem_shared>>
      tpu.enqueue_indirect_dma source(%arg13 : memref<128x32xf32, #tpu.memory_space<vmem>>) target(%dma_start3A_560 : memref<10112x32xf32, #tpu.memory_space<vmem_shared>>) offsets(%dma_start3A_557 : memref<128xi32, #tpu.memory_space<vmem>>) semaphore(%arg18 : memref<!tpu.dma_semaphore, #tpu.memory_space<semaphore_mem>>) {add = true}
      %dma_wait3A_561 = arith.constant 0 : i32
      %dma_wait3A_562 = arith.constant 0 : i32
      %dma_wait3A_563 = tpu.memref_slice %arg9[%dma_wait3A_561, %dma_wait3A_562] : memref<20x128xi32, #tpu.memory_space<vmem>> -> memref<1x128xi32, #tpu.memory_space<vmem>>
      %dma_wait3A_564 = tpu.memref_squeeze %dma_wait3A_563 : memref<1x128xi32, #tpu.memory_space<vmem>> -> memref<128xi32, #tpu.memory_space<vmem>>
      %dma_wait3A_565 = arith.constant 0 : i32
      %dma_wait3A_566 = arith.constant 0 : i32
      %dma_wait3A_567 = tpu.memref_slice %arg7[%dma_wait3A_565, %dma_wait3A_566] : memref<10112x32xf32, #tpu.memory_space<vmem_shared>> -> memref<10112x32xf32, #tpu.memory_space<vmem_shared>>
      tpu.wait_indirect_dma semaphore(%arg18 : memref<!tpu.dma_semaphore, #tpu.memory_space<semaphore_mem>>) src(%arg10 : memref<128x32xf32, #tpu.memory_space<vmem>>) dst(%dma_wait3A_567 : memref<10112x32xf32, #tpu.memory_space<vmem_shared>>)
      %mul3A_568 = arith.constant 4 : i32
      %mul3A_569 = arith.muli %mul3A_568, %add3A_484 : i32
      %add3A_570 = arith.constant 4 : i32
      %add3A_571 = arith.addi %mul3A_569, %add3A_570 : i32
      %add3A_572 = arith.constant 2 : i32
      %add3A_573 = arith.addi %add3A_571, %add3A_572 : i32
      %dma_start3A_574 = arith.constant 0 : i32
      %dma_start3A_575 = tpu.memref_slice %arg8[%add3A_573, %dma_start3A_574] : memref<20x128xi32, #tpu.memory_space<vmem>> -> memref<1x128xi32, #tpu.memory_space<vmem>>
      %dma_start3A_576 = tpu.memref_squeeze %dma_start3A_575 : memref<1x128xi32, #tpu.memory_space<vmem>> -> memref<128xi32, #tpu.memory_space<vmem>>
      %dma_start3A_577 = arith.constant 0 : i32
      %dma_start3A_578 = arith.constant 0 : i32
      %dma_start3A_579 = tpu.memref_slice %arg3[%dma_start3A_577, %dma_start3A_578] : memref<20000x32xf32, #tpu.memory_space<hbm>> -> memref<20000x32xf32, #tpu.memory_space<hbm>>
      tpu.enqueue_indirect_dma source(%dma_start3A_579 : memref<20000x32xf32, #tpu.memory_space<hbm>>) target(%arg12 : memref<128x32xf32, #tpu.memory_space<vmem>>) offsets(%dma_start3A_576 : memref<128xi32, #tpu.memory_space<vmem>>) semaphore(%arg16 : memref<!tpu.dma_semaphore, #tpu.memory_space<semaphore_mem>>)
      %dma_wait3A_580 = arith.constant 0 : i32
      %dma_wait3A_581 = arith.constant 0 : i32
      %dma_wait3A_582 = tpu.memref_slice %arg8[%dma_wait3A_580, %dma_wait3A_581] : memref<20x128xi32, #tpu.memory_space<vmem>> -> memref<1x128xi32, #tpu.memory_space<vmem>>
      %dma_wait3A_583 = tpu.memref_squeeze %dma_wait3A_582 : memref<1x128xi32, #tpu.memory_space<vmem>> -> memref<128xi32, #tpu.memory_space<vmem>>
      %dma_wait3A_584 = arith.constant 0 : i32
      %dma_wait3A_585 = arith.constant 0 : i32
      %dma_wait3A_586 = tpu.memref_slice %arg3[%dma_wait3A_584, %dma_wait3A_585] : memref<20000x32xf32, #tpu.memory_space<hbm>> -> memref<20000x32xf32, #tpu.memory_space<hbm>>
      tpu.wait_indirect_dma semaphore(%arg14 : memref<!tpu.dma_semaphore, #tpu.memory_space<semaphore_mem>>) src(%dma_wait3A_586 : memref<20000x32xf32, #tpu.memory_space<hbm>>) dst(%arg10 : memref<128x32xf32, #tpu.memory_space<vmem>>)
      %mul3A_587 = arith.constant 4 : i32
      %mul3A_588 = arith.muli %mul3A_587, %add3A_484 : i32
      %add3A_589 = arith.constant 2 : i32
      %add3A_590 = arith.addi %mul3A_588, %add3A_589 : i32
      %add3A_591 = arith.constant 2 : i32
      %add3A_592 = arith.addi %add3A_590, %add3A_591 : i32
      %dma_start3A_593 = arith.constant 0 : i32
      %dma_start3A_594 = tpu.memref_slice %arg9[%add3A_592, %dma_start3A_593] : memref<20x128xi32, #tpu.memory_space<vmem>> -> memref<1x128xi32, #tpu.memory_space<vmem>>
      %dma_start3A_595 = tpu.memref_squeeze %dma_start3A_594 : memref<1x128xi32, #tpu.memory_space<vmem>> -> memref<128xi32, #tpu.memory_space<vmem>>
      %dma_start3A_596 = arith.constant 0 : i32
      %dma_start3A_597 = arith.constant 0 : i32
      %dma_start3A_598 = tpu.memref_slice %arg7[%dma_start3A_596, %dma_start3A_597] : memref<10112x32xf32, #tpu.memory_space<vmem_shared>> -> memref<10112x32xf32, #tpu.memory_space<vmem_shared>>
      tpu.enqueue_indirect_dma source(%arg10 : memref<128x32xf32, #tpu.memory_space<vmem>>) target(%dma_start3A_598 : memref<10112x32xf32, #tpu.memory_space<vmem_shared>>) offsets(%dma_start3A_595 : memref<128xi32, #tpu.memory_space<vmem>>) semaphore(%arg18 : memref<!tpu.dma_semaphore, #tpu.memory_space<semaphore_mem>>) {add = true}
      %dma_wait3A_599 = arith.constant 0 : i32
      %dma_wait3A_600 = arith.constant 0 : i32
      %dma_wait3A_601 = tpu.memref_slice %arg9[%dma_wait3A_599, %dma_wait3A_600] : memref<20x128xi32, #tpu.memory_space<vmem>> -> memref<1x128xi32, #tpu.memory_space<vmem>>
      %dma_wait3A_602 = tpu.memref_squeeze %dma_wait3A_601 : memref<1x128xi32, #tpu.memory_space<vmem>> -> memref<128xi32, #tpu.memory_space<vmem>>
      %dma_wait3A_603 = arith.constant 0 : i32
      %dma_wait3A_604 = arith.constant 0 : i32
      %dma_wait3A_605 = tpu.memref_slice %arg7[%dma_wait3A_603, %dma_wait3A_604] : memref<10112x32xf32, #tpu.memory_space<vmem_shared>> -> memref<10112x32xf32, #tpu.memory_space<vmem_shared>>
      tpu.wait_indirect_dma semaphore(%arg18 : memref<!tpu.dma_semaphore, #tpu.memory_space<semaphore_mem>>) src(%arg10 : memref<128x32xf32, #tpu.memory_space<vmem>>) dst(%dma_wait3A_605 : memref<10112x32xf32, #tpu.memory_space<vmem_shared>>)
      %mul3A_606 = arith.constant 4 : i32
      %mul3A_607 = arith.muli %mul3A_606, %add3A_484 : i32
      %add3A_608 = arith.constant 4 : i32
      %add3A_609 = arith.addi %mul3A_607, %add3A_608 : i32
      %add3A_610 = arith.constant 3 : i32
      %add3A_611 = arith.addi %add3A_609, %add3A_610 : i32
      %dma_start3A_612 = arith.constant 0 : i32
      %dma_start3A_613 = tpu.memref_slice %arg8[%add3A_611, %dma_start3A_612] : memref<20x128xi32, #tpu.memory_space<vmem>> -> memref<1x128xi32, #tpu.memory_space<vmem>>
      %dma_start3A_614 = tpu.memref_squeeze %dma_start3A_613 : memref<1x128xi32, #tpu.memory_space<vmem>> -> memref<128xi32, #tpu.memory_space<vmem>>
      %dma_start3A_615 = arith.constant 0 : i32
      %dma_start3A_616 = arith.constant 0 : i32
      %dma_start3A_617 = tpu.memref_slice %arg3[%dma_start3A_615, %dma_start3A_616] : memref<20000x32xf32, #tpu.memory_space<hbm>> -> memref<20000x32xf32, #tpu.memory_space<hbm>>
      tpu.enqueue_indirect_dma source(%dma_start3A_617 : memref<20000x32xf32, #tpu.memory_space<hbm>>) target(%arg13 : memref<128x32xf32, #tpu.memory_space<vmem>>) offsets(%dma_start3A_614 : memref<128xi32, #tpu.memory_space<vmem>>) semaphore(%arg17 : memref<!tpu.dma_semaphore, #tpu.memory_space<semaphore_mem>>)
      %dma_wait3A_618 = arith.constant 0 : i32
      %dma_wait3A_619 = arith.constant 0 : i32
      %dma_wait3A_620 = tpu.memref_slice %arg8[%dma_wait3A_618, %dma_wait3A_619] : memref<20x128xi32, #tpu.memory_space<vmem>> -> memref<1x128xi32, #tpu.memory_space<vmem>>
      %dma_wait3A_621 = tpu.memref_squeeze %dma_wait3A_620 : memref<1x128xi32, #tpu.memory_space<vmem>> -> memref<128xi32, #tpu.memory_space<vmem>>
      %dma_wait3A_622 = arith.constant 0 : i32
      %dma_wait3A_623 = arith.constant 0 : i32
      %dma_wait3A_624 = tpu.memref_slice %arg3[%dma_wait3A_622, %dma_wait3A_623] : memref<20000x32xf32, #tpu.memory_space<hbm>> -> memref<20000x32xf32, #tpu.memory_space<hbm>>
      tpu.wait_indirect_dma semaphore(%arg15 : memref<!tpu.dma_semaphore, #tpu.memory_space<semaphore_mem>>) src(%dma_wait3A_624 : memref<20000x32xf32, #tpu.memory_space<hbm>>) dst(%arg11 : memref<128x32xf32, #tpu.memory_space<vmem>>)
      %mul3A_625 = arith.constant 4 : i32
      %mul3A_626 = arith.muli %mul3A_625, %add3A_484 : i32
      %add3A_627 = arith.constant 2 : i32
      %add3A_628 = arith.addi %mul3A_626, %add3A_627 : i32
      %add3A_629 = arith.constant 3 : i32
      %add3A_630 = arith.addi %add3A_628, %add3A_629 : i32
      %dma_start3A_631 = arith.constant 0 : i32
      %dma_start3A_632 = tpu.memref_slice %arg9[%add3A_630, %dma_start3A_631] : memref<20x128xi32, #tpu.memory_space<vmem>> -> memref<1x128xi32, #tpu.memory_space<vmem>>
      %dma_start3A_633 = tpu.memref_squeeze %dma_start3A_632 : memref<1x128xi32, #tpu.memory_space<vmem>> -> memref<128xi32, #tpu.memory_space<vmem>>
      %dma_start3A_634 = arith.constant 0 : i32
      %dma_start3A_635 = arith.constant 0 : i32
      %dma_start3A_636 = tpu.memref_slice %arg7[%dma_start3A_634, %dma_start3A_635] : memref<10112x32xf32, #tpu.memory_space<vmem_shared>> -> memref<10112x32xf32, #tpu.memory_space<vmem_shared>>
      tpu.enqueue_indirect_dma source(%arg11 : memref<128x32xf32, #tpu.memory_space<vmem>>) target(%dma_start3A_636 : memref<10112x32xf32, #tpu.memory_space<vmem_shared>>) offsets(%dma_start3A_633 : memref<128xi32, #tpu.memory_space<vmem>>) semaphore(%arg18 : memref<!tpu.dma_semaphore, #tpu.memory_space<semaphore_mem>>) {add = true}
    }
    %scan3A_181 = arith.constant 4 : i32
    %dma_wait3A_182 = arith.constant 0 : i32
    %dma_wait3A_183 = arith.constant 0 : i32
    %dma_wait3A_184 = tpu.memref_slice %arg9[%dma_wait3A_182, %dma_wait3A_183] : memref<20x128xi32, #tpu.memory_space<vmem>> -> memref<1x128xi32, #tpu.memory_space<vmem>>
    %dma_wait3A_185 = tpu.memref_squeeze %dma_wait3A_184 : memref<1x128xi32, #tpu.memory_space<vmem>> -> memref<128xi32, #tpu.memory_space<vmem>>
    %dma_wait3A_186 = arith.constant 0 : i32
    %dma_wait3A_187 = arith.constant 0 : i32
    %dma_wait3A_188 = tpu.memref_slice %arg7[%dma_wait3A_186, %dma_wait3A_187] : memref<10112x32xf32, #tpu.memory_space<vmem_shared>> -> memref<10112x32xf32, #tpu.memory_space<vmem_shared>>
    tpu.wait_indirect_dma semaphore(%arg18 : memref<!tpu.dma_semaphore, #tpu.memory_space<semaphore_mem>>) src(%arg10 : memref<128x32xf32, #tpu.memory_space<vmem>>) dst(%dma_wait3A_188 : memref<10112x32xf32, #tpu.memory_space<vmem_shared>>)
    %dma_wait3A_189 = arith.constant 0 : i32
    %dma_wait3A_190 = arith.constant 0 : i32
    %dma_wait3A_191 = tpu.memref_slice %arg8[%dma_wait3A_189, %dma_wait3A_190] : memref<20x128xi32, #tpu.memory_space<vmem>> -> memref<1x128xi32, #tpu.memory_space<vmem>>
    %dma_wait3A_192 = tpu.memref_squeeze %dma_wait3A_191 : memref<1x128xi32, #tpu.memory_space<vmem>> -> memref<128xi32, #tpu.memory_space<vmem>>
    %dma_wait3A_193 = arith.constant 0 : i32
    %dma_wait3A_194 = arith.constant 0 : i32
    %dma_wait3A_195 = tpu.memref_slice %arg3[%dma_wait3A_193, %dma_wait3A_194] : memref<20000x32xf32, #tpu.memory_space<hbm>> -> memref<20000x32xf32, #tpu.memory_space<hbm>>
    tpu.wait_indirect_dma semaphore(%arg16 : memref<!tpu.dma_semaphore, #tpu.memory_space<semaphore_mem>>) src(%dma_wait3A_195 : memref<20000x32xf32, #tpu.memory_space<hbm>>) dst(%arg12 : memref<128x32xf32, #tpu.memory_space<vmem>>)
    %dma_start3A_196 = arith.constant 18 : i32
    %dma_start3A_197 = arith.constant 0 : i32
    %dma_start3A_198 = tpu.memref_slice %arg9[%dma_start3A_196, %dma_start3A_197] : memref<20x128xi32, #tpu.memory_space<vmem>> -> memref<1x128xi32, #tpu.memory_space<vmem>>
    %dma_start3A_199 = tpu.memref_squeeze %dma_start3A_198 : memref<1x128xi32, #tpu.memory_space<vmem>> -> memref<128xi32, #tpu.memory_space<vmem>>
    %dma_start3A_200 = arith.constant 0 : i32
    %dma_start3A_201 = arith.constant 0 : i32
    %dma_start3A_202 = tpu.memref_slice %arg7[%dma_start3A_200, %dma_start3A_201] : memref<10112x32xf32, #tpu.memory_space<vmem_shared>> -> memref<10112x32xf32, #tpu.memory_space<vmem_shared>>
    tpu.enqueue_indirect_dma source(%arg12 : memref<128x32xf32, #tpu.memory_space<vmem>>) target(%dma_start3A_202 : memref<10112x32xf32, #tpu.memory_space<vmem_shared>>) offsets(%dma_start3A_199 : memref<128xi32, #tpu.memory_space<vmem>>) semaphore(%arg18 : memref<!tpu.dma_semaphore, #tpu.memory_space<semaphore_mem>>) {add = true}
    %dma_wait3A_203 = arith.constant 0 : i32
    %dma_wait3A_204 = arith.constant 0 : i32
    %dma_wait3A_205 = tpu.memref_slice %arg9[%dma_wait3A_203, %dma_wait3A_204] : memref<20x128xi32, #tpu.memory_space<vmem>> -> memref<1x128xi32, #tpu.memory_space<vmem>>
    %dma_wait3A_206 = tpu.memref_squeeze %dma_wait3A_205 : memref<1x128xi32, #tpu.memory_space<vmem>> -> memref<128xi32, #tpu.memory_space<vmem>>
    %dma_wait3A_207 = arith.constant 0 : i32
    %dma_wait3A_208 = arith.constant 0 : i32
    %dma_wait3A_209 = tpu.memref_slice %arg7[%dma_wait3A_207, %dma_wait3A_208] : memref<10112x32xf32, #tpu.memory_space<vmem_shared>> -> memref<10112x32xf32, #tpu.memory_space<vmem_shared>>
    tpu.wait_indirect_dma semaphore(%arg18 : memref<!tpu.dma_semaphore, #tpu.memory_space<semaphore_mem>>) src(%arg10 : memref<128x32xf32, #tpu.memory_space<vmem>>) dst(%dma_wait3A_209 : memref<10112x32xf32, #tpu.memory_space<vmem_shared>>)
    %dma_wait3A_210 = arith.constant 0 : i32
    %dma_wait3A_211 = arith.constant 0 : i32
    %dma_wait3A_212 = tpu.memref_slice %arg8[%dma_wait3A_210, %dma_wait3A_211] : memref<20x128xi32, #tpu.memory_space<vmem>> -> memref<1x128xi32, #tpu.memory_space<vmem>>
    %dma_wait3A_213 = tpu.memref_squeeze %dma_wait3A_212 : memref<1x128xi32, #tpu.memory_space<vmem>> -> memref<128xi32, #tpu.memory_space<vmem>>
    %dma_wait3A_214 = arith.constant 0 : i32
    %dma_wait3A_215 = arith.constant 0 : i32
    %dma_wait3A_216 = tpu.memref_slice %arg3[%dma_wait3A_214, %dma_wait3A_215] : memref<20000x32xf32, #tpu.memory_space<hbm>> -> memref<20000x32xf32, #tpu.memory_space<hbm>>
    tpu.wait_indirect_dma semaphore(%arg17 : memref<!tpu.dma_semaphore, #tpu.memory_space<semaphore_mem>>) src(%dma_wait3A_216 : memref<20000x32xf32, #tpu.memory_space<hbm>>) dst(%arg13 : memref<128x32xf32, #tpu.memory_space<vmem>>)
    %dma_start3A_217 = arith.constant 19 : i32
    %dma_start3A_218 = arith.constant 0 : i32
    %dma_start3A_219 = tpu.memref_slice %arg9[%dma_start3A_217, %dma_start3A_218] : memref<20x128xi32, #tpu.memory_space<vmem>> -> memref<1x128xi32, #tpu.memory_space<vmem>>
    %dma_start3A_220 = tpu.memref_squeeze %dma_start3A_219 : memref<1x128xi32, #tpu.memory_space<vmem>> -> memref<128xi32, #tpu.memory_space<vmem>>
    %dma_start3A_221 = arith.constant 0 : i32
    %dma_start3A_222 = arith.constant 0 : i32
    %dma_start3A_223 = tpu.memref_slice %arg7[%dma_start3A_221, %dma_start3A_222] : memref<10112x32xf32, #tpu.memory_space<vmem_shared>> -> memref<10112x32xf32, #tpu.memory_space<vmem_shared>>
    tpu.enqueue_indirect_dma source(%arg13 : memref<128x32xf32, #tpu.memory_space<vmem>>) target(%dma_start3A_223 : memref<10112x32xf32, #tpu.memory_space<vmem_shared>>) offsets(%dma_start3A_220 : memref<128xi32, #tpu.memory_space<vmem>>) semaphore(%arg18 : memref<!tpu.dma_semaphore, #tpu.memory_space<semaphore_mem>>) {add = true}
    %dma_wait3A_224 = arith.constant 0 : i32
    %dma_wait3A_225 = arith.constant 0 : i32
    %dma_wait3A_226 = tpu.memref_slice %arg9[%dma_wait3A_224, %dma_wait3A_225] : memref<20x128xi32, #tpu.memory_space<vmem>> -> memref<1x128xi32, #tpu.memory_space<vmem>>
    %dma_wait3A_227 = tpu.memref_squeeze %dma_wait3A_226 : memref<1x128xi32, #tpu.memory_space<vmem>> -> memref<128xi32, #tpu.memory_space<vmem>>
    %dma_wait3A_228 = arith.constant 0 : i32
    %dma_wait3A_229 = arith.constant 0 : i32
    %dma_wait3A_230 = tpu.memref_slice %arg7[%dma_wait3A_228, %dma_wait3A_229] : memref<10112x32xf32, #tpu.memory_space<vmem_shared>> -> memref<10112x32xf32, #tpu.memory_space<vmem_shared>>
    tpu.wait_indirect_dma semaphore(%arg18 : memref<!tpu.dma_semaphore, #tpu.memory_space<semaphore_mem>>) src(%arg10 : memref<128x32xf32, #tpu.memory_space<vmem>>) dst(%dma_wait3A_230 : memref<10112x32xf32, #tpu.memory_space<vmem_shared>>)
    %dma_wait3A_231 = arith.constant 0 : i32
    %dma_wait3A_232 = arith.constant 0 : i32
    %dma_wait3A_233 = tpu.memref_slice %arg9[%dma_wait3A_231, %dma_wait3A_232] : memref<20x128xi32, #tpu.memory_space<vmem>> -> memref<1x128xi32, #tpu.memory_space<vmem>>
    %dma_wait3A_234 = tpu.memref_squeeze %dma_wait3A_233 : memref<1x128xi32, #tpu.memory_space<vmem>> -> memref<128xi32, #tpu.memory_space<vmem>>
    %dma_wait3A_235 = arith.constant 0 : i32
    %dma_wait3A_236 = arith.constant 0 : i32
    %dma_wait3A_237 = tpu.memref_slice %arg7[%dma_wait3A_235, %dma_wait3A_236] : memref<10112x32xf32, #tpu.memory_space<vmem_shared>> -> memref<10112x32xf32, #tpu.memory_space<vmem_shared>>
    tpu.wait_indirect_dma semaphore(%arg18 : memref<!tpu.dma_semaphore, #tpu.memory_space<semaphore_mem>>) src(%arg10 : memref<128x32xf32, #tpu.memory_space<vmem>>) dst(%dma_wait3A_237 : memref<10112x32xf32, #tpu.memory_space<vmem_shared>>)
    %run_scoped3A_238 = arith.constant 2 : i32
    "tpu.region"() ({
      %run_scoped3A_481 = tpu.sem_alloc : memref<!tpu.dma_semaphore, #tpu.memory_space<semaphore_mem>>
      %dma_start3A_482 = arith.constant 0 : i32
      %dma_start3A_483 = arith.constant 0 : i32
      %dma_start3A_484 = tpu.memref_slice %arg4[%arg0, %arg1, %run_scoped3A_238, %dma_start3A_482, %dma_start3A_483] : memref<2x16x4x20x128xi32, #tpu.memory_space<hbm>> -> memref<1x1x1x20x128xi32, #tpu.memory_space<hbm>>
      %dma_start3A_485 = tpu.memref_squeeze %dma_start3A_484 : memref<1x1x1x20x128xi32, #tpu.memory_space<hbm>> -> memref<20x128xi32, #tpu.memory_space<hbm>>
      %dma_start3A_486 = arith.constant 0 : i32
      %dma_start3A_487 = arith.constant 0 : i32
      %dma_start3A_488 = tpu.memref_slice %arg4[%arg0, %arg1, %run_scoped3A_238, %dma_start3A_486, %dma_start3A_487] : memref<2x16x4x20x128xi32, #tpu.memory_space<hbm>> -> memref<1x1x1x20x128xi32, #tpu.memory_space<hbm>>
      %dma_start3A_489 = tpu.memref_squeeze %dma_start3A_488 : memref<1x1x1x20x128xi32, #tpu.memory_space<hbm>> -> memref<20x128xi32, #tpu.memory_space<hbm>>
      tpu.enqueue_dma source(%dma_start3A_489 : memref<20x128xi32, #tpu.memory_space<hbm>>) target(%arg8 : memref<20x128xi32, #tpu.memory_space<vmem>>) target_semaphore(%run_scoped3A_481 : memref<!tpu.dma_semaphore, #tpu.memory_space<semaphore_mem>>)
      %dma_wait3A_490 = arith.constant 0 : i32
      %dma_wait3A_491 = arith.constant 0 : i32
      %dma_wait3A_492 = tpu.memref_slice %arg4[%arg0, %arg1, %run_scoped3A_238, %dma_wait3A_490, %dma_wait3A_491] : memref<2x16x4x20x128xi32, #tpu.memory_space<hbm>> -> memref<1x1x1x20x128xi32, #tpu.memory_space<hbm>>
      %dma_wait3A_493 = tpu.memref_squeeze %dma_wait3A_492 : memref<1x1x1x20x128xi32, #tpu.memory_space<hbm>> -> memref<20x128xi32, #tpu.memory_space<hbm>>
      %dma_wait3A_494 = arith.constant 0 : i32
      %dma_wait3A_495 = arith.constant 0 : i32
      %dma_wait3A_496 = tpu.memref_slice %arg4[%arg0, %arg1, %run_scoped3A_238, %dma_wait3A_494, %dma_wait3A_495] : memref<2x16x4x20x128xi32, #tpu.memory_space<hbm>> -> memref<1x1x1x20x128xi32, #tpu.memory_space<hbm>>
      %dma_wait3A_497 = tpu.memref_squeeze %dma_wait3A_496 : memref<1x1x1x20x128xi32, #tpu.memory_space<hbm>> -> memref<20x128xi32, #tpu.memory_space<hbm>>
      tpu.wait_dma2 semaphore(%run_scoped3A_481 : memref<!tpu.dma_semaphore, #tpu.memory_space<semaphore_mem>>) src(%dma_wait3A_497 : memref<20x128xi32, #tpu.memory_space<hbm>>) dst(%arg8 : memref<20x128xi32, #tpu.memory_space<vmem>>)
      tpu.yield
    }) : () -> ()
    %run_scoped3A_239 = arith.constant 2 : i32
    "tpu.region"() ({
      %run_scoped3A_481 = tpu.sem_alloc : memref<!tpu.dma_semaphore, #tpu.memory_space<semaphore_mem>>
      %dma_start3A_482 = arith.constant 0 : i32
      %dma_start3A_483 = arith.constant 0 : i32
      %dma_start3A_484 = tpu.memref_slice %arg5[%arg1, %run_scoped3A_239, %dma_start3A_482, %dma_start3A_483] : memref<16x4x20x128xi32, #tpu.memory_space<hbm>> -> memref<1x1x20x128xi32, #tpu.memory_space<hbm>>
      %dma_start3A_485 = tpu.memref_squeeze %dma_start3A_484 : memref<1x1x20x128xi32, #tpu.memory_space<hbm>> -> memref<20x128xi32, #tpu.memory_space<hbm>>
      %dma_start3A_486 = arith.constant 0 : i32
      %dma_start3A_487 = arith.constant 0 : i32
      %dma_start3A_488 = tpu.memref_slice %arg5[%arg1, %run_scoped3A_239, %dma_start3A_486, %dma_start3A_487] : memref<16x4x20x128xi32, #tpu.memory_space<hbm>> -> memref<1x1x20x128xi32, #tpu.memory_space<hbm>>
      %dma_start3A_489 = tpu.memref_squeeze %dma_start3A_488 : memref<1x1x20x128xi32, #tpu.memory_space<hbm>> -> memref<20x128xi32, #tpu.memory_space<hbm>>
      tpu.enqueue_dma source(%dma_start3A_489 : memref<20x128xi32, #tpu.memory_space<hbm>>) target(%arg9 : memref<20x128xi32, #tpu.memory_space<vmem>>) target_semaphore(%run_scoped3A_481 : memref<!tpu.dma_semaphore, #tpu.memory_space<semaphore_mem>>)
      %dma_wait3A_490 = arith.constant 0 : i32
      %dma_wait3A_491 = arith.constant 0 : i32
      %dma_wait3A_492 = tpu.memref_slice %arg5[%arg1, %run_scoped3A_239, %dma_wait3A_490, %dma_wait3A_491] : memref<16x4x20x128xi32, #tpu.memory_space<hbm>> -> memref<1x1x20x128xi32, #tpu.memory_space<hbm>>
      %dma_wait3A_493 = tpu.memref_squeeze %dma_wait3A_492 : memref<1x1x20x128xi32, #tpu.memory_space<hbm>> -> memref<20x128xi32, #tpu.memory_space<hbm>>
      %dma_wait3A_494 = arith.constant 0 : i32
      %dma_wait3A_495 = arith.constant 0 : i32
      %dma_wait3A_496 = tpu.memref_slice %arg5[%arg1, %run_scoped3A_239, %dma_wait3A_494, %dma_wait3A_495] : memref<16x4x20x128xi32, #tpu.memory_space<hbm>> -> memref<1x1x20x128xi32, #tpu.memory_space<hbm>>
      %dma_wait3A_497 = tpu.memref_squeeze %dma_wait3A_496 : memref<1x1x20x128xi32, #tpu.memory_space<hbm>> -> memref<20x128xi32, #tpu.memory_space<hbm>>
      tpu.wait_dma2 semaphore(%run_scoped3A_481 : memref<!tpu.dma_semaphore, #tpu.memory_space<semaphore_mem>>) src(%dma_wait3A_497 : memref<20x128xi32, #tpu.memory_space<hbm>>) dst(%arg9 : memref<20x128xi32, #tpu.memory_space<vmem>>)
      tpu.yield
    }) : () -> ()
    %eq3A_240 = arith.constant 1 : i32
    %eq3A_241 = arith.cmpi eq, %arg0, %eq3A_240 : i32
    %dma_start3A_242 = arith.constant 0 : i32
    %dma_start3A_243 = arith.constant 0 : i32
    %dma_start3A_244 = tpu.memref_slice %arg8[%dma_start3A_242, %dma_start3A_243] : memref<20x128xi32, #tpu.memory_space<vmem>> -> memref<1x128xi32, #tpu.memory_space<vmem>>
    %dma_start3A_245 = tpu.memref_squeeze %dma_start3A_244 : memref<1x128xi32, #tpu.memory_space<vmem>> -> memref<128xi32, #tpu.memory_space<vmem>>
    %dma_start3A_246 = arith.constant 0 : i32
    %dma_start3A_247 = arith.constant 0 : i32
    %dma_start3A_248 = tpu.memref_slice %arg3[%dma_start3A_246, %dma_start3A_247] : memref<20000x32xf32, #tpu.memory_space<hbm>> -> memref<20000x32xf32, #tpu.memory_space<hbm>>
    tpu.enqueue_indirect_dma source(%dma_start3A_248 : memref<20000x32xf32, #tpu.memory_space<hbm>>) target(%arg10 : memref<128x32xf32, #tpu.memory_space<vmem>>) offsets(%dma_start3A_245 : memref<128xi32, #tpu.memory_space<vmem>>) semaphore(%arg14 : memref<!tpu.dma_semaphore, #tpu.memory_space<semaphore_mem>>)
    %dma_start3A_249 = arith.constant 1 : i32
    %dma_start3A_250 = arith.constant 0 : i32
    %dma_start3A_251 = tpu.memref_slice %arg8[%dma_start3A_249, %dma_start3A_250] : memref<20x128xi32, #tpu.memory_space<vmem>> -> memref<1x128xi32, #tpu.memory_space<vmem>>
    %dma_start3A_252 = tpu.memref_squeeze %dma_start3A_251 : memref<1x128xi32, #tpu.memory_space<vmem>> -> memref<128xi32, #tpu.memory_space<vmem>>
    %dma_start3A_253 = arith.constant 0 : i32
    %dma_start3A_254 = arith.constant 0 : i32
    %dma_start3A_255 = tpu.memref_slice %arg3[%dma_start3A_253, %dma_start3A_254] : memref<20000x32xf32, #tpu.memory_space<hbm>> -> memref<20000x32xf32, #tpu.memory_space<hbm>>
    tpu.enqueue_indirect_dma source(%dma_start3A_255 : memref<20000x32xf32, #tpu.memory_space<hbm>>) target(%arg11 : memref<128x32xf32, #tpu.memory_space<vmem>>) offsets(%dma_start3A_252 : memref<128xi32, #tpu.memory_space<vmem>>) semaphore(%arg15 : memref<!tpu.dma_semaphore, #tpu.memory_space<semaphore_mem>>)
    %dma_start3A_256 = arith.constant 2 : i32
    %dma_start3A_257 = arith.constant 0 : i32
    %dma_start3A_258 = tpu.memref_slice %arg8[%dma_start3A_256, %dma_start3A_257] : memref<20x128xi32, #tpu.memory_space<vmem>> -> memref<1x128xi32, #tpu.memory_space<vmem>>
    %dma_start3A_259 = tpu.memref_squeeze %dma_start3A_258 : memref<1x128xi32, #tpu.memory_space<vmem>> -> memref<128xi32, #tpu.memory_space<vmem>>
    %dma_start3A_260 = arith.constant 0 : i32
    %dma_start3A_261 = arith.constant 0 : i32
    %dma_start3A_262 = tpu.memref_slice %arg3[%dma_start3A_260, %dma_start3A_261] : memref<20000x32xf32, #tpu.memory_space<hbm>> -> memref<20000x32xf32, #tpu.memory_space<hbm>>
    tpu.enqueue_indirect_dma source(%dma_start3A_262 : memref<20000x32xf32, #tpu.memory_space<hbm>>) target(%arg12 : memref<128x32xf32, #tpu.memory_space<vmem>>) offsets(%dma_start3A_259 : memref<128xi32, #tpu.memory_space<vmem>>) semaphore(%arg16 : memref<!tpu.dma_semaphore, #tpu.memory_space<semaphore_mem>>)
    %dma_wait3A_263 = arith.constant 0 : i32
    %dma_wait3A_264 = arith.constant 0 : i32
    %dma_wait3A_265 = tpu.memref_slice %arg8[%dma_wait3A_263, %dma_wait3A_264] : memref<20x128xi32, #tpu.memory_space<vmem>> -> memref<1x128xi32, #tpu.memory_space<vmem>>
    %dma_wait3A_266 = tpu.memref_squeeze %dma_wait3A_265 : memref<1x128xi32, #tpu.memory_space<vmem>> -> memref<128xi32, #tpu.memory_space<vmem>>
    %dma_wait3A_267 = arith.constant 0 : i32
    %dma_wait3A_268 = arith.constant 0 : i32
    %dma_wait3A_269 = tpu.memref_slice %arg3[%dma_wait3A_267, %dma_wait3A_268] : memref<20000x32xf32, #tpu.memory_space<hbm>> -> memref<20000x32xf32, #tpu.memory_space<hbm>>
    tpu.wait_indirect_dma semaphore(%arg14 : memref<!tpu.dma_semaphore, #tpu.memory_space<semaphore_mem>>) src(%dma_wait3A_269 : memref<20000x32xf32, #tpu.memory_space<hbm>>) dst(%arg10 : memref<128x32xf32, #tpu.memory_space<vmem>>)
    %dma_start3A_270 = arith.constant 0 : i32
    %dma_start3A_271 = arith.constant 0 : i32
    %dma_start3A_272 = tpu.memref_slice %arg9[%dma_start3A_270, %dma_start3A_271] : memref<20x128xi32, #tpu.memory_space<vmem>> -> memref<1x128xi32, #tpu.memory_space<vmem>>
    %dma_start3A_273 = tpu.memref_squeeze %dma_start3A_272 : memref<1x128xi32, #tpu.memory_space<vmem>> -> memref<128xi32, #tpu.memory_space<vmem>>
    %dma_start3A_274 = arith.constant 0 : i32
    %dma_start3A_275 = arith.constant 0 : i32
    %dma_start3A_276 = tpu.memref_slice %arg7[%dma_start3A_274, %dma_start3A_275] : memref<10112x32xf32, #tpu.memory_space<vmem_shared>> -> memref<10112x32xf32, #tpu.memory_space<vmem_shared>>
    tpu.enqueue_indirect_dma source(%arg10 : memref<128x32xf32, #tpu.memory_space<vmem>>) target(%dma_start3A_276 : memref<10112x32xf32, #tpu.memory_space<vmem_shared>>) offsets(%dma_start3A_273 : memref<128xi32, #tpu.memory_space<vmem>>) semaphore(%arg18 : memref<!tpu.dma_semaphore, #tpu.memory_space<semaphore_mem>>) {add = true}
    %dma_start3A_277 = arith.constant 3 : i32
    %dma_start3A_278 = arith.constant 0 : i32
    %dma_start3A_279 = tpu.memref_slice %arg8[%dma_start3A_277, %dma_start3A_278] : memref<20x128xi32, #tpu.memory_space<vmem>> -> memref<1x128xi32, #tpu.memory_space<vmem>>
    %dma_start3A_280 = tpu.memref_squeeze %dma_start3A_279 : memref<1x128xi32, #tpu.memory_space<vmem>> -> memref<128xi32, #tpu.memory_space<vmem>>
    %dma_start3A_281 = arith.constant 0 : i32
    %dma_start3A_282 = arith.constant 0 : i32
    %dma_start3A_283 = tpu.memref_slice %arg3[%dma_start3A_281, %dma_start3A_282] : memref<20000x32xf32, #tpu.memory_space<hbm>> -> memref<20000x32xf32, #tpu.memory_space<hbm>>
    tpu.enqueue_indirect_dma source(%dma_start3A_283 : memref<20000x32xf32, #tpu.memory_space<hbm>>) target(%arg13 : memref<128x32xf32, #tpu.memory_space<vmem>>) offsets(%dma_start3A_280 : memref<128xi32, #tpu.memory_space<vmem>>) semaphore(%arg17 : memref<!tpu.dma_semaphore, #tpu.memory_space<semaphore_mem>>)
    %dma_wait3A_284 = arith.constant 0 : i32
    %dma_wait3A_285 = arith.constant 0 : i32
    %dma_wait3A_286 = tpu.memref_slice %arg8[%dma_wait3A_284, %dma_wait3A_285] : memref<20x128xi32, #tpu.memory_space<vmem>> -> memref<1x128xi32, #tpu.memory_space<vmem>>
    %dma_wait3A_287 = tpu.memref_squeeze %dma_wait3A_286 : memref<1x128xi32, #tpu.memory_space<vmem>> -> memref<128xi32, #tpu.memory_space<vmem>>
    %dma_wait3A_288 = arith.constant 0 : i32
    %dma_wait3A_289 = arith.constant 0 : i32
    %dma_wait3A_290 = tpu.memref_slice %arg3[%dma_wait3A_288, %dma_wait3A_289] : memref<20000x32xf32, #tpu.memory_space<hbm>> -> memref<20000x32xf32, #tpu.memory_space<hbm>>
    tpu.wait_indirect_dma semaphore(%arg15 : memref<!tpu.dma_semaphore, #tpu.memory_space<semaphore_mem>>) src(%dma_wait3A_290 : memref<20000x32xf32, #tpu.memory_space<hbm>>) dst(%arg11 : memref<128x32xf32, #tpu.memory_space<vmem>>)
    %dma_start3A_291 = arith.constant 1 : i32
    %dma_start3A_292 = arith.constant 0 : i32
    %dma_start3A_293 = tpu.memref_slice %arg9[%dma_start3A_291, %dma_start3A_292] : memref<20x128xi32, #tpu.memory_space<vmem>> -> memref<1x128xi32, #tpu.memory_space<vmem>>
    %dma_start3A_294 = tpu.memref_squeeze %dma_start3A_293 : memref<1x128xi32, #tpu.memory_space<vmem>> -> memref<128xi32, #tpu.memory_space<vmem>>
    %dma_start3A_295 = arith.constant 0 : i32
    %dma_start3A_296 = arith.constant 0 : i32
    %dma_start3A_297 = tpu.memref_slice %arg7[%dma_start3A_295, %dma_start3A_296] : memref<10112x32xf32, #tpu.memory_space<vmem_shared>> -> memref<10112x32xf32, #tpu.memory_space<vmem_shared>>
    tpu.enqueue_indirect_dma source(%arg11 : memref<128x32xf32, #tpu.memory_space<vmem>>) target(%dma_start3A_297 : memref<10112x32xf32, #tpu.memory_space<vmem_shared>>) offsets(%dma_start3A_294 : memref<128xi32, #tpu.memory_space<vmem>>) semaphore(%arg18 : memref<!tpu.dma_semaphore, #tpu.memory_space<semaphore_mem>>) {add = true}
    %scan3A_298 = arith.constant 0 : i32
    %scan3A_299 = arith.constant 4 : i32
    %scan3A_300 = arith.addi %scan3A_298, %scan3A_299 : i32
    %scan3A_301 = arith.constant 1 : i32
    scf.for %scan3A_481 = %scan3A_298 to %scan3A_300 step %scan3A_301  : i32 {
      %mul3A_482 = arith.constant 1 : i32
      %mul3A_483 = arith.muli %scan3A_481, %mul3A_482 : i32
      %add3A = arith.constant 0 : i32
      %add3A_484 = arith.addi %add3A, %mul3A_483 : i32
      %dma_wait3A_485 = arith.constant 0 : i32
      %dma_wait3A_486 = arith.constant 0 : i32
      %dma_wait3A_487 = tpu.memref_slice %arg9[%dma_wait3A_485, %dma_wait3A_486] : memref<20x128xi32, #tpu.memory_space<vmem>> -> memref<1x128xi32, #tpu.memory_space<vmem>>
      %dma_wait3A_488 = tpu.memref_squeeze %dma_wait3A_487 : memref<1x128xi32, #tpu.memory_space<vmem>> -> memref<128xi32, #tpu.memory_space<vmem>>
      %dma_wait3A_489 = arith.constant 0 : i32
      %dma_wait3A_490 = arith.constant 0 : i32
      %dma_wait3A_491 = tpu.memref_slice %arg7[%dma_wait3A_489, %dma_wait3A_490] : memref<10112x32xf32, #tpu.memory_space<vmem_shared>> -> memref<10112x32xf32, #tpu.memory_space<vmem_shared>>
      tpu.wait_indirect_dma semaphore(%arg18 : memref<!tpu.dma_semaphore, #tpu.memory_space<semaphore_mem>>) src(%arg10 : memref<128x32xf32, #tpu.memory_space<vmem>>) dst(%dma_wait3A_491 : memref<10112x32xf32, #tpu.memory_space<vmem_shared>>)
      %mul3A_492 = arith.constant 4 : i32
      %mul3A_493 = arith.muli %mul3A_492, %add3A_484 : i32
      %add3A_494 = arith.constant 4 : i32
      %add3A_495 = arith.addi %mul3A_493, %add3A_494 : i32
      %add3A_496 = arith.constant 0 : i32
      %add3A_497 = arith.addi %add3A_495, %add3A_496 : i32
      %dma_start3A_498 = arith.constant 0 : i32
      %dma_start3A_499 = tpu.memref_slice %arg8[%add3A_497, %dma_start3A_498] : memref<20x128xi32, #tpu.memory_space<vmem>> -> memref<1x128xi32, #tpu.memory_space<vmem>>
      %dma_start3A_500 = tpu.memref_squeeze %dma_start3A_499 : memref<1x128xi32, #tpu.memory_space<vmem>> -> memref<128xi32, #tpu.memory_space<vmem>>
      %dma_start3A_501 = arith.constant 0 : i32
      %dma_start3A_502 = arith.constant 0 : i32
      %dma_start3A_503 = tpu.memref_slice %arg3[%dma_start3A_501, %dma_start3A_502] : memref<20000x32xf32, #tpu.memory_space<hbm>> -> memref<20000x32xf32, #tpu.memory_space<hbm>>
      tpu.enqueue_indirect_dma source(%dma_start3A_503 : memref<20000x32xf32, #tpu.memory_space<hbm>>) target(%arg10 : memref<128x32xf32, #tpu.memory_space<vmem>>) offsets(%dma_start3A_500 : memref<128xi32, #tpu.memory_space<vmem>>) semaphore(%arg14 : memref<!tpu.dma_semaphore, #tpu.memory_space<semaphore_mem>>)
      %dma_wait3A_504 = arith.constant 0 : i32
      %dma_wait3A_505 = arith.constant 0 : i32
      %dma_wait3A_506 = tpu.memref_slice %arg8[%dma_wait3A_504, %dma_wait3A_505] : memref<20x128xi32, #tpu.memory_space<vmem>> -> memref<1x128xi32, #tpu.memory_space<vmem>>
      %dma_wait3A_507 = tpu.memref_squeeze %dma_wait3A_506 : memref<1x128xi32, #tpu.memory_space<vmem>> -> memref<128xi32, #tpu.memory_space<vmem>>
      %dma_wait3A_508 = arith.constant 0 : i32
      %dma_wait3A_509 = arith.constant 0 : i32
      %dma_wait3A_510 = tpu.memref_slice %arg3[%dma_wait3A_508, %dma_wait3A_509] : memref<20000x32xf32, #tpu.memory_space<hbm>> -> memref<20000x32xf32, #tpu.memory_space<hbm>>
      tpu.wait_indirect_dma semaphore(%arg16 : memref<!tpu.dma_semaphore, #tpu.memory_space<semaphore_mem>>) src(%dma_wait3A_510 : memref<20000x32xf32, #tpu.memory_space<hbm>>) dst(%arg12 : memref<128x32xf32, #tpu.memory_space<vmem>>)
      %mul3A_511 = arith.constant 4 : i32
      %mul3A_512 = arith.muli %mul3A_511, %add3A_484 : i32
      %add3A_513 = arith.constant 2 : i32
      %add3A_514 = arith.addi %mul3A_512, %add3A_513 : i32
      %add3A_515 = arith.constant 0 : i32
      %add3A_516 = arith.addi %add3A_514, %add3A_515 : i32
      %dma_start3A_517 = arith.constant 0 : i32
      %dma_start3A_518 = tpu.memref_slice %arg9[%add3A_516, %dma_start3A_517] : memref<20x128xi32, #tpu.memory_space<vmem>> -> memref<1x128xi32, #tpu.memory_space<vmem>>
      %dma_start3A_519 = tpu.memref_squeeze %dma_start3A_518 : memref<1x128xi32, #tpu.memory_space<vmem>> -> memref<128xi32, #tpu.memory_space<vmem>>
      %dma_start3A_520 = arith.constant 0 : i32
      %dma_start3A_521 = arith.constant 0 : i32
      %dma_start3A_522 = tpu.memref_slice %arg7[%dma_start3A_520, %dma_start3A_521] : memref<10112x32xf32, #tpu.memory_space<vmem_shared>> -> memref<10112x32xf32, #tpu.memory_space<vmem_shared>>
      tpu.enqueue_indirect_dma source(%arg12 : memref<128x32xf32, #tpu.memory_space<vmem>>) target(%dma_start3A_522 : memref<10112x32xf32, #tpu.memory_space<vmem_shared>>) offsets(%dma_start3A_519 : memref<128xi32, #tpu.memory_space<vmem>>) semaphore(%arg18 : memref<!tpu.dma_semaphore, #tpu.memory_space<semaphore_mem>>) {add = true}
      %dma_wait3A_523 = arith.constant 0 : i32
      %dma_wait3A_524 = arith.constant 0 : i32
      %dma_wait3A_525 = tpu.memref_slice %arg9[%dma_wait3A_523, %dma_wait3A_524] : memref<20x128xi32, #tpu.memory_space<vmem>> -> memref<1x128xi32, #tpu.memory_space<vmem>>
      %dma_wait3A_526 = tpu.memref_squeeze %dma_wait3A_525 : memref<1x128xi32, #tpu.memory_space<vmem>> -> memref<128xi32, #tpu.memory_space<vmem>>
      %dma_wait3A_527 = arith.constant 0 : i32
      %dma_wait3A_528 = arith.constant 0 : i32
      %dma_wait3A_529 = tpu.memref_slice %arg7[%dma_wait3A_527, %dma_wait3A_528] : memref<10112x32xf32, #tpu.memory_space<vmem_shared>> -> memref<10112x32xf32, #tpu.memory_space<vmem_shared>>
      tpu.wait_indirect_dma semaphore(%arg18 : memref<!tpu.dma_semaphore, #tpu.memory_space<semaphore_mem>>) src(%arg10 : memref<128x32xf32, #tpu.memory_space<vmem>>) dst(%dma_wait3A_529 : memref<10112x32xf32, #tpu.memory_space<vmem_shared>>)
      %mul3A_530 = arith.constant 4 : i32
      %mul3A_531 = arith.muli %mul3A_530, %add3A_484 : i32
      %add3A_532 = arith.constant 4 : i32
      %add3A_533 = arith.addi %mul3A_531, %add3A_532 : i32
      %add3A_534 = arith.constant 1 : i32
      %add3A_535 = arith.addi %add3A_533, %add3A_534 : i32
      %dma_start3A_536 = arith.constant 0 : i32
      %dma_start3A_537 = tpu.memref_slice %arg8[%add3A_535, %dma_start3A_536] : memref<20x128xi32, #tpu.memory_space<vmem>> -> memref<1x128xi32, #tpu.memory_space<vmem>>
      %dma_start3A_538 = tpu.memref_squeeze %dma_start3A_537 : memref<1x128xi32, #tpu.memory_space<vmem>> -> memref<128xi32, #tpu.memory_space<vmem>>
      %dma_start3A_539 = arith.constant 0 : i32
      %dma_start3A_540 = arith.constant 0 : i32
      %dma_start3A_541 = tpu.memref_slice %arg3[%dma_start3A_539, %dma_start3A_540] : memref<20000x32xf32, #tpu.memory_space<hbm>> -> memref<20000x32xf32, #tpu.memory_space<hbm>>
      tpu.enqueue_indirect_dma source(%dma_start3A_541 : memref<20000x32xf32, #tpu.memory_space<hbm>>) target(%arg11 : memref<128x32xf32, #tpu.memory_space<vmem>>) offsets(%dma_start3A_538 : memref<128xi32, #tpu.memory_space<vmem>>) semaphore(%arg15 : memref<!tpu.dma_semaphore, #tpu.memory_space<semaphore_mem>>)
      %dma_wait3A_542 = arith.constant 0 : i32
      %dma_wait3A_543 = arith.constant 0 : i32
      %dma_wait3A_544 = tpu.memref_slice %arg8[%dma_wait3A_542, %dma_wait3A_543] : memref<20x128xi32, #tpu.memory_space<vmem>> -> memref<1x128xi32, #tpu.memory_space<vmem>>
      %dma_wait3A_545 = tpu.memref_squeeze %dma_wait3A_544 : memref<1x128xi32, #tpu.memory_space<vmem>> -> memref<128xi32, #tpu.memory_space<vmem>>
      %dma_wait3A_546 = arith.constant 0 : i32
      %dma_wait3A_547 = arith.constant 0 : i32
      %dma_wait3A_548 = tpu.memref_slice %arg3[%dma_wait3A_546, %dma_wait3A_547] : memref<20000x32xf32, #tpu.memory_space<hbm>> -> memref<20000x32xf32, #tpu.memory_space<hbm>>
      tpu.wait_indirect_dma semaphore(%arg17 : memref<!tpu.dma_semaphore, #tpu.memory_space<semaphore_mem>>) src(%dma_wait3A_548 : memref<20000x32xf32, #tpu.memory_space<hbm>>) dst(%arg13 : memref<128x32xf32, #tpu.memory_space<vmem>>)
      %mul3A_549 = arith.constant 4 : i32
      %mul3A_550 = arith.muli %mul3A_549, %add3A_484 : i32
      %add3A_551 = arith.constant 2 : i32
      %add3A_552 = arith.addi %mul3A_550, %add3A_551 : i32
      %add3A_553 = arith.constant 1 : i32
      %add3A_554 = arith.addi %add3A_552, %add3A_553 : i32
      %dma_start3A_555 = arith.constant 0 : i32
      %dma_start3A_556 = tpu.memref_slice %arg9[%add3A_554, %dma_start3A_555] : memref<20x128xi32, #tpu.memory_space<vmem>> -> memref<1x128xi32, #tpu.memory_space<vmem>>
      %dma_start3A_557 = tpu.memref_squeeze %dma_start3A_556 : memref<1x128xi32, #tpu.memory_space<vmem>> -> memref<128xi32, #tpu.memory_space<vmem>>
      %dma_start3A_558 = arith.constant 0 : i32
      %dma_start3A_559 = arith.constant 0 : i32
      %dma_start3A_560 = tpu.memref_slice %arg7[%dma_start3A_558, %dma_start3A_559] : memref<10112x32xf32, #tpu.memory_space<vmem_shared>> -> memref<10112x32xf32, #tpu.memory_space<vmem_shared>>
      tpu.enqueue_indirect_dma source(%arg13 : memref<128x32xf32, #tpu.memory_space<vmem>>) target(%dma_start3A_560 : memref<10112x32xf32, #tpu.memory_space<vmem_shared>>) offsets(%dma_start3A_557 : memref<128xi32, #tpu.memory_space<vmem>>) semaphore(%arg18 : memref<!tpu.dma_semaphore, #tpu.memory_space<semaphore_mem>>) {add = true}
      %dma_wait3A_561 = arith.constant 0 : i32
      %dma_wait3A_562 = arith.constant 0 : i32
      %dma_wait3A_563 = tpu.memref_slice %arg9[%dma_wait3A_561, %dma_wait3A_562] : memref<20x128xi32, #tpu.memory_space<vmem>> -> memref<1x128xi32, #tpu.memory_space<vmem>>
      %dma_wait3A_564 = tpu.memref_squeeze %dma_wait3A_563 : memref<1x128xi32, #tpu.memory_space<vmem>> -> memref<128xi32, #tpu.memory_space<vmem>>
      %dma_wait3A_565 = arith.constant 0 : i32
      %dma_wait3A_566 = arith.constant 0 : i32
      %dma_wait3A_567 = tpu.memref_slice %arg7[%dma_wait3A_565, %dma_wait3A_566] : memref<10112x32xf32, #tpu.memory_space<vmem_shared>> -> memref<10112x32xf32, #tpu.memory_space<vmem_shared>>
      tpu.wait_indirect_dma semaphore(%arg18 : memref<!tpu.dma_semaphore, #tpu.memory_space<semaphore_mem>>) src(%arg10 : memref<128x32xf32, #tpu.memory_space<vmem>>) dst(%dma_wait3A_567 : memref<10112x32xf32, #tpu.memory_space<vmem_shared>>)
      %mul3A_568 = arith.constant 4 : i32
      %mul3A_569 = arith.muli %mul3A_568, %add3A_484 : i32
      %add3A_570 = arith.constant 4 : i32
      %add3A_571 = arith.addi %mul3A_569, %add3A_570 : i32
      %add3A_572 = arith.constant 2 : i32
      %add3A_573 = arith.addi %add3A_571, %add3A_572 : i32
      %dma_start3A_574 = arith.constant 0 : i32
      %dma_start3A_575 = tpu.memref_slice %arg8[%add3A_573, %dma_start3A_574] : memref<20x128xi32, #tpu.memory_space<vmem>> -> memref<1x128xi32, #tpu.memory_space<vmem>>
      %dma_start3A_576 = tpu.memref_squeeze %dma_start3A_575 : memref<1x128xi32, #tpu.memory_space<vmem>> -> memref<128xi32, #tpu.memory_space<vmem>>
      %dma_start3A_577 = arith.constant 0 : i32
      %dma_start3A_578 = arith.constant 0 : i32
      %dma_start3A_579 = tpu.memref_slice %arg3[%dma_start3A_577, %dma_start3A_578] : memref<20000x32xf32, #tpu.memory_space<hbm>> -> memref<20000x32xf32, #tpu.memory_space<hbm>>
      tpu.enqueue_indirect_dma source(%dma_start3A_579 : memref<20000x32xf32, #tpu.memory_space<hbm>>) target(%arg12 : memref<128x32xf32, #tpu.memory_space<vmem>>) offsets(%dma_start3A_576 : memref<128xi32, #tpu.memory_space<vmem>>) semaphore(%arg16 : memref<!tpu.dma_semaphore, #tpu.memory_space<semaphore_mem>>)
      %dma_wait3A_580 = arith.constant 0 : i32
      %dma_wait3A_581 = arith.constant 0 : i32
      %dma_wait3A_582 = tpu.memref_slice %arg8[%dma_wait3A_580, %dma_wait3A_581] : memref<20x128xi32, #tpu.memory_space<vmem>> -> memref<1x128xi32, #tpu.memory_space<vmem>>
      %dma_wait3A_583 = tpu.memref_squeeze %dma_wait3A_582 : memref<1x128xi32, #tpu.memory_space<vmem>> -> memref<128xi32, #tpu.memory_space<vmem>>
      %dma_wait3A_584 = arith.constant 0 : i32
      %dma_wait3A_585 = arith.constant 0 : i32
      %dma_wait3A_586 = tpu.memref_slice %arg3[%dma_wait3A_584, %dma_wait3A_585] : memref<20000x32xf32, #tpu.memory_space<hbm>> -> memref<20000x32xf32, #tpu.memory_space<hbm>>
      tpu.wait_indirect_dma semaphore(%arg14 : memref<!tpu.dma_semaphore, #tpu.memory_space<semaphore_mem>>) src(%dma_wait3A_586 : memref<20000x32xf32, #tpu.memory_space<hbm>>) dst(%arg10 : memref<128x32xf32, #tpu.memory_space<vmem>>)
      %mul3A_587 = arith.constant 4 : i32
      %mul3A_588 = arith.muli %mul3A_587, %add3A_484 : i32
      %add3A_589 = arith.constant 2 : i32
      %add3A_590 = arith.addi %mul3A_588, %add3A_589 : i32
      %add3A_591 = arith.constant 2 : i32
      %add3A_592 = arith.addi %add3A_590, %add3A_591 : i32
      %dma_start3A_593 = arith.constant 0 : i32
      %dma_start3A_594 = tpu.memref_slice %arg9[%add3A_592, %dma_start3A_593] : memref<20x128xi32, #tpu.memory_space<vmem>> -> memref<1x128xi32, #tpu.memory_space<vmem>>
      %dma_start3A_595 = tpu.memref_squeeze %dma_start3A_594 : memref<1x128xi32, #tpu.memory_space<vmem>> -> memref<128xi32, #tpu.memory_space<vmem>>
      %dma_start3A_596 = arith.constant 0 : i32
      %dma_start3A_597 = arith.constant 0 : i32
      %dma_start3A_598 = tpu.memref_slice %arg7[%dma_start3A_596, %dma_start3A_597] : memref<10112x32xf32, #tpu.memory_space<vmem_shared>> -> memref<10112x32xf32, #tpu.memory_space<vmem_shared>>
      tpu.enqueue_indirect_dma source(%arg10 : memref<128x32xf32, #tpu.memory_space<vmem>>) target(%dma_start3A_598 : memref<10112x32xf32, #tpu.memory_space<vmem_shared>>) offsets(%dma_start3A_595 : memref<128xi32, #tpu.memory_space<vmem>>) semaphore(%arg18 : memref<!tpu.dma_semaphore, #tpu.memory_space<semaphore_mem>>) {add = true}
      %dma_wait3A_599 = arith.constant 0 : i32
      %dma_wait3A_600 = arith.constant 0 : i32
      %dma_wait3A_601 = tpu.memref_slice %arg9[%dma_wait3A_599, %dma_wait3A_600] : memref<20x128xi32, #tpu.memory_space<vmem>> -> memref<1x128xi32, #tpu.memory_space<vmem>>
      %dma_wait3A_602 = tpu.memref_squeeze %dma_wait3A_601 : memref<1x128xi32, #tpu.memory_space<vmem>> -> memref<128xi32, #tpu.memory_space<vmem>>
      %dma_wait3A_603 = arith.constant 0 : i32
      %dma_wait3A_604 = arith.constant 0 : i32
      %dma_wait3A_605 = tpu.memref_slice %arg7[%dma_wait3A_603, %dma_wait3A_604] : memref<10112x32xf32, #tpu.memory_space<vmem_shared>> -> memref<10112x32xf32, #tpu.memory_space<vmem_shared>>
      tpu.wait_indirect_dma semaphore(%arg18 : memref<!tpu.dma_semaphore, #tpu.memory_space<semaphore_mem>>) src(%arg10 : memref<128x32xf32, #tpu.memory_space<vmem>>) dst(%dma_wait3A_605 : memref<10112x32xf32, #tpu.memory_space<vmem_shared>>)
      %mul3A_606 = arith.constant 4 : i32
      %mul3A_607 = arith.muli %mul3A_606, %add3A_484 : i32
      %add3A_608 = arith.constant 4 : i32
      %add3A_609 = arith.addi %mul3A_607, %add3A_608 : i32
      %add3A_610 = arith.constant 3 : i32
      %add3A_611 = arith.addi %add3A_609, %add3A_610 : i32
      %dma_start3A_612 = arith.constant 0 : i32
      %dma_start3A_613 = tpu.memref_slice %arg8[%add3A_611, %dma_start3A_612] : memref<20x128xi32, #tpu.memory_space<vmem>> -> memref<1x128xi32, #tpu.memory_space<vmem>>
      %dma_start3A_614 = tpu.memref_squeeze %dma_start3A_613 : memref<1x128xi32, #tpu.memory_space<vmem>> -> memref<128xi32, #tpu.memory_space<vmem>>
      %dma_start3A_615 = arith.constant 0 : i32
      %dma_start3A_616 = arith.constant 0 : i32
      %dma_start3A_617 = tpu.memref_slice %arg3[%dma_start3A_615, %dma_start3A_616] : memref<20000x32xf32, #tpu.memory_space<hbm>> -> memref<20000x32xf32, #tpu.memory_space<hbm>>
      tpu.enqueue_indirect_dma source(%dma_start3A_617 : memref<20000x32xf32, #tpu.memory_space<hbm>>) target(%arg13 : memref<128x32xf32, #tpu.memory_space<vmem>>) offsets(%dma_start3A_614 : memref<128xi32, #tpu.memory_space<vmem>>) semaphore(%arg17 : memref<!tpu.dma_semaphore, #tpu.memory_space<semaphore_mem>>)
      %dma_wait3A_618 = arith.constant 0 : i32
      %dma_wait3A_619 = arith.constant 0 : i32
      %dma_wait3A_620 = tpu.memref_slice %arg8[%dma_wait3A_618, %dma_wait3A_619] : memref<20x128xi32, #tpu.memory_space<vmem>> -> memref<1x128xi32, #tpu.memory_space<vmem>>
      %dma_wait3A_621 = tpu.memref_squeeze %dma_wait3A_620 : memref<1x128xi32, #tpu.memory_space<vmem>> -> memref<128xi32, #tpu.memory_space<vmem>>
      %dma_wait3A_622 = arith.constant 0 : i32
      %dma_wait3A_623 = arith.constant 0 : i32
      %dma_wait3A_624 = tpu.memref_slice %arg3[%dma_wait3A_622, %dma_wait3A_623] : memref<20000x32xf32, #tpu.memory_space<hbm>> -> memref<20000x32xf32, #tpu.memory_space<hbm>>
      tpu.wait_indirect_dma semaphore(%arg15 : memref<!tpu.dma_semaphore, #tpu.memory_space<semaphore_mem>>) src(%dma_wait3A_624 : memref<20000x32xf32, #tpu.memory_space<hbm>>) dst(%arg11 : memref<128x32xf32, #tpu.memory_space<vmem>>)
      %mul3A_625 = arith.constant 4 : i32
      %mul3A_626 = arith.muli %mul3A_625, %add3A_484 : i32
      %add3A_627 = arith.constant 2 : i32
      %add3A_628 = arith.addi %mul3A_626, %add3A_627 : i32
      %add3A_629 = arith.constant 3 : i32
      %add3A_630 = arith.addi %add3A_628, %add3A_629 : i32
      %dma_start3A_631 = arith.constant 0 : i32
      %dma_start3A_632 = tpu.memref_slice %arg9[%add3A_630, %dma_start3A_631] : memref<20x128xi32, #tpu.memory_space<vmem>> -> memref<1x128xi32, #tpu.memory_space<vmem>>
      %dma_start3A_633 = tpu.memref_squeeze %dma_start3A_632 : memref<1x128xi32, #tpu.memory_space<vmem>> -> memref<128xi32, #tpu.memory_space<vmem>>
      %dma_start3A_634 = arith.constant 0 : i32
      %dma_start3A_635 = arith.constant 0 : i32
      %dma_start3A_636 = tpu.memref_slice %arg7[%dma_start3A_634, %dma_start3A_635] : memref<10112x32xf32, #tpu.memory_space<vmem_shared>> -> memref<10112x32xf32, #tpu.memory_space<vmem_shared>>
      tpu.enqueue_indirect_dma source(%arg11 : memref<128x32xf32, #tpu.memory_space<vmem>>) target(%dma_start3A_636 : memref<10112x32xf32, #tpu.memory_space<vmem_shared>>) offsets(%dma_start3A_633 : memref<128xi32, #tpu.memory_space<vmem>>) semaphore(%arg18 : memref<!tpu.dma_semaphore, #tpu.memory_space<semaphore_mem>>) {add = true}
    }
    %scan3A_302 = arith.constant 4 : i32
    %dma_wait3A_303 = arith.constant 0 : i32
    %dma_wait3A_304 = arith.constant 0 : i32
    %dma_wait3A_305 = tpu.memref_slice %arg9[%dma_wait3A_303, %dma_wait3A_304] : memref<20x128xi32, #tpu.memory_space<vmem>> -> memref<1x128xi32, #tpu.memory_space<vmem>>
    %dma_wait3A_306 = tpu.memref_squeeze %dma_wait3A_305 : memref<1x128xi32, #tpu.memory_space<vmem>> -> memref<128xi32, #tpu.memory_space<vmem>>
    %dma_wait3A_307 = arith.constant 0 : i32
    %dma_wait3A_308 = arith.constant 0 : i32
    %dma_wait3A_309 = tpu.memref_slice %arg7[%dma_wait3A_307, %dma_wait3A_308] : memref<10112x32xf32, #tpu.memory_space<vmem_shared>> -> memref<10112x32xf32, #tpu.memory_space<vmem_shared>>
    tpu.wait_indirect_dma semaphore(%arg18 : memref<!tpu.dma_semaphore, #tpu.memory_space<semaphore_mem>>) src(%arg10 : memref<128x32xf32, #tpu.memory_space<vmem>>) dst(%dma_wait3A_309 : memref<10112x32xf32, #tpu.memory_space<vmem_shared>>)
    %dma_wait3A_310 = arith.constant 0 : i32
    %dma_wait3A_311 = arith.constant 0 : i32
    %dma_wait3A_312 = tpu.memref_slice %arg8[%dma_wait3A_310, %dma_wait3A_311] : memref<20x128xi32, #tpu.memory_space<vmem>> -> memref<1x128xi32, #tpu.memory_space<vmem>>
    %dma_wait3A_313 = tpu.memref_squeeze %dma_wait3A_312 : memref<1x128xi32, #tpu.memory_space<vmem>> -> memref<128xi32, #tpu.memory_space<vmem>>
    %dma_wait3A_314 = arith.constant 0 : i32
    %dma_wait3A_315 = arith.constant 0 : i32
    %dma_wait3A_316 = tpu.memref_slice %arg3[%dma_wait3A_314, %dma_wait3A_315] : memref<20000x32xf32, #tpu.memory_space<hbm>> -> memref<20000x32xf32, #tpu.memory_space<hbm>>
    tpu.wait_indirect_dma semaphore(%arg16 : memref<!tpu.dma_semaphore, #tpu.memory_space<semaphore_mem>>) src(%dma_wait3A_316 : memref<20000x32xf32, #tpu.memory_space<hbm>>) dst(%arg12 : memref<128x32xf32, #tpu.memory_space<vmem>>)
    %dma_start3A_317 = arith.constant 18 : i32
    %dma_start3A_318 = arith.constant 0 : i32
    %dma_start3A_319 = tpu.memref_slice %arg9[%dma_start3A_317, %dma_start3A_318] : memref<20x128xi32, #tpu.memory_space<vmem>> -> memref<1x128xi32, #tpu.memory_space<vmem>>
    %dma_start3A_320 = tpu.memref_squeeze %dma_start3A_319 : memref<1x128xi32, #tpu.memory_space<vmem>> -> memref<128xi32, #tpu.memory_space<vmem>>
    %dma_start3A_321 = arith.constant 0 : i32
    %dma_start3A_322 = arith.constant 0 : i32
    %dma_start3A_323 = tpu.memref_slice %arg7[%dma_start3A_321, %dma_start3A_322] : memref<10112x32xf32, #tpu.memory_space<vmem_shared>> -> memref<10112x32xf32, #tpu.memory_space<vmem_shared>>
    tpu.enqueue_indirect_dma source(%arg12 : memref<128x32xf32, #tpu.memory_space<vmem>>) target(%dma_start3A_323 : memref<10112x32xf32, #tpu.memory_space<vmem_shared>>) offsets(%dma_start3A_320 : memref<128xi32, #tpu.memory_space<vmem>>) semaphore(%arg18 : memref<!tpu.dma_semaphore, #tpu.memory_space<semaphore_mem>>) {add = true}
    %dma_wait3A_324 = arith.constant 0 : i32
    %dma_wait3A_325 = arith.constant 0 : i32
    %dma_wait3A_326 = tpu.memref_slice %arg9[%dma_wait3A_324, %dma_wait3A_325] : memref<20x128xi32, #tpu.memory_space<vmem>> -> memref<1x128xi32, #tpu.memory_space<vmem>>
    %dma_wait3A_327 = tpu.memref_squeeze %dma_wait3A_326 : memref<1x128xi32, #tpu.memory_space<vmem>> -> memref<128xi32, #tpu.memory_space<vmem>>
    %dma_wait3A_328 = arith.constant 0 : i32
    %dma_wait3A_329 = arith.constant 0 : i32
    %dma_wait3A_330 = tpu.memref_slice %arg7[%dma_wait3A_328, %dma_wait3A_329] : memref<10112x32xf32, #tpu.memory_space<vmem_shared>> -> memref<10112x32xf32, #tpu.memory_space<vmem_shared>>
    tpu.wait_indirect_dma semaphore(%arg18 : memref<!tpu.dma_semaphore, #tpu.memory_space<semaphore_mem>>) src(%arg10 : memref<128x32xf32, #tpu.memory_space<vmem>>) dst(%dma_wait3A_330 : memref<10112x32xf32, #tpu.memory_space<vmem_shared>>)
    %dma_wait3A_331 = arith.constant 0 : i32
    %dma_wait3A_332 = arith.constant 0 : i32
    %dma_wait3A_333 = tpu.memref_slice %arg8[%dma_wait3A_331, %dma_wait3A_332] : memref<20x128xi32, #tpu.memory_space<vmem>> -> memref<1x128xi32, #tpu.memory_space<vmem>>
    %dma_wait3A_334 = tpu.memref_squeeze %dma_wait3A_333 : memref<1x128xi32, #tpu.memory_space<vmem>> -> memref<128xi32, #tpu.memory_space<vmem>>
    %dma_wait3A_335 = arith.constant 0 : i32
    %dma_wait3A_336 = arith.constant 0 : i32
    %dma_wait3A_337 = tpu.memref_slice %arg3[%dma_wait3A_335, %dma_wait3A_336] : memref<20000x32xf32, #tpu.memory_space<hbm>> -> memref<20000x32xf32, #tpu.memory_space<hbm>>
    tpu.wait_indirect_dma semaphore(%arg17 : memref<!tpu.dma_semaphore, #tpu.memory_space<semaphore_mem>>) src(%dma_wait3A_337 : memref<20000x32xf32, #tpu.memory_space<hbm>>) dst(%arg13 : memref<128x32xf32, #tpu.memory_space<vmem>>)
    %dma_start3A_338 = arith.constant 19 : i32
    %dma_start3A_339 = arith.constant 0 : i32
    %dma_start3A_340 = tpu.memref_slice %arg9[%dma_start3A_338, %dma_start3A_339] : memref<20x128xi32, #tpu.memory_space<vmem>> -> memref<1x128xi32, #tpu.memory_space<vmem>>
    %dma_start3A_341 = tpu.memref_squeeze %dma_start3A_340 : memref<1x128xi32, #tpu.memory_space<vmem>> -> memref<128xi32, #tpu.memory_space<vmem>>
    %dma_start3A_342 = arith.constant 0 : i32
    %dma_start3A_343 = arith.constant 0 : i32
    %dma_start3A_344 = tpu.memref_slice %arg7[%dma_start3A_342, %dma_start3A_343] : memref<10112x32xf32, #tpu.memory_space<vmem_shared>> -> memref<10112x32xf32, #tpu.memory_space<vmem_shared>>
    tpu.enqueue_indirect_dma source(%arg13 : memref<128x32xf32, #tpu.memory_space<vmem>>) target(%dma_start3A_344 : memref<10112x32xf32, #tpu.memory_space<vmem_shared>>) offsets(%dma_start3A_341 : memref<128xi32, #tpu.memory_space<vmem>>) semaphore(%arg18 : memref<!tpu.dma_semaphore, #tpu.memory_space<semaphore_mem>>) {add = true}
    %dma_wait3A_345 = arith.constant 0 : i32
    %dma_wait3A_346 = arith.constant 0 : i32
    %dma_wait3A_347 = tpu.memref_slice %arg9[%dma_wait3A_345, %dma_wait3A_346] : memref<20x128xi32, #tpu.memory_space<vmem>> -> memref<1x128xi32, #tpu.memory_space<vmem>>
    %dma_wait3A_348 = tpu.memref_squeeze %dma_wait3A_347 : memref<1x128xi32, #tpu.memory_space<vmem>> -> memref<128xi32, #tpu.memory_space<vmem>>
    %dma_wait3A_349 = arith.constant 0 : i32
    %dma_wait3A_350 = arith.constant 0 : i32
    %dma_wait3A_351 = tpu.memref_slice %arg7[%dma_wait3A_349, %dma_wait3A_350] : memref<10112x32xf32, #tpu.memory_space<vmem_shared>> -> memref<10112x32xf32, #tpu.memory_space<vmem_shared>>
    tpu.wait_indirect_dma semaphore(%arg18 : memref<!tpu.dma_semaphore, #tpu.memory_space<semaphore_mem>>) src(%arg10 : memref<128x32xf32, #tpu.memory_space<vmem>>) dst(%dma_wait3A_351 : memref<10112x32xf32, #tpu.memory_space<vmem_shared>>)
    %dma_wait3A_352 = arith.constant 0 : i32
    %dma_wait3A_353 = arith.constant 0 : i32
    %dma_wait3A_354 = tpu.memref_slice %arg9[%dma_wait3A_352, %dma_wait3A_353] : memref<20x128xi32, #tpu.memory_space<vmem>> -> memref<1x128xi32, #tpu.memory_space<vmem>>
    %dma_wait3A_355 = tpu.memref_squeeze %dma_wait3A_354 : memref<1x128xi32, #tpu.memory_space<vmem>> -> memref<128xi32, #tpu.memory_space<vmem>>
    %dma_wait3A_356 = arith.constant 0 : i32
    %dma_wait3A_357 = arith.constant 0 : i32
    %dma_wait3A_358 = tpu.memref_slice %arg7[%dma_wait3A_356, %dma_wait3A_357] : memref<10112x32xf32, #tpu.memory_space<vmem_shared>> -> memref<10112x32xf32, #tpu.memory_space<vmem_shared>>
    tpu.wait_indirect_dma semaphore(%arg18 : memref<!tpu.dma_semaphore, #tpu.memory_space<semaphore_mem>>) src(%arg10 : memref<128x32xf32, #tpu.memory_space<vmem>>) dst(%dma_wait3A_358 : memref<10112x32xf32, #tpu.memory_space<vmem_shared>>)
    %run_scoped3A_359 = arith.constant 3 : i32
    "tpu.region"() ({
      %run_scoped3A_481 = tpu.sem_alloc : memref<!tpu.dma_semaphore, #tpu.memory_space<semaphore_mem>>
      %dma_start3A_482 = arith.constant 0 : i32
      %dma_start3A_483 = arith.constant 0 : i32
      %dma_start3A_484 = tpu.memref_slice %arg4[%arg0, %arg1, %run_scoped3A_359, %dma_start3A_482, %dma_start3A_483] : memref<2x16x4x20x128xi32, #tpu.memory_space<hbm>> -> memref<1x1x1x20x128xi32, #tpu.memory_space<hbm>>
      %dma_start3A_485 = tpu.memref_squeeze %dma_start3A_484 : memref<1x1x1x20x128xi32, #tpu.memory_space<hbm>> -> memref<20x128xi32, #tpu.memory_space<hbm>>
      %dma_start3A_486 = arith.constant 0 : i32
      %dma_start3A_487 = arith.constant 0 : i32
      %dma_start3A_488 = tpu.memref_slice %arg4[%arg0, %arg1, %run_scoped3A_359, %dma_start3A_486, %dma_start3A_487] : memref<2x16x4x20x128xi32, #tpu.memory_space<hbm>> -> memref<1x1x1x20x128xi32, #tpu.memory_space<hbm>>
      %dma_start3A_489 = tpu.memref_squeeze %dma_start3A_488 : memref<1x1x1x20x128xi32, #tpu.memory_space<hbm>> -> memref<20x128xi32, #tpu.memory_space<hbm>>
      tpu.enqueue_dma source(%dma_start3A_489 : memref<20x128xi32, #tpu.memory_space<hbm>>) target(%arg8 : memref<20x128xi32, #tpu.memory_space<vmem>>) target_semaphore(%run_scoped3A_481 : memref<!tpu.dma_semaphore, #tpu.memory_space<semaphore_mem>>)
      %dma_wait3A_490 = arith.constant 0 : i32
      %dma_wait3A_491 = arith.constant 0 : i32
      %dma_wait3A_492 = tpu.memref_slice %arg4[%arg0, %arg1, %run_scoped3A_359, %dma_wait3A_490, %dma_wait3A_491] : memref<2x16x4x20x128xi32, #tpu.memory_space<hbm>> -> memref<1x1x1x20x128xi32, #tpu.memory_space<hbm>>
      %dma_wait3A_493 = tpu.memref_squeeze %dma_wait3A_492 : memref<1x1x1x20x128xi32, #tpu.memory_space<hbm>> -> memref<20x128xi32, #tpu.memory_space<hbm>>
      %dma_wait3A_494 = arith.constant 0 : i32
      %dma_wait3A_495 = arith.constant 0 : i32
      %dma_wait3A_496 = tpu.memref_slice %arg4[%arg0, %arg1, %run_scoped3A_359, %dma_wait3A_494, %dma_wait3A_495] : memref<2x16x4x20x128xi32, #tpu.memory_space<hbm>> -> memref<1x1x1x20x128xi32, #tpu.memory_space<hbm>>
      %dma_wait3A_497 = tpu.memref_squeeze %dma_wait3A_496 : memref<1x1x1x20x128xi32, #tpu.memory_space<hbm>> -> memref<20x128xi32, #tpu.memory_space<hbm>>
      tpu.wait_dma2 semaphore(%run_scoped3A_481 : memref<!tpu.dma_semaphore, #tpu.memory_space<semaphore_mem>>) src(%dma_wait3A_497 : memref<20x128xi32, #tpu.memory_space<hbm>>) dst(%arg8 : memref<20x128xi32, #tpu.memory_space<vmem>>)
      tpu.yield
    }) : () -> ()
    %run_scoped3A_360 = arith.constant 3 : i32
    "tpu.region"() ({
      %run_scoped3A_481 = tpu.sem_alloc : memref<!tpu.dma_semaphore, #tpu.memory_space<semaphore_mem>>
      %dma_start3A_482 = arith.constant 0 : i32
      %dma_start3A_483 = arith.constant 0 : i32
      %dma_start3A_484 = tpu.memref_slice %arg5[%arg1, %run_scoped3A_360, %dma_start3A_482, %dma_start3A_483] : memref<16x4x20x128xi32, #tpu.memory_space<hbm>> -> memref<1x1x20x128xi32, #tpu.memory_space<hbm>>
      %dma_start3A_485 = tpu.memref_squeeze %dma_start3A_484 : memref<1x1x20x128xi32, #tpu.memory_space<hbm>> -> memref<20x128xi32, #tpu.memory_space<hbm>>
      %dma_start3A_486 = arith.constant 0 : i32
      %dma_start3A_487 = arith.constant 0 : i32
      %dma_start3A_488 = tpu.memref_slice %arg5[%arg1, %run_scoped3A_360, %dma_start3A_486, %dma_start3A_487] : memref<16x4x20x128xi32, #tpu.memory_space<hbm>> -> memref<1x1x20x128xi32, #tpu.memory_space<hbm>>
      %dma_start3A_489 = tpu.memref_squeeze %dma_start3A_488 : memref<1x1x20x128xi32, #tpu.memory_space<hbm>> -> memref<20x128xi32, #tpu.memory_space<hbm>>
      tpu.enqueue_dma source(%dma_start3A_489 : memref<20x128xi32, #tpu.memory_space<hbm>>) target(%arg9 : memref<20x128xi32, #tpu.memory_space<vmem>>) target_semaphore(%run_scoped3A_481 : memref<!tpu.dma_semaphore, #tpu.memory_space<semaphore_mem>>)
      %dma_wait3A_490 = arith.constant 0 : i32
      %dma_wait3A_491 = arith.constant 0 : i32
      %dma_wait3A_492 = tpu.memref_slice %arg5[%arg1, %run_scoped3A_360, %dma_wait3A_490, %dma_wait3A_491] : memref<16x4x20x128xi32, #tpu.memory_space<hbm>> -> memref<1x1x20x128xi32, #tpu.memory_space<hbm>>
      %dma_wait3A_493 = tpu.memref_squeeze %dma_wait3A_492 : memref<1x1x20x128xi32, #tpu.memory_space<hbm>> -> memref<20x128xi32, #tpu.memory_space<hbm>>
      %dma_wait3A_494 = arith.constant 0 : i32
      %dma_wait3A_495 = arith.constant 0 : i32
      %dma_wait3A_496 = tpu.memref_slice %arg5[%arg1, %run_scoped3A_360, %dma_wait3A_494, %dma_wait3A_495] : memref<16x4x20x128xi32, #tpu.memory_space<hbm>> -> memref<1x1x20x128xi32, #tpu.memory_space<hbm>>
      %dma_wait3A_497 = tpu.memref_squeeze %dma_wait3A_496 : memref<1x1x20x128xi32, #tpu.memory_space<hbm>> -> memref<20x128xi32, #tpu.memory_space<hbm>>
      tpu.wait_dma2 semaphore(%run_scoped3A_481 : memref<!tpu.dma_semaphore, #tpu.memory_space<semaphore_mem>>) src(%dma_wait3A_497 : memref<20x128xi32, #tpu.memory_space<hbm>>) dst(%arg9 : memref<20x128xi32, #tpu.memory_space<vmem>>)
      tpu.yield
    }) : () -> ()
    %eq3A_361 = arith.constant 1 : i32
    %eq3A_362 = arith.cmpi eq, %arg0, %eq3A_361 : i32
    %dma_start3A_363 = arith.constant 0 : i32
    %dma_start3A_364 = arith.constant 0 : i32
    %dma_start3A_365 = tpu.memref_slice %arg8[%dma_start3A_363, %dma_start3A_364] : memref<20x128xi32, #tpu.memory_space<vmem>> -> memref<1x128xi32, #tpu.memory_space<vmem>>
    %dma_start3A_366 = tpu.memref_squeeze %dma_start3A_365 : memref<1x128xi32, #tpu.memory_space<vmem>> -> memref<128xi32, #tpu.memory_space<vmem>>
    %dma_start3A_367 = arith.constant 0 : i32
    %dma_start3A_368 = arith.constant 0 : i32
    %dma_start3A_369 = tpu.memref_slice %arg3[%dma_start3A_367, %dma_start3A_368] : memref<20000x32xf32, #tpu.memory_space<hbm>> -> memref<20000x32xf32, #tpu.memory_space<hbm>>
    tpu.enqueue_indirect_dma source(%dma_start3A_369 : memref<20000x32xf32, #tpu.memory_space<hbm>>) target(%arg10 : memref<128x32xf32, #tpu.memory_space<vmem>>) offsets(%dma_start3A_366 : memref<128xi32, #tpu.memory_space<vmem>>) semaphore(%arg14 : memref<!tpu.dma_semaphore, #tpu.memory_space<semaphore_mem>>)
    %dma_start3A_370 = arith.constant 1 : i32
    %dma_start3A_371 = arith.constant 0 : i32
    %dma_start3A_372 = tpu.memref_slice %arg8[%dma_start3A_370, %dma_start3A_371] : memref<20x128xi32, #tpu.memory_space<vmem>> -> memref<1x128xi32, #tpu.memory_space<vmem>>
    %dma_start3A_373 = tpu.memref_squeeze %dma_start3A_372 : memref<1x128xi32, #tpu.memory_space<vmem>> -> memref<128xi32, #tpu.memory_space<vmem>>
    %dma_start3A_374 = arith.constant 0 : i32
    %dma_start3A_375 = arith.constant 0 : i32
    %dma_start3A_376 = tpu.memref_slice %arg3[%dma_start3A_374, %dma_start3A_375] : memref<20000x32xf32, #tpu.memory_space<hbm>> -> memref<20000x32xf32, #tpu.memory_space<hbm>>
    tpu.enqueue_indirect_dma source(%dma_start3A_376 : memref<20000x32xf32, #tpu.memory_space<hbm>>) target(%arg11 : memref<128x32xf32, #tpu.memory_space<vmem>>) offsets(%dma_start3A_373 : memref<128xi32, #tpu.memory_space<vmem>>) semaphore(%arg15 : memref<!tpu.dma_semaphore, #tpu.memory_space<semaphore_mem>>)
    %dma_start3A_377 = arith.constant 2 : i32
    %dma_start3A_378 = arith.constant 0 : i32
    %dma_start3A_379 = tpu.memref_slice %arg8[%dma_start3A_377, %dma_start3A_378] : memref<20x128xi32, #tpu.memory_space<vmem>> -> memref<1x128xi32, #tpu.memory_space<vmem>>
    %dma_start3A_380 = tpu.memref_squeeze %dma_start3A_379 : memref<1x128xi32, #tpu.memory_space<vmem>> -> memref<128xi32, #tpu.memory_space<vmem>>
    %dma_start3A_381 = arith.constant 0 : i32
    %dma_start3A_382 = arith.constant 0 : i32
    %dma_start3A_383 = tpu.memref_slice %arg3[%dma_start3A_381, %dma_start3A_382] : memref<20000x32xf32, #tpu.memory_space<hbm>> -> memref<20000x32xf32, #tpu.memory_space<hbm>>
    tpu.enqueue_indirect_dma source(%dma_start3A_383 : memref<20000x32xf32, #tpu.memory_space<hbm>>) target(%arg12 : memref<128x32xf32, #tpu.memory_space<vmem>>) offsets(%dma_start3A_380 : memref<128xi32, #tpu.memory_space<vmem>>) semaphore(%arg16 : memref<!tpu.dma_semaphore, #tpu.memory_space<semaphore_mem>>)
    %dma_wait3A_384 = arith.constant 0 : i32
    %dma_wait3A_385 = arith.constant 0 : i32
    %dma_wait3A_386 = tpu.memref_slice %arg8[%dma_wait3A_384, %dma_wait3A_385] : memref<20x128xi32, #tpu.memory_space<vmem>> -> memref<1x128xi32, #tpu.memory_space<vmem>>
    %dma_wait3A_387 = tpu.memref_squeeze %dma_wait3A_386 : memref<1x128xi32, #tpu.memory_space<vmem>> -> memref<128xi32, #tpu.memory_space<vmem>>
    %dma_wait3A_388 = arith.constant 0 : i32
    %dma_wait3A_389 = arith.constant 0 : i32
    %dma_wait3A_390 = tpu.memref_slice %arg3[%dma_wait3A_388, %dma_wait3A_389] : memref<20000x32xf32, #tpu.memory_space<hbm>> -> memref<20000x32xf32, #tpu.memory_space<hbm>>
    tpu.wait_indirect_dma semaphore(%arg14 : memref<!tpu.dma_semaphore, #tpu.memory_space<semaphore_mem>>) src(%dma_wait3A_390 : memref<20000x32xf32, #tpu.memory_space<hbm>>) dst(%arg10 : memref<128x32xf32, #tpu.memory_space<vmem>>)
    %dma_start3A_391 = arith.constant 0 : i32
    %dma_start3A_392 = arith.constant 0 : i32
    %dma_start3A_393 = tpu.memref_slice %arg9[%dma_start3A_391, %dma_start3A_392] : memref<20x128xi32, #tpu.memory_space<vmem>> -> memref<1x128xi32, #tpu.memory_space<vmem>>
    %dma_start3A_394 = tpu.memref_squeeze %dma_start3A_393 : memref<1x128xi32, #tpu.memory_space<vmem>> -> memref<128xi32, #tpu.memory_space<vmem>>
    %dma_start3A_395 = arith.constant 0 : i32
    %dma_start3A_396 = arith.constant 0 : i32
    %dma_start3A_397 = tpu.memref_slice %arg7[%dma_start3A_395, %dma_start3A_396] : memref<10112x32xf32, #tpu.memory_space<vmem_shared>> -> memref<10112x32xf32, #tpu.memory_space<vmem_shared>>
    tpu.enqueue_indirect_dma source(%arg10 : memref<128x32xf32, #tpu.memory_space<vmem>>) target(%dma_start3A_397 : memref<10112x32xf32, #tpu.memory_space<vmem_shared>>) offsets(%dma_start3A_394 : memref<128xi32, #tpu.memory_space<vmem>>) semaphore(%arg18 : memref<!tpu.dma_semaphore, #tpu.memory_space<semaphore_mem>>) {add = true}
    %dma_start3A_398 = arith.constant 3 : i32
    %dma_start3A_399 = arith.constant 0 : i32
    %dma_start3A_400 = tpu.memref_slice %arg8[%dma_start3A_398, %dma_start3A_399] : memref<20x128xi32, #tpu.memory_space<vmem>> -> memref<1x128xi32, #tpu.memory_space<vmem>>
    %dma_start3A_401 = tpu.memref_squeeze %dma_start3A_400 : memref<1x128xi32, #tpu.memory_space<vmem>> -> memref<128xi32, #tpu.memory_space<vmem>>
    %dma_start3A_402 = arith.constant 0 : i32
    %dma_start3A_403 = arith.constant 0 : i32
    %dma_start3A_404 = tpu.memref_slice %arg3[%dma_start3A_402, %dma_start3A_403] : memref<20000x32xf32, #tpu.memory_space<hbm>> -> memref<20000x32xf32, #tpu.memory_space<hbm>>
    tpu.enqueue_indirect_dma source(%dma_start3A_404 : memref<20000x32xf32, #tpu.memory_space<hbm>>) target(%arg13 : memref<128x32xf32, #tpu.memory_space<vmem>>) offsets(%dma_start3A_401 : memref<128xi32, #tpu.memory_space<vmem>>) semaphore(%arg17 : memref<!tpu.dma_semaphore, #tpu.memory_space<semaphore_mem>>)
    %dma_wait3A_405 = arith.constant 0 : i32
    %dma_wait3A_406 = arith.constant 0 : i32
    %dma_wait3A_407 = tpu.memref_slice %arg8[%dma_wait3A_405, %dma_wait3A_406] : memref<20x128xi32, #tpu.memory_space<vmem>> -> memref<1x128xi32, #tpu.memory_space<vmem>>
    %dma_wait3A_408 = tpu.memref_squeeze %dma_wait3A_407 : memref<1x128xi32, #tpu.memory_space<vmem>> -> memref<128xi32, #tpu.memory_space<vmem>>
    %dma_wait3A_409 = arith.constant 0 : i32
    %dma_wait3A_410 = arith.constant 0 : i32
    %dma_wait3A_411 = tpu.memref_slice %arg3[%dma_wait3A_409, %dma_wait3A_410] : memref<20000x32xf32, #tpu.memory_space<hbm>> -> memref<20000x32xf32, #tpu.memory_space<hbm>>
    tpu.wait_indirect_dma semaphore(%arg15 : memref<!tpu.dma_semaphore, #tpu.memory_space<semaphore_mem>>) src(%dma_wait3A_411 : memref<20000x32xf32, #tpu.memory_space<hbm>>) dst(%arg11 : memref<128x32xf32, #tpu.memory_space<vmem>>)
    %dma_start3A_412 = arith.constant 1 : i32
    %dma_start3A_413 = arith.constant 0 : i32
    %dma_start3A_414 = tpu.memref_slice %arg9[%dma_start3A_412, %dma_start3A_413] : memref<20x128xi32, #tpu.memory_space<vmem>> -> memref<1x128xi32, #tpu.memory_space<vmem>>
    %dma_start3A_415 = tpu.memref_squeeze %dma_start3A_414 : memref<1x128xi32, #tpu.memory_space<vmem>> -> memref<128xi32, #tpu.memory_space<vmem>>
    %dma_start3A_416 = arith.constant 0 : i32
    %dma_start3A_417 = arith.constant 0 : i32
    %dma_start3A_418 = tpu.memref_slice %arg7[%dma_start3A_416, %dma_start3A_417] : memref<10112x32xf32, #tpu.memory_space<vmem_shared>> -> memref<10112x32xf32, #tpu.memory_space<vmem_shared>>
    tpu.enqueue_indirect_dma source(%arg11 : memref<128x32xf32, #tpu.memory_space<vmem>>) target(%dma_start3A_418 : memref<10112x32xf32, #tpu.memory_space<vmem_shared>>) offsets(%dma_start3A_415 : memref<128xi32, #tpu.memory_space<vmem>>) semaphore(%arg18 : memref<!tpu.dma_semaphore, #tpu.memory_space<semaphore_mem>>) {add = true}
    %scan3A_419 = arith.constant 0 : i32
    %scan3A_420 = arith.constant 4 : i32
    %scan3A_421 = arith.addi %scan3A_419, %scan3A_420 : i32
    %scan3A_422 = arith.constant 1 : i32
    scf.for %scan3A_481 = %scan3A_419 to %scan3A_421 step %scan3A_422  : i32 {
      %mul3A_482 = arith.constant 1 : i32
      %mul3A_483 = arith.muli %scan3A_481, %mul3A_482 : i32
      %add3A = arith.constant 0 : i32
      %add3A_484 = arith.addi %add3A, %mul3A_483 : i32
      %dma_wait3A_485 = arith.constant 0 : i32
      %dma_wait3A_486 = arith.constant 0 : i32
      %dma_wait3A_487 = tpu.memref_slice %arg9[%dma_wait3A_485, %dma_wait3A_486] : memref<20x128xi32, #tpu.memory_space<vmem>> -> memref<1x128xi32, #tpu.memory_space<vmem>>
      %dma_wait3A_488 = tpu.memref_squeeze %dma_wait3A_487 : memref<1x128xi32, #tpu.memory_space<vmem>> -> memref<128xi32, #tpu.memory_space<vmem>>
      %dma_wait3A_489 = arith.constant 0 : i32
      %dma_wait3A_490 = arith.constant 0 : i32
      %dma_wait3A_491 = tpu.memref_slice %arg7[%dma_wait3A_489, %dma_wait3A_490] : memref<10112x32xf32, #tpu.memory_space<vmem_shared>> -> memref<10112x32xf32, #tpu.memory_space<vmem_shared>>
      tpu.wait_indirect_dma semaphore(%arg18 : memref<!tpu.dma_semaphore, #tpu.memory_space<semaphore_mem>>) src(%arg10 : memref<128x32xf32, #tpu.memory_space<vmem>>) dst(%dma_wait3A_491 : memref<10112x32xf32, #tpu.memory_space<vmem_shared>>)
      %mul3A_492 = arith.constant 4 : i32
      %mul3A_493 = arith.muli %mul3A_492, %add3A_484 : i32
      %add3A_494 = arith.constant 4 : i32
      %add3A_495 = arith.addi %mul3A_493, %add3A_494 : i32
      %add3A_496 = arith.constant 0 : i32
      %add3A_497 = arith.addi %add3A_495, %add3A_496 : i32
      %dma_start3A_498 = arith.constant 0 : i32
      %dma_start3A_499 = tpu.memref_slice %arg8[%add3A_497, %dma_start3A_498] : memref<20x128xi32, #tpu.memory_space<vmem>> -> memref<1x128xi32, #tpu.memory_space<vmem>>
      %dma_start3A_500 = tpu.memref_squeeze %dma_start3A_499 : memref<1x128xi32, #tpu.memory_space<vmem>> -> memref<128xi32, #tpu.memory_space<vmem>>
      %dma_start3A_501 = arith.constant 0 : i32
      %dma_start3A_502 = arith.constant 0 : i32
      %dma_start3A_503 = tpu.memref_slice %arg3[%dma_start3A_501, %dma_start3A_502] : memref<20000x32xf32, #tpu.memory_space<hbm>> -> memref<20000x32xf32, #tpu.memory_space<hbm>>
      tpu.enqueue_indirect_dma source(%dma_start3A_503 : memref<20000x32xf32, #tpu.memory_space<hbm>>) target(%arg10 : memref<128x32xf32, #tpu.memory_space<vmem>>) offsets(%dma_start3A_500 : memref<128xi32, #tpu.memory_space<vmem>>) semaphore(%arg14 : memref<!tpu.dma_semaphore, #tpu.memory_space<semaphore_mem>>)
      %dma_wait3A_504 = arith.constant 0 : i32
      %dma_wait3A_505 = arith.constant 0 : i32
      %dma_wait3A_506 = tpu.memref_slice %arg8[%dma_wait3A_504, %dma_wait3A_505] : memref<20x128xi32, #tpu.memory_space<vmem>> -> memref<1x128xi32, #tpu.memory_space<vmem>>
      %dma_wait3A_507 = tpu.memref_squeeze %dma_wait3A_506 : memref<1x128xi32, #tpu.memory_space<vmem>> -> memref<128xi32, #tpu.memory_space<vmem>>
      %dma_wait3A_508 = arith.constant 0 : i32
      %dma_wait3A_509 = arith.constant 0 : i32
      %dma_wait3A_510 = tpu.memref_slice %arg3[%dma_wait3A_508, %dma_wait3A_509] : memref<20000x32xf32, #tpu.memory_space<hbm>> -> memref<20000x32xf32, #tpu.memory_space<hbm>>
      tpu.wait_indirect_dma semaphore(%arg16 : memref<!tpu.dma_semaphore, #tpu.memory_space<semaphore_mem>>) src(%dma_wait3A_510 : memref<20000x32xf32, #tpu.memory_space<hbm>>) dst(%arg12 : memref<128x32xf32, #tpu.memory_space<vmem>>)
      %mul3A_511 = arith.constant 4 : i32
      %mul3A_512 = arith.muli %mul3A_511, %add3A_484 : i32
      %add3A_513 = arith.constant 2 : i32
      %add3A_514 = arith.addi %mul3A_512, %add3A_513 : i32
      %add3A_515 = arith.constant 0 : i32
      %add3A_516 = arith.addi %add3A_514, %add3A_515 : i32
      %dma_start3A_517 = arith.constant 0 : i32
      %dma_start3A_518 = tpu.memref_slice %arg9[%add3A_516, %dma_start3A_517] : memref<20x128xi32, #tpu.memory_space<vmem>> -> memref<1x128xi32, #tpu.memory_space<vmem>>
      %dma_start3A_519 = tpu.memref_squeeze %dma_start3A_518 : memref<1x128xi32, #tpu.memory_space<vmem>> -> memref<128xi32, #tpu.memory_space<vmem>>
      %dma_start3A_520 = arith.constant 0 : i32
      %dma_start3A_521 = arith.constant 0 : i32
      %dma_start3A_522 = tpu.memref_slice %arg7[%dma_start3A_520, %dma_start3A_521] : memref<10112x32xf32, #tpu.memory_space<vmem_shared>> -> memref<10112x32xf32, #tpu.memory_space<vmem_shared>>
      tpu.enqueue_indirect_dma source(%arg12 : memref<128x32xf32, #tpu.memory_space<vmem>>) target(%dma_start3A_522 : memref<10112x32xf32, #tpu.memory_space<vmem_shared>>) offsets(%dma_start3A_519 : memref<128xi32, #tpu.memory_space<vmem>>) semaphore(%arg18 : memref<!tpu.dma_semaphore, #tpu.memory_space<semaphore_mem>>) {add = true}
      %dma_wait3A_523 = arith.constant 0 : i32
      %dma_wait3A_524 = arith.constant 0 : i32
      %dma_wait3A_525 = tpu.memref_slice %arg9[%dma_wait3A_523, %dma_wait3A_524] : memref<20x128xi32, #tpu.memory_space<vmem>> -> memref<1x128xi32, #tpu.memory_space<vmem>>
      %dma_wait3A_526 = tpu.memref_squeeze %dma_wait3A_525 : memref<1x128xi32, #tpu.memory_space<vmem>> -> memref<128xi32, #tpu.memory_space<vmem>>
      %dma_wait3A_527 = arith.constant 0 : i32
      %dma_wait3A_528 = arith.constant 0 : i32
      %dma_wait3A_529 = tpu.memref_slice %arg7[%dma_wait3A_527, %dma_wait3A_528] : memref<10112x32xf32, #tpu.memory_space<vmem_shared>> -> memref<10112x32xf32, #tpu.memory_space<vmem_shared>>
      tpu.wait_indirect_dma semaphore(%arg18 : memref<!tpu.dma_semaphore, #tpu.memory_space<semaphore_mem>>) src(%arg10 : memref<128x32xf32, #tpu.memory_space<vmem>>) dst(%dma_wait3A_529 : memref<10112x32xf32, #tpu.memory_space<vmem_shared>>)
      %mul3A_530 = arith.constant 4 : i32
      %mul3A_531 = arith.muli %mul3A_530, %add3A_484 : i32
      %add3A_532 = arith.constant 4 : i32
      %add3A_533 = arith.addi %mul3A_531, %add3A_532 : i32
      %add3A_534 = arith.constant 1 : i32
      %add3A_535 = arith.addi %add3A_533, %add3A_534 : i32
      %dma_start3A_536 = arith.constant 0 : i32
      %dma_start3A_537 = tpu.memref_slice %arg8[%add3A_535, %dma_start3A_536] : memref<20x128xi32, #tpu.memory_space<vmem>> -> memref<1x128xi32, #tpu.memory_space<vmem>>
      %dma_start3A_538 = tpu.memref_squeeze %dma_start3A_537 : memref<1x128xi32, #tpu.memory_space<vmem>> -> memref<128xi32, #tpu.memory_space<vmem>>
      %dma_start3A_539 = arith.constant 0 : i32
      %dma_start3A_540 = arith.constant 0 : i32
      %dma_start3A_541 = tpu.memref_slice %arg3[%dma_start3A_539, %dma_start3A_540] : memref<20000x32xf32, #tpu.memory_space<hbm>> -> memref<20000x32xf32, #tpu.memory_space<hbm>>
      tpu.enqueue_indirect_dma source(%dma_start3A_541 : memref<20000x32xf32, #tpu.memory_space<hbm>>) target(%arg11 : memref<128x32xf32, #tpu.memory_space<vmem>>) offsets(%dma_start3A_538 : memref<128xi32, #tpu.memory_space<vmem>>) semaphore(%arg15 : memref<!tpu.dma_semaphore, #tpu.memory_space<semaphore_mem>>)
      %dma_wait3A_542 = arith.constant 0 : i32
      %dma_wait3A_543 = arith.constant 0 : i32
      %dma_wait3A_544 = tpu.memref_slice %arg8[%dma_wait3A_542, %dma_wait3A_543] : memref<20x128xi32, #tpu.memory_space<vmem>> -> memref<1x128xi32, #tpu.memory_space<vmem>>
      %dma_wait3A_545 = tpu.memref_squeeze %dma_wait3A_544 : memref<1x128xi32, #tpu.memory_space<vmem>> -> memref<128xi32, #tpu.memory_space<vmem>>
      %dma_wait3A_546 = arith.constant 0 : i32
      %dma_wait3A_547 = arith.constant 0 : i32
      %dma_wait3A_548 = tpu.memref_slice %arg3[%dma_wait3A_546, %dma_wait3A_547] : memref<20000x32xf32, #tpu.memory_space<hbm>> -> memref<20000x32xf32, #tpu.memory_space<hbm>>
      tpu.wait_indirect_dma semaphore(%arg17 : memref<!tpu.dma_semaphore, #tpu.memory_space<semaphore_mem>>) src(%dma_wait3A_548 : memref<20000x32xf32, #tpu.memory_space<hbm>>) dst(%arg13 : memref<128x32xf32, #tpu.memory_space<vmem>>)
      %mul3A_549 = arith.constant 4 : i32
      %mul3A_550 = arith.muli %mul3A_549, %add3A_484 : i32
      %add3A_551 = arith.constant 2 : i32
      %add3A_552 = arith.addi %mul3A_550, %add3A_551 : i32
      %add3A_553 = arith.constant 1 : i32
      %add3A_554 = arith.addi %add3A_552, %add3A_553 : i32
      %dma_start3A_555 = arith.constant 0 : i32
      %dma_start3A_556 = tpu.memref_slice %arg9[%add3A_554, %dma_start3A_555] : memref<20x128xi32, #tpu.memory_space<vmem>> -> memref<1x128xi32, #tpu.memory_space<vmem>>
      %dma_start3A_557 = tpu.memref_squeeze %dma_start3A_556 : memref<1x128xi32, #tpu.memory_space<vmem>> -> memref<128xi32, #tpu.memory_space<vmem>>
      %dma_start3A_558 = arith.constant 0 : i32
      %dma_start3A_559 = arith.constant 0 : i32
      %dma_start3A_560 = tpu.memref_slice %arg7[%dma_start3A_558, %dma_start3A_559] : memref<10112x32xf32, #tpu.memory_space<vmem_shared>> -> memref<10112x32xf32, #tpu.memory_space<vmem_shared>>
      tpu.enqueue_indirect_dma source(%arg13 : memref<128x32xf32, #tpu.memory_space<vmem>>) target(%dma_start3A_560 : memref<10112x32xf32, #tpu.memory_space<vmem_shared>>) offsets(%dma_start3A_557 : memref<128xi32, #tpu.memory_space<vmem>>) semaphore(%arg18 : memref<!tpu.dma_semaphore, #tpu.memory_space<semaphore_mem>>) {add = true}
      %dma_wait3A_561 = arith.constant 0 : i32
      %dma_wait3A_562 = arith.constant 0 : i32
      %dma_wait3A_563 = tpu.memref_slice %arg9[%dma_wait3A_561, %dma_wait3A_562] : memref<20x128xi32, #tpu.memory_space<vmem>> -> memref<1x128xi32, #tpu.memory_space<vmem>>
      %dma_wait3A_564 = tpu.memref_squeeze %dma_wait3A_563 : memref<1x128xi32, #tpu.memory_space<vmem>> -> memref<128xi32, #tpu.memory_space<vmem>>
      %dma_wait3A_565 = arith.constant 0 : i32
      %dma_wait3A_566 = arith.constant 0 : i32
      %dma_wait3A_567 = tpu.memref_slice %arg7[%dma_wait3A_565, %dma_wait3A_566] : memref<10112x32xf32, #tpu.memory_space<vmem_shared>> -> memref<10112x32xf32, #tpu.memory_space<vmem_shared>>
      tpu.wait_indirect_dma semaphore(%arg18 : memref<!tpu.dma_semaphore, #tpu.memory_space<semaphore_mem>>) src(%arg10 : memref<128x32xf32, #tpu.memory_space<vmem>>) dst(%dma_wait3A_567 : memref<10112x32xf32, #tpu.memory_space<vmem_shared>>)
      %mul3A_568 = arith.constant 4 : i32
      %mul3A_569 = arith.muli %mul3A_568, %add3A_484 : i32
      %add3A_570 = arith.constant 4 : i32
      %add3A_571 = arith.addi %mul3A_569, %add3A_570 : i32
      %add3A_572 = arith.constant 2 : i32
      %add3A_573 = arith.addi %add3A_571, %add3A_572 : i32
      %dma_start3A_574 = arith.constant 0 : i32
      %dma_start3A_575 = tpu.memref_slice %arg8[%add3A_573, %dma_start3A_574] : memref<20x128xi32, #tpu.memory_space<vmem>> -> memref<1x128xi32, #tpu.memory_space<vmem>>
      %dma_start3A_576 = tpu.memref_squeeze %dma_start3A_575 : memref<1x128xi32, #tpu.memory_space<vmem>> -> memref<128xi32, #tpu.memory_space<vmem>>
      %dma_start3A_577 = arith.constant 0 : i32
      %dma_start3A_578 = arith.constant 0 : i32
      %dma_start3A_579 = tpu.memref_slice %arg3[%dma_start3A_577, %dma_start3A_578] : memref<20000x32xf32, #tpu.memory_space<hbm>> -> memref<20000x32xf32, #tpu.memory_space<hbm>>
      tpu.enqueue_indirect_dma source(%dma_start3A_579 : memref<20000x32xf32, #tpu.memory_space<hbm>>) target(%arg12 : memref<128x32xf32, #tpu.memory_space<vmem>>) offsets(%dma_start3A_576 : memref<128xi32, #tpu.memory_space<vmem>>) semaphore(%arg16 : memref<!tpu.dma_semaphore, #tpu.memory_space<semaphore_mem>>)
      %dma_wait3A_580 = arith.constant 0 : i32
      %dma_wait3A_581 = arith.constant 0 : i32
      %dma_wait3A_582 = tpu.memref_slice %arg8[%dma_wait3A_580, %dma_wait3A_581] : memref<20x128xi32, #tpu.memory_space<vmem>> -> memref<1x128xi32, #tpu.memory_space<vmem>>
      %dma_wait3A_583 = tpu.memref_squeeze %dma_wait3A_582 : memref<1x128xi32, #tpu.memory_space<vmem>> -> memref<128xi32, #tpu.memory_space<vmem>>
      %dma_wait3A_584 = arith.constant 0 : i32
      %dma_wait3A_585 = arith.constant 0 : i32
      %dma_wait3A_586 = tpu.memref_slice %arg3[%dma_wait3A_584, %dma_wait3A_585] : memref<20000x32xf32, #tpu.memory_space<hbm>> -> memref<20000x32xf32, #tpu.memory_space<hbm>>
      tpu.wait_indirect_dma semaphore(%arg14 : memref<!tpu.dma_semaphore, #tpu.memory_space<semaphore_mem>>) src(%dma_wait3A_586 : memref<20000x32xf32, #tpu.memory_space<hbm>>) dst(%arg10 : memref<128x32xf32, #tpu.memory_space<vmem>>)
      %mul3A_587 = arith.constant 4 : i32
      %mul3A_588 = arith.muli %mul3A_587, %add3A_484 : i32
      %add3A_589 = arith.constant 2 : i32
      %add3A_590 = arith.addi %mul3A_588, %add3A_589 : i32
      %add3A_591 = arith.constant 2 : i32
      %add3A_592 = arith.addi %add3A_590, %add3A_591 : i32
      %dma_start3A_593 = arith.constant 0 : i32
      %dma_start3A_594 = tpu.memref_slice %arg9[%add3A_592, %dma_start3A_593] : memref<20x128xi32, #tpu.memory_space<vmem>> -> memref<1x128xi32, #tpu.memory_space<vmem>>
      %dma_start3A_595 = tpu.memref_squeeze %dma_start3A_594 : memref<1x128xi32, #tpu.memory_space<vmem>> -> memref<128xi32, #tpu.memory_space<vmem>>
      %dma_start3A_596 = arith.constant 0 : i32
      %dma_start3A_597 = arith.constant 0 : i32
      %dma_start3A_598 = tpu.memref_slice %arg7[%dma_start3A_596, %dma_start3A_597] : memref<10112x32xf32, #tpu.memory_space<vmem_shared>> -> memref<10112x32xf32, #tpu.memory_space<vmem_shared>>
      tpu.enqueue_indirect_dma source(%arg10 : memref<128x32xf32, #tpu.memory_space<vmem>>) target(%dma_start3A_598 : memref<10112x32xf32, #tpu.memory_space<vmem_shared>>) offsets(%dma_start3A_595 : memref<128xi32, #tpu.memory_space<vmem>>) semaphore(%arg18 : memref<!tpu.dma_semaphore, #tpu.memory_space<semaphore_mem>>) {add = true}
      %dma_wait3A_599 = arith.constant 0 : i32
      %dma_wait3A_600 = arith.constant 0 : i32
      %dma_wait3A_601 = tpu.memref_slice %arg9[%dma_wait3A_599, %dma_wait3A_600] : memref<20x128xi32, #tpu.memory_space<vmem>> -> memref<1x128xi32, #tpu.memory_space<vmem>>
      %dma_wait3A_602 = tpu.memref_squeeze %dma_wait3A_601 : memref<1x128xi32, #tpu.memory_space<vmem>> -> memref<128xi32, #tpu.memory_space<vmem>>
      %dma_wait3A_603 = arith.constant 0 : i32
      %dma_wait3A_604 = arith.constant 0 : i32
      %dma_wait3A_605 = tpu.memref_slice %arg7[%dma_wait3A_603, %dma_wait3A_604] : memref<10112x32xf32, #tpu.memory_space<vmem_shared>> -> memref<10112x32xf32, #tpu.memory_space<vmem_shared>>
      tpu.wait_indirect_dma semaphore(%arg18 : memref<!tpu.dma_semaphore, #tpu.memory_space<semaphore_mem>>) src(%arg10 : memref<128x32xf32, #tpu.memory_space<vmem>>) dst(%dma_wait3A_605 : memref<10112x32xf32, #tpu.memory_space<vmem_shared>>)
      %mul3A_606 = arith.constant 4 : i32
      %mul3A_607 = arith.muli %mul3A_606, %add3A_484 : i32
      %add3A_608 = arith.constant 4 : i32
      %add3A_609 = arith.addi %mul3A_607, %add3A_608 : i32
      %add3A_610 = arith.constant 3 : i32
      %add3A_611 = arith.addi %add3A_609, %add3A_610 : i32
      %dma_start3A_612 = arith.constant 0 : i32
      %dma_start3A_613 = tpu.memref_slice %arg8[%add3A_611, %dma_start3A_612] : memref<20x128xi32, #tpu.memory_space<vmem>> -> memref<1x128xi32, #tpu.memory_space<vmem>>
      %dma_start3A_614 = tpu.memref_squeeze %dma_start3A_613 : memref<1x128xi32, #tpu.memory_space<vmem>> -> memref<128xi32, #tpu.memory_space<vmem>>
      %dma_start3A_615 = arith.constant 0 : i32
      %dma_start3A_616 = arith.constant 0 : i32
      %dma_start3A_617 = tpu.memref_slice %arg3[%dma_start3A_615, %dma_start3A_616] : memref<20000x32xf32, #tpu.memory_space<hbm>> -> memref<20000x32xf32, #tpu.memory_space<hbm>>
      tpu.enqueue_indirect_dma source(%dma_start3A_617 : memref<20000x32xf32, #tpu.memory_space<hbm>>) target(%arg13 : memref<128x32xf32, #tpu.memory_space<vmem>>) offsets(%dma_start3A_614 : memref<128xi32, #tpu.memory_space<vmem>>) semaphore(%arg17 : memref<!tpu.dma_semaphore, #tpu.memory_space<semaphore_mem>>)
      %dma_wait3A_618 = arith.constant 0 : i32
      %dma_wait3A_619 = arith.constant 0 : i32
      %dma_wait3A_620 = tpu.memref_slice %arg8[%dma_wait3A_618, %dma_wait3A_619] : memref<20x128xi32, #tpu.memory_space<vmem>> -> memref<1x128xi32, #tpu.memory_space<vmem>>
      %dma_wait3A_621 = tpu.memref_squeeze %dma_wait3A_620 : memref<1x128xi32, #tpu.memory_space<vmem>> -> memref<128xi32, #tpu.memory_space<vmem>>
      %dma_wait3A_622 = arith.constant 0 : i32
      %dma_wait3A_623 = arith.constant 0 : i32
      %dma_wait3A_624 = tpu.memref_slice %arg3[%dma_wait3A_622, %dma_wait3A_623] : memref<20000x32xf32, #tpu.memory_space<hbm>> -> memref<20000x32xf32, #tpu.memory_space<hbm>>
      tpu.wait_indirect_dma semaphore(%arg15 : memref<!tpu.dma_semaphore, #tpu.memory_space<semaphore_mem>>) src(%dma_wait3A_624 : memref<20000x32xf32, #tpu.memory_space<hbm>>) dst(%arg11 : memref<128x32xf32, #tpu.memory_space<vmem>>)
      %mul3A_625 = arith.constant 4 : i32
      %mul3A_626 = arith.muli %mul3A_625, %add3A_484 : i32
      %add3A_627 = arith.constant 2 : i32
      %add3A_628 = arith.addi %mul3A_626, %add3A_627 : i32
      %add3A_629 = arith.constant 3 : i32
      %add3A_630 = arith.addi %add3A_628, %add3A_629 : i32
      %dma_start3A_631 = arith.constant 0 : i32
      %dma_start3A_632 = tpu.memref_slice %arg9[%add3A_630, %dma_start3A_631] : memref<20x128xi32, #tpu.memory_space<vmem>> -> memref<1x128xi32, #tpu.memory_space<vmem>>
      %dma_start3A_633 = tpu.memref_squeeze %dma_start3A_632 : memref<1x128xi32, #tpu.memory_space<vmem>> -> memref<128xi32, #tpu.memory_space<vmem>>
      %dma_start3A_634 = arith.constant 0 : i32
      %dma_start3A_635 = arith.constant 0 : i32
      %dma_start3A_636 = tpu.memref_slice %arg7[%dma_start3A_634, %dma_start3A_635] : memref<10112x32xf32, #tpu.memory_space<vmem_shared>> -> memref<10112x32xf32, #tpu.memory_space<vmem_shared>>
      tpu.enqueue_indirect_dma source(%arg11 : memref<128x32xf32, #tpu.memory_space<vmem>>) target(%dma_start3A_636 : memref<10112x32xf32, #tpu.memory_space<vmem_shared>>) offsets(%dma_start3A_633 : memref<128xi32, #tpu.memory_space<vmem>>) semaphore(%arg18 : memref<!tpu.dma_semaphore, #tpu.memory_space<semaphore_mem>>) {add = true}
    }
    %scan3A_423 = arith.constant 4 : i32
    %dma_wait3A_424 = arith.constant 0 : i32
    %dma_wait3A_425 = arith.constant 0 : i32
    %dma_wait3A_426 = tpu.memref_slice %arg9[%dma_wait3A_424, %dma_wait3A_425] : memref<20x128xi32, #tpu.memory_space<vmem>> -> memref<1x128xi32, #tpu.memory_space<vmem>>
    %dma_wait3A_427 = tpu.memref_squeeze %dma_wait3A_426 : memref<1x128xi32, #tpu.memory_space<vmem>> -> memref<128xi32, #tpu.memory_space<vmem>>
    %dma_wait3A_428 = arith.constant 0 : i32
    %dma_wait3A_429 = arith.constant 0 : i32
    %dma_wait3A_430 = tpu.memref_slice %arg7[%dma_wait3A_428, %dma_wait3A_429] : memref<10112x32xf32, #tpu.memory_space<vmem_shared>> -> memref<10112x32xf32, #tpu.memory_space<vmem_shared>>
    tpu.wait_indirect_dma semaphore(%arg18 : memref<!tpu.dma_semaphore, #tpu.memory_space<semaphore_mem>>) src(%arg10 : memref<128x32xf32, #tpu.memory_space<vmem>>) dst(%dma_wait3A_430 : memref<10112x32xf32, #tpu.memory_space<vmem_shared>>)
    %dma_wait3A_431 = arith.constant 0 : i32
    %dma_wait3A_432 = arith.constant 0 : i32
    %dma_wait3A_433 = tpu.memref_slice %arg8[%dma_wait3A_431, %dma_wait3A_432] : memref<20x128xi32, #tpu.memory_space<vmem>> -> memref<1x128xi32, #tpu.memory_space<vmem>>
    %dma_wait3A_434 = tpu.memref_squeeze %dma_wait3A_433 : memref<1x128xi32, #tpu.memory_space<vmem>> -> memref<128xi32, #tpu.memory_space<vmem>>
    %dma_wait3A_435 = arith.constant 0 : i32
    %dma_wait3A_436 = arith.constant 0 : i32
    %dma_wait3A_437 = tpu.memref_slice %arg3[%dma_wait3A_435, %dma_wait3A_436] : memref<20000x32xf32, #tpu.memory_space<hbm>> -> memref<20000x32xf32, #tpu.memory_space<hbm>>
    tpu.wait_indirect_dma semaphore(%arg16 : memref<!tpu.dma_semaphore, #tpu.memory_space<semaphore_mem>>) src(%dma_wait3A_437 : memref<20000x32xf32, #tpu.memory_space<hbm>>) dst(%arg12 : memref<128x32xf32, #tpu.memory_space<vmem>>)
    %dma_start3A_438 = arith.constant 18 : i32
    %dma_start3A_439 = arith.constant 0 : i32
    %dma_start3A_440 = tpu.memref_slice %arg9[%dma_start3A_438, %dma_start3A_439] : memref<20x128xi32, #tpu.memory_space<vmem>> -> memref<1x128xi32, #tpu.memory_space<vmem>>
    %dma_start3A_441 = tpu.memref_squeeze %dma_start3A_440 : memref<1x128xi32, #tpu.memory_space<vmem>> -> memref<128xi32, #tpu.memory_space<vmem>>
    %dma_start3A_442 = arith.constant 0 : i32
    %dma_start3A_443 = arith.constant 0 : i32
    %dma_start3A_444 = tpu.memref_slice %arg7[%dma_start3A_442, %dma_start3A_443] : memref<10112x32xf32, #tpu.memory_space<vmem_shared>> -> memref<10112x32xf32, #tpu.memory_space<vmem_shared>>
    tpu.enqueue_indirect_dma source(%arg12 : memref<128x32xf32, #tpu.memory_space<vmem>>) target(%dma_start3A_444 : memref<10112x32xf32, #tpu.memory_space<vmem_shared>>) offsets(%dma_start3A_441 : memref<128xi32, #tpu.memory_space<vmem>>) semaphore(%arg18 : memref<!tpu.dma_semaphore, #tpu.memory_space<semaphore_mem>>) {add = true}
    %dma_wait3A_445 = arith.constant 0 : i32
    %dma_wait3A_446 = arith.constant 0 : i32
    %dma_wait3A_447 = tpu.memref_slice %arg9[%dma_wait3A_445, %dma_wait3A_446] : memref<20x128xi32, #tpu.memory_space<vmem>> -> memref<1x128xi32, #tpu.memory_space<vmem>>
    %dma_wait3A_448 = tpu.memref_squeeze %dma_wait3A_447 : memref<1x128xi32, #tpu.memory_space<vmem>> -> memref<128xi32, #tpu.memory_space<vmem>>
    %dma_wait3A_449 = arith.constant 0 : i32
    %dma_wait3A_450 = arith.constant 0 : i32
    %dma_wait3A_451 = tpu.memref_slice %arg7[%dma_wait3A_449, %dma_wait3A_450] : memref<10112x32xf32, #tpu.memory_space<vmem_shared>> -> memref<10112x32xf32, #tpu.memory_space<vmem_shared>>
    tpu.wait_indirect_dma semaphore(%arg18 : memref<!tpu.dma_semaphore, #tpu.memory_space<semaphore_mem>>) src(%arg10 : memref<128x32xf32, #tpu.memory_space<vmem>>) dst(%dma_wait3A_451 : memref<10112x32xf32, #tpu.memory_space<vmem_shared>>)
    %dma_wait3A_452 = arith.constant 0 : i32
    %dma_wait3A_453 = arith.constant 0 : i32
    %dma_wait3A_454 = tpu.memref_slice %arg8[%dma_wait3A_452, %dma_wait3A_453] : memref<20x128xi32, #tpu.memory_space<vmem>> -> memref<1x128xi32, #tpu.memory_space<vmem>>
    %dma_wait3A_455 = tpu.memref_squeeze %dma_wait3A_454 : memref<1x128xi32, #tpu.memory_space<vmem>> -> memref<128xi32, #tpu.memory_space<vmem>>
    %dma_wait3A_456 = arith.constant 0 : i32
    %dma_wait3A_457 = arith.constant 0 : i32
    %dma_wait3A_458 = tpu.memref_slice %arg3[%dma_wait3A_456, %dma_wait3A_457] : memref<20000x32xf32, #tpu.memory_space<hbm>> -> memref<20000x32xf32, #tpu.memory_space<hbm>>
    tpu.wait_indirect_dma semaphore(%arg17 : memref<!tpu.dma_semaphore, #tpu.memory_space<semaphore_mem>>) src(%dma_wait3A_458 : memref<20000x32xf32, #tpu.memory_space<hbm>>) dst(%arg13 : memref<128x32xf32, #tpu.memory_space<vmem>>)
    %dma_start3A_459 = arith.constant 19 : i32
    %dma_start3A_460 = arith.constant 0 : i32
    %dma_start3A_461 = tpu.memref_slice %arg9[%dma_start3A_459, %dma_start3A_460] : memref<20x128xi32, #tpu.memory_space<vmem>> -> memref<1x128xi32, #tpu.memory_space<vmem>>
    %dma_start3A_462 = tpu.memref_squeeze %dma_start3A_461 : memref<1x128xi32, #tpu.memory_space<vmem>> -> memref<128xi32, #tpu.memory_space<vmem>>
    %dma_start3A_463 = arith.constant 0 : i32
    %dma_start3A_464 = arith.constant 0 : i32
    %dma_start3A_465 = tpu.memref_slice %arg7[%dma_start3A_463, %dma_start3A_464] : memref<10112x32xf32, #tpu.memory_space<vmem_shared>> -> memref<10112x32xf32, #tpu.memory_space<vmem_shared>>
    tpu.enqueue_indirect_dma source(%arg13 : memref<128x32xf32, #tpu.memory_space<vmem>>) target(%dma_start3A_465 : memref<10112x32xf32, #tpu.memory_space<vmem_shared>>) offsets(%dma_start3A_462 : memref<128xi32, #tpu.memory_space<vmem>>) semaphore(%arg18 : memref<!tpu.dma_semaphore, #tpu.memory_space<semaphore_mem>>) {add = true}
    %dma_wait3A_466 = arith.constant 0 : i32
    %dma_wait3A_467 = arith.constant 0 : i32
    %dma_wait3A_468 = tpu.memref_slice %arg9[%dma_wait3A_466, %dma_wait3A_467] : memref<20x128xi32, #tpu.memory_space<vmem>> -> memref<1x128xi32, #tpu.memory_space<vmem>>
    %dma_wait3A_469 = tpu.memref_squeeze %dma_wait3A_468 : memref<1x128xi32, #tpu.memory_space<vmem>> -> memref<128xi32, #tpu.memory_space<vmem>>
    %dma_wait3A_470 = arith.constant 0 : i32
    %dma_wait3A_471 = arith.constant 0 : i32
    %dma_wait3A_472 = tpu.memref_slice %arg7[%dma_wait3A_470, %dma_wait3A_471] : memref<10112x32xf32, #tpu.memory_space<vmem_shared>> -> memref<10112x32xf32, #tpu.memory_space<vmem_shared>>
    tpu.wait_indirect_dma semaphore(%arg18 : memref<!tpu.dma_semaphore, #tpu.memory_space<semaphore_mem>>) src(%arg10 : memref<128x32xf32, #tpu.memory_space<vmem>>) dst(%dma_wait3A_472 : memref<10112x32xf32, #tpu.memory_space<vmem_shared>>)
    %dma_wait3A_473 = arith.constant 0 : i32
    %dma_wait3A_474 = arith.constant 0 : i32
    %dma_wait3A_475 = tpu.memref_slice %arg9[%dma_wait3A_473, %dma_wait3A_474] : memref<20x128xi32, #tpu.memory_space<vmem>> -> memref<1x128xi32, #tpu.memory_space<vmem>>
    %dma_wait3A_476 = tpu.memref_squeeze %dma_wait3A_475 : memref<1x128xi32, #tpu.memory_space<vmem>> -> memref<128xi32, #tpu.memory_space<vmem>>
    %dma_wait3A_477 = arith.constant 0 : i32
    %dma_wait3A_478 = arith.constant 0 : i32
    %dma_wait3A_479 = tpu.memref_slice %arg7[%dma_wait3A_477, %dma_wait3A_478] : memref<10112x32xf32, #tpu.memory_space<vmem_shared>> -> memref<10112x32xf32, #tpu.memory_space<vmem_shared>>
    tpu.wait_indirect_dma semaphore(%arg18 : memref<!tpu.dma_semaphore, #tpu.memory_space<semaphore_mem>>) src(%arg10 : memref<128x32xf32, #tpu.memory_space<vmem>>) dst(%dma_wait3A_479 : memref<10112x32xf32, #tpu.memory_space<vmem_shared>>)
    %barrier3A_480 = arith.constant 0 : index
    tpu.barrier barrier_id(%barrier3A_480)
    "tpu.region"() ({
      %run_scoped3A_481 = tpu.sem_alloc : memref<!tpu.dma_semaphore, #tpu.memory_space<semaphore_mem>>
      %dma_start3A_482 = arith.constant 0 : i32
      %dma_start3A_483 = tpu.memref_slice %arg6[%arg0, %mul3A_0, %dma_start3A_482] : memref<2x10112x32xf32, #tpu.memory_space<hbm>> -> memref<1x632x32xf32, #tpu.memory_space<hbm>>
      %dma_start3A_484 = tpu.memref_squeeze %dma_start3A_483 : memref<1x632x32xf32, #tpu.memory_space<hbm>> -> memref<632x32xf32, #tpu.memory_space<hbm>>
      %dma_start3A_485 = arith.constant 0 : i32
      %dma_start3A_486 = tpu.memref_slice %arg7[%mul3A_0, %dma_start3A_485] : memref<10112x32xf32, #tpu.memory_space<vmem_shared>> -> memref<632x32xf32, #tpu.memory_space<vmem_shared>>
      tpu.enqueue_dma source(%dma_start3A_486 : memref<632x32xf32, #tpu.memory_space<vmem_shared>>) target(%dma_start3A_484 : memref<632x32xf32, #tpu.memory_space<hbm>>) target_semaphore(%run_scoped3A_481 : memref<!tpu.dma_semaphore, #tpu.memory_space<semaphore_mem>>)
      %dma_wait3A_487 = arith.constant 0 : i32
      %dma_wait3A_488 = tpu.memref_slice %arg6[%arg0, %mul3A_0, %dma_wait3A_487] : memref<2x10112x32xf32, #tpu.memory_space<hbm>> -> memref<1x632x32xf32, #tpu.memory_space<hbm>>
      %dma_wait3A_489 = tpu.memref_squeeze %dma_wait3A_488 : memref<1x632x32xf32, #tpu.memory_space<hbm>> -> memref<632x32xf32, #tpu.memory_space<hbm>>
      %dma_wait3A_490 = arith.constant 0 : i32
      %dma_wait3A_491 = tpu.memref_slice %arg7[%mul3A_0, %dma_wait3A_490] : memref<10112x32xf32, #tpu.memory_space<vmem_shared>> -> memref<632x32xf32, #tpu.memory_space<vmem_shared>>
      tpu.wait_dma2 semaphore(%run_scoped3A_481 : memref<!tpu.dma_semaphore, #tpu.memory_space<semaphore_mem>>) src(%dma_wait3A_491 : memref<632x32xf32, #tpu.memory_space<vmem_shared>>) dst(%dma_wait3A_489 : memref<632x32xf32, #tpu.memory_space<hbm>>)
      tpu.yield
    }) : () -> ()
    return
  }
}

module attributes {stable_mosaic.version = 14 : i64} {
  func.func @_tcs_body(%arg0: i32, %arg1: memref<1000x256xf32, #tpu.memory_space<vmem>>, %arg2: memref<256x256xf32, #tpu.memory_space<vmem>>, %arg3: memref<1x256xf32, #tpu.memory_space<vmem>>, %arg4: memref<1000x256xf32, #tpu.memory_space<vmem>>) attributes {dimension_semantics = [#tpu.dimension_semantics<arbitrary>], iteration_bounds = array<i64: 10>, scalar_prefetch = 0 : i64, scratch_operands = 0 : i64, tpu.core_type = #tpu.core_type<tc>, window_params = [{transform_indices = @transform_0, window_bounds = array<i64: 1000, 256>}, {pipeline_mode = #tpu.pipeline_mode<synchronous>, transform_indices = @transform_1, window_bounds = array<i64: 256, 256>}, {pipeline_mode = #tpu.pipeline_mode<synchronous>, transform_indices = @transform_2, window_bounds = array<i64: 1, 256>}, {transform_indices = @transform_3, window_bounds = array<i64: 1000, 256>}]} {
    %get3A = arith.constant 0 : index
    %get3A_0 = arith.constant 0 : index
    %get3A_1 = vector.load %arg1[%get3A, %get3A_0] : memref<1000x256xf32, #tpu.memory_space<vmem>>, vector<1000x256xf32>
    %get3A_2 = arith.constant 0 : index
    %get3A_3 = arith.constant 0 : index
    %get3A_4 = vector.load %arg2[%get3A_2, %get3A_3] : memref<256x256xf32, #tpu.memory_space<vmem>>, vector<256x256xf32>
    %dot_general3A = arith.constant dense<0.000000e+00> : vector<1000x256xf32>
    %dot_general3A_5 = tpu.matmul %get3A_1, %get3A_4, %dot_general3A {dimension_numbers = #tpu.dot_dimension_numbers<[1], [0], [0], [1], [0, 0, 1, 1], [], []>, transpose_lhs_hint = false} : vector<1000x256xf32>, vector<256x256xf32>, vector<1000x256xf32> -> vector<1000x256xf32>
    %get3A_6 = arith.constant 0 : index
    %get3A_7 = arith.constant 0 : index
    %get3A_8 = vector.load %arg3[%get3A_6, %get3A_7] : memref<1x256xf32, #tpu.memory_space<vmem>>, vector<1x256xf32>
    %add3A = vector.broadcast %get3A_8 : vector<1x256xf32> to vector<1000x256xf32>
    %add3A_9 = arith.addf %dot_general3A_5, %add3A : vector<1000x256xf32>
    %swap3A = arith.constant 0 : index
    %swap3A_10 = arith.constant 0 : index
    %swap3A_11 = vector.load %arg4[%swap3A, %swap3A_10] : memref<1000x256xf32, #tpu.memory_space<vmem>>, vector<1000x256xf32>
    tpu.vector_store %arg4[%swap3A, %swap3A_10], %add3A_9 {strides = array<i32>} : memref<1000x256xf32, #tpu.memory_space<vmem>>, vector<1000x256xf32>,
    return
  }
  func.func @transform_0(%arg0: i32) -> (i32, i32) {
    %c0_i32 = arith.constant 0 : i32
    %c0_i32_0 = arith.constant 0 : i32
    return %arg0, %c0_i32 : i32, i32
  }
  func.func @transform_1(%arg0: i32) -> (i32, i32) {
    %c0_i32 = arith.constant 0 : i32
    %c0_i32_0 = arith.constant 0 : i32
    %c0_i32_1 = arith.constant 0 : i32
    return %c0_i32, %c0_i32_0 : i32, i32
  }
  func.func @transform_2(%arg0: i32) -> (i32, i32) {
    %c0_i32 = arith.constant 0 : i32
    %c0_i32_0 = arith.constant 0 : i32
    %c0_i32_1 = arith.constant 0 : i32
    return %c0_i32, %c0_i32_0 : i32, i32
  }
  func.func @transform_3(%arg0: i32) -> (i32, i32) {
    %c0_i32 = arith.constant 0 : i32
    %c0_i32_0 = arith.constant 0 : i32
    return %arg0, %c0_i32 : i32, i32
  }
}

module attributes {stable_mosaic.version = 14 : i64} {
  func.func @_tca_body(%arg0: i32, %arg1: memref<1000x256xf32, #tpu.memory_space<vmem>>, %arg2: memref<2x1000x128xf32, #tpu.memory_space<vmem>>, %arg3: memref<2x1000x16xf32, #tpu.memory_space<vmem>>, %arg4: memref<128x256xf32, #tpu.memory_space<vmem>>, %arg5: memref<128x256xf32, #tpu.memory_space<vmem>>, %arg6: memref<256x64xf32, #tpu.memory_space<vmem>>, %arg7: memref<256x64xf32, #tpu.memory_space<vmem>>, %arg8: memref<1x64xf32, #tpu.memory_space<vmem>>, %arg9: memref<1000x64xf32, #tpu.memory_space<vmem>>, %arg10: memref<1000x64xf32, #tpu.memory_space<vmem>>) attributes {dimension_semantics = [#tpu.dimension_semantics<arbitrary>], iteration_bounds = array<i64: 10>, scalar_prefetch = 0 : i64, scratch_operands = 0 : i64, tpu.core_type = #tpu.core_type<tc>, window_params = [{transform_indices = @transform_0, window_bounds = array<i64: 1000, 256>}, {transform_indices = @transform_1, window_bounds = array<i64: 2, 1000, 128>}, {transform_indices = @transform_2, window_bounds = array<i64: 2, 1000, 16>}, {pipeline_mode = #tpu.pipeline_mode<synchronous>, transform_indices = @transform_3, window_bounds = array<i64: 128, 256>}, {pipeline_mode = #tpu.pipeline_mode<synchronous>, transform_indices = @transform_4, window_bounds = array<i64: 128, 256>}, {pipeline_mode = #tpu.pipeline_mode<synchronous>, transform_indices = @transform_5, window_bounds = array<i64: 256, 64>}, {pipeline_mode = #tpu.pipeline_mode<synchronous>, transform_indices = @transform_6, window_bounds = array<i64: 256, 64>}, {pipeline_mode = #tpu.pipeline_mode<synchronous>, transform_indices = @transform_7, window_bounds = array<i64: 1, 64>}, {transform_indices = @transform_8, window_bounds = array<i64: 1000, 64>}, {transform_indices = @transform_9, window_bounds = array<i64: 1000, 64>}]} {
    %get3A = arith.constant 0 : index
    %get3A_0 = arith.constant 0 : index
    %get3A_1 = arith.constant 0 : index
    %get3A_2 = vector.load %arg3[%get3A, %get3A_0, %get3A_1] : memref<2x1000x16xf32, #tpu.memory_space<vmem>>, vector<1x1000x1xf32>
    %get3A_3 = vector.shape_cast %get3A_2 : vector<1x1000x1xf32> to vector<1000x1xf32>
    %get3A_4 = arith.constant 1 : index
    %get3A_5 = arith.constant 0 : index
    %get3A_6 = arith.constant 0 : index
    %get3A_7 = vector.load %arg3[%get3A_4, %get3A_5, %get3A_6] : memref<2x1000x16xf32, #tpu.memory_space<vmem>>, vector<1x1000x1xf32>
    %get3A_8 = vector.shape_cast %get3A_7 : vector<1x1000x1xf32> to vector<1000x1xf32>
    %add3A = arith.addf %get3A_3, %get3A_8 : vector<1000x1xf32>
    %max3A = arith.constant 1.000000e+00 : f32
    %max3A_9 = vector.broadcast %max3A : f32 to vector<1000x1xf32>
    %max3A_10 = arith.maximumf %add3A, %max3A_9 : vector<1000x1xf32>
    %div3A = arith.constant 1.000000e+00 : f32
    %div3A_11 = vector.broadcast %div3A : f32 to vector<1000x1xf32>
    %div3A_12 = arith.divf %div3A_11, %max3A_10 : vector<1000x1xf32>
    %get3A_13 = arith.constant 0 : index
    %get3A_14 = arith.constant 0 : index
    %get3A_15 = vector.load %arg1[%get3A_13, %get3A_14] : memref<1000x256xf32, #tpu.memory_space<vmem>>, vector<1000x256xf32>
    %get3A_16 = arith.constant 0 : index
    %get3A_17 = arith.constant 0 : index
    %get3A_18 = arith.constant 0 : index
    %get3A_19 = vector.load %arg2[%get3A_16, %get3A_17, %get3A_18] : memref<2x1000x128xf32, #tpu.memory_space<vmem>>, vector<1x1000x128xf32>
    %get3A_20 = vector.shape_cast %get3A_19 : vector<1x1000x128xf32> to vector<1000x128xf32>
    %mul3A = vector.broadcast %div3A_12 : vector<1000x1xf32> to vector<1000x128xf32>
    %mul3A_21 = arith.mulf %get3A_20, %mul3A : vector<1000x128xf32>
    %get3A_22 = arith.constant 0 : index
    %get3A_23 = arith.constant 0 : index
    %get3A_24 = vector.load %arg4[%get3A_22, %get3A_23] : memref<128x256xf32, #tpu.memory_space<vmem>>, vector<128x256xf32>
    %dot_general3A = arith.constant dense<0.000000e+00> : vector<1000x256xf32>
    %dot_general3A_25 = tpu.matmul %mul3A_21, %get3A_24, %dot_general3A {dimension_numbers = #tpu.dot_dimension_numbers<[1], [0], [0], [1], [0, 0, 1, 1], [], []>, transpose_lhs_hint = false} : vector<1000x128xf32>, vector<128x256xf32>, vector<1000x256xf32> -> vector<1000x256xf32>
    %add3A_26 = arith.addf %get3A_15, %dot_general3A_25 : vector<1000x256xf32>
    %get3A_27 = arith.constant 1 : index
    %get3A_28 = arith.constant 0 : index
    %get3A_29 = arith.constant 0 : index
    %get3A_30 = vector.load %arg2[%get3A_27, %get3A_28, %get3A_29] : memref<2x1000x128xf32, #tpu.memory_space<vmem>>, vector<1x1000x128xf32>
    %get3A_31 = vector.shape_cast %get3A_30 : vector<1x1000x128xf32> to vector<1000x128xf32>
    %mul3A_32 = vector.broadcast %div3A_12 : vector<1000x1xf32> to vector<1000x128xf32>
    %mul3A_33 = arith.mulf %get3A_31, %mul3A_32 : vector<1000x128xf32>
    %get3A_34 = arith.constant 0 : index
    %get3A_35 = arith.constant 0 : index
    %get3A_36 = vector.load %arg5[%get3A_34, %get3A_35] : memref<128x256xf32, #tpu.memory_space<vmem>>, vector<128x256xf32>
    %dot_general3A_37 = arith.constant dense<0.000000e+00> : vector<1000x256xf32>
    %dot_general3A_38 = tpu.matmul %mul3A_33, %get3A_36, %dot_general3A_37 {dimension_numbers = #tpu.dot_dimension_numbers<[1], [0], [0], [1], [0, 0, 1, 1], [], []>, transpose_lhs_hint = false} : vector<1000x128xf32>, vector<128x256xf32>, vector<1000x256xf32> -> vector<1000x256xf32>
    %add3A_39 = arith.addf %add3A_26, %dot_general3A_38 : vector<1000x256xf32>
    %max3A_40 = arith.constant 0.000000e+00 : f32
    %max3A_41 = vector.broadcast %max3A_40 : f32 to vector<1000x256xf32>
    %max3A_42 = arith.maximumf %add3A_39, %max3A_41 : vector<1000x256xf32>
    %get3A_43 = arith.constant 0 : index
    %get3A_44 = arith.constant 0 : index
    %get3A_45 = vector.load %arg6[%get3A_43, %get3A_44] : memref<256x64xf32, #tpu.memory_space<vmem>>, vector<256x64xf32>
    %dot_general3A_46 = arith.constant dense<0.000000e+00> : vector<1000x64xf32>
    %dot_general3A_47 = tpu.matmul %max3A_42, %get3A_45, %dot_general3A_46 {dimension_numbers = #tpu.dot_dimension_numbers<[1], [0], [0], [1], [0, 0, 1, 1], [], []>, transpose_lhs_hint = false} : vector<1000x256xf32>, vector<256x64xf32>, vector<1000x64xf32> -> vector<1000x64xf32>
    %get3A_48 = arith.constant 0 : index
    %get3A_49 = arith.constant 0 : index
    %get3A_50 = vector.load %arg8[%get3A_48, %get3A_49] : memref<1x64xf32, #tpu.memory_space<vmem>>, vector<1x64xf32>
    %add3A_51 = vector.broadcast %get3A_50 : vector<1x64xf32> to vector<1000x64xf32>
    %add3A_52 = arith.addf %dot_general3A_47, %add3A_51 : vector<1000x64xf32>
    %swap3A = arith.constant 0 : index
    %swap3A_53 = arith.constant 0 : index
    %swap3A_54 = vector.load %arg9[%swap3A, %swap3A_53] : memref<1000x64xf32, #tpu.memory_space<vmem>>, vector<1000x64xf32>
    tpu.vector_store %arg9[%swap3A, %swap3A_53], %add3A_52 {strides = array<i32>} : memref<1000x64xf32, #tpu.memory_space<vmem>>, vector<1000x64xf32>,
    %get3A_55 = arith.constant 0 : index
    %get3A_56 = arith.constant 0 : index
    %get3A_57 = vector.load %arg7[%get3A_55, %get3A_56] : memref<256x64xf32, #tpu.memory_space<vmem>>, vector<256x64xf32>
    %dot_general3A_58 = arith.constant dense<0.000000e+00> : vector<1000x64xf32>
    %dot_general3A_59 = tpu.matmul %max3A_42, %get3A_57, %dot_general3A_58 {dimension_numbers = #tpu.dot_dimension_numbers<[1], [0], [0], [1], [0, 0, 1, 1], [], []>, transpose_lhs_hint = false} : vector<1000x256xf32>, vector<256x64xf32>, vector<1000x64xf32> -> vector<1000x64xf32>
    %swap3A_60 = arith.constant 0 : index
    %swap3A_61 = arith.constant 0 : index
    %swap3A_62 = vector.load %arg10[%swap3A_60, %swap3A_61] : memref<1000x64xf32, #tpu.memory_space<vmem>>, vector<1000x64xf32>
    tpu.vector_store %arg10[%swap3A_60, %swap3A_61], %dot_general3A_59 {strides = array<i32>} : memref<1000x64xf32, #tpu.memory_space<vmem>>, vector<1000x64xf32>,
    return
  }
  func.func @transform_0(%arg0: i32) -> (i32, i32) {
    %c0_i32 = arith.constant 0 : i32
    %c0_i32_0 = arith.constant 0 : i32
    return %arg0, %c0_i32 : i32, i32
  }
  func.func @transform_1(%arg0: i32) -> (i32, i32, i32) {
    %c0_i32 = arith.constant 0 : i32
    %c0_i32_0 = arith.constant 0 : i32
    %c0_i32_1 = arith.constant 0 : i32
    return %c0_i32, %arg0, %c0_i32_0 : i32, i32, i32
  }
  func.func @transform_2(%arg0: i32) -> (i32, i32, i32) {
    %c0_i32 = arith.constant 0 : i32
    %c0_i32_0 = arith.constant 0 : i32
    %c0_i32_1 = arith.constant 0 : i32
    return %c0_i32, %arg0, %c0_i32_0 : i32, i32, i32
  }
  func.func @transform_3(%arg0: i32) -> (i32, i32) {
    %c0_i32 = arith.constant 0 : i32
    %c0_i32_0 = arith.constant 0 : i32
    %c0_i32_1 = arith.constant 0 : i32
    return %c0_i32, %c0_i32_0 : i32, i32
  }
  func.func @transform_4(%arg0: i32) -> (i32, i32) {
    %c0_i32 = arith.constant 0 : i32
    %c0_i32_0 = arith.constant 0 : i32
    %c0_i32_1 = arith.constant 0 : i32
    return %c0_i32, %c0_i32_0 : i32, i32
  }
  func.func @transform_5(%arg0: i32) -> (i32, i32) {
    %c0_i32 = arith.constant 0 : i32
    %c0_i32_0 = arith.constant 0 : i32
    %c0_i32_1 = arith.constant 0 : i32
    return %c0_i32, %c0_i32_0 : i32, i32
  }
  func.func @transform_6(%arg0: i32) -> (i32, i32) {
    %c0_i32 = arith.constant 0 : i32
    %c0_i32_0 = arith.constant 0 : i32
    %c0_i32_1 = arith.constant 0 : i32
    return %c0_i32, %c0_i32_0 : i32, i32
  }
  func.func @transform_7(%arg0: i32) -> (i32, i32) {
    %c0_i32 = arith.constant 0 : i32
    %c0_i32_0 = arith.constant 0 : i32
    %c0_i32_1 = arith.constant 0 : i32
    return %c0_i32, %c0_i32_0 : i32, i32
  }
  func.func @transform_8(%arg0: i32) -> (i32, i32) {
    %c0_i32 = arith.constant 0 : i32
    %c0_i32_0 = arith.constant 0 : i32
    return %arg0, %c0_i32 : i32, i32
  }
  func.func @transform_9(%arg0: i32) -> (i32, i32) {
    %c0_i32 = arith.constant 0 : i32
    %c0_i32_0 = arith.constant 0 : i32
    return %arg0, %c0_i32 : i32, i32
  }
}

module attributes {stable_mosaic.version = 14 : i64} {
  func.func @_tcf_body(%arg0: i32, %arg1: memref<2000x64xf32, #tpu.memory_space<vmem>>, %arg2: memref<2x2000x32xf32, #tpu.memory_space<vmem>>, %arg3: memref<2x2000x16xf32, #tpu.memory_space<vmem>>, %arg4: memref<2000x64xf32, #tpu.memory_space<vmem>>) attributes {dimension_semantics = [#tpu.dimension_semantics<arbitrary>], iteration_bounds = array<i64: 5>, scalar_prefetch = 0 : i64, scratch_operands = 0 : i64, tpu.core_type = #tpu.core_type<tc>, window_params = [{transform_indices = @transform_0, window_bounds = array<i64: 2000, 64>}, {transform_indices = @transform_1, window_bounds = array<i64: 2, 2000, 32>}, {transform_indices = @transform_2, window_bounds = array<i64: 2, 2000, 16>}, {transform_indices = @transform_3, window_bounds = array<i64: 2000, 64>}]} {
    %get3A = arith.constant 0 : index
    %get3A_0 = arith.constant 0 : index
    %get3A_1 = arith.constant 0 : index
    %get3A_2 = vector.load %arg3[%get3A, %get3A_0, %get3A_1] : memref<2x2000x16xf32, #tpu.memory_space<vmem>>, vector<1x2000x1xf32>
    %get3A_3 = vector.shape_cast %get3A_2 : vector<1x2000x1xf32> to vector<2000x1xf32>
    %get3A_4 = arith.constant 1 : index
    %get3A_5 = arith.constant 0 : index
    %get3A_6 = arith.constant 0 : index
    %get3A_7 = vector.load %arg3[%get3A_4, %get3A_5, %get3A_6] : memref<2x2000x16xf32, #tpu.memory_space<vmem>>, vector<1x2000x1xf32>
    %get3A_8 = vector.shape_cast %get3A_7 : vector<1x2000x1xf32> to vector<2000x1xf32>
    %add3A = arith.addf %get3A_3, %get3A_8 : vector<2000x1xf32>
    %max3A = arith.constant 1.000000e+00 : f32
    %max3A_9 = vector.broadcast %max3A : f32 to vector<2000x1xf32>
    %max3A_10 = arith.maximumf %add3A, %max3A_9 : vector<2000x1xf32>
    %div3A = arith.constant 1.000000e+00 : f32
    %div3A_11 = vector.broadcast %div3A : f32 to vector<2000x1xf32>
    %div3A_12 = arith.divf %div3A_11, %max3A_10 : vector<2000x1xf32>
    %get3A_13 = arith.constant 0 : index
    %get3A_14 = arith.constant 0 : index
    %get3A_15 = vector.load %arg1[%get3A_13, %get3A_14] : memref<2000x64xf32, #tpu.memory_space<vmem>>, vector<2000x64xf32>
    %get3A_16 = arith.constant 0 : index
    %get3A_17 = arith.constant 0 : index
    %get3A_18 = arith.constant 0 : index
    %get3A_19 = vector.load %arg2[%get3A_16, %get3A_17, %get3A_18] : memref<2x2000x32xf32, #tpu.memory_space<vmem>>, vector<1x2000x32xf32>
    %get3A_20 = vector.shape_cast %get3A_19 : vector<1x2000x32xf32> to vector<2000x32xf32>
    %mul3A = vector.broadcast %div3A_12 : vector<2000x1xf32> to vector<2000x32xf32>
    %mul3A_21 = arith.mulf %get3A_20, %mul3A : vector<2000x32xf32>
    %get3A_22 = arith.constant 1 : index
    %get3A_23 = arith.constant 0 : index
    %get3A_24 = arith.constant 0 : index
    %get3A_25 = vector.load %arg2[%get3A_22, %get3A_23, %get3A_24] : memref<2x2000x32xf32, #tpu.memory_space<vmem>>, vector<1x2000x32xf32>
    %get3A_26 = vector.shape_cast %get3A_25 : vector<1x2000x32xf32> to vector<2000x32xf32>
    %mul3A_27 = vector.broadcast %div3A_12 : vector<2000x1xf32> to vector<2000x32xf32>
    %mul3A_28 = arith.mulf %get3A_26, %mul3A_27 : vector<2000x32xf32>
    %concatenate3A = tpu.concatenate %mul3A_21, %mul3A_28 in 1 : vector<2000x32xf32>, vector<2000x32xf32> -> vector<2000x64xf32>
    %add3A_29 = arith.addf %get3A_15, %concatenate3A : vector<2000x64xf32>
    %swap3A = arith.constant 0 : index
    %swap3A_30 = arith.constant 0 : index
    %swap3A_31 = vector.load %arg4[%swap3A, %swap3A_30] : memref<2000x64xf32, #tpu.memory_space<vmem>>, vector<2000x64xf32>
    tpu.vector_store %arg4[%swap3A, %swap3A_30], %add3A_29 {strides = array<i32>} : memref<2000x64xf32, #tpu.memory_space<vmem>>, vector<2000x64xf32>,
    return
  }
  func.func @transform_0(%arg0: i32) -> (i32, i32) {
    %c0_i32 = arith.constant 0 : i32
    %c0_i32_0 = arith.constant 0 : i32
    return %arg0, %c0_i32 : i32, i32
  }
  func.func @transform_1(%arg0: i32) -> (i32, i32, i32) {
    %c0_i32 = arith.constant 0 : i32
    %c0_i32_0 = arith.constant 0 : i32
    %c0_i32_1 = arith.constant 0 : i32
    return %c0_i32, %arg0, %c0_i32_0 : i32, i32, i32
  }
  func.func @transform_2(%arg0: i32) -> (i32, i32, i32) {
    %c0_i32 = arith.constant 0 : i32
    %c0_i32_0 = arith.constant 0 : i32
    %c0_i32_1 = arith.constant 0 : i32
    return %c0_i32, %arg0, %c0_i32_0 : i32, i32, i32
  }
  func.func @transform_3(%arg0: i32) -> (i32, i32) {
    %c0_i32 = arith.constant 0 : i32
    %c0_i32_0 = arith.constant 0 : i32
    return %arg0, %c0_i32 : i32, i32
  }
}

</mosaic_0001>

<sc_bundles>
// kernel: sc_agg_w128.3.cloned.1.call-start
scs
__scs_entry_jumppad:
0x0: {  	(pc) =	sbr.rel $0x88, $3  }
0x1: {  	(tag) =	ssettag $0x0;
	lr =	simm.s32 $0x1  }
0x2: {  	[smem:$0x3F99] =	sst lr;
	_ =	strace $0xD0000000  }
0x3: {  	_ = 	snop  }
0x4: {  	_ = 	snop  }
0x5: {  	_ = 	snop  }
0x6: {  	_ = 	snop  }
0x7: {  	_ = 	snop  }
__scs_overlays_trampoline_lowered:
0x8: {  	[smem:$0x3FA8] =	sst s0  }
0x9: {  	[smem:$0x3FA9] =	sst s1  }
0xa: {  	[smem:$0x3FAA] =	sst s2  }
0xb: {  	[smem:$0x3FAB] =	sst s3  }
0xc: {  	[smem:$0x3FAC] =	sst s4  }
0xd: {  	[smem:$0x3FAD] =	sst s5  }
0xe: {  	[smem:$0x3FAE] =	sst s6  }
0xf: {  	[smem:$0x3FAF] =	sst s7  }
0x10: {  	[smem:$0x3FB0] =	sst s8  }
0x11: {  	[smem:$0x3FB1] =	sst s9;
	s0 =	simm.s32 @!p0 $0x0  }
0x12: {  	s1 =	sld [smem:$0x3F97];
	s0 =	simm.s32 @p0 $0x1  }
0x13: {  	[smem:$0x3FB2] =	sst s0;
	s0 =	simm.s32 @!p1 $0x0  }
0x14: {  	s2 =	sld [smem:$0x3F96];
	s0 =	simm.s32 @p1 $0x1  }
0x15: {  	[smem:$0x3FB3] =	sst s0;
	s0 =	simm.s32 @!p2 $0x0  }
0x16: {  	s3 =	sld [smem:$0x3FDB];
	s0 =	simm.s32 @p2 $0x1  }
0x17: {  	s4 =	simm.s32 $0x1BF5;
	[smem:$0x3FB5] =	sst s0  }
0x18: {  	s0 =	sld [smem:$0x3F98];
	_ =	swait.ge [sflag:s4], $0x0  }
0x19: {  	s7 =	sld [smem:$0x3F99]  }
0x1a: {  	s8 =	sadd.s32 $0xFFFFE003, lr  }
0x1b: {  	s9 =	sadd.s32 $0xFFFFFEF7, lr;
	s5 =	simm.s32 $0xFFFFFFFF;
	p2 =	slt.u32 s8, $0xFFFFF086  }
0x1c: {  	p1 =	slt.u32 s9, $0xF7A;
	s5 =	simm.s32 @!p2 $0x0  }
0x1d: {  	s5 =	simm.s32 @p1 $0x1;
	p0 =	seq.s32 s7, s2  }
0x1e: {  	s7 =	smul.u32 @!p0 $0xF7A, s2;
	p2 =	seq.s32 @!p0 s5, $0x0  }
0x1f: {  	s9 =	smul.u32 $0xF7A, s1;
	s8 =	simm.s32 @!p0 $0x1BF5;
	p2 =	por !p2, p0  }
0x20: {  	[sflag:s8] =	ssyncset.s32 @!p0 $0xFFFFF086;
	s6 =	sadd.s32 @!p0 s3, s7;
	s7 =	simm.s32 @!p0 $0x108  }
0x21: {  	s3 =	sadd.s32 s3, s9;
	s6 =	sadd.s32 @!p0 $0x88, s6;
	s7 =	simm.s32 @p2 $0x1082  }
0x22: {  	[simem:s7], [sflag:s8] =	dma.local @!p0 [hbm:s6], $0xF7A  }
0x23: {  	s9 =	sor.u32 $0xD0000000, s2;
	s6 =	simm.s32 $0x108;
	_ =	swait.ge @!p0 [sflag:s8], $0x0  }
0x24: {  	s3 =	sadd.s32 $0x88, s3;
	s6 =	simm.s32 @!p1 $0x1082;
	[sflag:s4] =	ssyncset.s32 $0xFFFFF086  }
0x25: {  	[simem:s6], [sflag:s4] =	dma.local [hbm:s3], $0xF7A  }
0x26: {  	[smem:$0x3F99] =	sst s1;
	(tag) =	ssettag s2;
	_ =	strace s9  }
0x27: {  	s1 =	sld [smem:$0x3FA9]  }
0x28: {  	s2 =	sld [smem:$0x3FAA]  }
0x29: {  	s4 =	sld [smem:$0x3FAC]  }
0x2a: {  	p0 =	seq.s32 s5, $0x0;
	s5 =	sld [smem:$0x3FAD]  }
0x2b: {  	s6 =	sld [smem:$0x3FAE]  }
0x2c: {  	s7 =	sld [smem:$0x3FAF]  }
0x2d: {  	s3 =	simm.s32 $0x108;
	s8 =	sld [smem:$0x3FB0]  }
0x2e: {  	s3 =	simm.s32 @!p0 $0x1082;
	s9 =	sld [smem:$0x3FB1]  }
0x2f: {  	lr =	sadd.s32 s0, s3;
	s0 =	sld [smem:$0x3FA8]  }
0x30: {  	s3 =	sld [smem:$0x3FAB]  }
0x31: {  	[smem:$0x3FB4] =	sst s10  }
0x32: {  	s10 =	sld [smem:$0x3FB2];
	_ =	sdelay $0x3  }
0x33: {  	p0 =	seq.s32 s10, $0x1;
	s10 =	sld [smem:$0x3FB4];
	_ =	sdelay $0x3  }
0x34: {  	[smem:$0x3FB4] =	sst s10  }
0x35: {  	s10 =	sld [smem:$0x3FB3];
	_ =	sdelay $0x3  }
0x36: {  	p1 =	seq.s32 s10, $0x1;
	s10 =	sld [smem:$0x3FB4];
	_ =	sdelay $0x3  }
0x37: {  	[smem:$0x3FB4] =	sst s10  }
0x38: {  	s10 =	sld [smem:$0x3FB5]  }
0x39: {  	_ = 	snop;
	(pc) =	sbr.ind lr, $3  }
0x3a: {  	_ = 	snop  }
0x3b: {  	_ = 	snop  }
0x3c: {  	p2 =	seq.s32 s10, $0x1;
	s10 =	sld [smem:$0x3FB4]  }
0x3d: {  	_ =	shalt  }
0x3e: {  	_ =	shalt  }
0x3f: {  	_ =	shalt  }
0x40: {  	_ =	shalt  }
0x41: {  	_ =	shalt  }
0x42: {  	_ =	shalt  }
0x43: {  	_ =	shalt  }
0x44: {  	_ =	shalt  }
0x45: {  	_ =	shalt  }
0x46: {  	_ =	shalt  }
0x47: {  	_ =	shalt  }
0x48: {  	_ =	shalt  }
0x49: {  	_ =	shalt  }
0x4a: {  	_ =	shalt  }
0x4b: {  	_ =	shalt  }
0x4c: {  	_ =	shalt  }
0x4d: {  	_ =	shalt  }
0x4e: {  	_ =	shalt  }
0x4f: {  	_ =	shalt  }
0x50: {  	_ =	shalt  }
0x51: {  	_ =	shalt  }
0x52: {  	_ =	shalt  }
0x53: {  	_ =	shalt  }
0x54: {  	_ =	shalt  }
0x55: {  	_ =	shalt  }
0x56: {  	_ =	shalt  }
0x57: {  	_ =	shalt  }
0x58: {  	_ =	shalt  }
0x59: {  	_ =	shalt  }
0x5a: {  	_ =	shalt  }
0x5b: {  	_ =	shalt  }
0x5c: {  	_ =	shalt  }
0x5d: {  	_ =	shalt  }
0x5e: {  	_ =	shalt  }
0x5f: {  	_ =	shalt  }
0x60: {  	_ =	shalt  }
0x61: {  	_ =	shalt  }
0x62: {  	_ =	shalt  }
0x63: {  	_ =	shalt  }
0x64: {  	_ =	shalt  }
0x65: {  	_ =	shalt  }
0x66: {  	_ =	shalt  }
0x67: {  	_ =	shalt  }
0x68: {  	_ =	shalt  }
0x69: {  	_ =	shalt  }
0x6a: {  	_ =	shalt  }
0x6b: {  	_ =	shalt  }
0x6c: {  	_ =	shalt  }
0x6d: {  	_ =	shalt  }
0x6e: {  	_ =	shalt  }
0x6f: {  	_ =	shalt  }
0x70: {  	_ =	shalt  }
0x71: {  	_ =	shalt  }
0x72: {  	_ =	shalt  }
0x73: {  	_ =	shalt  }
0x74: {  	_ =	shalt  }
0x75: {  	_ =	shalt  }
0x76: {  	_ =	shalt  }
0x77: {  	_ =	shalt  }
0x78: {  	_ =	shalt  }
0x79: {  	_ =	shalt  }
0x7a: {  	_ =	shalt  }
0x7b: {  	_ =	shalt  }
0x7c: {  	_ =	shalt  }
0x7d: {  	_ =	shalt  }
0x7e: {  	_ =	shalt  }
0x7f: {  	_ =	shalt  }
0x80: {  	_ =	shalt  }
0x81: {  	_ =	shalt  }
0x82: {  	_ =	shalt  }
0x83: {  	_ =	shalt  }
0x84: {  	_ =	shalt  }
0x85: {  	_ =	shalt  }
0x86: {  	_ =	shalt  }
0x87: {  	_ =	shalt  }
.Lfunc_end0:
.L_simem_size_0:
called_computation_lowered:
.L_overlay_start_0:
0x88: {  	s2 =	sld [smem:$0x3FD9]  }
0x89: {  	s3 =	sld [smem:$0x3FFE];
	_ =	sdelay $0x1  }
0x8a: {  	s1 =	srdreg.scid  }
0x8b: {  	s0 =	sand.u32 $0x1, s1  }
0x8c: {  	s17 =	sshll.u32 s0, $0xA;
	s2 =	sadd.s32 s3, s2  }
0x8d: {  	s2 =	sadd.s32 s2, s17  }
0x8e: {  	[smem:$0x3FC0] =	sst s2  }
0x8f: {  	_ = 	snop  }
0x90: {  	s2 =	sld [smem:$0x3FD0];
	(tm) =	ssettm $0x1  }
0x91: {  	s18 =	sld [smem:$0x3FFB];
	_ =	sdelay $0x3  }
0x92: {  	_ =	strace s18  }
0x93: {  	s3 =	sld [smem:$0x3FFC];
	_ =	sdelay $0x3  }
0x94: {  	_ =	strace s3  }
0x95: {  	s3 =	sld [smem:$0x3FFD];
	_ =	sdelay $0x3  }
0x96: {  	_ =	strace s3  }
0x97: {  	_ =	strace $0x8FFFFFFF  }
0x98: {  	s19 =	sld [smem:$0x3FDB];
	_ =	sdelay $0x1  }
0x99: {  	s4 =	simm.s32 $_scs_section_size  }
0x9a: {  	s5 =	simm.s32 $_size__tile_overlayer_lowered;
	s6 =	simm.s32 $_tile_overlayer_lowered  }
0x9b: {  	s22 =	simm.s32 $0x1BFF;
	s21 =	sshll.u32 s6, $0x1;
	s3 =	sadd.s32 s4, s19  }
0x9c: {  	s7 =	simm.s32 $0x0;
	s20 =	sshll.u32 s5, $0x1;
	s5 =	sadd.s32 s21, s3  }
0x9d: {  	[timem:s7], [sflag:s22] =	dma.local [hbm:s5], s20  }
0x9e: {  	_ =	swait.ge [sflag:s22], s20  }
0x9f: {  	s4 =	ssub.s32 $0x0, s20;
	[sflag:s22] =	ssyncset.done $0x0  }
0xa0: {  	[sflag:s22] =	ssyncadd.s32 s4;
	_ =	sdelay $0x1  }
0xa1: {  	s23 =	simm.s32 $0x1B8B  }
0xa2: {  	_ =	swait.ge [sflag:s23], $0x1  }
0xa3: {  	[sflag:s23] =	ssyncset.done $0x0  }
0xa4: {  	s25 =	simm.s32 $0x1B8E;
	s24 =	sld [smem:$0x3FFE];
	[sflag:s23] =	ssyncadd.s32 $0xFFFFFFFF  }
0xa5: {  	s26 =	simm.s32 $execute0_lowered;
	[smem:$0x3FD2] =	sst s25  }
0xa6: {  	s5 =	sshll.u32 s26, $0x1;
	_ =	strace $0x80000046;
	[dreg:$0x1] =	wrdreg $0xFFFFFFFF  }
0xa7: {  	s28 =	simm.s32 $_size_execute0_lowered;
	s3 =	sadd.s32 s3, s5;
	[dreg:$0x0] =	wrdreg $0x0  }
0xa8: {  	s5 =	sshll.u32 s28, $0x1;
	[dreg:$0x2] =	wrdreg s3  }
0xa9: {  	[dreg:$0x3] =	wrdreg s5  }
0xaa: {  	[dreg:$0x4] =	wrdreg $0xC0  }
0xab: {  	_ =	task [dreg:s7], $0x5FFFF  }
0xac: {  	[dreg:$0x1] =	wrdreg $0xFFFFFFFF  }
0xad: {  	[dreg:$0x0] =	wrdreg $0x60  }
0xae: {  	[dreg:$0x2] =	wrdreg s24  }
0xaf: {  	[dreg:$0x3] =	wrdreg s2  }
0xb0: {  	[dreg:$0x4] =	wrdreg $0x0  }
0xb1: {  	[dreg:$0x5] =	wrdreg $0x1D0000  }
0xb2: {  	[dreg:$0x6] =	wrdreg $0x9  }
0xb3: {  	_ =	task.clear_ibuf [dreg:s7], $0x7FFFF;
	_ =	strace $0x90000046  }
0xb4: {  	s29 =	simm.s32 $0x9;
	_ =	strace $0x80000048  }
0xb5: {  	_ =	swait.ge [sflag:s29], $0x1  }
0xb6: {  	[sflag:s29] =	ssyncadd.s32 $0xFFFFFFFF  }
0xb7: {  	_ =	strace $0x90000048  }
0xb8: {  	_ =	sfence  }
0xb9: {  	s30 =	sld [smem:$0x0];
	_ =	sdelay $0x2  }
0xba: {  	s31 =	sshll.u32 s1, $0xD;
	s1 =	sshrl.u32 s1, $0x2  }
0xbb: {  	s3 =	sand.u32 $0x4000, s31;
	s1 =	sadd.s32 s1, s30  }
0xbc: {  	s0 =	sor.u32 s3, s0;
	s1 =	sshll.u32 s1, $0x11  }
0xbd: {  	s0 =	sor.u32 s1, s0  }
0xbe: {  	s0 =	sadd.s32 $0x8F2B, s0  }
0xbf: {  	[sflag:s0] =	ssyncadd.remote.s32 $0x1  }
0xc0: {  	_ =	sfence.sel $0xFFFF  }
0xc1: {  	[dreg:$0x0] =	wrdreg $0xFFFFFFFF;
	(pc) =	sbr.abs _section_cstart, $3  }
0xc2: {  	[dreg:$0x1] =	wrdreg $0xFFFFFFFF  }
0xc3: {  	_ =	task.clear_ibuf [dreg:s7], $0x2FFFF;
	_ =	strace $0x9FFFFFFF  }
0xc4: {  	(tm) =	ssettm $0x7FFFFFFF  }
0xc5: {  	_ =	shalt  }
tec
execute0_lowered:
.L_overlay_start_1:
0x0: {  	(tag) =	ssettag $0x1  }
0x1: {  	s0 =	rddreg [dreg:$0x0]  }
0x2: {  	s1 =	rddreg [dreg:$0x1]  }
0x3: {  	s2 =	rddreg [dreg:$0x2]  }
0x4: {  	s4 =	srdreg.scid;
	s3 =	rddreg [dreg:$0x3]  }
0x5: {  	s13 =	stileid.u32;
	s28 =	simm.s32 $0x80;
	s29 =	simm.s32 $0x15000  }
0x6: {  	s30 =	simm.s32 $0x19000;
	s31 =	simm.s32 $0x1;
	s7 =	smul.u32 $0x2800, s13  }
0x7: {  	s5 =	sand.u32 $0x1, s4;
	s4 =	simm.s32 $0x0;
	s9 =	smul.u32 $0x13C00, s13  }
0x8: {  	s8 =	sadd.s32 $0x5EA00, s0;
	s12 =	sshll.u32 s13, $0x6;
	s13 =	smul.u32 $0x2780, s13  }
0x9: {  	s15 =	sadd.s32 $0x61200, s0;
	s16 =	sadd.s32 $0x61800, s0;
	s6 =	smul.u32 $0x28000, s5  }
0xa: {  	[smem:$0x7FF] =	sst s4;
	s10 =	smul.u32 $0x13C000, s5;
	s17 =	ssub.s32 $0x2, s5  }
0xb: {  	s20 =	smul.u32 $0x27800, s5;
	_ =	strace $0x80000047;
	[dreg:$0x5] =	wrdreg s8  }
0xc: {  	p0 =	sne.s32 s5, $0x0;
	p1 =	seq.s32 s5, $0x0;
	[dreg:$0x6] =	wrdreg s15  }
0xd: {  	s5 =	simm.s32 $0x14F00;
	[dreg:$0x7] =	wrdreg s16;
	s8 =	sadd.s32 $0x10800, s0  }
0xe: {  	s11 =	sshrl.u32 s17, $0x1;
	s18 =	sadd.s32 s13, s3;
	s6 =	sadd.s32 s7, s6  }
0xf: {  	s10 =	sadd.s32 s9, s10;
	s7 =	sshrl.u32 s7, $0x3;
	s11 =	ssub.s32 s17, s11  }
0x10: {  	s9 =	sadd.s32 s9, s2;
	[dreg:$0x9] =	wrdreg s18;
	s6 =	sshrl.u32 s6, $0x3  }
0x11: {  	s10 =	sshrl.u32 s10, $0x3;
	s7 =	sadd.s32 s7, s0;
	[dreg:$0x8] =	wrdreg s9  }
0x12: {  	s9 =	sadd.s32 s13, s20;
	s6 =	sadd.s32 s6, s0;
	s0 =	sadd.s32 s10, s0  }
0x13: {  	s10 =	sor.u32 $0x1C03, s12;
	s21 =	sadd.s32 $0x1800, s7;
	s23 =	sadd.s32 $0x1940, s7  }
0x14: {  	s25 =	sadd.s32 $0x1A80, s7;
	s26 =	sshrl.u32 s9, $0x3;
	[dreg:$0xb] =	wrdreg s21  }
0x15: {  	s19 =	sadd.s32 $0x6800, s6;
	s22 =	sadd.s32 $0x6940, s6;
	[dreg:$0xd] =	wrdreg s23  }
0x16: {  	s24 =	sadd.s32 $0x6A80, s6;
	[dreg:$0xf] =	wrdreg s25;
	s6 =	sadd.s32 $0x6BC0, s6  }
0x17: {  	s20 =	sadd.s32 $0x61A00, s0;
	s21 =	sadd.s32 s1, s26;
	[dreg:$0xa] =	wrdreg s19  }
0x18: {  	s23 =	simm.s32 $0x3;
	s25 =	simm.s32 $0x13C00;
	[dreg:$0xc] =	wrdreg s22  }
0x19: {  	s26 =	simm.s32 $0x14600;
	s0 =	simm.s32 $0x4;
	[dreg:$0xe] =	wrdreg s24  }
0x1a: {  	s1 =	simm.s32 $0x2;
	[dreg:$0x10] =	wrdreg s6;
	s19 =	sadd.s32 $0x1BC0, s7  }
0x1b: {  	s22 =	smax.u32 s11, $0x1;
	s24 =	simm.s32 $0x14580;
	s6 =	simm.s32 $0x0  }
.LBB2_1:
0x1c: {  	s7 =	rddreg [dreg:$0x8]  }
0x1d: {  	s9 =	rddreg [dreg:$0x5];
	s7 =	sshrl.u32 s7, $0x3  }
0x1e: {  	[spmem:s7], [sflag:s10] =	dma.local [hbm:s9], $0x2780  }
0x1f: {  	_ =	swait.ge [sflag:s23], $0x2780  }
0x20: {  	[sflag:s23] =	ssyncset.done $0x0;
	s13 =	rddreg [dreg:$0x9]  }
0x21: {  	s11 =	rddreg [dreg:$0x6];
	[sflag:s23] =	ssyncadd.s32 $0xFFFFD880;
	s9 =	sshrl.u32 s13, $0x3  }
0x22: {  	[spmem:s9], [sflag:s10] =	dma.local [hbm:s11], $0x4F0  }
0x23: {  	_ =	swait.ge [sflag:s23], $0x4F0  }
0x24: {  	[sflag:s23] =	ssyncset.done $0x0  }
0x25: {  	s12 =	simm.s32 $0x1F780;
	s14 =	rddreg [dreg:$0x7];
	[sflag:s23] =	ssyncadd.s32 $0xFFFFFB10  }
0x26: {  	[tilespmem:s12], [sflag:$0x3] =	stream.linear.gather [hbm4b:s14+s4], $0x800, $0x38;
	[tilespmem:$0x1FF80] =	vst v63  }
0x27: {  	_ =	swait.ge [sflag:s23], $0x800  }
0x28: {  	[sflag:s23] =	ssyncset.done $0x0  }
0x29: {  	[sflag:s23] =	ssyncadd.s32 $0xFFFFF800  }
0x2a: {  	[bflag:$0x0] =	sbarrier.arrive $0xFFFF  }
0x2b: {  	s15 =	rddreg [dreg:$0xa]  }
0x2c: {  	[tilespmem:s25], [sflag:$0x3] =	stream.linear.gather [hbm4b:s15+s4], $0xA00, $0x38;
	[tilespmem:$0x1FF80] =	vst v63  }
0x2d: {  	_ =	swait.ge [sflag:s23], $0xA00  }
0x2e: {  	[sflag:s23] =	ssyncset.done $0x0  }
0x2f: {  	s16 =	rddreg [dreg:$0xb];
	[sflag:s23] =	ssyncadd.s32 $0xFFFFF600  }
0x30: {  	[tilespmem:s26], [sflag:$0x3] =	stream.linear.gather [hbm4b:s16+s4], $0xA00, $0x38;
	[tilespmem:$0x1FF80] =	vst v63  }
0x31: {  	_ =	swait.ge [sflag:s23], $0xA00  }
0x32: {  	[sflag:s23] =	ssyncset.done $0x0  }
0x33: {  	[sflag:s23] =	ssyncadd.s32 $0xFFFFF600  }
0x34: {  	[tilespmem:s29], [sflag:$0x1] =	stream.indirect.gather [hbm4b:s8+s28], $0x80, s25, s28, $0xb8;
	[tilespmem:$0x1FF80] =	vst v63  }
0x35: {  	s17 =	simm.s32 $0x13C80  }
0x36: {  	[tilespmem:s30], [sflag:$0x2] =	stream.indirect.gather [hbm4b:s8+s28], $0x80, s17, s28, $0xb8;
	[tilespmem:$0x1FF80] =	vst v63  }
0x37: {  	_ =	swait.ge [sflag:s31], $0x4000  }
0x38: {  	[sflag:s31] =	ssyncset.done $0x0  }
0x39: {  	s14 =	simm.s32 $0x14600;
	[sflag:s31] =	ssyncadd.s32 $0xFFFFC000  }
0x3a: {  	[spmem:s2] =	stream.indirect.scatter.add.f32 [tilespmem:s29], [sflag:$0x4], $0x80, s14, s28, $0xb8;
	[tilespmem:$0x1FF80] =	vst v63  }
0x3b: {  	_ =	swait.ge [sflag:s0], $0x4000  }
0x3c: {  	s13 =	simm.s32 @!p0 $0x1F780;
	[sflag:s0] =	ssyncset.done $0x0  }
0x3d: {  	s11 =	simm.s32 @!p0 $0x4;
	s12 =	simm.s32 @!p0 $0x80;
	[sflag:s0] =	ssyncadd.s32 $0xFFFFC000  }
0x3e: {  	[spmem:s3] =	stream.indirect.scatter.add.f32 @!p0 [tilespmem:s13], [sflag:$0x4], $0x10, s14, s12, $0xb8;
	[tilespmem:$0x1FF80] =	vst v63  }
0x3f: {  	_ =	swait.ge @!p0 [sflag:s11], $0x800  }
0x40: {  	[sflag:s11] =	ssyncset.done @!p0 $0x0  }
0x41: {  	s18 =	simm.s32 $0x13D00;
	[sflag:s11] =	ssyncadd.s32 @!p0 $0xFFFFF800  }
0x42: {  	[tilespmem:s29], [sflag:$0x1] =	stream.indirect.gather [hbm4b:s8+s28], $0x80, s18, s28, $0xb8;
	[tilespmem:$0x1FF80] =	vst v63  }
0x43: {  	_ =	swait.ge [sflag:s1], $0x4000  }
0x44: {  	[sflag:s1] =	ssyncset.done $0x0  }
0x45: {  	s14 =	simm.s32 $0x14680;
	[sflag:s1] =	ssyncadd.s32 $0xFFFFC000  }
0x46: {  	[spmem:s2] =	stream.indirect.scatter.add.f32 [tilespmem:s30], [sflag:$0x4], $0x80, s14, s28, $0xb8;
	[tilespmem:$0x1FF80] =	vst v63  }
0x47: {  	_ =	swait.ge [sflag:s0], $0x4000  }
0x48: {  	[sflag:s0] =	ssyncset.done $0x0  }
0x49: {  	s15 =	simm.s32 @!p0 $0x3;
	[sflag:s0] =	ssyncadd.s32 $0xFFFFC000  }
0x4a: {  	[spmem:s3] =	stream.indirect.scatter.add.f32 @!p0 [tilespmem:s13], [sflag:$0x3], $0x10, s14, s12, $0xb8;
	[tilespmem:$0x1FF80] =	vst v63  }
0x4b: {  	_ =	swait.ge @!p0 [sflag:s15], $0x800  }
0x4c: {  	s16 =	simm.s32 $0x800;
	s14 =	simm.s32 $0x100;
	[sflag:s15] =	ssyncset.done @!p0 $0x0  }
.LBB2_2:
0x4d: {  	s17 =	sadd.s32 $0x13C80, s14  }
0x4e: {  	[sflag:s15] =	ssyncadd.s32 @!p0 $0xFFFFF800;
	s18 =	smov.u32 s16;
	s16 =	sadd.s32 $0x400, s16  }
0x4f: {  	[tilespmem:s30], [sflag:$0x2] =	stream.indirect.gather [hbm4b:s8+s28], $0x80, s17, s28, $0xb8;
	[tilespmem:$0x1FF80] =	vst v63  }
0x50: {  	p2 =	sne.s32 s16, $0x2400;
	_ =	swait.ge [sflag:s31], $0x4000  }
0x51: {  	[sflag:s31] =	ssyncset.done $0x0  }
0x52: {  	s17 =	sadd.s32 $0x14600, s14;
	[sflag:s31] =	ssyncadd.s32 $0xFFFFC000  }
0x53: {  	[spmem:s2] =	stream.indirect.scatter.add.f32 [tilespmem:s29], [sflag:$0x4], $0x80, s17, s28, $0xb8;
	[tilespmem:$0x1FF80] =	vst v63  }
0x54: {  	_ =	swait.ge [sflag:s0], $0x4000  }
0x55: {  	[sflag:s0] =	ssyncset.done $0x0  }
0x56: {  	[sflag:s0] =	ssyncadd.s32 $0xFFFFC000  }
0x57: {  	[spmem:s3] =	stream.indirect.scatter.add.f32 @!p0 [tilespmem:s13], [sflag:$0x4], $0x10, s17, s12, $0xb8;
	[tilespmem:$0x1FF80] =	vst v63  }
0x58: {  	_ =	swait.ge @!p0 [sflag:s11], $0x800  }
0x59: {  	[sflag:s11] =	ssyncset.done @!p0 $0x0  }
0x5a: {  	s17 =	sadd.s32 $0x13D00, s14;
	[sflag:s11] =	ssyncadd.s32 @!p0 $0xFFFFF800  }
0x5b: {  	[tilespmem:s29], [sflag:$0x1] =	stream.indirect.gather [hbm4b:s8+s28], $0x80, s17, s28, $0xb8;
	[tilespmem:$0x1FF80] =	vst v63  }
0x5c: {  	_ =	swait.ge [sflag:s1], $0x4000  }
0x5d: {  	[sflag:s1] =	ssyncset.done $0x0  }
0x5e: {  	s14 =	sadd.s32 $0x14680, s14;
	[sflag:s1] =	ssyncadd.s32 $0xFFFFC000  }
0x5f: {  	[spmem:s2] =	stream.indirect.scatter.add.f32 [tilespmem:s30], [sflag:$0x4], $0x80, s14, s28, $0xb8;
	[tilespmem:$0x1FF80] =	vst v63  }
0x60: {  	_ =	swait.ge [sflag:s0], $0x4000  }
.Ltmp0:
0x61: {  	[sflag:s0] =	ssyncset.done $0x0;
	(pc) =	sbr.rel @p2 .LBB2_2-.Ltmp0, $4  }
0x62: {  	[sflag:s0] =	ssyncadd.s32 $0xFFFFC000  }
0x63: {  	[spmem:s3] =	stream.indirect.scatter.add.f32 @!p0 [tilespmem:s13], [sflag:$0x3], $0x10, s14, s12, $0xb8;
	[tilespmem:$0x1FF80] =	vst v63  }
0x64: {  	_ =	swait.ge @!p0 [sflag:s15], $0x800  }
0x65: {  	s14 =	sshra.s32 s18, $0x2;
	[sflag:s15] =	ssyncset.done @!p0 $0x0  }
0x66: {  	s11 =	sadd.s32 $0x13C80, s14;
	[sflag:s15] =	ssyncadd.s32 @!p0 $0xFFFFF800  }
0x67: {  	[tilespmem:s30], [sflag:$0x2] =	stream.indirect.gather [hbm4b:s8+s28], $0x80, s11, s28, $0xb8;
	[tilespmem:$0x1FF80] =	vst v63  }
0x68: {  	_ =	swait.ge [sflag:s31], $0x4000  }
0x69: {  	[sflag:s31] =	ssyncset.done $0x0  }
0x6a: {  	s15 =	sadd.s32 $0x14600, s14;
	[sflag:s31] =	ssyncadd.s32 $0xFFFFC000  }
0x6b: {  	[spmem:s2] =	stream.indirect.scatter.add.f32 [tilespmem:s29], [sflag:$0x4], $0x80, s15, s28, $0xb8;
	[tilespmem:$0x1FF80] =	vst v63  }
0x6c: {  	_ =	swait.ge [sflag:s0], $0x4000  }
0x6d: {  	s12 =	simm.s32 @!p0 $0x80;
	[sflag:s0] =	ssyncset.done $0x0  }
0x6e: {  	s13 =	simm.s32 @!p0 $0x1F780;
	s11 =	simm.s32 @!p0 $0x4;
	[sflag:s0] =	ssyncadd.s32 $0xFFFFC000  }
0x6f: {  	[spmem:s3] =	stream.indirect.scatter.add.f32 @!p0 [tilespmem:s13], [sflag:$0x4], $0x10, s15, s12, $0xb8;
	[tilespmem:$0x1FF80] =	vst v63  }
0x70: {  	_ =	swait.ge @!p0 [sflag:s11], $0x800  }
0x71: {  	[sflag:s11] =	ssyncset.done @!p0 $0x0  }
0x72: {  	s16 =	sadd.s32 $0x13D00, s14;
	[sflag:s11] =	ssyncadd.s32 @!p0 $0xFFFFF800  }
0x73: {  	[tilespmem:s29], [sflag:$0x1] =	stream.indirect.gather [hbm4b:s8+s28], $0x80, s16, s28, $0xb8;
	[tilespmem:$0x1FF80] =	vst v63  }
0x74: {  	_ =	swait.ge [sflag:s1], $0x4000  }
0x75: {  	[sflag:s1] =	ssyncset.done $0x0  }
0x76: {  	s15 =	sadd.s32 $0x14680, s14;
	[sflag:s1] =	ssyncadd.s32 $0xFFFFC000  }
0x77: {  	[spmem:s2] =	stream.indirect.scatter.add.f32 [tilespmem:s30], [sflag:$0x4], $0x80, s15, s28, $0xb8;
	[tilespmem:$0x1FF80] =	vst v63  }
0x78: {  	_ =	swait.ge [sflag:s0], $0x4000  }
0x79: {  	[sflag:s0] =	ssyncset.done $0x0  }
0x7a: {  	s14 =	simm.s32 @!p0 $0x3;
	[sflag:s0] =	ssyncadd.s32 $0xFFFFC000  }
0x7b: {  	[spmem:s3] =	stream.indirect.scatter.add.f32 @!p0 [tilespmem:s13], [sflag:$0x3], $0x10, s15, s12, $0xb8;
	[tilespmem:$0x1FF80] =	vst v63  }
0x7c: {  	_ =	swait.ge @!p0 [sflag:s14], $0x800  }
0x7d: {  	[sflag:s14] =	ssyncset.done @!p0 $0x0  }
0x7e: {  	[sflag:s14] =	ssyncadd.s32 @!p0 $0xFFFFF800  }
0x7f: {  	[tilespmem:s30], [sflag:$0x2] =	stream.indirect.gather [hbm4b:s8+s28], $0x80, s24, s28, $0xb8;
	[tilespmem:$0x1FF80] =	vst v63  }
0x80: {  	_ =	swait.ge [sflag:s31], $0x4000  }
0x81: {  	[sflag:s31] =	ssyncset.done $0x0  }
0x82: {  	[sflag:s31] =	ssyncadd.s32 $0xFFFFC000  }
0x83: {  	[spmem:s2] =	stream.indirect.scatter.add.f32 [tilespmem:s29], [sflag:$0x3], $0x80, s5, s28, $0xb8;
	[tilespmem:$0x1FF80] =	vst v63  }
0x84: {  	_ =	swait.ge [sflag:s23], $0x4000  }
0x85: {  	[sflag:s23] =	ssyncset.done $0x0  }
0x86: {  	s15 =	simm.s32 @p0 $0x2;
	[sflag:s23] =	ssyncadd.s32 $0xFFFFC000  }
0x87: {  	_ =	swait.ge @p0 [sflag:s15], $0x4000  }
0x88: {  	s17 =	simm.s32 @p0 $0x19000;
	[sflag:s15] =	ssyncset.done @p0 $0x0  }
0x89: {  	s16 =	simm.s32 @p0 $0x14F80;
	[sflag:s15] =	ssyncadd.s32 @p0 $0xFFFFC000;
	s15 =	simm.s32 @p0 $0x80  }
0x8a: {  	[spmem:s2] =	stream.indirect.scatter.add.f32 @p0 [tilespmem:s17], [sflag:$0x3], $0x80, s16, s15, $0xb8;
	[tilespmem:$0x1FF80] =	vst v63  }
0x8b: {  	s15 =	simm.s32 @p0 $0x3  }
0x8c: {  	_ =	swait.ge @p0 [sflag:s15], $0x4000  }
0x8d: {  	[sflag:s15] =	ssyncset.done @p0 $0x0  }
0x8e: {  	[sflag:s15] =	ssyncadd.s32 @p0 $0xFFFFC000;
	s15 =	simm.s32 @!p0 $0x14F00  }
0x8f: {  	[spmem:s3] =	stream.indirect.scatter.add.f32 @!p0 [tilespmem:s13], [sflag:$0x3], $0x10, s15, s12, $0xb8;
	[tilespmem:$0x1FF80] =	vst v63  }
0x90: {  	_ =	swait.ge @!p0 [sflag:s14], $0x800  }
0x91: {  	[sflag:s14] =	ssyncset.done @!p0 $0x0  }
0x92: {  	s15 =	simm.s32 @!p0 $0x2;
	[sflag:s14] =	ssyncadd.s32 @!p0 $0xFFFFF800  }
0x93: {  	_ =	swait.ge @!p0 [sflag:s15], $0x4000  }
0x94: {  	[sflag:s15] =	ssyncset.done @!p0 $0x0  }
0x95: {  	s16 =	simm.s32 @!p0 $0x19000;
	[sflag:s15] =	ssyncadd.s32 @!p0 $0xFFFFC000;
	s15 =	simm.s32 @!p0 $0x14F80  }
0x96: {  	[spmem:s2] =	stream.indirect.scatter.add.f32 @!p0 [tilespmem:s16], [sflag:$0x3], $0x80, s15, s12, $0xb8;
	[tilespmem:$0x1FF80] =	vst v63  }
0x97: {  	_ =	swait.ge @!p0 [sflag:s14], $0x4000  }
0x98: {  	[sflag:s14] =	ssyncset.done @!p0 $0x0  }
0x99: {  	[sflag:s14] =	ssyncadd.s32 @!p0 $0xFFFFC000  }
0x9a: {  	[spmem:s3] =	stream.indirect.scatter.add.f32 @!p0 [tilespmem:s13], [sflag:$0x3], $0x10, s15, s12, $0xb8;
	[tilespmem:$0x1FF80] =	vst v63  }
0x9b: {  	_ =	swait.ge @!p0 [sflag:s14], $0x800  }
0x9c: {  	[sflag:s14] =	ssyncset.done @!p0 $0x0  }
0x9d: {  	s15 =	simm.s32 $0x0;
	s17 =	rddreg [dreg:$0xc];
	[sflag:s14] =	ssyncadd.s32 @!p0 $0xFFFFF800  }
0x9e: {  	[tilespmem:s25], [sflag:$0x3] =	stream.linear.gather [hbm4b:s17+s15], $0xA00, $0x38;
	[tilespmem:$0x1FF80] =	vst v63  }
0x9f: {  	_ =	swait.ge [sflag:s23], $0xA00  }
0xa0: {  	[sflag:s23] =	ssyncset.done $0x0  }
0xa1: {  	s18 =	rddreg [dreg:$0xd];
	[sflag:s23] =	ssyncadd.s32 $0xFFFFF600  }
0xa2: {  	[tilespmem:s26], [sflag:$0x3] =	stream.linear.gather [hbm4b:s18+s15], $0xA00, $0x38;
	[tilespmem:$0x1FF80] =	vst v63  }
0xa3: {  	_ =	swait.ge [sflag:s23], $0xA00  }
0xa4: {  	[sflag:s23] =	ssyncset.done $0x0  }
0xa5: {  	[sflag:s23] =	ssyncadd.s32 $0xFFFFF600  }
0xa6: {  	[tilespmem:s29], [sflag:$0x1] =	stream.indirect.gather [hbm4b:s8+s28], $0x80, s25, s28, $0xb8;
	[tilespmem:$0x1FF80] =	vst v63  }
0xa7: {  	s17 =	simm.s32 $0x13C80  }
0xa8: {  	[tilespmem:s30], [sflag:$0x2] =	stream.indirect.gather [hbm4b:s8+s28], $0x80, s17, s28, $0xb8;
	[tilespmem:$0x1FF80] =	vst v63  }
0xa9: {  	_ =	swait.ge [sflag:s31], $0x4000  }
0xaa: {  	[sflag:s31] =	ssyncset.done $0x0  }
0xab: {  	s15 =	simm.s32 $0x14600;
	[sflag:s31] =	ssyncadd.s32 $0xFFFFC000  }
0xac: {  	[spmem:s2] =	stream.indirect.scatter.add.f32 [tilespmem:s29], [sflag:$0x4], $0x80, s15, s28, $0xb8;
	[tilespmem:$0x1FF80] =	vst v63  }
0xad: {  	_ =	swait.ge [sflag:s0], $0x4000  }
0xae: {  	[sflag:s0] =	ssyncset.done $0x0  }
0xaf: {  	[sflag:s0] =	ssyncadd.s32 $0xFFFFC000  }
0xb0: {  	[spmem:s3] =	stream.indirect.scatter.add.f32 @!p0 [tilespmem:s13], [sflag:$0x4], $0x10, s15, s12, $0xb8;
	[tilespmem:$0x1FF80] =	vst v63  }
0xb1: {  	_ =	swait.ge @!p0 [sflag:s11], $0x800  }
0xb2: {  	[sflag:s11] =	ssyncset.done @!p0 $0x0  }
0xb3: {  	s18 =	simm.s32 $0x13D00;
	[sflag:s11] =	ssyncadd.s32 @!p0 $0xFFFFF800  }
0xb4: {  	[tilespmem:s29], [sflag:$0x1] =	stream.indirect.gather [hbm4b:s8+s28], $0x80, s18, s28, $0xb8;
	[tilespmem:$0x1FF80] =	vst v63  }
0xb5: {  	_ =	swait.ge [sflag:s1], $0x4000  }
0xb6: {  	[sflag:s1] =	ssyncset.done $0x0  }
0xb7: {  	s15 =	simm.s32 $0x14680;
	[sflag:s1] =	ssyncadd.s32 $0xFFFFC000  }
0xb8: {  	[spmem:s2] =	stream.indirect.scatter.add.f32 [tilespmem:s30], [sflag:$0x4], $0x80, s15, s28, $0xb8;
	[tilespmem:$0x1FF80] =	vst v63  }
0xb9: {  	_ =	swait.ge [sflag:s0], $0x4000  }
0xba: {  	[sflag:s0] =	ssyncset.done $0x0  }
0xbb: {  	[sflag:s0] =	ssyncadd.s32 $0xFFFFC000  }
0xbc: {  	[spmem:s3] =	stream.indirect.scatter.add.f32 @!p0 [tilespmem:s13], [sflag:$0x3], $0x10, s15, s12, $0xb8;
	[tilespmem:$0x1FF80] =	vst v63  }
0xbd: {  	_ =	swait.ge @!p0 [sflag:s14], $0x800  }
0xbe: {  	s16 =	simm.s32 $0x800;
	s15 =	simm.s32 $0x100;
	[sflag:s14] =	ssyncset.done @!p0 $0x0  }
.LBB2_4:
0xbf: {  	s17 =	sadd.s32 $0x13C80, s15  }
0xc0: {  	[sflag:s14] =	ssyncadd.s32 @!p0 $0xFFFFF800;
	s18 =	smov.u32 s16;
	s16 =	sadd.s32 $0x400, s16  }
0xc1: {  	[tilespmem:s30], [sflag:$0x2] =	stream.indirect.gather [hbm4b:s8+s28], $0x80, s17, s28, $0xb8;
	[tilespmem:$0x1FF80] =	vst v63  }
0xc2: {  	p2 =	sne.s32 s16, $0x2400;
	_ =	swait.ge [sflag:s31], $0x4000  }
0xc3: {  	[sflag:s31] =	ssyncset.done $0x0  }
0xc4: {  	s17 =	sadd.s32 $0x14600, s15;
	[sflag:s31] =	ssyncadd.s32 $0xFFFFC000  }
0xc5: {  	[spmem:s2] =	stream.indirect.scatter.add.f32 [tilespmem:s29], [sflag:$0x4], $0x80, s17, s28, $0xb8;
	[tilespmem:$0x1FF80] =	vst v63  }
0xc6: {  	_ =	swait.ge [sflag:s0], $0x4000  }
0xc7: {  	[sflag:s0] =	ssyncset.done $0x0  }
0xc8: {  	[sflag:s0] =	ssyncadd.s32 $0xFFFFC000  }
0xc9: {  	[spmem:s3] =	stream.indirect.scatter.add.f32 @!p0 [tilespmem:s13], [sflag:$0x4], $0x10, s17, s12, $0xb8;
	[tilespmem:$0x1FF80] =	vst v63  }
0xca: {  	_ =	swait.ge @!p0 [sflag:s11], $0x800  }
0xcb: {  	[sflag:s11] =	ssyncset.done @!p0 $0x0  }
0xcc: {  	s17 =	sadd.s32 $0x13D00, s15;
	[sflag:s11] =	ssyncadd.s32 @!p0 $0xFFFFF800  }
0xcd: {  	[tilespmem:s29], [sflag:$0x1] =	stream.indirect.gather [hbm4b:s8+s28], $0x80, s17, s28, $0xb8;
	[tilespmem:$0x1FF80] =	vst v63  }
0xce: {  	_ =	swait.ge [sflag:s1], $0x4000  }
0xcf: {  	[sflag:s1] =	ssyncset.done $0x0  }
0xd0: {  	s15 =	sadd.s32 $0x14680, s15;
	[sflag:s1] =	ssyncadd.s32 $0xFFFFC000  }
0xd1: {  	[spmem:s2] =	stream.indirect.scatter.add.f32 [tilespmem:s30], [sflag:$0x4], $0x80, s15, s28, $0xb8;
	[tilespmem:$0x1FF80] =	vst v63  }
0xd2: {  	_ =	swait.ge [sflag:s0], $0x4000  }
.Ltmp1:
0xd3: {  	[sflag:s0] =	ssyncset.done $0x0;
	(pc) =	sbr.rel @p2 .LBB2_4-.Ltmp1, $4  }
0xd4: {  	[sflag:s0] =	ssyncadd.s32 $0xFFFFC000  }
0xd5: {  	[spmem:s3] =	stream.indirect.scatter.add.f32 @!p0 [tilespmem:s13], [sflag:$0x3], $0x10, s15, s12, $0xb8;
	[tilespmem:$0x1FF80] =	vst v63  }
0xd6: {  	_ =	swait.ge @!p0 [sflag:s14], $0x800  }
0xd7: {  	s15 =	sshra.s32 s18, $0x2;
	[sflag:s14] =	ssyncset.done @!p0 $0x0  }
0xd8: {  	s11 =	sadd.s32 $0x13C80, s15;
	[sflag:s14] =	ssyncadd.s32 @!p0 $0xFFFFF800  }
0xd9: {  	[tilespmem:s30], [sflag:$0x2] =	stream.indirect.gather [hbm4b:s8+s28], $0x80, s11, s28, $0xb8;
	[tilespmem:$0x1FF80] =	vst v63  }
0xda: {  	_ =	swait.ge [sflag:s31], $0x4000  }
0xdb: {  	[sflag:s31] =	ssyncset.done $0x0  }
0xdc: {  	s11 =	sadd.s32 $0x14600, s15;
	[sflag:s31] =	ssyncadd.s32 $0xFFFFC000  }
0xdd: {  	[spmem:s2] =	stream.indirect.scatter.add.f32 [tilespmem:s29], [sflag:$0x4], $0x80, s11, s28, $0xb8;
	[tilespmem:$0x1FF80] =	vst v63  }
0xde: {  	_ =	swait.ge [sflag:s0], $0x4000  }
0xdf: {  	s12 =	simm.s32 @!p0 $0x4;
	[sflag:s0] =	ssyncset.done $0x0  }
0xe0: {  	s13 =	simm.s32 @!p0 $0x80;
	s14 =	simm.s32 @!p0 $0x1F780;
	[sflag:s0] =	ssyncadd.s32 $0xFFFFC000  }
0xe1: {  	[spmem:s3] =	stream.indirect.scatter.add.f32 @!p0 [tilespmem:s14], [sflag:$0x4], $0x10, s11, s13, $0xb8;
	[tilespmem:$0x1FF80] =	vst v63  }
0xe2: {  	_ =	swait.ge @!p0 [sflag:s12], $0x800  }
0xe3: {  	[sflag:s12] =	ssyncset.done @!p0 $0x0  }
0xe4: {  	[sflag:s12] =	ssyncadd.s32 @!p0 $0xFFFFF800;
	s12 =	sadd.s32 $0x13D00, s15  }
0xe5: {  	[tilespmem:s29], [sflag:$0x1] =	stream.indirect.gather [hbm4b:s8+s28], $0x80, s12, s28, $0xb8;
	[tilespmem:$0x1FF80] =	vst v63  }
0xe6: {  	_ =	swait.ge [sflag:s1], $0x4000  }
0xe7: {  	[sflag:s1] =	ssyncset.done $0x0  }
0xe8: {  	s11 =	sadd.s32 $0x14680, s15;
	[sflag:s1] =	ssyncadd.s32 $0xFFFFC000  }
0xe9: {  	[spmem:s2] =	stream.indirect.scatter.add.f32 [tilespmem:s30], [sflag:$0x4], $0x80, s11, s28, $0xb8;
	[tilespmem:$0x1FF80] =	vst v63  }
0xea: {  	_ =	swait.ge [sflag:s0], $0x4000  }
0xeb: {  	[sflag:s0] =	ssyncset.done $0x0  }
0xec: {  	s12 =	simm.s32 @!p0 $0x3;
	[sflag:s0] =	ssyncadd.s32 $0xFFFFC000  }
0xed: {  	[spmem:s3] =	stream.indirect.scatter.add.f32 @!p0 [tilespmem:s14], [sflag:$0x3], $0x10, s11, s13, $0xb8;
	[tilespmem:$0x1FF80] =	vst v63  }
0xee: {  	_ =	swait.ge @!p0 [sflag:s12], $0x800  }
0xef: {  	[sflag:s12] =	ssyncset.done @!p0 $0x0  }
0xf0: {  	[sflag:s12] =	ssyncadd.s32 @!p0 $0xFFFFF800  }
0xf1: {  	[tilespmem:s30], [sflag:$0x2] =	stream.indirect.gather [hbm4b:s8+s28], $0x80, s24, s28, $0xb8;
	[tilespmem:$0x1FF80] =	vst v63  }
0xf2: {  	_ =	swait.ge [sflag:s31], $0x4000  }
0xf3: {  	[sflag:s31] =	ssyncset.done $0x0  }
0xf4: {  	[sflag:s31] =	ssyncadd.s32 $0xFFFFC000  }
0xf5: {  	[spmem:s2] =	stream.indirect.scatter.add.f32 [tilespmem:s29], [sflag:$0x3], $0x80, s5, s28, $0xb8;
	[tilespmem:$0x1FF80] =	vst v63  }
0xf6: {  	_ =	swait.ge [sflag:s23], $0x4000  }
0xf7: {  	[sflag:s23] =	ssyncset.done $0x0  }
0xf8: {  	s11 =	simm.s32 @p0 $0x2;
	[sflag:s23] =	ssyncadd.s32 $0xFFFFC000  }
0xf9: {  	_ =	swait.ge @p0 [sflag:s11], $0x4000  }
0xfa: {  	s16 =	simm.s32 @p0 $0x19000;
	[sflag:s11] =	ssyncset.done @p0 $0x0  }
0xfb: {  	s15 =	simm.s32 @p0 $0x14F80;
	[sflag:s11] =	ssyncadd.s32 @p0 $0xFFFFC000;
	s11 =	simm.s32 @p0 $0x80  }
0xfc: {  	[spmem:s2] =	stream.indirect.scatter.add.f32 @p0 [tilespmem:s16], [sflag:$0x3], $0x80, s15, s11, $0xb8;
	[tilespmem:$0x1FF80] =	vst v63  }
0xfd: {  	s11 =	simm.s32 @p0 $0x3  }
0xfe: {  	_ =	swait.ge @p0 [sflag:s11], $0x4000  }
0xff: {  	[sflag:s11] =	ssyncset.done @p0 $0x0  }
0x100: {  	[sflag:s11] =	ssyncadd.s32 @p0 $0xFFFFC000;
	s11 =	simm.s32 @!p0 $0x14F00  }
0x101: {  	[spmem:s3] =	stream.indirect.scatter.add.f32 @!p0 [tilespmem:s14], [sflag:$0x3], $0x10, s11, s13, $0xb8;
	[tilespmem:$0x1FF80] =	vst v63  }
0x102: {  	_ =	swait.ge @!p0 [sflag:s12], $0x800  }
0x103: {  	[sflag:s12] =	ssyncset.done @!p0 $0x0  }
0x104: {  	s11 =	simm.s32 @!p0 $0x2;
	[sflag:s12] =	ssyncadd.s32 @!p0 $0xFFFFF800  }
0x105: {  	_ =	swait.ge @!p0 [sflag:s11], $0x4000  }
0x106: {  	[sflag:s11] =	ssyncset.done @!p0 $0x0  }
0x107: {  	s15 =	simm.s32 @!p0 $0x19000;
	[sflag:s11] =	ssyncadd.s32 @!p0 $0xFFFFC000;
	s11 =	simm.s32 @!p0 $0x14F80  }
0x108: {  	[spmem:s2] =	stream.indirect.scatter.add.f32 @!p0 [tilespmem:s15], [sflag:$0x3], $0x80, s11, s13, $0xb8;
	[tilespmem:$0x1FF80] =	vst v63  }
0x109: {  	_ =	swait.ge @!p0 [sflag:s12], $0x4000  }
0x10a: {  	[sflag:s12] =	ssyncset.done @!p0 $0x0  }
0x10b: {  	[sflag:s12] =	ssyncadd.s32 @!p0 $0xFFFFC000  }
0x10c: {  	[spmem:s3] =	stream.indirect.scatter.add.f32 @!p0 [tilespmem:s14], [sflag:$0x3], $0x10, s11, s13, $0xb8;
	[tilespmem:$0x1FF80] =	vst v63  }
0x10d: {  	_ =	swait.ge @!p0 [sflag:s12], $0x800  }
0x10e: {  	[sflag:s12] =	ssyncset.done @!p0 $0x0  }
0x10f: {  	s14 =	simm.s32 $0x0;
	s15 =	rddreg [dreg:$0xe];
	[sflag:s12] =	ssyncadd.s32 @!p0 $0xFFFFF800  }
0x110: {  	[tilespmem:s25], [sflag:$0x3] =	stream.linear.gather [hbm4b:s15+s14], $0xA00, $0x38;
	[tilespmem:$0x1FF80] =	vst v63  }
0x111: {  	_ =	swait.ge [sflag:s23], $0xA00  }
0x112: {  	[sflag:s23] =	ssyncset.done $0x0  }
0x113: {  	s16 =	rddreg [dreg:$0xf];
	[sflag:s23] =	ssyncadd.s32 $0xFFFFF600  }
0x114: {  	[tilespmem:s26], [sflag:$0x3] =	stream.linear.gather [hbm4b:s16+s14], $0xA00, $0x38;
	[tilespmem:$0x1FF80] =	vst v63  }
0x115: {  	_ =	swait.ge [sflag:s23], $0xA00  }
0x116: {  	[sflag:s23] =	ssyncset.done $0x0  }
0x117: {  	[sflag:s23] =	ssyncadd.s32 $0xFFFFF600  }
0x118: {  	[tilespmem:s29], [sflag:$0x1] =	stream.indirect.gather [hbm4b:s8+s28], $0x80, s25, s28, $0xb8;
	[tilespmem:$0x1FF80] =	vst v63  }
0x119: {  	s17 =	simm.s32 $0x13C80  }
0x11a: {  	[tilespmem:s30], [sflag:$0x2] =	stream.indirect.gather [hbm4b:s8+s28], $0x80, s17, s28, $0xb8;
	[tilespmem:$0x1FF80] =	vst v63  }
0x11b: {  	_ =	swait.ge [sflag:s31], $0x4000  }
0x11c: {  	[sflag:s31] =	ssyncset.done $0x0  }
0x11d: {  	s14 =	simm.s32 $0x14600;
	[sflag:s31] =	ssyncadd.s32 $0xFFFFC000  }
0x11e: {  	[spmem:s2] =	stream.indirect.scatter.add.f32 [tilespmem:s29], [sflag:$0x4], $0x80, s14, s28, $0xb8;
	[tilespmem:$0x1FF80] =	vst v63  }
0x11f: {  	_ =	swait.ge [sflag:s0], $0x4000  }
0x120: {  	s11 =	simm.s32 @!p1 $0x4;
	[sflag:s0] =	ssyncset.done $0x0  }
0x121: {  	s13 =	simm.s32 @!p1 $0x1F780;
	s12 =	simm.s32 @!p1 $0x80;
	[sflag:s0] =	ssyncadd.s32 $0xFFFFC000  }
0x122: {  	[spmem:s3] =	stream.indirect.scatter.add.f32 @!p1 [tilespmem:s13], [sflag:$0x4], $0x10, s14, s12, $0xb8;
	[tilespmem:$0x1FF80] =	vst v63  }
0x123: {  	_ =	swait.ge @!p1 [sflag:s11], $0x800  }
0x124: {  	[sflag:s11] =	ssyncset.done @!p1 $0x0  }
0x125: {  	s18 =	simm.s32 $0x13D00;
	[sflag:s11] =	ssyncadd.s32 @!p1 $0xFFFFF800  }
0x126: {  	[tilespmem:s29], [sflag:$0x1] =	stream.indirect.gather [hbm4b:s8+s28], $0x80, s18, s28, $0xb8;
	[tilespmem:$0x1FF80] =	vst v63  }
0x127: {  	_ =	swait.ge [sflag:s1], $0x4000  }
0x128: {  	[sflag:s1] =	ssyncset.done $0x0  }
0x129: {  	s14 =	simm.s32 $0x14680;
	[sflag:s1] =	ssyncadd.s32 $0xFFFFC000  }
0x12a: {  	[spmem:s2] =	stream.indirect.scatter.add.f32 [tilespmem:s30], [sflag:$0x4], $0x80, s14, s28, $0xb8;
	[tilespmem:$0x1FF80] =	vst v63  }
0x12b: {  	_ =	swait.ge [sflag:s0], $0x4000  }
0x12c: {  	[sflag:s0] =	ssyncset.done $0x0  }
0x12d: {  	s15 =	simm.s32 @!p1 $0x3;
	[sflag:s0] =	ssyncadd.s32 $0xFFFFC000  }
0x12e: {  	[spmem:s3] =	stream.indirect.scatter.add.f32 @!p1 [tilespmem:s13], [sflag:$0x3], $0x10, s14, s12, $0xb8;
	[tilespmem:$0x1FF80] =	vst v63  }
0x12f: {  	_ =	swait.ge @!p1 [sflag:s15], $0x800  }
0x130: {  	s16 =	simm.s32 $0x800;
	s14 =	simm.s32 $0x100;
	[sflag:s15] =	ssyncset.done @!p1 $0x0  }
.LBB2_6:
0x131: {  	s17 =	sadd.s32 $0x13C80, s14  }
0x132: {  	[sflag:s15] =	ssyncadd.s32 @!p1 $0xFFFFF800;
	s18 =	smov.u32 s16;
	s16 =	sadd.s32 $0x400, s16  }
0x133: {  	[tilespmem:s30], [sflag:$0x2] =	stream.indirect.gather [hbm4b:s8+s28], $0x80, s17, s28, $0xb8;
	[tilespmem:$0x1FF80] =	vst v63  }
0x134: {  	p2 =	sne.s32 s16, $0x2400;
	_ =	swait.ge [sflag:s31], $0x4000  }
0x135: {  	[sflag:s31] =	ssyncset.done $0x0  }
0x136: {  	s17 =	sadd.s32 $0x14600, s14;
	[sflag:s31] =	ssyncadd.s32 $0xFFFFC000  }
0x137: {  	[spmem:s2] =	stream.indirect.scatter.add.f32 [tilespmem:s29], [sflag:$0x4], $0x80, s17, s28, $0xb8;
	[tilespmem:$0x1FF80] =	vst v63  }
0x138: {  	_ =	swait.ge [sflag:s0], $0x4000  }
0x139: {  	[sflag:s0] =	ssyncset.done $0x0  }
0x13a: {  	[sflag:s0] =	ssyncadd.s32 $0xFFFFC000  }
0x13b: {  	[spmem:s3] =	stream.indirect.scatter.add.f32 @!p1 [tilespmem:s13], [sflag:$0x4], $0x10, s17, s12, $0xb8;
	[tilespmem:$0x1FF80] =	vst v63  }
0x13c: {  	_ =	swait.ge @!p1 [sflag:s11], $0x800  }
0x13d: {  	[sflag:s11] =	ssyncset.done @!p1 $0x0  }
0x13e: {  	s17 =	sadd.s32 $0x13D00, s14;
	[sflag:s11] =	ssyncadd.s32 @!p1 $0xFFFFF800  }
0x13f: {  	[tilespmem:s29], [sflag:$0x1] =	stream.indirect.gather [hbm4b:s8+s28], $0x80, s17, s28, $0xb8;
	[tilespmem:$0x1FF80] =	vst v63  }
0x140: {  	_ =	swait.ge [sflag:s1], $0x4000  }
0x141: {  	[sflag:s1] =	ssyncset.done $0x0  }
0x142: {  	s14 =	sadd.s32 $0x14680, s14;
	[sflag:s1] =	ssyncadd.s32 $0xFFFFC000  }
0x143: {  	[spmem:s2] =	stream.indirect.scatter.add.f32 [tilespmem:s30], [sflag:$0x4], $0x80, s14, s28, $0xb8;
	[tilespmem:$0x1FF80] =	vst v63  }
0x144: {  	_ =	swait.ge [sflag:s0], $0x4000  }
.Ltmp2:
0x145: {  	[sflag:s0] =	ssyncset.done $0x0;
	(pc) =	sbr.rel @p2 .LBB2_6-.Ltmp2, $4  }
0x146: {  	[sflag:s0] =	ssyncadd.s32 $0xFFFFC000  }
0x147: {  	[spmem:s3] =	stream.indirect.scatter.add.f32 @!p1 [tilespmem:s13], [sflag:$0x3], $0x10, s14, s12, $0xb8;
	[tilespmem:$0x1FF80] =	vst v63  }
0x148: {  	_ =	swait.ge @!p1 [sflag:s15], $0x800  }
0x149: {  	s14 =	sshra.s32 s18, $0x2;
	[sflag:s15] =	ssyncset.done @!p1 $0x0  }
0x14a: {  	s11 =	sadd.s32 $0x13C80, s14;
	[sflag:s15] =	ssyncadd.s32 @!p1 $0xFFFFF800  }
0x14b: {  	[tilespmem:s30], [sflag:$0x2] =	stream.indirect.gather [hbm4b:s8+s28], $0x80, s11, s28, $0xb8;
	[tilespmem:$0x1FF80] =	vst v63  }
0x14c: {  	_ =	swait.ge [sflag:s31], $0x4000  }
0x14d: {  	[sflag:s31] =	ssyncset.done $0x0  }
0x14e: {  	s15 =	sadd.s32 $0x14600, s14;
	[sflag:s31] =	ssyncadd.s32 $0xFFFFC000  }
0x14f: {  	[spmem:s2] =	stream.indirect.scatter.add.f32 [tilespmem:s29], [sflag:$0x4], $0x80, s15, s28, $0xb8;
	[tilespmem:$0x1FF80] =	vst v63  }
0x150: {  	_ =	swait.ge [sflag:s0], $0x4000  }
0x151: {  	s12 =	simm.s32 @!p1 $0x80;
	[sflag:s0] =	ssyncset.done $0x0  }
0x152: {  	s13 =	simm.s32 @!p1 $0x1F780;
	s11 =	simm.s32 @!p1 $0x4;
	[sflag:s0] =	ssyncadd.s32 $0xFFFFC000  }
0x153: {  	[spmem:s3] =	stream.indirect.scatter.add.f32 @!p1 [tilespmem:s13], [sflag:$0x4], $0x10, s15, s12, $0xb8;
	[tilespmem:$0x1FF80] =	vst v63  }
0x154: {  	_ =	swait.ge @!p1 [sflag:s11], $0x800  }
0x155: {  	[sflag:s11] =	ssyncset.done @!p1 $0x0  }
0x156: {  	s16 =	sadd.s32 $0x13D00, s14;
	[sflag:s11] =	ssyncadd.s32 @!p1 $0xFFFFF800  }
0x157: {  	[tilespmem:s29], [sflag:$0x1] =	stream.indirect.gather [hbm4b:s8+s28], $0x80, s16, s28, $0xb8;
	[tilespmem:$0x1FF80] =	vst v63  }
0x158: {  	_ =	swait.ge [sflag:s1], $0x4000  }
0x159: {  	[sflag:s1] =	ssyncset.done $0x0  }
0x15a: {  	s15 =	sadd.s32 $0x14680, s14;
	[sflag:s1] =	ssyncadd.s32 $0xFFFFC000  }
0x15b: {  	[spmem:s2] =	stream.indirect.scatter.add.f32 [tilespmem:s30], [sflag:$0x4], $0x80, s15, s28, $0xb8;
	[tilespmem:$0x1FF80] =	vst v63  }
0x15c: {  	_ =	swait.ge [sflag:s0], $0x4000  }
0x15d: {  	[sflag:s0] =	ssyncset.done $0x0  }
0x15e: {  	s14 =	simm.s32 @!p1 $0x3;
	[sflag:s0] =	ssyncadd.s32 $0xFFFFC000  }
0x15f: {  	[spmem:s3] =	stream.indirect.scatter.add.f32 @!p1 [tilespmem:s13], [sflag:$0x3], $0x10, s15, s12, $0xb8;
	[tilespmem:$0x1FF80] =	vst v63  }
0x160: {  	_ =	swait.ge @!p1 [sflag:s14], $0x800  }
0x161: {  	[sflag:s14] =	ssyncset.done @!p1 $0x0  }
0x162: {  	[sflag:s14] =	ssyncadd.s32 @!p1 $0xFFFFF800  }
0x163: {  	[tilespmem:s30], [sflag:$0x2] =	stream.indirect.gather [hbm4b:s8+s28], $0x80, s24, s28, $0xb8;
	[tilespmem:$0x1FF80] =	vst v63  }
0x164: {  	_ =	swait.ge [sflag:s31], $0x4000  }
0x165: {  	[sflag:s31] =	ssyncset.done $0x0  }
0x166: {  	[sflag:s31] =	ssyncadd.s32 $0xFFFFC000  }
0x167: {  	[spmem:s2] =	stream.indirect.scatter.add.f32 [tilespmem:s29], [sflag:$0x3], $0x80, s5, s28, $0xb8;
	[tilespmem:$0x1FF80] =	vst v63  }
0x168: {  	_ =	swait.ge [sflag:s23], $0x4000  }
0x169: {  	[sflag:s23] =	ssyncset.done $0x0  }
0x16a: {  	s15 =	simm.s32 @p1 $0x2;
	[sflag:s23] =	ssyncadd.s32 $0xFFFFC000  }
0x16b: {  	_ =	swait.ge @p1 [sflag:s15], $0x4000  }
0x16c: {  	s17 =	simm.s32 @p1 $0x19000;
	[sflag:s15] =	ssyncset.done @p1 $0x0  }
0x16d: {  	s16 =	simm.s32 @p1 $0x14F80;
	[sflag:s15] =	ssyncadd.s32 @p1 $0xFFFFC000;
	s15 =	simm.s32 @p1 $0x80  }
0x16e: {  	[spmem:s2] =	stream.indirect.scatter.add.f32 @p1 [tilespmem:s17], [sflag:$0x3], $0x80, s16, s15, $0xb8;
	[tilespmem:$0x1FF80] =	vst v63  }
0x16f: {  	s15 =	simm.s32 @p1 $0x3  }
0x170: {  	_ =	swait.ge @p1 [sflag:s15], $0x4000  }
0x171: {  	[sflag:s15] =	ssyncset.done @p1 $0x0  }
0x172: {  	[sflag:s15] =	ssyncadd.s32 @p1 $0xFFFFC000;
	s15 =	simm.s32 @!p1 $0x14F00  }
0x173: {  	[spmem:s3] =	stream.indirect.scatter.add.f32 @!p1 [tilespmem:s13], [sflag:$0x3], $0x10, s15, s12, $0xb8;
	[tilespmem:$0x1FF80] =	vst v63  }
0x174: {  	_ =	swait.ge @!p1 [sflag:s14], $0x800  }
0x175: {  	[sflag:s14] =	ssyncset.done @!p1 $0x0  }
0x176: {  	s15 =	simm.s32 @!p1 $0x2;
	[sflag:s14] =	ssyncadd.s32 @!p1 $0xFFFFF800  }
0x177: {  	_ =	swait.ge @!p1 [sflag:s15], $0x4000  }
0x178: {  	[sflag:s15] =	ssyncset.done @!p1 $0x0  }
0x179: {  	s16 =	simm.s32 @!p1 $0x19000;
	[sflag:s15] =	ssyncadd.s32 @!p1 $0xFFFFC000;
	s15 =	simm.s32 @!p1 $0x14F80  }
0x17a: {  	[spmem:s2] =	stream.indirect.scatter.add.f32 @!p1 [tilespmem:s16], [sflag:$0x3], $0x80, s15, s12, $0xb8;
	[tilespmem:$0x1FF80] =	vst v63  }
0x17b: {  	_ =	swait.ge @!p1 [sflag:s14], $0x4000  }
0x17c: {  	[sflag:s14] =	ssyncset.done @!p1 $0x0  }
0x17d: {  	[sflag:s14] =	ssyncadd.s32 @!p1 $0xFFFFC000  }
0x17e: {  	[spmem:s3] =	stream.indirect.scatter.add.f32 @!p1 [tilespmem:s13], [sflag:$0x3], $0x10, s15, s12, $0xb8;
	[tilespmem:$0x1FF80] =	vst v63  }
0x17f: {  	_ =	swait.ge @!p1 [sflag:s14], $0x800  }
0x180: {  	[sflag:s14] =	ssyncset.done @!p1 $0x0  }
0x181: {  	s17 =	simm.s32 $0x0;
	s18 =	rddreg [dreg:$0x10];
	[sflag:s14] =	ssyncadd.s32 @!p1 $0xFFFFF800  }
0x182: {  	[tilespmem:s25], [sflag:$0x3] =	stream.linear.gather [hbm4b:s18+s17], $0xA00, $0x38;
	[tilespmem:$0x1FF80] =	vst v63  }
0x183: {  	_ =	swait.ge [sflag:s23], $0xA00  }
0x184: {  	[sflag:s23] =	ssyncset.done $0x0  }
0x185: {  	[sflag:s23] =	ssyncadd.s32 $0xFFFFF600  }
0x186: {  	[tilespmem:s26], [sflag:$0x3] =	stream.linear.gather [hbm4b:s19+s17], $0xA00, $0x38;
	[tilespmem:$0x1FF80] =	vst v63  }
0x187: {  	_ =	swait.ge [sflag:s23], $0xA00  }
0x188: {  	[sflag:s23] =	ssyncset.done $0x0  }
0x189: {  	[sflag:s23] =	ssyncadd.s32 $0xFFFFF600  }
0x18a: {  	[tilespmem:s29], [sflag:$0x1] =	stream.indirect.gather [hbm4b:s8+s28], $0x80, s25, s28, $0xb8;
	[tilespmem:$0x1FF80] =	vst v63  }
0x18b: {  	s17 =	simm.s32 $0x13C80  }
0x18c: {  	[tilespmem:s30], [sflag:$0x2] =	stream.indirect.gather [hbm4b:s8+s28], $0x80, s17, s28, $0xb8;
	[tilespmem:$0x1FF80] =	vst v63  }
0x18d: {  	_ =	swait.ge [sflag:s31], $0x4000  }
0x18e: {  	[sflag:s31] =	ssyncset.done $0x0  }
0x18f: {  	s15 =	simm.s32 $0x14600;
	[sflag:s31] =	ssyncadd.s32 $0xFFFFC000  }
0x190: {  	[spmem:s2] =	stream.indirect.scatter.add.f32 [tilespmem:s29], [sflag:$0x4], $0x80, s15, s28, $0xb8;
	[tilespmem:$0x1FF80] =	vst v63  }
0x191: {  	_ =	swait.ge [sflag:s0], $0x4000  }
0x192: {  	[sflag:s0] =	ssyncset.done $0x0  }
0x193: {  	[sflag:s0] =	ssyncadd.s32 $0xFFFFC000  }
0x194: {  	[spmem:s3] =	stream.indirect.scatter.add.f32 @!p1 [tilespmem:s13], [sflag:$0x4], $0x10, s15, s12, $0xb8;
	[tilespmem:$0x1FF80] =	vst v63  }
0x195: {  	_ =	swait.ge @!p1 [sflag:s11], $0x800  }
0x196: {  	[sflag:s11] =	ssyncset.done @!p1 $0x0  }
0x197: {  	s18 =	simm.s32 $0x13D00;
	[sflag:s11] =	ssyncadd.s32 @!p1 $0xFFFFF800  }
0x198: {  	[tilespmem:s29], [sflag:$0x1] =	stream.indirect.gather [hbm4b:s8+s28], $0x80, s18, s28, $0xb8;
	[tilespmem:$0x1FF80] =	vst v63  }
0x199: {  	_ =	swait.ge [sflag:s1], $0x4000  }
0x19a: {  	[sflag:s1] =	ssyncset.done $0x0  }
0x19b: {  	s15 =	simm.s32 $0x14680;
	[sflag:s1] =	ssyncadd.s32 $0xFFFFC000  }
0x19c: {  	[spmem:s2] =	stream.indirect.scatter.add.f32 [tilespmem:s30], [sflag:$0x4], $0x80, s15, s28, $0xb8;
	[tilespmem:$0x1FF80] =	vst v63  }
0x19d: {  	_ =	swait.ge [sflag:s0], $0x4000  }
0x19e: {  	[sflag:s0] =	ssyncset.done $0x0  }
0x19f: {  	[sflag:s0] =	ssyncadd.s32 $0xFFFFC000  }
0x1a0: {  	[spmem:s3] =	stream.indirect.scatter.add.f32 @!p1 [tilespmem:s13], [sflag:$0x3], $0x10, s15, s12, $0xb8;
	[tilespmem:$0x1FF80] =	vst v63  }
0x1a1: {  	_ =	swait.ge @!p1 [sflag:s14], $0x800  }
0x1a2: {  	s16 =	simm.s32 $0x800;
	s15 =	simm.s32 $0x100;
	[sflag:s14] =	ssyncset.done @!p1 $0x0  }
.LBB2_8:
0x1a3: {  	s17 =	sadd.s32 $0x13C80, s15  }
0x1a4: {  	[sflag:s14] =	ssyncadd.s32 @!p1 $0xFFFFF800;
	s18 =	smov.u32 s16;
	s16 =	sadd.s32 $0x400, s16  }
0x1a5: {  	[tilespmem:s30], [sflag:$0x2] =	stream.indirect.gather [hbm4b:s8+s28], $0x80, s17, s28, $0xb8;
	[tilespmem:$0x1FF80] =	vst v63  }
0x1a6: {  	p2 =	sne.s32 s16, $0x2400;
	_ =	swait.ge [sflag:s31], $0x4000  }
0x1a7: {  	[sflag:s31] =	ssyncset.done $0x0  }
0x1a8: {  	s17 =	sadd.s32 $0x14600, s15;
	[sflag:s31] =	ssyncadd.s32 $0xFFFFC000  }
0x1a9: {  	[spmem:s2] =	stream.indirect.scatter.add.f32 [tilespmem:s29], [sflag:$0x4], $0x80, s17, s28, $0xb8;
	[tilespmem:$0x1FF80] =	vst v63  }
0x1aa: {  	_ =	swait.ge [sflag:s0], $0x4000  }
0x1ab: {  	[sflag:s0] =	ssyncset.done $0x0  }
0x1ac: {  	[sflag:s0] =	ssyncadd.s32 $0xFFFFC000  }
0x1ad: {  	[spmem:s3] =	stream.indirect.scatter.add.f32 @!p1 [tilespmem:s13], [sflag:$0x4], $0x10, s17, s12, $0xb8;
	[tilespmem:$0x1FF80] =	vst v63  }
0x1ae: {  	_ =	swait.ge @!p1 [sflag:s11], $0x800  }
0x1af: {  	[sflag:s11] =	ssyncset.done @!p1 $0x0  }
0x1b0: {  	s17 =	sadd.s32 $0x13D00, s15;
	[sflag:s11] =	ssyncadd.s32 @!p1 $0xFFFFF800  }
0x1b1: {  	[tilespmem:s29], [sflag:$0x1] =	stream.indirect.gather [hbm4b:s8+s28], $0x80, s17, s28, $0xb8;
	[tilespmem:$0x1FF80] =	vst v63  }
0x1b2: {  	_ =	swait.ge [sflag:s1], $0x4000  }
0x1b3: {  	[sflag:s1] =	ssyncset.done $0x0  }
0x1b4: {  	s15 =	sadd.s32 $0x14680, s15;
	[sflag:s1] =	ssyncadd.s32 $0xFFFFC000  }
0x1b5: {  	[spmem:s2] =	stream.indirect.scatter.add.f32 [tilespmem:s30], [sflag:$0x4], $0x80, s15, s28, $0xb8;
	[tilespmem:$0x1FF80] =	vst v63  }
0x1b6: {  	_ =	swait.ge [sflag:s0], $0x4000  }
.Ltmp3:
0x1b7: {  	[sflag:s0] =	ssyncset.done $0x0;
	(pc) =	sbr.rel @p2 .LBB2_8-.Ltmp3, $4  }
0x1b8: {  	[sflag:s0] =	ssyncadd.s32 $0xFFFFC000  }
0x1b9: {  	[spmem:s3] =	stream.indirect.scatter.add.f32 @!p1 [tilespmem:s13], [sflag:$0x3], $0x10, s15, s12, $0xb8;
	[tilespmem:$0x1FF80] =	vst v63  }
0x1ba: {  	_ =	swait.ge @!p1 [sflag:s14], $0x800  }
0x1bb: {  	s15 =	sshra.s32 s18, $0x2;
	[sflag:s14] =	ssyncset.done @!p1 $0x0  }
0x1bc: {  	s11 =	sadd.s32 $0x13C80, s15;
	[sflag:s14] =	ssyncadd.s32 @!p1 $0xFFFFF800  }
0x1bd: {  	[tilespmem:s30], [sflag:$0x2] =	stream.indirect.gather [hbm4b:s8+s28], $0x80, s11, s28, $0xb8;
	[tilespmem:$0x1FF80] =	vst v63  }
0x1be: {  	_ =	swait.ge [sflag:s31], $0x4000  }
0x1bf: {  	[sflag:s31] =	ssyncset.done $0x0  }
0x1c0: {  	s11 =	sadd.s32 $0x14600, s15;
	[sflag:s31] =	ssyncadd.s32 $0xFFFFC000  }
0x1c1: {  	[spmem:s2] =	stream.indirect.scatter.add.f32 [tilespmem:s29], [sflag:$0x4], $0x80, s11, s28, $0xb8;
	[tilespmem:$0x1FF80] =	vst v63  }
0x1c2: {  	_ =	swait.ge [sflag:s0], $0x4000  }
0x1c3: {  	s12 =	simm.s32 @!p1 $0x4;
	[sflag:s0] =	ssyncset.done $0x0  }
0x1c4: {  	s13 =	simm.s32 @!p1 $0x80;
	s14 =	simm.s32 @!p1 $0x1F780;
	[sflag:s0] =	ssyncadd.s32 $0xFFFFC000  }
0x1c5: {  	[spmem:s3] =	stream.indirect.scatter.add.f32 @!p1 [tilespmem:s14], [sflag:$0x4], $0x10, s11, s13, $0xb8;
	[tilespmem:$0x1FF80] =	vst v63  }
0x1c6: {  	_ =	swait.ge @!p1 [sflag:s12], $0x800  }
0x1c7: {  	[sflag:s12] =	ssyncset.done @!p1 $0x0  }
0x1c8: {  	s18 =	sadd.s32 $0x13D00, s15;
	[sflag:s12] =	ssyncadd.s32 @!p1 $0xFFFFF800  }
0x1c9: {  	[tilespmem:s29], [sflag:$0x1] =	stream.indirect.gather [hbm4b:s8+s28], $0x80, s18, s28, $0xb8;
	[tilespmem:$0x1FF80] =	vst v63  }
0x1ca: {  	_ =	swait.ge [sflag:s1], $0x4000  }
0x1cb: {  	[sflag:s1] =	ssyncset.done $0x0  }
0x1cc: {  	s11 =	sadd.s32 $0x14680, s15;
	[sflag:s1] =	ssyncadd.s32 $0xFFFFC000  }
0x1cd: {  	[spmem:s2] =	stream.indirect.scatter.add.f32 [tilespmem:s30], [sflag:$0x4], $0x80, s11, s28, $0xb8;
	[tilespmem:$0x1FF80] =	vst v63  }
0x1ce: {  	_ =	swait.ge [sflag:s0], $0x4000  }
0x1cf: {  	[sflag:s0] =	ssyncset.done $0x0  }
0x1d0: {  	s12 =	simm.s32 @!p1 $0x3;
	[sflag:s0] =	ssyncadd.s32 $0xFFFFC000  }
0x1d1: {  	[spmem:s3] =	stream.indirect.scatter.add.f32 @!p1 [tilespmem:s14], [sflag:$0x3], $0x10, s11, s13, $0xb8;
	[tilespmem:$0x1FF80] =	vst v63  }
0x1d2: {  	_ =	swait.ge @!p1 [sflag:s12], $0x800  }
0x1d3: {  	[sflag:s12] =	ssyncset.done @!p1 $0x0  }
0x1d4: {  	[sflag:s12] =	ssyncadd.s32 @!p1 $0xFFFFF800  }
0x1d5: {  	[tilespmem:s30], [sflag:$0x2] =	stream.indirect.gather [hbm4b:s8+s28], $0x80, s24, s28, $0xb8;
	[tilespmem:$0x1FF80] =	vst v63  }
0x1d6: {  	_ =	swait.ge [sflag:s31], $0x4000  }
0x1d7: {  	[sflag:s31] =	ssyncset.done $0x0  }
0x1d8: {  	[sflag:s31] =	ssyncadd.s32 $0xFFFFC000  }
0x1d9: {  	[spmem:s2] =	stream.indirect.scatter.add.f32 [tilespmem:s29], [sflag:$0x3], $0x80, s5, s28, $0xb8;
	[tilespmem:$0x1FF80] =	vst v63  }
0x1da: {  	_ =	swait.ge [sflag:s23], $0x4000  }
0x1db: {  	[sflag:s23] =	ssyncset.done $0x0  }
0x1dc: {  	s11 =	simm.s32 @p1 $0x2;
	[sflag:s23] =	ssyncadd.s32 $0xFFFFC000  }
0x1dd: {  	_ =	swait.ge @p1 [sflag:s11], $0x4000  }
0x1de: {  	s16 =	simm.s32 @p1 $0x19000;
	[sflag:s11] =	ssyncset.done @p1 $0x0  }
0x1df: {  	s15 =	simm.s32 @p1 $0x14F80;
	[sflag:s11] =	ssyncadd.s32 @p1 $0xFFFFC000;
	s11 =	simm.s32 @p1 $0x80  }
0x1e0: {  	[spmem:s2] =	stream.indirect.scatter.add.f32 @p1 [tilespmem:s16], [sflag:$0x3], $0x80, s15, s11, $0xb8;
	[tilespmem:$0x1FF80] =	vst v63  }
0x1e1: {  	s11 =	simm.s32 @p1 $0x3  }
0x1e2: {  	_ =	swait.ge @p1 [sflag:s11], $0x4000  }
0x1e3: {  	[sflag:s11] =	ssyncset.done @p1 $0x0  }
0x1e4: {  	[sflag:s11] =	ssyncadd.s32 @p1 $0xFFFFC000;
	s11 =	simm.s32 @!p1 $0x14F00  }
0x1e5: {  	[spmem:s3] =	stream.indirect.scatter.add.f32 @!p1 [tilespmem:s14], [sflag:$0x3], $0x10, s11, s13, $0xb8;
	[tilespmem:$0x1FF80] =	vst v63  }
0x1e6: {  	_ =	swait.ge @!p1 [sflag:s12], $0x800  }
0x1e7: {  	[sflag:s12] =	ssyncset.done @!p1 $0x0  }
0x1e8: {  	s11 =	simm.s32 @!p1 $0x2;
	[sflag:s12] =	ssyncadd.s32 @!p1 $0xFFFFF800  }
0x1e9: {  	_ =	swait.ge @!p1 [sflag:s11], $0x4000  }
0x1ea: {  	[sflag:s11] =	ssyncset.done @!p1 $0x0  }
0x1eb: {  	s15 =	simm.s32 @!p1 $0x19000;
	[sflag:s11] =	ssyncadd.s32 @!p1 $0xFFFFC000;
	s11 =	simm.s32 @!p1 $0x14F80  }
0x1ec: {  	[spmem:s2] =	stream.indirect.scatter.add.f32 @!p1 [tilespmem:s15], [sflag:$0x3], $0x80, s11, s13, $0xb8;
	[tilespmem:$0x1FF80] =	vst v63  }
0x1ed: {  	_ =	swait.ge @!p1 [sflag:s12], $0x4000  }
0x1ee: {  	[sflag:s12] =	ssyncset.done @!p1 $0x0  }
0x1ef: {  	[sflag:s12] =	ssyncadd.s32 @!p1 $0xFFFFC000  }
0x1f0: {  	[spmem:s3] =	stream.indirect.scatter.add.f32 @!p1 [tilespmem:s14], [sflag:$0x3], $0x10, s11, s13, $0xb8;
	[tilespmem:$0x1FF80] =	vst v63  }
0x1f1: {  	_ =	swait.ge @!p1 [sflag:s12], $0x800  }
0x1f2: {  	[sflag:s12] =	ssyncset.done @!p1 $0x0  }
0x1f3: {  	[sflag:s12] =	ssyncadd.s32 @!p1 $0xFFFFF800  }
0x1f4: {  	[bflag:$0x0] =	sbarrier.arrive $0xFFFF  }
0x1f5: {  	[hbm:s20], [sflag:s10] =	dma.local [spmem:s7], $0x2780  }
0x1f6: {  	s6 =	sadd.s32 $0x1, s6;
	_ =	swait.ge [sflag:s23], $0x2780  }
0x1f7: {  	p2 =	sne.s32 s6, s22;
	[sflag:s23] =	ssyncset.done $0x0  }
.Ltmp4:
0x1f8: {  	[sflag:s23] =	ssyncadd.s32 $0xFFFFD880;
	(pc) =	sbr.rel @p2 .LBB2_1-.Ltmp4, $4  }
0x1f9: {  	[hbm:s21], [sflag:s10] =	dma.local [spmem:s9], $0x4F0  }
0x1fa: {  	_ =	swait.ge [sflag:s23], $0x4F0  }
0x1fb: {  	[sflag:s23] =	ssyncset.done $0x0  }
0x1fc: {  	[sflag:s23] =	ssyncadd.s32 $0xFFFFFB10  }
0x1fd: {  	_ =	sfence.sel $0x180000  }
0x1fe: {  	[bflag:$0x0] =	sbarrier.arrive $0xFFFF  }
0x1ff: {  	_ =	strace $0x90000047  }
0x200: {  	s0 =	stileid.u32;
	[bflag:$0x2] =	sbarrier.arrive $0xFFFF  }
0x201: {  	p0 =	sne.s32 s0, $0x0;
	s0 =	rddreg [dreg:$0x4]  }
0x202: {  	s0 =	sadd.s32 @!p0 $0x100000, s0  }
0x203: {  	[sflag:s0] =	ssyncadd.tile.s32 @!p0 $0x1;
	_ =	shalt  }
.Lfunc_end2:
_tile_overlayer_lowered:
.L_overlay_start_2:
0x204: {  	(tag) =	ssettag $0x2  }
0x205: {  	s0 =	rddreg [dreg:$0x0];
	s2 =	stileid.u32  }
0x206: {  	s1 =	rddreg [dreg:$0x1];
	p0 =	sne.s32 s2, $0x0  }
0x207: {  	s3 =	rddreg [dreg:$0x2];
	[bflag:$0x3] =	sbarrier.arrive $0xFFFF;
	s2 =	simm.s32 @!p0 $0x1C03  }
0x208: {  	[timem:s3], [sflag:s2] =	dma.local @!p0 [hbm:s0], s1  }
0x209: {  	s0 =	simm.s32 @!p0 $0x3  }
0x20a: {  	_ =	swait.ge @!p0 [sflag:s0], s1  }
0x20b: {  	s1 =	ssub.s32 @!p0 $0x0, s1;
	[sflag:s0] =	ssyncset.done @!p0 $0x0  }
0x20c: {  	[sflag:s0] =	ssyncadd.s32 @!p0 s1  }
0x20d: {  	[bflag:$0x3] =	sbarrier.arrive $0xFFFF  }
0x20e: {  	_ =	shalt  }

// kernel: sc_agg_w32.3.cloned.1.call-start
scs
__scs_entry_jumppad:
0x0: {  	(pc) =	sbr.rel $0x88, $3  }
0x1: {  	(tag) =	ssettag $0x0;
	lr =	simm.s32 $0x1  }
0x2: {  	[smem:$0x3F99] =	sst lr;
	_ =	strace $0xD0000000  }
0x3: {  	_ = 	snop  }
0x4: {  	_ = 	snop  }
0x5: {  	_ = 	snop  }
0x6: {  	_ = 	snop  }
0x7: {  	_ = 	snop  }
__scs_overlays_trampoline_lowered:
0x8: {  	[smem:$0x3FA8] =	sst s0  }
0x9: {  	[smem:$0x3FA9] =	sst s1  }
0xa: {  	[smem:$0x3FAA] =	sst s2  }
0xb: {  	[smem:$0x3FAB] =	sst s3  }
0xc: {  	[smem:$0x3FAC] =	sst s4  }
0xd: {  	[smem:$0x3FAD] =	sst s5  }
0xe: {  	[smem:$0x3FAE] =	sst s6  }
0xf: {  	[smem:$0x3FAF] =	sst s7  }
0x10: {  	[smem:$0x3FB0] =	sst s8  }
0x11: {  	[smem:$0x3FB1] =	sst s9;
	s0 =	simm.s32 @!p0 $0x0  }
0x12: {  	s1 =	sld [smem:$0x3F97];
	s0 =	simm.s32 @p0 $0x1  }
0x13: {  	[smem:$0x3FB2] =	sst s0;
	s0 =	simm.s32 @!p1 $0x0  }
0x14: {  	s2 =	sld [smem:$0x3F96];
	s0 =	simm.s32 @p1 $0x1  }
0x15: {  	[smem:$0x3FB3] =	sst s0;
	s0 =	simm.s32 @!p2 $0x0  }
0x16: {  	s3 =	sld [smem:$0x3FDB];
	s0 =	simm.s32 @p2 $0x1  }
0x17: {  	s4 =	simm.s32 $0x1BF5;
	[smem:$0x3FB5] =	sst s0  }
0x18: {  	s0 =	sld [smem:$0x3F98];
	_ =	swait.ge [sflag:s4], $0x0  }
0x19: {  	s7 =	sld [smem:$0x3F99]  }
0x1a: {  	s8 =	sadd.s32 $0xFFFFE003, lr  }
0x1b: {  	s9 =	sadd.s32 $0xFFFFFEF7, lr;
	s5 =	simm.s32 $0xFFFFFFFF;
	p2 =	slt.u32 s8, $0xFFFFF086  }
0x1c: {  	p1 =	slt.u32 s9, $0xF7A;
	s5 =	simm.s32 @!p2 $0x0  }
0x1d: {  	s5 =	simm.s32 @p1 $0x1;
	p0 =	seq.s32 s7, s2  }
0x1e: {  	s7 =	smul.u32 @!p0 $0xF7A, s2;
	p2 =	seq.s32 @!p0 s5, $0x0  }
0x1f: {  	s9 =	smul.u32 $0xF7A, s1;
	s8 =	simm.s32 @!p0 $0x1BF5;
	p2 =	por !p2, p0  }
0x20: {  	[sflag:s8] =	ssyncset.s32 @!p0 $0xFFFFF086;
	s6 =	sadd.s32 @!p0 s3, s7;
	s7 =	simm.s32 @!p0 $0x108  }
0x21: {  	s3 =	sadd.s32 s3, s9;
	s6 =	sadd.s32 @!p0 $0x88, s6;
	s7 =	simm.s32 @p2 $0x1082  }
0x22: {  	[simem:s7], [sflag:s8] =	dma.local @!p0 [hbm:s6], $0xF7A  }
0x23: {  	s9 =	sor.u32 $0xD0000000, s2;
	s6 =	simm.s32 $0x108;
	_ =	swait.ge @!p0 [sflag:s8], $0x0  }
0x24: {  	s3 =	sadd.s32 $0x88, s3;
	s6 =	simm.s32 @!p1 $0x1082;
	[sflag:s4] =	ssyncset.s32 $0xFFFFF086  }
0x25: {  	[simem:s6], [sflag:s4] =	dma.local [hbm:s3], $0xF7A  }
0x26: {  	[smem:$0x3F99] =	sst s1;
	(tag) =	ssettag s2;
	_ =	strace s9  }
0x27: {  	s1 =	sld [smem:$0x3FA9]  }
0x28: {  	s2 =	sld [smem:$0x3FAA]  }
0x29: {  	s4 =	sld [smem:$0x3FAC]  }
0x2a: {  	p0 =	seq.s32 s5, $0x0;
	s5 =	sld [smem:$0x3FAD]  }
0x2b: {  	s6 =	sld [smem:$0x3FAE]  }
0x2c: {  	s7 =	sld [smem:$0x3FAF]  }
0x2d: {  	s3 =	simm.s32 $0x108;
	s8 =	sld [smem:$0x3FB0]  }
0x2e: {  	s3 =	simm.s32 @!p0 $0x1082;
	s9 =	sld [smem:$0x3FB1]  }
0x2f: {  	lr =	sadd.s32 s0, s3;
	s0 =	sld [smem:$0x3FA8]  }
0x30: {  	s3 =	sld [smem:$0x3FAB]  }
0x31: {  	[smem:$0x3FB4] =	sst s10  }
0x32: {  	s10 =	sld [smem:$0x3FB2];
	_ =	sdelay $0x3  }
0x33: {  	p0 =	seq.s32 s10, $0x1;
	s10 =	sld [smem:$0x3FB4];
	_ =	sdelay $0x3  }
0x34: {  	[smem:$0x3FB4] =	sst s10  }
0x35: {  	s10 =	sld [smem:$0x3FB3];
	_ =	sdelay $0x3  }
0x36: {  	p1 =	seq.s32 s10, $0x1;
	s10 =	sld [smem:$0x3FB4];
	_ =	sdelay $0x3  }
0x37: {  	[smem:$0x3FB4] =	sst s10  }
0x38: {  	s10 =	sld [smem:$0x3FB5]  }
0x39: {  	_ = 	snop;
	(pc) =	sbr.ind lr, $3  }
0x3a: {  	_ = 	snop  }
0x3b: {  	_ = 	snop  }
0x3c: {  	p2 =	seq.s32 s10, $0x1;
	s10 =	sld [smem:$0x3FB4]  }
0x3d: {  	_ =	shalt  }
0x3e: {  	_ =	shalt  }
0x3f: {  	_ =	shalt  }
0x40: {  	_ =	shalt  }
0x41: {  	_ =	shalt  }
0x42: {  	_ =	shalt  }
0x43: {  	_ =	shalt  }
0x44: {  	_ =	shalt  }
0x45: {  	_ =	shalt  }
0x46: {  	_ =	shalt  }
0x47: {  	_ =	shalt  }
0x48: {  	_ =	shalt  }
0x49: {  	_ =	shalt  }
0x4a: {  	_ =	shalt  }
0x4b: {  	_ =	shalt  }
0x4c: {  	_ =	shalt  }
0x4d: {  	_ =	shalt  }
0x4e: {  	_ =	shalt  }
0x4f: {  	_ =	shalt  }
0x50: {  	_ =	shalt  }
0x51: {  	_ =	shalt  }
0x52: {  	_ =	shalt  }
0x53: {  	_ =	shalt  }
0x54: {  	_ =	shalt  }
0x55: {  	_ =	shalt  }
0x56: {  	_ =	shalt  }
0x57: {  	_ =	shalt  }
0x58: {  	_ =	shalt  }
0x59: {  	_ =	shalt  }
0x5a: {  	_ =	shalt  }
0x5b: {  	_ =	shalt  }
0x5c: {  	_ =	shalt  }
0x5d: {  	_ =	shalt  }
0x5e: {  	_ =	shalt  }
0x5f: {  	_ =	shalt  }
0x60: {  	_ =	shalt  }
0x61: {  	_ =	shalt  }
0x62: {  	_ =	shalt  }
0x63: {  	_ =	shalt  }
0x64: {  	_ =	shalt  }
0x65: {  	_ =	shalt  }
0x66: {  	_ =	shalt  }
0x67: {  	_ =	shalt  }
0x68: {  	_ =	shalt  }
0x69: {  	_ =	shalt  }
0x6a: {  	_ =	shalt  }
0x6b: {  	_ =	shalt  }
0x6c: {  	_ =	shalt  }
0x6d: {  	_ =	shalt  }
0x6e: {  	_ =	shalt  }
0x6f: {  	_ =	shalt  }
0x70: {  	_ =	shalt  }
0x71: {  	_ =	shalt  }
0x72: {  	_ =	shalt  }
0x73: {  	_ =	shalt  }
0x74: {  	_ =	shalt  }
0x75: {  	_ =	shalt  }
0x76: {  	_ =	shalt  }
0x77: {  	_ =	shalt  }
0x78: {  	_ =	shalt  }
0x79: {  	_ =	shalt  }
0x7a: {  	_ =	shalt  }
0x7b: {  	_ =	shalt  }
0x7c: {  	_ =	shalt  }
0x7d: {  	_ =	shalt  }
0x7e: {  	_ =	shalt  }
0x7f: {  	_ =	shalt  }
0x80: {  	_ =	shalt  }
0x81: {  	_ =	shalt  }
0x82: {  	_ =	shalt  }
0x83: {  	_ =	shalt  }
0x84: {  	_ =	shalt  }
0x85: {  	_ =	shalt  }
0x86: {  	_ =	shalt  }
0x87: {  	_ =	shalt  }
.Lfunc_end0:
.L_simem_size_0:
called_computation.1_lowered:
.L_overlay_start_0:
0x88: {  	s2 =	sld [smem:$0x3FD9]  }
0x89: {  	s3 =	sld [smem:$0x3FFE];
	_ =	sdelay $0x1  }
0x8a: {  	s1 =	srdreg.scid  }
0x8b: {  	s0 =	sand.u32 $0x1, s1  }
0x8c: {  	s17 =	sshll.u32 s0, $0xA;
	s2 =	sadd.s32 s3, s2  }
0x8d: {  	s2 =	sadd.s32 s2, s17  }
0x8e: {  	[smem:$0x3FC0] =	sst s2  }
0x8f: {  	_ = 	snop  }
0x90: {  	s2 =	sld [smem:$0x3FD0];
	(tm) =	ssettm $0x1  }
0x91: {  	s18 =	sld [smem:$0x3FFB];
	_ =	sdelay $0x3  }
0x92: {  	_ =	strace s18  }
0x93: {  	s3 =	sld [smem:$0x3FFC];
	_ =	sdelay $0x3  }
0x94: {  	_ =	strace s3  }
0x95: {  	s3 =	sld [smem:$0x3FFD];
	_ =	sdelay $0x3  }
0x96: {  	_ =	strace s3  }
0x97: {  	_ =	strace $0x8FFFFFFF  }
0x98: {  	s19 =	sld [smem:$0x3FDB];
	_ =	sdelay $0x1  }
0x99: {  	s4 =	simm.s32 $_scs_section_size  }
0x9a: {  	s5 =	simm.s32 $_size__tile_overlayer_lowered;
	s6 =	simm.s32 $_tile_overlayer_lowered  }
0x9b: {  	s22 =	simm.s32 $0x1BFF;
	s21 =	sshll.u32 s6, $0x1;
	s3 =	sadd.s32 s4, s19  }
0x9c: {  	s7 =	simm.s32 $0x0;
	s20 =	sshll.u32 s5, $0x1;
	s5 =	sadd.s32 s21, s3  }
0x9d: {  	[timem:s7], [sflag:s22] =	dma.local [hbm:s5], s20  }
0x9e: {  	_ =	swait.ge [sflag:s22], s20  }
0x9f: {  	s4 =	ssub.s32 $0x0, s20;
	[sflag:s22] =	ssyncset.done $0x0  }
0xa0: {  	[sflag:s22] =	ssyncadd.s32 s4;
	_ =	sdelay $0x1  }
0xa1: {  	s23 =	simm.s32 $0x1B8B  }
0xa2: {  	_ =	swait.ge [sflag:s23], $0x1  }
0xa3: {  	[sflag:s23] =	ssyncset.done $0x0  }
0xa4: {  	s25 =	simm.s32 $0x1B8E;
	s24 =	sld [smem:$0x3FFE];
	[sflag:s23] =	ssyncadd.s32 $0xFFFFFFFF  }
0xa5: {  	s26 =	simm.s32 $execute0_lowered;
	[smem:$0x3FD2] =	sst s25  }
0xa6: {  	s5 =	sshll.u32 s26, $0x1;
	_ =	strace $0x80000049;
	[dreg:$0x1] =	wrdreg $0xFFFFFFFF  }
0xa7: {  	s28 =	simm.s32 $_size_execute0_lowered;
	s3 =	sadd.s32 s3, s5;
	[dreg:$0x0] =	wrdreg $0x0  }
0xa8: {  	s5 =	sshll.u32 s28, $0x1;
	[dreg:$0x2] =	wrdreg s3  }
0xa9: {  	[dreg:$0x3] =	wrdreg s5  }
0xaa: {  	[dreg:$0x4] =	wrdreg $0xC0  }
0xab: {  	_ =	task [dreg:s7], $0x5FFFF  }
0xac: {  	[dreg:$0x1] =	wrdreg $0xFFFFFFFF  }
0xad: {  	[dreg:$0x0] =	wrdreg $0x60  }
0xae: {  	[dreg:$0x2] =	wrdreg s24  }
0xaf: {  	[dreg:$0x3] =	wrdreg s2  }
0xb0: {  	[dreg:$0x4] =	wrdreg $0x0  }
0xb1: {  	[dreg:$0x5] =	wrdreg $0x9  }
0xb2: {  	_ =	task.clear_ibuf [dreg:s7], $0x6FFFF;
	_ =	strace $0x90000049  }
0xb3: {  	s29 =	simm.s32 $0x9;
	_ =	strace $0x8000004B  }
0xb4: {  	_ =	swait.ge [sflag:s29], $0x1  }
0xb5: {  	[sflag:s29] =	ssyncadd.s32 $0xFFFFFFFF  }
0xb6: {  	_ =	strace $0x9000004B  }
0xb7: {  	_ =	sfence  }
0xb8: {  	s30 =	sld [smem:$0x0];
	_ =	sdelay $0x2  }
0xb9: {  	s31 =	sshll.u32 s1, $0xD;
	s1 =	sshrl.u32 s1, $0x2  }
0xba: {  	s3 =	sand.u32 $0x4000, s31;
	s1 =	sadd.s32 s1, s30  }
0xbb: {  	s0 =	sor.u32 s3, s0;
	s1 =	sshll.u32 s1, $0x11  }
0xbc: {  	s0 =	sor.u32 s1, s0  }
0xbd: {  	s0 =	sadd.s32 $0x8F2B, s0  }
0xbe: {  	[sflag:s0] =	ssyncadd.remote.s32 $0x1  }
0xbf: {  	_ =	sfence.sel $0xFFFF  }
0xc0: {  	[dreg:$0x0] =	wrdreg $0xFFFFFFFF;
	(pc) =	sbr.abs _section_cstart, $3  }
0xc1: {  	[dreg:$0x1] =	wrdreg $0xFFFFFFFF  }
0xc2: {  	_ =	task.clear_ibuf [dreg:s7], $0x2FFFF;
	_ =	strace $0x9FFFFFFF  }
0xc3: {  	(tm) =	ssettm $0x7FFFFFFF  }
tec
execute0_lowered:
.L_overlay_start_1:
0x0: {  	(tag) =	ssettag $0x1  }
0x1: {  	s0 =	rddreg [dreg:$0x0]  }
0x2: {  	s1 =	srdreg.scid;
	s4 =	rddreg [dreg:$0x1]  }
0x3: {  	s10 =	stileid.u32;
	s2 =	rddreg [dreg:$0x2];
	s28 =	simm.s32 $0x0  }
0x4: {  	s3 =	sand.u32 $0x1, s1;
	s5 =	smul.u32 $0x2800, s10;
	[smem:$0x7FF] =	sst s28  }
0x5: {  	s16 =	sshll.u32 s10, $0x6;
	s1 =	smul.u32 $0x28000, s3;
	[dreg:$0x10] =	wrdreg s3  }
0x6: {  	s6 =	sadd.s32 $0x73200, s0;
	s19 =	sor.u32 $0x1C06, s16;
	_ =	strace $0x8000004A  }
0x7: {  	[dreg:$0x4] =	wrdreg s6;
	s1 =	sadd.s32 s5, s1;
	s5 =	sshrl.u32 s5, $0x3  }
0x8: {  	[dreg:$0xe] =	wrdreg s19;
	s5 =	sadd.s32 s5, s0  }
0x9: {  	s7 =	smul.u32 $0x4F00, s10;
	s18 =	rddreg [dreg:$0x4];
	s11 =	sadd.s32 $0x1800, s5  }
0xa: {  	s8 =	smul.u32 $0x4F000, s3;
	s13 =	sadd.s32 $0x1940, s5;
	[dreg:$0x6] =	wrdreg s11  }
0xb: {  	s1 =	sshrl.u32 s1, $0x3;
	s15 =	sadd.s32 $0x1A80, s5;
	[dreg:$0x8] =	wrdreg s13  }
0xc: {  	s1 =	sadd.s32 s1, s0;
	s5 =	sadd.s32 $0x1BC0, s5;
	[dreg:$0xa] =	wrdreg s15  }
0xd: {  	s9 =	sadd.s32 $0x6800, s1;
	[dreg:$0xc] =	wrdreg s5  }
0xe: {  	s17 =	sadd.s32 s7, s8;
	s12 =	sadd.s32 $0x6940, s1;
	[dreg:$0x5] =	wrdreg s9  }
0xf: {  	s14 =	sadd.s32 $0x6A80, s1;
	s1 =	sadd.s32 $0x6BC0, s1;
	[dreg:$0x7] =	wrdreg s12  }
0x10: {  	[dreg:$0xb] =	wrdreg s1;
	s1 =	sshrl.u32 s17, $0x3  }
0x11: {  	[dreg:$0x9] =	wrdreg s14;
	s9 =	sadd.s32 s7, s2;
	s1 =	sadd.s32 s4, s1  }
0x12: {  	s20 =	sshrl.u32 s9, $0x3;
	[dreg:$0xd] =	wrdreg s1  }
0x13: {  	s5 =	simm.s32 $0x6;
	[dreg:$0xf] =	wrdreg s20  }
0x14: {  	[spmem:s20], [sflag:s19] =	dma.local [hbm:s18], $0x9E0  }
0x15: {  	_ =	swait.ge [sflag:s5], $0x9E0  }
0x16: {  	[sflag:s5] =	ssyncset.done $0x0  }
0x17: {  	[sflag:s5] =	ssyncadd.s32 $0xFFFFF620  }
0x18: {  	[bflag:$0x0] =	sbarrier.arrive $0xFFFF  }
0x19: {  	s22 =	simm.s32 $0x4F00;
	s21 =	rddreg [dreg:$0x5]  }
0x1a: {  	[tilespmem:s22], [sflag:$0x6] =	stream.linear.gather [hbm4b:s21+s28], $0xA00, $0x38;
	[tilespmem:$0xA300] =	vst v63  }
0x1b: {  	_ =	swait.ge [sflag:s5], $0xA00  }
0x1c: {  	[sflag:s5] =	ssyncset.done $0x0  }
0x1d: {  	s25 =	simm.s32 $0x5900;
	s24 =	rddreg [dreg:$0x6];
	[sflag:s5] =	ssyncadd.s32 $0xFFFFF600  }
0x1e: {  	[tilespmem:s25], [sflag:$0x6] =	stream.linear.gather [hbm4b:s24+s28], $0xA00, $0x38;
	[tilespmem:$0xA300] =	vst v63  }
0x1f: {  	_ =	swait.ge [sflag:s5], $0xA00  }
0x20: {  	s23 =	simm.s32 $0x4F00;
	s10 =	simm.s32 $0x80;
	[sflag:s5] =	ssyncset.done $0x0  }
0x21: {  	s11 =	simm.s32 $0x6300;
	s9 =	sadd.s32 $0x5F800, s0;
	[sflag:s5] =	ssyncadd.s32 $0xFFFFF600  }
0x22: {  	[tilespmem:s11], [sflag:$0x1] =	stream.indirect.gather [hbm4b:s9+s10], $0x20, s23, s10, $0xb8;
	[tilespmem:$0xA300] =	vst v63  }
0x23: {  	s30 =	simm.s32 $0x4F80;
	s13 =	simm.s32 $0x7300  }
0x24: {  	[tilespmem:s13], [sflag:$0x2] =	stream.indirect.gather [hbm4b:s9+s10], $0x20, s30, s10, $0xb8;
	[tilespmem:$0xA300] =	vst v63  }
0x25: {  	s31 =	simm.s32 $0x5000;
	s16 =	simm.s32 $0x1;
	s15 =	simm.s32 $0x8300  }
0x26: {  	[tilespmem:s15], [sflag:$0x3] =	stream.indirect.gather [hbm4b:s9+s10], $0x20, s31, s10, $0xb8;
	[tilespmem:$0xA300] =	vst v63  }
0x27: {  	_ =	swait.ge [sflag:s16], $0x1000  }
0x28: {  	[sflag:s16] =	ssyncset.done $0x0  }
0x29: {  	s26 =	simm.s32 $0x5900;
	[sflag:s16] =	ssyncadd.s32 $0xFFFFF000  }
0x2a: {  	[spmem:s2] =	stream.indirect.scatter.add.f32 [tilespmem:s11], [sflag:$0x5], $0x20, s26, s10, $0xb8;
	[tilespmem:$0xA300] =	vst v63  }
0x2b: {  	s3 =	simm.s32 $0x5080;
	s18 =	simm.s32 $0x9300;
	s19 =	simm.s32 $0x2  }
0x2c: {  	[tilespmem:s18], [sflag:$0x4] =	stream.indirect.gather [hbm4b:s9+s10], $0x20, s3, s10, $0xb8;
	[tilespmem:$0xA300] =	vst v63  }
0x2d: {  	_ =	swait.ge [sflag:s19], $0x1000  }
0x2e: {  	[sflag:s19] =	ssyncset.done $0x0  }
0x2f: {  	s4 =	simm.s32 $0x5980;
	s21 =	simm.s32 $0x5;
	[sflag:s19] =	ssyncadd.s32 $0xFFFFF000  }
0x30: {  	[spmem:s2] =	stream.indirect.scatter.add.f32 [tilespmem:s13], [sflag:$0x5], $0x20, s4, s10, $0xb8;
	[tilespmem:$0xA300] =	vst v63  }
0x31: {  	_ =	swait.ge [sflag:s21], $0x1000  }
0x32: {  	[sflag:s21] =	ssyncset.done $0x0  }
0x33: {  	s6 =	simm.s32 $0x5100;
	s23 =	simm.s32 $0x3;
	[sflag:s21] =	ssyncadd.s32 $0xFFFFF000  }
0x34: {  	[tilespmem:s11], [sflag:$0x1] =	stream.indirect.gather [hbm4b:s9+s10], $0x20, s6, s10, $0xb8;
	[tilespmem:$0xA300] =	vst v63  }
0x35: {  	_ =	swait.ge [sflag:s23], $0x1000  }
0x36: {  	[sflag:s23] =	ssyncset.done $0x0  }
0x37: {  	s7 =	simm.s32 $0x5A00;
	[sflag:s23] =	ssyncadd.s32 $0xFFFFF000  }
0x38: {  	[spmem:s2] =	stream.indirect.scatter.add.f32 [tilespmem:s15], [sflag:$0x5], $0x20, s7, s10, $0xb8;
	[tilespmem:$0xA300] =	vst v63  }
0x39: {  	_ =	swait.ge [sflag:s21], $0x1000  }
0x3a: {  	[sflag:s21] =	ssyncset.done $0x0  }
0x3b: {  	s8 =	simm.s32 $0x5180;
	s26 =	simm.s32 $0x4;
	[sflag:s21] =	ssyncadd.s32 $0xFFFFF000  }
0x3c: {  	[tilespmem:s13], [sflag:$0x2] =	stream.indirect.gather [hbm4b:s9+s10], $0x20, s8, s10, $0xb8;
	[tilespmem:$0xA300] =	vst v63  }
0x3d: {  	_ =	swait.ge [sflag:s26], $0x1000  }
0x3e: {  	[sflag:s26] =	ssyncset.done $0x0  }
0x3f: {  	s12 =	simm.s32 $0x5A80;
	[sflag:s26] =	ssyncadd.s32 $0xFFFFF000  }
0x40: {  	[spmem:s2] =	stream.indirect.scatter.add.f32 [tilespmem:s18], [sflag:$0x5], $0x20, s12, s10, $0xb8;
	[tilespmem:$0xA300] =	vst v63  }
0x41: {  	_ =	swait.ge [sflag:s21], $0x1000  }
0x42: {  	[sflag:s21] =	ssyncset.done $0x0  }
0x43: {  	s14 =	simm.s32 $0x5200;
	[sflag:s21] =	ssyncadd.s32 $0xFFFFF000  }
0x44: {  	[tilespmem:s15], [sflag:$0x3] =	stream.indirect.gather [hbm4b:s9+s10], $0x20, s14, s10, $0xb8;
	[tilespmem:$0xA300] =	vst v63  }
0x45: {  	_ =	swait.ge [sflag:s16], $0x1000  }
0x46: {  	[sflag:s16] =	ssyncset.done $0x0  }
0x47: {  	s17 =	simm.s32 $0x5B00;
	[sflag:s16] =	ssyncadd.s32 $0xFFFFF000  }
0x48: {  	[spmem:s2] =	stream.indirect.scatter.add.f32 [tilespmem:s11], [sflag:$0x5], $0x20, s17, s10, $0xb8;
	[tilespmem:$0xA300] =	vst v63  }
0x49: {  	_ =	swait.ge [sflag:s21], $0x1000  }
0x4a: {  	[sflag:s21] =	ssyncset.done $0x0  }
0x4b: {  	s20 =	simm.s32 $0x5280;
	[sflag:s21] =	ssyncadd.s32 $0xFFFFF000  }
0x4c: {  	[tilespmem:s18], [sflag:$0x4] =	stream.indirect.gather [hbm4b:s9+s10], $0x20, s20, s10, $0xb8;
	[tilespmem:$0xA300] =	vst v63  }
0x4d: {  	_ =	swait.ge [sflag:s19], $0x1000  }
0x4e: {  	[sflag:s19] =	ssyncset.done $0x0  }
0x4f: {  	s22 =	simm.s32 $0x5B80;
	[sflag:s19] =	ssyncadd.s32 $0xFFFFF000  }
0x50: {  	[spmem:s2] =	stream.indirect.scatter.add.f32 [tilespmem:s13], [sflag:$0x5], $0x20, s22, s10, $0xb8;
	[tilespmem:$0xA300] =	vst v63  }
0x51: {  	_ =	swait.ge [sflag:s21], $0x1000  }
0x52: {  	[sflag:s21] =	ssyncset.done $0x0  }
0x53: {  	s24 =	simm.s32 $0x5300;
	[sflag:s21] =	ssyncadd.s32 $0xFFFFF000  }
0x54: {  	[tilespmem:s11], [sflag:$0x1] =	stream.indirect.gather [hbm4b:s9+s10], $0x20, s24, s10, $0xb8;
	[tilespmem:$0xA300] =	vst v63  }
0x55: {  	_ =	swait.ge [sflag:s23], $0x1000  }
0x56: {  	[sflag:s23] =	ssyncset.done $0x0  }
0x57: {  	s25 =	simm.s32 $0x5C00;
	[sflag:s23] =	ssyncadd.s32 $0xFFFFF000  }
0x58: {  	[spmem:s2] =	stream.indirect.scatter.add.f32 [tilespmem:s15], [sflag:$0x5], $0x20, s25, s10, $0xb8;
	[tilespmem:$0xA300] =	vst v63  }
0x59: {  	_ =	swait.ge [sflag:s21], $0x1000  }
0x5a: {  	[sflag:s21] =	ssyncset.done $0x0  }
0x5b: {  	s30 =	simm.s32 $0x5380;
	[sflag:s21] =	ssyncadd.s32 $0xFFFFF000  }
0x5c: {  	[tilespmem:s13], [sflag:$0x2] =	stream.indirect.gather [hbm4b:s9+s10], $0x20, s30, s10, $0xb8;
	[tilespmem:$0xA300] =	vst v63  }
0x5d: {  	_ =	swait.ge [sflag:s26], $0x1000  }
0x5e: {  	[sflag:s26] =	ssyncset.done $0x0  }
0x5f: {  	s31 =	simm.s32 $0x5C80;
	[sflag:s26] =	ssyncadd.s32 $0xFFFFF000  }
0x60: {  	[spmem:s2] =	stream.indirect.scatter.add.f32 [tilespmem:s18], [sflag:$0x5], $0x20, s31, s10, $0xb8;
	[tilespmem:$0xA300] =	vst v63  }
0x61: {  	_ =	swait.ge [sflag:s21], $0x1000  }
0x62: {  	[sflag:s21] =	ssyncset.done $0x0  }
0x63: {  	s3 =	simm.s32 $0x5400;
	[sflag:s21] =	ssyncadd.s32 $0xFFFFF000  }
0x64: {  	[tilespmem:s15], [sflag:$0x3] =	stream.indirect.gather [hbm4b:s9+s10], $0x20, s3, s10, $0xb8;
	[tilespmem:$0xA300] =	vst v63  }
0x65: {  	_ =	swait.ge [sflag:s16], $0x1000  }
0x66: {  	[sflag:s16] =	ssyncset.done $0x0  }
0x67: {  	s4 =	simm.s32 $0x5D00;
	[sflag:s16] =	ssyncadd.s32 $0xFFFFF000  }
0x68: {  	[spmem:s2] =	stream.indirect.scatter.add.f32 [tilespmem:s11], [sflag:$0x5], $0x20, s4, s10, $0xb8;
	[tilespmem:$0xA300] =	vst v63  }
0x69: {  	_ =	swait.ge [sflag:s21], $0x1000  }
0x6a: {  	[sflag:s21] =	ssyncset.done $0x0  }
0x6b: {  	s6 =	simm.s32 $0x5480;
	[sflag:s21] =	ssyncadd.s32 $0xFFFFF000  }
0x6c: {  	[tilespmem:s18], [sflag:$0x4] =	stream.indirect.gather [hbm4b:s9+s10], $0x20, s6, s10, $0xb8;
	[tilespmem:$0xA300] =	vst v63  }
0x6d: {  	_ =	swait.ge [sflag:s19], $0x1000  }
0x6e: {  	[sflag:s19] =	ssyncset.done $0x0  }
0x6f: {  	s7 =	simm.s32 $0x5D80;
	[sflag:s19] =	ssyncadd.s32 $0xFFFFF000  }
0x70: {  	[spmem:s2] =	stream.indirect.scatter.add.f32 [tilespmem:s13], [sflag:$0x5], $0x20, s7, s10, $0xb8;
	[tilespmem:$0xA300] =	vst v63  }
0x71: {  	_ =	swait.ge [sflag:s21], $0x1000  }
0x72: {  	[sflag:s21] =	ssyncset.done $0x0  }
0x73: {  	s8 =	simm.s32 $0x5500;
	[sflag:s21] =	ssyncadd.s32 $0xFFFFF000  }
0x74: {  	[tilespmem:s11], [sflag:$0x1] =	stream.indirect.gather [hbm4b:s9+s10], $0x20, s8, s10, $0xb8;
	[tilespmem:$0xA300] =	vst v63  }
0x75: {  	_ =	swait.ge [sflag:s23], $0x1000  }
0x76: {  	[sflag:s23] =	ssyncset.done $0x0  }
0x77: {  	s12 =	simm.s32 $0x5E00;
	[sflag:s23] =	ssyncadd.s32 $0xFFFFF000  }
0x78: {  	[spmem:s2] =	stream.indirect.scatter.add.f32 [tilespmem:s15], [sflag:$0x5], $0x20, s12, s10, $0xb8;
	[tilespmem:$0xA300] =	vst v63  }
0x79: {  	_ =	swait.ge [sflag:s21], $0x1000  }
0x7a: {  	[sflag:s21] =	ssyncset.done $0x0  }
0x7b: {  	s14 =	simm.s32 $0x5580;
	[sflag:s21] =	ssyncadd.s32 $0xFFFFF000  }
0x7c: {  	[tilespmem:s13], [sflag:$0x2] =	stream.indirect.gather [hbm4b:s9+s10], $0x20, s14, s10, $0xb8;
	[tilespmem:$0xA300] =	vst v63  }
0x7d: {  	_ =	swait.ge [sflag:s26], $0x1000  }
0x7e: {  	[sflag:s26] =	ssyncset.done $0x0  }
0x7f: {  	s17 =	simm.s32 $0x5E80;
	[sflag:s26] =	ssyncadd.s32 $0xFFFFF000  }
0x80: {  	[spmem:s2] =	stream.indirect.scatter.add.f32 [tilespmem:s18], [sflag:$0x5], $0x20, s17, s10, $0xb8;
	[tilespmem:$0xA300] =	vst v63  }
0x81: {  	_ =	swait.ge [sflag:s21], $0x1000  }
0x82: {  	[sflag:s21] =	ssyncset.done $0x0  }
0x83: {  	s20 =	simm.s32 $0x5600;
	[sflag:s21] =	ssyncadd.s32 $0xFFFFF000  }
0x84: {  	[tilespmem:s15], [sflag:$0x3] =	stream.indirect.gather [hbm4b:s9+s10], $0x20, s20, s10, $0xb8;
	[tilespmem:$0xA300] =	vst v63  }
0x85: {  	_ =	swait.ge [sflag:s16], $0x1000  }
0x86: {  	[sflag:s16] =	ssyncset.done $0x0  }
0x87: {  	s22 =	simm.s32 $0x5F00;
	[sflag:s16] =	ssyncadd.s32 $0xFFFFF000  }
0x88: {  	[spmem:s2] =	stream.indirect.scatter.add.f32 [tilespmem:s11], [sflag:$0x5], $0x20, s22, s10, $0xb8;
	[tilespmem:$0xA300] =	vst v63  }
0x89: {  	_ =	swait.ge [sflag:s21], $0x1000  }
0x8a: {  	[sflag:s21] =	ssyncset.done $0x0  }
0x8b: {  	s24 =	simm.s32 $0x5680;
	[sflag:s21] =	ssyncadd.s32 $0xFFFFF000  }
0x8c: {  	[tilespmem:s18], [sflag:$0x4] =	stream.indirect.gather [hbm4b:s9+s10], $0x20, s24, s10, $0xb8;
	[tilespmem:$0xA300] =	vst v63  }
0x8d: {  	_ =	swait.ge [sflag:s19], $0x1000  }
0x8e: {  	[sflag:s19] =	ssyncset.done $0x0  }
0x8f: {  	s25 =	simm.s32 $0x5F80;
	[sflag:s19] =	ssyncadd.s32 $0xFFFFF000  }
0x90: {  	[spmem:s2] =	stream.indirect.scatter.add.f32 [tilespmem:s13], [sflag:$0x5], $0x20, s25, s10, $0xb8;
	[tilespmem:$0xA300] =	vst v63  }
0x91: {  	_ =	swait.ge [sflag:s21], $0x1000  }
0x92: {  	[sflag:s21] =	ssyncset.done $0x0  }
0x93: {  	s30 =	simm.s32 $0x5700;
	[sflag:s21] =	ssyncadd.s32 $0xFFFFF000  }
0x94: {  	[tilespmem:s11], [sflag:$0x1] =	stream.indirect.gather [hbm4b:s9+s10], $0x20, s30, s10, $0xb8;
	[tilespmem:$0xA300] =	vst v63  }
0x95: {  	_ =	swait.ge [sflag:s23], $0x1000  }
0x96: {  	[sflag:s23] =	ssyncset.done $0x0  }
0x97: {  	s31 =	simm.s32 $0x6000;
	[sflag:s23] =	ssyncadd.s32 $0xFFFFF000  }
0x98: {  	[spmem:s2] =	stream.indirect.scatter.add.f32 [tilespmem:s15], [sflag:$0x5], $0x20, s31, s10, $0xb8;
	[tilespmem:$0xA300] =	vst v63  }
0x99: {  	_ =	swait.ge [sflag:s21], $0x1000  }
0x9a: {  	[sflag:s21] =	ssyncset.done $0x0  }
0x9b: {  	s3 =	simm.s32 $0x5780;
	[sflag:s21] =	ssyncadd.s32 $0xFFFFF000  }
0x9c: {  	[tilespmem:s13], [sflag:$0x2] =	stream.indirect.gather [hbm4b:s9+s10], $0x20, s3, s10, $0xb8;
	[tilespmem:$0xA300] =	vst v63  }
0x9d: {  	_ =	swait.ge [sflag:s26], $0x1000  }
0x9e: {  	[sflag:s26] =	ssyncset.done $0x0  }
0x9f: {  	s4 =	simm.s32 $0x6080;
	[sflag:s26] =	ssyncadd.s32 $0xFFFFF000  }
0xa0: {  	[spmem:s2] =	stream.indirect.scatter.add.f32 [tilespmem:s18], [sflag:$0x5], $0x20, s4, s10, $0xb8;
	[tilespmem:$0xA300] =	vst v63  }
0xa1: {  	_ =	swait.ge [sflag:s21], $0x1000  }
0xa2: {  	[sflag:s21] =	ssyncset.done $0x0  }
0xa3: {  	s6 =	simm.s32 $0x5800;
	[sflag:s21] =	ssyncadd.s32 $0xFFFFF000  }
0xa4: {  	[tilespmem:s15], [sflag:$0x3] =	stream.indirect.gather [hbm4b:s9+s10], $0x20, s6, s10, $0xb8;
	[tilespmem:$0xA300] =	vst v63  }
0xa5: {  	_ =	swait.ge [sflag:s16], $0x1000  }
0xa6: {  	[sflag:s16] =	ssyncset.done $0x0  }
0xa7: {  	s7 =	simm.s32 $0x6100;
	[sflag:s16] =	ssyncadd.s32 $0xFFFFF000  }
0xa8: {  	[spmem:s2] =	stream.indirect.scatter.add.f32 [tilespmem:s11], [sflag:$0x5], $0x20, s7, s10, $0xb8;
	[tilespmem:$0xA300] =	vst v63  }
0xa9: {  	_ =	swait.ge [sflag:s21], $0x1000  }
0xaa: {  	[sflag:s21] =	ssyncset.done $0x0  }
0xab: {  	s8 =	simm.s32 $0x5880;
	[sflag:s21] =	ssyncadd.s32 $0xFFFFF000  }
0xac: {  	[tilespmem:s18], [sflag:$0x4] =	stream.indirect.gather [hbm4b:s9+s10], $0x20, s8, s10, $0xb8;
	[tilespmem:$0xA300] =	vst v63  }
0xad: {  	_ =	swait.ge [sflag:s19], $0x1000  }
0xae: {  	[sflag:s19] =	ssyncset.done $0x0  }
0xaf: {  	s12 =	simm.s32 $0x6180;
	[sflag:s19] =	ssyncadd.s32 $0xFFFFF000  }
0xb0: {  	[spmem:s2] =	stream.indirect.scatter.add.f32 [tilespmem:s13], [sflag:$0x5], $0x20, s12, s10, $0xb8;
	[tilespmem:$0xA300] =	vst v63  }
0xb1: {  	_ =	swait.ge [sflag:s21], $0x1000  }
0xb2: {  	[sflag:s21] =	ssyncset.done $0x0  }
0xb3: {  	[sflag:s21] =	ssyncadd.s32 $0xFFFFF000  }
0xb4: {  	_ =	swait.ge [sflag:s23], $0x1000  }
0xb5: {  	[sflag:s23] =	ssyncset.done $0x0  }
0xb6: {  	s14 =	simm.s32 $0x6200;
	[sflag:s23] =	ssyncadd.s32 $0xFFFFF000  }
0xb7: {  	[spmem:s2] =	stream.indirect.scatter.add.f32 [tilespmem:s15], [sflag:$0x5], $0x20, s14, s10, $0xb8;
	[tilespmem:$0xA300] =	vst v63  }
0xb8: {  	_ =	swait.ge [sflag:s21], $0x1000  }
0xb9: {  	[sflag:s21] =	ssyncset.done $0x0  }
0xba: {  	[sflag:s21] =	ssyncadd.s32 $0xFFFFF000  }
0xbb: {  	_ =	swait.ge [sflag:s26], $0x1000  }
0xbc: {  	[sflag:s26] =	ssyncset.done $0x0  }
0xbd: {  	s17 =	simm.s32 $0x6280;
	[sflag:s26] =	ssyncadd.s32 $0xFFFFF000  }
0xbe: {  	[spmem:s2] =	stream.indirect.scatter.add.f32 [tilespmem:s18], [sflag:$0x5], $0x20, s17, s10, $0xb8;
	[tilespmem:$0xA300] =	vst v63  }
0xbf: {  	_ =	swait.ge [sflag:s21], $0x1000  }
0xc0: {  	[sflag:s21] =	ssyncset.done $0x0  }
0xc1: {  	[sflag:s21] =	ssyncadd.s32 $0xFFFFF000  }
0xc2: {  	_ =	swait.ge [sflag:s21], $0x1000  }
0xc3: {  	[sflag:s21] =	ssyncset.done $0x0  }
0xc4: {  	s20 =	simm.s32 $0x4F00;
	s29 =	rddreg [dreg:$0x7];
	[sflag:s21] =	ssyncadd.s32 $0xFFFFF000  }
0xc5: {  	[tilespmem:s20], [sflag:$0x6] =	stream.linear.gather [hbm4b:s29+s28], $0xA00, $0x38;
	[tilespmem:$0xA300] =	vst v63  }
0xc6: {  	_ =	swait.ge [sflag:s5], $0xA00  }
0xc7: {  	[sflag:s5] =	ssyncset.done $0x0  }
0xc8: {  	s22 =	simm.s32 $0x5900;
	s29 =	rddreg [dreg:$0x8];
	[sflag:s5] =	ssyncadd.s32 $0xFFFFF600  }
0xc9: {  	[tilespmem:s22], [sflag:$0x6] =	stream.linear.gather [hbm4b:s29+s28], $0xA00, $0x38;
	[tilespmem:$0xA300] =	vst v63  }
0xca: {  	_ =	swait.ge [sflag:s5], $0xA00  }
0xcb: {  	[sflag:s5] =	ssyncset.done $0x0  }
0xcc: {  	[sflag:s5] =	ssyncadd.s32 $0xFFFFF600  }
0xcd: {  	[tilespmem:s11], [sflag:$0x1] =	stream.indirect.gather [hbm4b:s9+s10], $0x20, s20, s10, $0xb8;
	[tilespmem:$0xA300] =	vst v63  }
0xce: {  	s24 =	simm.s32 $0x4F80  }
0xcf: {  	[tilespmem:s13], [sflag:$0x2] =	stream.indirect.gather [hbm4b:s9+s10], $0x20, s24, s10, $0xb8;
	[tilespmem:$0xA300] =	vst v63  }
0xd0: {  	s25 =	simm.s32 $0x5000  }
0xd1: {  	[tilespmem:s15], [sflag:$0x3] =	stream.indirect.gather [hbm4b:s9+s10], $0x20, s25, s10, $0xb8;
	[tilespmem:$0xA300] =	vst v63  }
0xd2: {  	_ =	swait.ge [sflag:s16], $0x1000  }
0xd3: {  	[sflag:s16] =	ssyncset.done $0x0  }
0xd4: {  	[sflag:s16] =	ssyncadd.s32 $0xFFFFF000  }
0xd5: {  	[spmem:s2] =	stream.indirect.scatter.add.f32 [tilespmem:s11], [sflag:$0x5], $0x20, s22, s10, $0xb8;
	[tilespmem:$0xA300] =	vst v63  }
0xd6: {  	s3 =	simm.s32 $0x5080  }
0xd7: {  	[tilespmem:s18], [sflag:$0x4] =	stream.indirect.gather [hbm4b:s9+s10], $0x20, s3, s10, $0xb8;
	[tilespmem:$0xA300] =	vst v63  }
0xd8: {  	_ =	swait.ge [sflag:s19], $0x1000  }
0xd9: {  	[sflag:s19] =	ssyncset.done $0x0  }
0xda: {  	s4 =	simm.s32 $0x5980;
	[sflag:s19] =	ssyncadd.s32 $0xFFFFF000  }
0xdb: {  	[spmem:s2] =	stream.indirect.scatter.add.f32 [tilespmem:s13], [sflag:$0x5], $0x20, s4, s10, $0xb8;
	[tilespmem:$0xA300] =	vst v63  }
0xdc: {  	_ =	swait.ge [sflag:s21], $0x1000  }
0xdd: {  	[sflag:s21] =	ssyncset.done $0x0  }
0xde: {  	s6 =	simm.s32 $0x5100;
	[sflag:s21] =	ssyncadd.s32 $0xFFFFF000  }
0xdf: {  	[tilespmem:s11], [sflag:$0x1] =	stream.indirect.gather [hbm4b:s9+s10], $0x20, s6, s10, $0xb8;
	[tilespmem:$0xA300] =	vst v63  }
0xe0: {  	_ =	swait.ge [sflag:s23], $0x1000  }
0xe1: {  	[sflag:s23] =	ssyncset.done $0x0  }
0xe2: {  	s7 =	simm.s32 $0x5A00;
	[sflag:s23] =	ssyncadd.s32 $0xFFFFF000  }
0xe3: {  	[spmem:s2] =	stream.indirect.scatter.add.f32 [tilespmem:s15], [sflag:$0x5], $0x20, s7, s10, $0xb8;
	[tilespmem:$0xA300] =	vst v63  }
0xe4: {  	_ =	swait.ge [sflag:s21], $0x1000  }
0xe5: {  	[sflag:s21] =	ssyncset.done $0x0  }
0xe6: {  	s1 =	simm.s32 $0x5180;
	[sflag:s21] =	ssyncadd.s32 $0xFFFFF000  }
0xe7: {  	[tilespmem:s13], [sflag:$0x2] =	stream.indirect.gather [hbm4b:s9+s10], $0x20, s1, s10, $0xb8;
	[tilespmem:$0xA300] =	vst v63  }
0xe8: {  	_ =	swait.ge [sflag:s26], $0x1000  }
0xe9: {  	[sflag:s26] =	ssyncset.done $0x0  }
0xea: {  	s8 =	simm.s32 $0x5A80;
	[sflag:s26] =	ssyncadd.s32 $0xFFFFF000  }
0xeb: {  	[spmem:s2] =	stream.indirect.scatter.add.f32 [tilespmem:s18], [sflag:$0x5], $0x20, s8, s10, $0xb8;
	[tilespmem:$0xA300] =	vst v63  }
0xec: {  	_ =	swait.ge [sflag:s21], $0x1000  }
0xed: {  	[sflag:s21] =	ssyncset.done $0x0  }
0xee: {  	s12 =	simm.s32 $0x5200;
	[sflag:s21] =	ssyncadd.s32 $0xFFFFF000  }
0xef: {  	[tilespmem:s15], [sflag:$0x3] =	stream.indirect.gather [hbm4b:s9+s10], $0x20, s12, s10, $0xb8;
	[tilespmem:$0xA300] =	vst v63  }
0xf0: {  	_ =	swait.ge [sflag:s16], $0x1000  }
0xf1: {  	[sflag:s16] =	ssyncset.done $0x0  }
0xf2: {  	s14 =	simm.s32 $0x5B00;
	[sflag:s16] =	ssyncadd.s32 $0xFFFFF000  }
0xf3: {  	[spmem:s2] =	stream.indirect.scatter.add.f32 [tilespmem:s11], [sflag:$0x5], $0x20, s14, s10, $0xb8;
	[tilespmem:$0xA300] =	vst v63  }
0xf4: {  	_ =	swait.ge [sflag:s21], $0x1000  }
0xf5: {  	[sflag:s21] =	ssyncset.done $0x0  }
0xf6: {  	s17 =	simm.s32 $0x5280;
	[sflag:s21] =	ssyncadd.s32 $0xFFFFF000  }
0xf7: {  	[tilespmem:s18], [sflag:$0x4] =	stream.indirect.gather [hbm4b:s9+s10], $0x20, s17, s10, $0xb8;
	[tilespmem:$0xA300] =	vst v63  }
0xf8: {  	_ =	swait.ge [sflag:s19], $0x1000  }
0xf9: {  	[sflag:s19] =	ssyncset.done $0x0  }
0xfa: {  	s20 =	simm.s32 $0x5B80;
	[sflag:s19] =	ssyncadd.s32 $0xFFFFF000  }
0xfb: {  	[spmem:s2] =	stream.indirect.scatter.add.f32 [tilespmem:s13], [sflag:$0x5], $0x20, s20, s10, $0xb8;
	[tilespmem:$0xA300] =	vst v63  }
0xfc: {  	_ =	swait.ge [sflag:s21], $0x1000  }
0xfd: {  	[sflag:s21] =	ssyncset.done $0x0  }
0xfe: {  	s22 =	simm.s32 $0x5300;
	[sflag:s21] =	ssyncadd.s32 $0xFFFFF000  }
0xff: {  	[tilespmem:s11], [sflag:$0x1] =	stream.indirect.gather [hbm4b:s9+s10], $0x20, s22, s10, $0xb8;
	[tilespmem:$0xA300] =	vst v63  }
0x100: {  	_ =	swait.ge [sflag:s23], $0x1000  }
0x101: {  	[sflag:s23] =	ssyncset.done $0x0  }
0x102: {  	s24 =	simm.s32 $0x5C00;
	[sflag:s23] =	ssyncadd.s32 $0xFFFFF000  }
0x103: {  	[spmem:s2] =	stream.indirect.scatter.add.f32 [tilespmem:s15], [sflag:$0x5], $0x20, s24, s10, $0xb8;
	[tilespmem:$0xA300] =	vst v63  }
0x104: {  	_ =	swait.ge [sflag:s21], $0x1000  }
0x105: {  	[sflag:s21] =	ssyncset.done $0x0  }
0x106: {  	s25 =	simm.s32 $0x5380;
	[sflag:s21] =	ssyncadd.s32 $0xFFFFF000  }
0x107: {  	[tilespmem:s13], [sflag:$0x2] =	stream.indirect.gather [hbm4b:s9+s10], $0x20, s25, s10, $0xb8;
	[tilespmem:$0xA300] =	vst v63  }
0x108: {  	_ =	swait.ge [sflag:s26], $0x1000  }
0x109: {  	[sflag:s26] =	ssyncset.done $0x0  }
0x10a: {  	s30 =	simm.s32 $0x5C80;
	[sflag:s26] =	ssyncadd.s32 $0xFFFFF000  }
0x10b: {  	[spmem:s2] =	stream.indirect.scatter.add.f32 [tilespmem:s18], [sflag:$0x5], $0x20, s30, s10, $0xb8;
	[tilespmem:$0xA300] =	vst v63  }
0x10c: {  	_ =	swait.ge [sflag:s21], $0x1000  }
0x10d: {  	[sflag:s21] =	ssyncset.done $0x0  }
0x10e: {  	s31 =	simm.s32 $0x5400;
	[sflag:s21] =	ssyncadd.s32 $0xFFFFF000  }
0x10f: {  	[tilespmem:s15], [sflag:$0x3] =	stream.indirect.gather [hbm4b:s9+s10], $0x20, s31, s10, $0xb8;
	[tilespmem:$0xA300] =	vst v63  }
0x110: {  	_ =	swait.ge [sflag:s16], $0x1000  }
0x111: {  	[sflag:s16] =	ssyncset.done $0x0  }
0x112: {  	s29 =	simm.s32 $0x5D00;
	[sflag:s16] =	ssyncadd.s32 $0xFFFFF000  }
0x113: {  	[spmem:s2] =	stream.indirect.scatter.add.f32 [tilespmem:s11], [sflag:$0x5], $0x20, s29, s10, $0xb8;
	[tilespmem:$0xA300] =	vst v63  }
0x114: {  	_ =	swait.ge [sflag:s21], $0x1000  }
0x115: {  	[sflag:s21] =	ssyncset.done $0x0  }
0x116: {  	s29 =	simm.s32 $0x5480;
	[sflag:s21] =	ssyncadd.s32 $0xFFFFF000  }
0x117: {  	[tilespmem:s18], [sflag:$0x4] =	stream.indirect.gather [hbm4b:s9+s10], $0x20, s29, s10, $0xb8;
	[tilespmem:$0xA300] =	vst v63  }
0x118: {  	_ =	swait.ge [sflag:s19], $0x1000  }
0x119: {  	[sflag:s19] =	ssyncset.done $0x0  }
0x11a: {  	s29 =	simm.s32 $0x5D80;
	[sflag:s19] =	ssyncadd.s32 $0xFFFFF000  }
0x11b: {  	[spmem:s2] =	stream.indirect.scatter.add.f32 [tilespmem:s13], [sflag:$0x5], $0x20, s29, s10, $0xb8;
	[tilespmem:$0xA300] =	vst v63  }
0x11c: {  	_ =	swait.ge [sflag:s21], $0x1000  }
0x11d: {  	[sflag:s21] =	ssyncset.done $0x0  }
0x11e: {  	s29 =	simm.s32 $0x5500;
	[sflag:s21] =	ssyncadd.s32 $0xFFFFF000  }
0x11f: {  	[tilespmem:s11], [sflag:$0x1] =	stream.indirect.gather [hbm4b:s9+s10], $0x20, s29, s10, $0xb8;
	[tilespmem:$0xA300] =	vst v63  }
0x120: {  	_ =	swait.ge [sflag:s23], $0x1000  }
0x121: {  	[sflag:s23] =	ssyncset.done $0x0  }
0x122: {  	s29 =	simm.s32 $0x5E00;
	[sflag:s23] =	ssyncadd.s32 $0xFFFFF000  }
0x123: {  	[spmem:s2] =	stream.indirect.scatter.add.f32 [tilespmem:s15], [sflag:$0x5], $0x20, s29, s10, $0xb8;
	[tilespmem:$0xA300] =	vst v63  }
0x124: {  	_ =	swait.ge [sflag:s21], $0x1000  }
0x125: {  	[sflag:s21] =	ssyncset.done $0x0  }
0x126: {  	s29 =	simm.s32 $0x5580;
	[sflag:s21] =	ssyncadd.s32 $0xFFFFF000  }
0x127: {  	[tilespmem:s13], [sflag:$0x2] =	stream.indirect.gather [hbm4b:s9+s10], $0x20, s29, s10, $0xb8;
	[tilespmem:$0xA300] =	vst v63  }
0x128: {  	_ =	swait.ge [sflag:s26], $0x1000  }
0x129: {  	[sflag:s26] =	ssyncset.done $0x0  }
0x12a: {  	s29 =	simm.s32 $0x5E80;
	[sflag:s26] =	ssyncadd.s32 $0xFFFFF000  }
0x12b: {  	[spmem:s2] =	stream.indirect.scatter.add.f32 [tilespmem:s18], [sflag:$0x5], $0x20, s29, s10, $0xb8;
	[tilespmem:$0xA300] =	vst v63  }
0x12c: {  	_ =	swait.ge [sflag:s21], $0x1000  }
0x12d: {  	[sflag:s21] =	ssyncset.done $0x0  }
0x12e: {  	s29 =	simm.s32 $0x5600;
	[sflag:s21] =	ssyncadd.s32 $0xFFFFF000  }
0x12f: {  	[tilespmem:s15], [sflag:$0x3] =	stream.indirect.gather [hbm4b:s9+s10], $0x20, s29, s10, $0xb8;
	[tilespmem:$0xA300] =	vst v63  }
0x130: {  	_ =	swait.ge [sflag:s16], $0x1000  }
0x131: {  	[sflag:s16] =	ssyncset.done $0x0  }
0x132: {  	s29 =	simm.s32 $0x5F00;
	[sflag:s16] =	ssyncadd.s32 $0xFFFFF000  }
0x133: {  	[spmem:s2] =	stream.indirect.scatter.add.f32 [tilespmem:s11], [sflag:$0x5], $0x20, s29, s10, $0xb8;
	[tilespmem:$0xA300] =	vst v63  }
0x134: {  	_ =	swait.ge [sflag:s21], $0x1000  }
0x135: {  	[sflag:s21] =	ssyncset.done $0x0  }
0x136: {  	s29 =	simm.s32 $0x5680;
	[sflag:s21] =	ssyncadd.s32 $0xFFFFF000  }
0x137: {  	[tilespmem:s18], [sflag:$0x4] =	stream.indirect.gather [hbm4b:s9+s10], $0x20, s29, s10, $0xb8;
	[tilespmem:$0xA300] =	vst v63  }
0x138: {  	_ =	swait.ge [sflag:s19], $0x1000  }
0x139: {  	[sflag:s19] =	ssyncset.done $0x0  }
0x13a: {  	s29 =	simm.s32 $0x5F80;
	[sflag:s19] =	ssyncadd.s32 $0xFFFFF000  }
0x13b: {  	[spmem:s2] =	stream.indirect.scatter.add.f32 [tilespmem:s13], [sflag:$0x5], $0x20, s29, s10, $0xb8;
	[tilespmem:$0xA300] =	vst v63  }
0x13c: {  	_ =	swait.ge [sflag:s21], $0x1000  }
0x13d: {  	[sflag:s21] =	ssyncset.done $0x0  }
0x13e: {  	s29 =	simm.s32 $0x5700;
	[sflag:s21] =	ssyncadd.s32 $0xFFFFF000  }
0x13f: {  	[tilespmem:s11], [sflag:$0x1] =	stream.indirect.gather [hbm4b:s9+s10], $0x20, s29, s10, $0xb8;
	[tilespmem:$0xA300] =	vst v63  }
0x140: {  	_ =	swait.ge [sflag:s23], $0x1000  }
0x141: {  	[sflag:s23] =	ssyncset.done $0x0  }
0x142: {  	s29 =	simm.s32 $0x6000;
	[sflag:s23] =	ssyncadd.s32 $0xFFFFF000  }
0x143: {  	[spmem:s2] =	stream.indirect.scatter.add.f32 [tilespmem:s15], [sflag:$0x5], $0x20, s29, s10, $0xb8;
	[tilespmem:$0xA300] =	vst v63  }
0x144: {  	_ =	swait.ge [sflag:s21], $0x1000  }
0x145: {  	[sflag:s21] =	ssyncset.done $0x0  }
0x146: {  	s29 =	simm.s32 $0x5780;
	[sflag:s21] =	ssyncadd.s32 $0xFFFFF000  }
0x147: {  	[tilespmem:s13], [sflag:$0x2] =	stream.indirect.gather [hbm4b:s9+s10], $0x20, s29, s10, $0xb8;
	[tilespmem:$0xA300] =	vst v63  }
0x148: {  	_ =	swait.ge [sflag:s26], $0x1000  }
0x149: {  	[sflag:s26] =	ssyncset.done $0x0  }
0x14a: {  	s29 =	simm.s32 $0x6080;
	[sflag:s26] =	ssyncadd.s32 $0xFFFFF000  }
0x14b: {  	[spmem:s2] =	stream.indirect.scatter.add.f32 [tilespmem:s18], [sflag:$0x5], $0x20, s29, s10, $0xb8;
	[tilespmem:$0xA300] =	vst v63  }
0x14c: {  	_ =	swait.ge [sflag:s21], $0x1000  }
0x14d: {  	[sflag:s21] =	ssyncset.done $0x0  }
0x14e: {  	s29 =	simm.s32 $0x5800;
	[sflag:s21] =	ssyncadd.s32 $0xFFFFF000  }
0x14f: {  	[tilespmem:s15], [sflag:$0x3] =	stream.indirect.gather [hbm4b:s9+s10], $0x20, s29, s10, $0xb8;
	[tilespmem:$0xA300] =	vst v63  }
0x150: {  	_ =	swait.ge [sflag:s16], $0x1000  }
0x151: {  	[sflag:s16] =	ssyncset.done $0x0  }
0x152: {  	s29 =	simm.s32 $0x6100;
	[sflag:s16] =	ssyncadd.s32 $0xFFFFF000  }
0x153: {  	[spmem:s2] =	stream.indirect.scatter.add.f32 [tilespmem:s11], [sflag:$0x5], $0x20, s29, s10, $0xb8;
	[tilespmem:$0xA300] =	vst v63  }
0x154: {  	_ =	swait.ge [sflag:s21], $0x1000  }
0x155: {  	[sflag:s21] =	ssyncset.done $0x0  }
0x156: {  	s29 =	simm.s32 $0x5880;
	[sflag:s21] =	ssyncadd.s32 $0xFFFFF000  }
0x157: {  	[tilespmem:s18], [sflag:$0x4] =	stream.indirect.gather [hbm4b:s9+s10], $0x20, s29, s10, $0xb8;
	[tilespmem:$0xA300] =	vst v63  }
0x158: {  	_ =	swait.ge [sflag:s19], $0x1000  }
0x159: {  	[sflag:s19] =	ssyncset.done $0x0  }
0x15a: {  	s29 =	simm.s32 $0x6180;
	[sflag:s19] =	ssyncadd.s32 $0xFFFFF000  }
0x15b: {  	[spmem:s2] =	stream.indirect.scatter.add.f32 [tilespmem:s13], [sflag:$0x5], $0x20, s29, s10, $0xb8;
	[tilespmem:$0xA300] =	vst v63  }
0x15c: {  	_ =	swait.ge [sflag:s21], $0x1000  }
0x15d: {  	[sflag:s21] =	ssyncset.done $0x0  }
0x15e: {  	[sflag:s21] =	ssyncadd.s32 $0xFFFFF000  }
0x15f: {  	_ =	swait.ge [sflag:s23], $0x1000  }
0x160: {  	[sflag:s23] =	ssyncset.done $0x0  }
0x161: {  	s29 =	simm.s32 $0x6200;
	[sflag:s23] =	ssyncadd.s32 $0xFFFFF000  }
0x162: {  	[spmem:s2] =	stream.indirect.scatter.add.f32 [tilespmem:s15], [sflag:$0x5], $0x20, s29, s10, $0xb8;
	[tilespmem:$0xA300] =	vst v63  }
0x163: {  	_ =	swait.ge [sflag:s21], $0x1000  }
0x164: {  	[sflag:s21] =	ssyncset.done $0x0  }
0x165: {  	[sflag:s21] =	ssyncadd.s32 $0xFFFFF000  }
0x166: {  	_ =	swait.ge [sflag:s26], $0x1000  }
0x167: {  	[sflag:s26] =	ssyncset.done $0x0  }
0x168: {  	s29 =	simm.s32 $0x6280;
	[sflag:s26] =	ssyncadd.s32 $0xFFFFF000  }
0x169: {  	[spmem:s2] =	stream.indirect.scatter.add.f32 [tilespmem:s18], [sflag:$0x5], $0x20, s29, s10, $0xb8;
	[tilespmem:$0xA300] =	vst v63  }
0x16a: {  	_ =	swait.ge [sflag:s21], $0x1000  }
0x16b: {  	[sflag:s21] =	ssyncset.done $0x0  }
0x16c: {  	[sflag:s21] =	ssyncadd.s32 $0xFFFFF000  }
0x16d: {  	_ =	swait.ge [sflag:s21], $0x1000  }
0x16e: {  	[sflag:s21] =	ssyncset.done $0x0  }
0x16f: {  	s1 =	simm.s32 $0x4F00;
	s29 =	rddreg [dreg:$0x9];
	[sflag:s21] =	ssyncadd.s32 $0xFFFFF000  }
0x170: {  	[tilespmem:s1], [sflag:$0x6] =	stream.linear.gather [hbm4b:s29+s28], $0xA00, $0x38;
	[tilespmem:$0xA300] =	vst v63  }
0x171: {  	_ =	swait.ge [sflag:s5], $0xA00  }
0x172: {  	[sflag:s5] =	ssyncset.done $0x0  }
0x173: {  	s0 =	simm.s32 $0x5900;
	s29 =	rddreg [dreg:$0xa];
	[sflag:s5] =	ssyncadd.s32 $0xFFFFF600  }
0x174: {  	[tilespmem:s0], [sflag:$0x6] =	stream.linear.gather [hbm4b:s29+s28], $0xA00, $0x38;
	[tilespmem:$0xA300] =	vst v63  }
0x175: {  	_ =	swait.ge [sflag:s5], $0xA00  }
0x176: {  	[sflag:s5] =	ssyncset.done $0x0  }
0x177: {  	[sflag:s5] =	ssyncadd.s32 $0xFFFFF600  }
0x178: {  	[tilespmem:s11], [sflag:$0x1] =	stream.indirect.gather [hbm4b:s9+s10], $0x20, s1, s10, $0xb8;
	[tilespmem:$0xA300] =	vst v63  }
0x179: {  	s29 =	simm.s32 $0x4F80  }
0x17a: {  	[tilespmem:s13], [sflag:$0x2] =	stream.indirect.gather [hbm4b:s9+s10], $0x20, s29, s10, $0xb8;
	[tilespmem:$0xA300] =	vst v63  }
0x17b: {  	s29 =	simm.s32 $0x5000  }
0x17c: {  	[tilespmem:s15], [sflag:$0x3] =	stream.indirect.gather [hbm4b:s9+s10], $0x20, s29, s10, $0xb8;
	[tilespmem:$0xA300] =	vst v63  }
0x17d: {  	_ =	swait.ge [sflag:s16], $0x1000  }
0x17e: {  	[sflag:s16] =	ssyncset.done $0x0  }
0x17f: {  	[sflag:s16] =	ssyncadd.s32 $0xFFFFF000  }
0x180: {  	[spmem:s2] =	stream.indirect.scatter.add.f32 [tilespmem:s11], [sflag:$0x5], $0x20, s0, s10, $0xb8;
	[tilespmem:$0xA300] =	vst v63  }
0x181: {  	_ = 	snop  }
0x182: {  	[tilespmem:s18], [sflag:$0x4] =	stream.indirect.gather [hbm4b:s9+s10], $0x20, s3, s10, $0xb8;
	[tilespmem:$0xA300] =	vst v63  }
0x183: {  	_ =	swait.ge [sflag:s19], $0x1000  }
0x184: {  	[sflag:s19] =	ssyncset.done $0x0  }
0x185: {  	[sflag:s19] =	ssyncadd.s32 $0xFFFFF000  }
0x186: {  	[spmem:s2] =	stream.indirect.scatter.add.f32 [tilespmem:s13], [sflag:$0x5], $0x20, s4, s10, $0xb8;
	[tilespmem:$0xA300] =	vst v63  }
0x187: {  	_ =	swait.ge [sflag:s21], $0x1000  }
0x188: {  	[sflag:s21] =	ssyncset.done $0x0  }
0x189: {  	[sflag:s21] =	ssyncadd.s32 $0xFFFFF000  }
0x18a: {  	[tilespmem:s11], [sflag:$0x1] =	stream.indirect.gather [hbm4b:s9+s10], $0x20, s6, s10, $0xb8;
	[tilespmem:$0xA300] =	vst v63  }
0x18b: {  	_ =	swait.ge [sflag:s23], $0x1000  }
0x18c: {  	[sflag:s23] =	ssyncset.done $0x0  }
0x18d: {  	[sflag:s23] =	ssyncadd.s32 $0xFFFFF000  }
0x18e: {  	[spmem:s2] =	stream.indirect.scatter.add.f32 [tilespmem:s15], [sflag:$0x5], $0x20, s7, s10, $0xb8;
	[tilespmem:$0xA300] =	vst v63  }
0x18f: {  	_ =	swait.ge [sflag:s21], $0x1000  }
0x190: {  	[sflag:s21] =	ssyncset.done $0x0  }
0x191: {  	s29 =	simm.s32 $0x5180;
	[sflag:s21] =	ssyncadd.s32 $0xFFFFF000  }
0x192: {  	[tilespmem:s13], [sflag:$0x2] =	stream.indirect.gather [hbm4b:s9+s10], $0x20, s29, s10, $0xb8;
	[tilespmem:$0xA300] =	vst v63  }
0x193: {  	_ =	swait.ge [sflag:s26], $0x1000  }
0x194: {  	[sflag:s26] =	ssyncset.done $0x0  }
0x195: {  	[sflag:s26] =	ssyncadd.s32 $0xFFFFF000  }
0x196: {  	[spmem:s2] =	stream.indirect.scatter.add.f32 [tilespmem:s18], [sflag:$0x5], $0x20, s8, s10, $0xb8;
	[tilespmem:$0xA300] =	vst v63  }
0x197: {  	_ =	swait.ge [sflag:s21], $0x1000  }
0x198: {  	[sflag:s21] =	ssyncset.done $0x0  }
0x199: {  	[sflag:s21] =	ssyncadd.s32 $0xFFFFF000  }
0x19a: {  	[tilespmem:s15], [sflag:$0x3] =	stream.indirect.gather [hbm4b:s9+s10], $0x20, s12, s10, $0xb8;
	[tilespmem:$0xA300] =	vst v63  }
0x19b: {  	_ =	swait.ge [sflag:s16], $0x1000  }
0x19c: {  	[sflag:s16] =	ssyncset.done $0x0  }
0x19d: {  	[sflag:s16] =	ssyncadd.s32 $0xFFFFF000  }
0x19e: {  	[spmem:s2] =	stream.indirect.scatter.add.f32 [tilespmem:s11], [sflag:$0x5], $0x20, s14, s10, $0xb8;
	[tilespmem:$0xA300] =	vst v63  }
0x19f: {  	_ =	swait.ge [sflag:s21], $0x1000  }
0x1a0: {  	[sflag:s21] =	ssyncset.done $0x0  }
0x1a1: {  	[sflag:s21] =	ssyncadd.s32 $0xFFFFF000  }
0x1a2: {  	[tilespmem:s18], [sflag:$0x4] =	stream.indirect.gather [hbm4b:s9+s10], $0x20, s17, s10, $0xb8;
	[tilespmem:$0xA300] =	vst v63  }
0x1a3: {  	_ =	swait.ge [sflag:s19], $0x1000  }
0x1a4: {  	[sflag:s19] =	ssyncset.done $0x0  }
0x1a5: {  	[sflag:s19] =	ssyncadd.s32 $0xFFFFF000  }
0x1a6: {  	[spmem:s2] =	stream.indirect.scatter.add.f32 [tilespmem:s13], [sflag:$0x5], $0x20, s20, s10, $0xb8;
	[tilespmem:$0xA300] =	vst v63  }
0x1a7: {  	_ =	swait.ge [sflag:s21], $0x1000  }
0x1a8: {  	[sflag:s21] =	ssyncset.done $0x0  }
0x1a9: {  	[sflag:s21] =	ssyncadd.s32 $0xFFFFF000  }
0x1aa: {  	[tilespmem:s11], [sflag:$0x1] =	stream.indirect.gather [hbm4b:s9+s10], $0x20, s22, s10, $0xb8;
	[tilespmem:$0xA300] =	vst v63  }
0x1ab: {  	_ =	swait.ge [sflag:s23], $0x1000  }
0x1ac: {  	[sflag:s23] =	ssyncset.done $0x0  }
0x1ad: {  	[sflag:s23] =	ssyncadd.s32 $0xFFFFF000  }
0x1ae: {  	[spmem:s2] =	stream.indirect.scatter.add.f32 [tilespmem:s15], [sflag:$0x5], $0x20, s24, s10, $0xb8;
	[tilespmem:$0xA300] =	vst v63  }
0x1af: {  	_ =	swait.ge [sflag:s21], $0x1000  }
0x1b0: {  	[sflag:s21] =	ssyncset.done $0x0  }
0x1b1: {  	[sflag:s21] =	ssyncadd.s32 $0xFFFFF000  }
0x1b2: {  	[tilespmem:s13], [sflag:$0x2] =	stream.indirect.gather [hbm4b:s9+s10], $0x20, s25, s10, $0xb8;
	[tilespmem:$0xA300] =	vst v63  }
0x1b3: {  	_ =	swait.ge [sflag:s26], $0x1000  }
0x1b4: {  	[sflag:s26] =	ssyncset.done $0x0  }
0x1b5: {  	[sflag:s26] =	ssyncadd.s32 $0xFFFFF000  }
0x1b6: {  	[spmem:s2] =	stream.indirect.scatter.add.f32 [tilespmem:s18], [sflag:$0x5], $0x20, s30, s10, $0xb8;
	[tilespmem:$0xA300] =	vst v63  }
0x1b7: {  	_ =	swait.ge [sflag:s21], $0x1000  }
0x1b8: {  	[sflag:s21] =	ssyncset.done $0x0  }
0x1b9: {  	[sflag:s21] =	ssyncadd.s32 $0xFFFFF000  }
0x1ba: {  	[tilespmem:s15], [sflag:$0x3] =	stream.indirect.gather [hbm4b:s9+s10], $0x20, s31, s10, $0xb8;
	[tilespmem:$0xA300] =	vst v63  }
0x1bb: {  	_ =	swait.ge [sflag:s16], $0x1000  }
0x1bc: {  	[sflag:s16] =	ssyncset.done $0x0  }
0x1bd: {  	s29 =	simm.s32 $0x5D00;
	[sflag:s16] =	ssyncadd.s32 $0xFFFFF000  }
0x1be: {  	[spmem:s2] =	stream.indirect.scatter.add.f32 [tilespmem:s11], [sflag:$0x5], $0x20, s29, s10, $0xb8;
	[tilespmem:$0xA300] =	vst v63  }
0x1bf: {  	_ =	swait.ge [sflag:s21], $0x1000  }
0x1c0: {  	[sflag:s21] =	ssyncset.done $0x0  }
0x1c1: {  	s29 =	simm.s32 $0x5480;
	[sflag:s21] =	ssyncadd.s32 $0xFFFFF000  }
0x1c2: {  	[tilespmem:s18], [sflag:$0x4] =	stream.indirect.gather [hbm4b:s9+s10], $0x20, s29, s10, $0xb8;
	[tilespmem:$0xA300] =	vst v63  }
0x1c3: {  	_ =	swait.ge [sflag:s19], $0x1000  }
0x1c4: {  	[sflag:s19] =	ssyncset.done $0x0  }
0x1c5: {  	s29 =	simm.s32 $0x5D80;
	[sflag:s19] =	ssyncadd.s32 $0xFFFFF000  }
0x1c6: {  	[spmem:s2] =	stream.indirect.scatter.add.f32 [tilespmem:s13], [sflag:$0x5], $0x20, s29, s10, $0xb8;
	[tilespmem:$0xA300] =	vst v63  }
0x1c7: {  	_ =	swait.ge [sflag:s21], $0x1000  }
0x1c8: {  	[sflag:s21] =	ssyncset.done $0x0  }
0x1c9: {  	s29 =	simm.s32 $0x5500;
	[sflag:s21] =	ssyncadd.s32 $0xFFFFF000  }
0x1ca: {  	[tilespmem:s11], [sflag:$0x1] =	stream.indirect.gather [hbm4b:s9+s10], $0x20, s29, s10, $0xb8;
	[tilespmem:$0xA300] =	vst v63  }
0x1cb: {  	_ =	swait.ge [sflag:s23], $0x1000  }
0x1cc: {  	[sflag:s23] =	ssyncset.done $0x0  }
0x1cd: {  	s29 =	simm.s32 $0x5E00;
	[sflag:s23] =	ssyncadd.s32 $0xFFFFF000  }
0x1ce: {  	[spmem:s2] =	stream.indirect.scatter.add.f32 [tilespmem:s15], [sflag:$0x5], $0x20, s29, s10, $0xb8;
	[tilespmem:$0xA300] =	vst v63  }
0x1cf: {  	_ =	swait.ge [sflag:s21], $0x1000  }
0x1d0: {  	[sflag:s21] =	ssyncset.done $0x0  }
0x1d1: {  	s29 =	simm.s32 $0x5580;
	[sflag:s21] =	ssyncadd.s32 $0xFFFFF000  }
0x1d2: {  	[tilespmem:s13], [sflag:$0x2] =	stream.indirect.gather [hbm4b:s9+s10], $0x20, s29, s10, $0xb8;
	[tilespmem:$0xA300] =	vst v63  }
0x1d3: {  	_ =	swait.ge [sflag:s26], $0x1000  }
0x1d4: {  	[sflag:s26] =	ssyncset.done $0x0  }
0x1d5: {  	s29 =	simm.s32 $0x5E80;
	[sflag:s26] =	ssyncadd.s32 $0xFFFFF000  }
0x1d6: {  	[spmem:s2] =	stream.indirect.scatter.add.f32 [tilespmem:s18], [sflag:$0x5], $0x20, s29, s10, $0xb8;
	[tilespmem:$0xA300] =	vst v63  }
0x1d7: {  	_ =	swait.ge [sflag:s21], $0x1000  }
0x1d8: {  	[sflag:s21] =	ssyncset.done $0x0  }
0x1d9: {  	s29 =	simm.s32 $0x5600;
	[sflag:s21] =	ssyncadd.s32 $0xFFFFF000  }
0x1da: {  	[tilespmem:s15], [sflag:$0x3] =	stream.indirect.gather [hbm4b:s9+s10], $0x20, s29, s10, $0xb8;
	[tilespmem:$0xA300] =	vst v63  }
0x1db: {  	_ =	swait.ge [sflag:s16], $0x1000  }
0x1dc: {  	[sflag:s16] =	ssyncset.done $0x0  }
0x1dd: {  	s29 =	simm.s32 $0x5F00;
	[sflag:s16] =	ssyncadd.s32 $0xFFFFF000  }
0x1de: {  	[spmem:s2] =	stream.indirect.scatter.add.f32 [tilespmem:s11], [sflag:$0x5], $0x20, s29, s10, $0xb8;
	[tilespmem:$0xA300] =	vst v63  }
0x1df: {  	_ =	swait.ge [sflag:s21], $0x1000  }
0x1e0: {  	[sflag:s21] =	ssyncset.done $0x0  }
0x1e1: {  	s29 =	simm.s32 $0x5680;
	[sflag:s21] =	ssyncadd.s32 $0xFFFFF000  }
0x1e2: {  	[tilespmem:s18], [sflag:$0x4] =	stream.indirect.gather [hbm4b:s9+s10], $0x20, s29, s10, $0xb8;
	[tilespmem:$0xA300] =	vst v63  }
0x1e3: {  	_ =	swait.ge [sflag:s19], $0x1000  }
0x1e4: {  	[sflag:s19] =	ssyncset.done $0x0  }
0x1e5: {  	s29 =	simm.s32 $0x5F80;
	[sflag:s19] =	ssyncadd.s32 $0xFFFFF000  }
0x1e6: {  	[spmem:s2] =	stream.indirect.scatter.add.f32 [tilespmem:s13], [sflag:$0x5], $0x20, s29, s10, $0xb8;
	[tilespmem:$0xA300] =	vst v63  }
0x1e7: {  	_ =	swait.ge [sflag:s21], $0x1000  }
0x1e8: {  	[sflag:s21] =	ssyncset.done $0x0  }
0x1e9: {  	s29 =	simm.s32 $0x5700;
	[sflag:s21] =	ssyncadd.s32 $0xFFFFF000  }
0x1ea: {  	[tilespmem:s11], [sflag:$0x1] =	stream.indirect.gather [hbm4b:s9+s10], $0x20, s29, s10, $0xb8;
	[tilespmem:$0xA300] =	vst v63  }
0x1eb: {  	_ =	swait.ge [sflag:s23], $0x1000  }
0x1ec: {  	[sflag:s23] =	ssyncset.done $0x0  }
0x1ed: {  	s29 =	simm.s32 $0x6000;
	[sflag:s23] =	ssyncadd.s32 $0xFFFFF000  }
0x1ee: {  	[spmem:s2] =	stream.indirect.scatter.add.f32 [tilespmem:s15], [sflag:$0x5], $0x20, s29, s10, $0xb8;
	[tilespmem:$0xA300] =	vst v63  }
0x1ef: {  	_ =	swait.ge [sflag:s21], $0x1000  }
0x1f0: {  	[sflag:s21] =	ssyncset.done $0x0  }
0x1f1: {  	s29 =	simm.s32 $0x5780;
	[sflag:s21] =	ssyncadd.s32 $0xFFFFF000  }
0x1f2: {  	[tilespmem:s13], [sflag:$0x2] =	stream.indirect.gather [hbm4b:s9+s10], $0x20, s29, s10, $0xb8;
	[tilespmem:$0xA300] =	vst v63  }
0x1f3: {  	_ =	swait.ge [sflag:s26], $0x1000  }
0x1f4: {  	[sflag:s26] =	ssyncset.done $0x0  }
0x1f5: {  	s29 =	simm.s32 $0x6080;
	[sflag:s26] =	ssyncadd.s32 $0xFFFFF000  }
0x1f6: {  	[spmem:s2] =	stream.indirect.scatter.add.f32 [tilespmem:s18], [sflag:$0x5], $0x20, s29, s10, $0xb8;
	[tilespmem:$0xA300] =	vst v63  }
0x1f7: {  	_ =	swait.ge [sflag:s21], $0x1000  }
0x1f8: {  	[sflag:s21] =	ssyncset.done $0x0  }
0x1f9: {  	s29 =	simm.s32 $0x5800;
	[sflag:s21] =	ssyncadd.s32 $0xFFFFF000  }
0x1fa: {  	[tilespmem:s15], [sflag:$0x3] =	stream.indirect.gather [hbm4b:s9+s10], $0x20, s29, s10, $0xb8;
	[tilespmem:$0xA300] =	vst v63  }
0x1fb: {  	_ =	swait.ge [sflag:s16], $0x1000  }
0x1fc: {  	[sflag:s16] =	ssyncset.done $0x0  }
0x1fd: {  	s29 =	simm.s32 $0x6100;
	[sflag:s16] =	ssyncadd.s32 $0xFFFFF000  }
0x1fe: {  	[spmem:s2] =	stream.indirect.scatter.add.f32 [tilespmem:s11], [sflag:$0x5], $0x20, s29, s10, $0xb8;
	[tilespmem:$0xA300] =	vst v63  }
0x1ff: {  	_ =	swait.ge [sflag:s21], $0x1000  }
0x200: {  	[sflag:s21] =	ssyncset.done $0x0  }
0x201: {  	s29 =	simm.s32 $0x5880;
	[sflag:s21] =	ssyncadd.s32 $0xFFFFF000  }
0x202: {  	[tilespmem:s18], [sflag:$0x4] =	stream.indirect.gather [hbm4b:s9+s10], $0x20, s29, s10, $0xb8;
	[tilespmem:$0xA300] =	vst v63  }
0x203: {  	_ =	swait.ge [sflag:s19], $0x1000  }
0x204: {  	[sflag:s19] =	ssyncset.done $0x0  }
0x205: {  	s29 =	simm.s32 $0x6180;
	[sflag:s19] =	ssyncadd.s32 $0xFFFFF000  }
0x206: {  	[spmem:s2] =	stream.indirect.scatter.add.f32 [tilespmem:s13], [sflag:$0x5], $0x20, s29, s10, $0xb8;
	[tilespmem:$0xA300] =	vst v63  }
0x207: {  	_ =	swait.ge [sflag:s21], $0x1000  }
0x208: {  	[sflag:s21] =	ssyncset.done $0x0  }
0x209: {  	[sflag:s21] =	ssyncadd.s32 $0xFFFFF000  }
0x20a: {  	_ =	swait.ge [sflag:s23], $0x1000  }
0x20b: {  	[sflag:s23] =	ssyncset.done $0x0  }
0x20c: {  	s29 =	simm.s32 $0x6200;
	[sflag:s23] =	ssyncadd.s32 $0xFFFFF000  }
0x20d: {  	[spmem:s2] =	stream.indirect.scatter.add.f32 [tilespmem:s15], [sflag:$0x5], $0x20, s29, s10, $0xb8;
	[tilespmem:$0xA300] =	vst v63  }
0x20e: {  	_ =	swait.ge [sflag:s21], $0x1000  }
0x20f: {  	[sflag:s21] =	ssyncset.done $0x0  }
0x210: {  	[sflag:s21] =	ssyncadd.s32 $0xFFFFF000  }
0x211: {  	_ =	swait.ge [sflag:s26], $0x1000  }
0x212: {  	[sflag:s26] =	ssyncset.done $0x0  }
0x213: {  	s29 =	simm.s32 $0x6280;
	[sflag:s26] =	ssyncadd.s32 $0xFFFFF000  }
0x214: {  	[spmem:s2] =	stream.indirect.scatter.add.f32 [tilespmem:s18], [sflag:$0x5], $0x20, s29, s10, $0xb8;
	[tilespmem:$0xA300] =	vst v63  }
0x215: {  	_ =	swait.ge [sflag:s21], $0x1000  }
0x216: {  	[sflag:s21] =	ssyncset.done $0x0  }
0x217: {  	[sflag:s21] =	ssyncadd.s32 $0xFFFFF000  }
0x218: {  	_ =	swait.ge [sflag:s21], $0x1000  }
0x219: {  	[sflag:s21] =	ssyncset.done $0x0  }
0x21a: {  	s1 =	simm.s32 $0x4F00;
	s29 =	rddreg [dreg:$0xb];
	[sflag:s21] =	ssyncadd.s32 $0xFFFFF000  }
0x21b: {  	[tilespmem:s1], [sflag:$0x6] =	stream.linear.gather [hbm4b:s29+s28], $0xA00, $0x38;
	[tilespmem:$0xA300] =	vst v63  }
0x21c: {  	_ =	swait.ge [sflag:s5], $0xA00  }
0x21d: {  	[sflag:s5] =	ssyncset.done $0x0  }
0x21e: {  	s0 =	simm.s32 $0x5900;
	s29 =	rddreg [dreg:$0xc];
	[sflag:s5] =	ssyncadd.s32 $0xFFFFF600  }
0x21f: {  	[tilespmem:s0], [sflag:$0x6] =	stream.linear.gather [hbm4b:s29+s28], $0xA00, $0x38;
	[tilespmem:$0xA300] =	vst v63  }
0x220: {  	_ =	swait.ge [sflag:s5], $0xA00  }
0x221: {  	[sflag:s5] =	ssyncset.done $0x0  }
0x222: {  	[sflag:s5] =	ssyncadd.s32 $0xFFFFF600  }
0x223: {  	[tilespmem:s11], [sflag:$0x1] =	stream.indirect.gather [hbm4b:s9+s10], $0x20, s1, s10, $0xb8;
	[tilespmem:$0xA300] =	vst v63  }
0x224: {  	s28 =	simm.s32 $0x4F80  }
0x225: {  	[tilespmem:s13], [sflag:$0x2] =	stream.indirect.gather [hbm4b:s9+s10], $0x20, s28, s10, $0xb8;
	[tilespmem:$0xA300] =	vst v63  }
0x226: {  	s28 =	simm.s32 $0x5000  }
0x227: {  	[tilespmem:s15], [sflag:$0x3] =	stream.indirect.gather [hbm4b:s9+s10], $0x20, s28, s10, $0xb8;
	[tilespmem:$0xA300] =	vst v63  }
0x228: {  	_ =	swait.ge [sflag:s16], $0x1000  }
0x229: {  	[sflag:s16] =	ssyncset.done $0x0  }
0x22a: {  	[sflag:s16] =	ssyncadd.s32 $0xFFFFF000  }
0x22b: {  	[spmem:s2] =	stream.indirect.scatter.add.f32 [tilespmem:s11], [sflag:$0x5], $0x20, s0, s10, $0xb8;
	[tilespmem:$0xA300] =	vst v63  }
0x22c: {  	s3 =	simm.s32 $0x5080  }
0x22d: {  	[tilespmem:s18], [sflag:$0x4] =	stream.indirect.gather [hbm4b:s9+s10], $0x20, s3, s10, $0xb8;
	[tilespmem:$0xA300] =	vst v63  }
0x22e: {  	_ =	swait.ge [sflag:s19], $0x1000  }
0x22f: {  	[sflag:s19] =	ssyncset.done $0x0  }
0x230: {  	s4 =	simm.s32 $0x5980;
	[sflag:s19] =	ssyncadd.s32 $0xFFFFF000  }
0x231: {  	[spmem:s2] =	stream.indirect.scatter.add.f32 [tilespmem:s13], [sflag:$0x5], $0x20, s4, s10, $0xb8;
	[tilespmem:$0xA300] =	vst v63  }
0x232: {  	_ =	swait.ge [sflag:s21], $0x1000  }
0x233: {  	[sflag:s21] =	ssyncset.done $0x0  }
0x234: {  	s6 =	simm.s32 $0x5100;
	[sflag:s21] =	ssyncadd.s32 $0xFFFFF000  }
0x235: {  	[tilespmem:s11], [sflag:$0x1] =	stream.indirect.gather [hbm4b:s9+s10], $0x20, s6, s10, $0xb8;
	[tilespmem:$0xA300] =	vst v63  }
0x236: {  	_ =	swait.ge [sflag:s23], $0x1000  }
0x237: {  	[sflag:s23] =	ssyncset.done $0x0  }
0x238: {  	s7 =	simm.s32 $0x5A00;
	[sflag:s23] =	ssyncadd.s32 $0xFFFFF000  }
0x239: {  	[spmem:s2] =	stream.indirect.scatter.add.f32 [tilespmem:s15], [sflag:$0x5], $0x20, s7, s10, $0xb8;
	[tilespmem:$0xA300] =	vst v63  }
0x23a: {  	_ =	swait.ge [sflag:s21], $0x1000  }
0x23b: {  	[sflag:s21] =	ssyncset.done $0x0  }
0x23c: {  	s7 =	simm.s32 $0x5180;
	[sflag:s21] =	ssyncadd.s32 $0xFFFFF000  }
0x23d: {  	[tilespmem:s13], [sflag:$0x2] =	stream.indirect.gather [hbm4b:s9+s10], $0x20, s7, s10, $0xb8;
	[tilespmem:$0xA300] =	vst v63  }
0x23e: {  	_ =	swait.ge [sflag:s26], $0x1000  }
0x23f: {  	[sflag:s26] =	ssyncset.done $0x0  }
0x240: {  	s8 =	simm.s32 $0x5A80;
	[sflag:s26] =	ssyncadd.s32 $0xFFFFF000  }
0x241: {  	[spmem:s2] =	stream.indirect.scatter.add.f32 [tilespmem:s18], [sflag:$0x5], $0x20, s8, s10, $0xb8;
	[tilespmem:$0xA300] =	vst v63  }
0x242: {  	_ =	swait.ge [sflag:s21], $0x1000  }
0x243: {  	[sflag:s21] =	ssyncset.done $0x0  }
0x244: {  	s12 =	simm.s32 $0x5200;
	[sflag:s21] =	ssyncadd.s32 $0xFFFFF000  }
0x245: {  	[tilespmem:s15], [sflag:$0x3] =	stream.indirect.gather [hbm4b:s9+s10], $0x20, s12, s10, $0xb8;
	[tilespmem:$0xA300] =	vst v63  }
0x246: {  	_ =	swait.ge [sflag:s16], $0x1000  }
0x247: {  	[sflag:s16] =	ssyncset.done $0x0  }
0x248: {  	s14 =	simm.s32 $0x5B00;
	[sflag:s16] =	ssyncadd.s32 $0xFFFFF000  }
0x249: {  	[spmem:s2] =	stream.indirect.scatter.add.f32 [tilespmem:s11], [sflag:$0x5], $0x20, s14, s10, $0xb8;
	[tilespmem:$0xA300] =	vst v63  }
0x24a: {  	_ =	swait.ge [sflag:s21], $0x1000  }
0x24b: {  	[sflag:s21] =	ssyncset.done $0x0  }
0x24c: {  	s17 =	simm.s32 $0x5280;
	[sflag:s21] =	ssyncadd.s32 $0xFFFFF000  }
0x24d: {  	[tilespmem:s18], [sflag:$0x4] =	stream.indirect.gather [hbm4b:s9+s10], $0x20, s17, s10, $0xb8;
	[tilespmem:$0xA300] =	vst v63  }
0x24e: {  	_ =	swait.ge [sflag:s19], $0x1000  }
0x24f: {  	[sflag:s19] =	ssyncset.done $0x0  }
0x250: {  	s20 =	simm.s32 $0x5B80;
	[sflag:s19] =	ssyncadd.s32 $0xFFFFF000  }
0x251: {  	[spmem:s2] =	stream.indirect.scatter.add.f32 [tilespmem:s13], [sflag:$0x5], $0x20, s20, s10, $0xb8;
	[tilespmem:$0xA300] =	vst v63  }
0x252: {  	_ =	swait.ge [sflag:s21], $0x1000  }
0x253: {  	[sflag:s21] =	ssyncset.done $0x0  }
0x254: {  	s22 =	simm.s32 $0x5300;
	[sflag:s21] =	ssyncadd.s32 $0xFFFFF000  }
0x255: {  	[tilespmem:s11], [sflag:$0x1] =	stream.indirect.gather [hbm4b:s9+s10], $0x20, s22, s10, $0xb8;
	[tilespmem:$0xA300] =	vst v63  }
0x256: {  	_ =	swait.ge [sflag:s23], $0x1000  }
0x257: {  	[sflag:s23] =	ssyncset.done $0x0  }
0x258: {  	s24 =	simm.s32 $0x5C00;
	[sflag:s23] =	ssyncadd.s32 $0xFFFFF000  }
0x259: {  	[spmem:s2] =	stream.indirect.scatter.add.f32 [tilespmem:s15], [sflag:$0x5], $0x20, s24, s10, $0xb8;
	[tilespmem:$0xA300] =	vst v63  }
0x25a: {  	_ =	swait.ge [sflag:s21], $0x1000  }
0x25b: {  	[sflag:s21] =	ssyncset.done $0x0  }
0x25c: {  	s25 =	simm.s32 $0x5380;
	[sflag:s21] =	ssyncadd.s32 $0xFFFFF000  }
0x25d: {  	[tilespmem:s13], [sflag:$0x2] =	stream.indirect.gather [hbm4b:s9+s10], $0x20, s25, s10, $0xb8;
	[tilespmem:$0xA300] =	vst v63  }
0x25e: {  	_ =	swait.ge [sflag:s26], $0x1000  }
0x25f: {  	[sflag:s26] =	ssyncset.done $0x0  }
0x260: {  	s30 =	simm.s32 $0x5C80;
	[sflag:s26] =	ssyncadd.s32 $0xFFFFF000  }
0x261: {  	[spmem:s2] =	stream.indirect.scatter.add.f32 [tilespmem:s18], [sflag:$0x5], $0x20, s30, s10, $0xb8;
	[tilespmem:$0xA300] =	vst v63  }
0x262: {  	_ =	swait.ge [sflag:s21], $0x1000  }
0x263: {  	[sflag:s21] =	ssyncset.done $0x0  }
0x264: {  	s31 =	simm.s32 $0x5400;
	[sflag:s21] =	ssyncadd.s32 $0xFFFFF000  }
0x265: {  	[tilespmem:s15], [sflag:$0x3] =	stream.indirect.gather [hbm4b:s9+s10], $0x20, s31, s10, $0xb8;
	[tilespmem:$0xA300] =	vst v63  }
0x266: {  	_ =	swait.ge [sflag:s16], $0x1000  }
0x267: {  	[sflag:s16] =	ssyncset.done $0x0  }
0x268: {  	s14 =	simm.s32 $0x5D00;
	[sflag:s16] =	ssyncadd.s32 $0xFFFFF000  }
0x269: {  	[spmem:s2] =	stream.indirect.scatter.add.f32 [tilespmem:s11], [sflag:$0x5], $0x20, s14, s10, $0xb8;
	[tilespmem:$0xA300] =	vst v63  }
0x26a: {  	_ =	swait.ge [sflag:s21], $0x1000  }
0x26b: {  	[sflag:s21] =	ssyncset.done $0x0  }
0x26c: {  	s17 =	simm.s32 $0x5480;
	[sflag:s21] =	ssyncadd.s32 $0xFFFFF000  }
0x26d: {  	[tilespmem:s18], [sflag:$0x4] =	stream.indirect.gather [hbm4b:s9+s10], $0x20, s17, s10, $0xb8;
	[tilespmem:$0xA300] =	vst v63  }
0x26e: {  	_ =	swait.ge [sflag:s19], $0x1000  }
0x26f: {  	[sflag:s19] =	ssyncset.done $0x0  }
0x270: {  	s20 =	simm.s32 $0x5D80;
	[sflag:s19] =	ssyncadd.s32 $0xFFFFF000  }
0x271: {  	[spmem:s2] =	stream.indirect.scatter.add.f32 [tilespmem:s13], [sflag:$0x5], $0x20, s20, s10, $0xb8;
	[tilespmem:$0xA300] =	vst v63  }
0x272: {  	_ =	swait.ge [sflag:s21], $0x1000  }
0x273: {  	[sflag:s21] =	ssyncset.done $0x0  }
0x274: {  	s22 =	simm.s32 $0x5500;
	[sflag:s21] =	ssyncadd.s32 $0xFFFFF000  }
0x275: {  	[tilespmem:s11], [sflag:$0x1] =	stream.indirect.gather [hbm4b:s9+s10], $0x20, s22, s10, $0xb8;
	[tilespmem:$0xA300] =	vst v63  }
0x276: {  	_ =	swait.ge [sflag:s23], $0x1000  }
0x277: {  	[sflag:s23] =	ssyncset.done $0x0  }
0x278: {  	s24 =	simm.s32 $0x5E00;
	[sflag:s23] =	ssyncadd.s32 $0xFFFFF000  }
0x279: {  	[spmem:s2] =	stream.indirect.scatter.add.f32 [tilespmem:s15], [sflag:$0x5], $0x20, s24, s10, $0xb8;
	[tilespmem:$0xA300] =	vst v63  }
0x27a: {  	_ =	swait.ge [sflag:s21], $0x1000  }
0x27b: {  	[sflag:s21] =	ssyncset.done $0x0  }
0x27c: {  	s25 =	simm.s32 $0x5580;
	[sflag:s21] =	ssyncadd.s32 $0xFFFFF000  }
0x27d: {  	[tilespmem:s13], [sflag:$0x2] =	stream.indirect.gather [hbm4b:s9+s10], $0x20, s25, s10, $0xb8;
	[tilespmem:$0xA300] =	vst v63  }
0x27e: {  	_ =	swait.ge [sflag:s26], $0x1000  }
0x27f: {  	[sflag:s26] =	ssyncset.done $0x0  }
0x280: {  	s28 =	simm.s32 $0x5E80;
	[sflag:s26] =	ssyncadd.s32 $0xFFFFF000  }
0x281: {  	[spmem:s2] =	stream.indirect.scatter.add.f32 [tilespmem:s18], [sflag:$0x5], $0x20, s28, s10, $0xb8;
	[tilespmem:$0xA300] =	vst v63  }
0x282: {  	_ =	swait.ge [sflag:s21], $0x1000  }
0x283: {  	[sflag:s21] =	ssyncset.done $0x0  }
0x284: {  	s30 =	simm.s32 $0x5600;
	[sflag:s21] =	ssyncadd.s32 $0xFFFFF000  }
0x285: {  	[tilespmem:s15], [sflag:$0x3] =	stream.indirect.gather [hbm4b:s9+s10], $0x20, s30, s10, $0xb8;
	[tilespmem:$0xA300] =	vst v63  }
0x286: {  	_ =	swait.ge [sflag:s16], $0x1000  }
0x287: {  	[sflag:s16] =	ssyncset.done $0x0  }
0x288: {  	s31 =	simm.s32 $0x5F00;
	[sflag:s16] =	ssyncadd.s32 $0xFFFFF000  }
0x289: {  	[spmem:s2] =	stream.indirect.scatter.add.f32 [tilespmem:s11], [sflag:$0x5], $0x20, s31, s10, $0xb8;
	[tilespmem:$0xA300] =	vst v63  }
0x28a: {  	_ =	swait.ge [sflag:s21], $0x1000  }
0x28b: {  	[sflag:s21] =	ssyncset.done $0x0  }
0x28c: {  	s1 =	simm.s32 $0x5680;
	[sflag:s21] =	ssyncadd.s32 $0xFFFFF000  }
0x28d: {  	[tilespmem:s18], [sflag:$0x4] =	stream.indirect.gather [hbm4b:s9+s10], $0x20, s1, s10, $0xb8;
	[tilespmem:$0xA300] =	vst v63  }
0x28e: {  	_ =	swait.ge [sflag:s19], $0x1000  }
0x28f: {  	[sflag:s19] =	ssyncset.done $0x0  }
0x290: {  	s3 =	simm.s32 $0x5F80;
	[sflag:s19] =	ssyncadd.s32 $0xFFFFF000  }
0x291: {  	[spmem:s2] =	stream.indirect.scatter.add.f32 [tilespmem:s13], [sflag:$0x5], $0x20, s3, s10, $0xb8;
	[tilespmem:$0xA300] =	vst v63  }
0x292: {  	_ =	swait.ge [sflag:s21], $0x1000  }
0x293: {  	[sflag:s21] =	ssyncset.done $0x0  }
0x294: {  	s4 =	simm.s32 $0x5700;
	[sflag:s21] =	ssyncadd.s32 $0xFFFFF000  }
0x295: {  	[tilespmem:s11], [sflag:$0x1] =	stream.indirect.gather [hbm4b:s9+s10], $0x20, s4, s10, $0xb8;
	[tilespmem:$0xA300] =	vst v63  }
0x296: {  	_ =	swait.ge [sflag:s23], $0x1000  }
0x297: {  	[sflag:s23] =	ssyncset.done $0x0  }
0x298: {  	s6 =	simm.s32 $0x6000;
	[sflag:s23] =	ssyncadd.s32 $0xFFFFF000  }
0x299: {  	[spmem:s2] =	stream.indirect.scatter.add.f32 [tilespmem:s15], [sflag:$0x5], $0x20, s6, s10, $0xb8;
	[tilespmem:$0xA300] =	vst v63  }
0x29a: {  	_ =	swait.ge [sflag:s21], $0x1000  }
0x29b: {  	[sflag:s21] =	ssyncset.done $0x0  }
0x29c: {  	s7 =	simm.s32 $0x5780;
	[sflag:s21] =	ssyncadd.s32 $0xFFFFF000  }
0x29d: {  	[tilespmem:s13], [sflag:$0x2] =	stream.indirect.gather [hbm4b:s9+s10], $0x20, s7, s10, $0xb8;
	[tilespmem:$0xA300] =	vst v63  }
0x29e: {  	_ =	swait.ge [sflag:s26], $0x1000  }
0x29f: {  	[sflag:s26] =	ssyncset.done $0x0  }
0x2a0: {  	s8 =	simm.s32 $0x6080;
	[sflag:s26] =	ssyncadd.s32 $0xFFFFF000  }
0x2a1: {  	[spmem:s2] =	stream.indirect.scatter.add.f32 [tilespmem:s18], [sflag:$0x5], $0x20, s8, s10, $0xb8;
	[tilespmem:$0xA300] =	vst v63  }
0x2a2: {  	_ =	swait.ge [sflag:s21], $0x1000  }
0x2a3: {  	[sflag:s21] =	ssyncset.done $0x0  }
0x2a4: {  	s12 =	simm.s32 $0x5800;
	[sflag:s21] =	ssyncadd.s32 $0xFFFFF000  }
0x2a5: {  	[tilespmem:s15], [sflag:$0x3] =	stream.indirect.gather [hbm4b:s9+s10], $0x20, s12, s10, $0xb8;
	[tilespmem:$0xA300] =	vst v63  }
0x2a6: {  	_ =	swait.ge [sflag:s16], $0x1000  }
0x2a7: {  	[sflag:s16] =	ssyncset.done $0x0  }
0x2a8: {  	s14 =	simm.s32 $0x6100;
	[sflag:s16] =	ssyncadd.s32 $0xFFFFF000  }
0x2a9: {  	[spmem:s2] =	stream.indirect.scatter.add.f32 [tilespmem:s11], [sflag:$0x5], $0x20, s14, s10, $0xb8;
	[tilespmem:$0xA300] =	vst v63  }
0x2aa: {  	_ =	swait.ge [sflag:s21], $0x1000  }
0x2ab: {  	[sflag:s21] =	ssyncset.done $0x0  }
0x2ac: {  	s17 =	simm.s32 $0x5880;
	[sflag:s21] =	ssyncadd.s32 $0xFFFFF000  }
0x2ad: {  	[tilespmem:s18], [sflag:$0x4] =	stream.indirect.gather [hbm4b:s9+s10], $0x20, s17, s10, $0xb8;
	[tilespmem:$0xA300] =	vst v63  }
0x2ae: {  	_ =	swait.ge [sflag:s19], $0x1000  }
0x2af: {  	[sflag:s19] =	ssyncset.done $0x0  }
0x2b0: {  	s20 =	simm.s32 $0x6180;
	[sflag:s19] =	ssyncadd.s32 $0xFFFFF000  }
0x2b1: {  	[spmem:s2] =	stream.indirect.scatter.add.f32 [tilespmem:s13], [sflag:$0x5], $0x20, s20, s10, $0xb8;
	[tilespmem:$0xA300] =	vst v63  }
0x2b2: {  	_ =	swait.ge [sflag:s21], $0x1000  }
0x2b3: {  	[sflag:s21] =	ssyncset.done $0x0  }
0x2b4: {  	[sflag:s21] =	ssyncadd.s32 $0xFFFFF000  }
0x2b5: {  	_ =	swait.ge [sflag:s23], $0x1000  }
0x2b6: {  	[sflag:s23] =	ssyncset.done $0x0  }
0x2b7: {  	s22 =	simm.s32 $0x6200;
	[sflag:s23] =	ssyncadd.s32 $0xFFFFF000  }
0x2b8: {  	[spmem:s2] =	stream.indirect.scatter.add.f32 [tilespmem:s15], [sflag:$0x5], $0x20, s22, s10, $0xb8;
	[tilespmem:$0xA300] =	vst v63  }
0x2b9: {  	_ =	swait.ge [sflag:s21], $0x1000  }
0x2ba: {  	[sflag:s21] =	ssyncset.done $0x0  }
0x2bb: {  	[sflag:s21] =	ssyncadd.s32 $0xFFFFF000  }
0x2bc: {  	_ =	swait.ge [sflag:s26], $0x1000  }
0x2bd: {  	[sflag:s26] =	ssyncset.done $0x0  }
0x2be: {  	s24 =	simm.s32 $0x6280;
	[sflag:s26] =	ssyncadd.s32 $0xFFFFF000  }
0x2bf: {  	[spmem:s2] =	stream.indirect.scatter.add.f32 [tilespmem:s18], [sflag:$0x5], $0x20, s24, s10, $0xb8;
	[tilespmem:$0xA300] =	vst v63  }
0x2c0: {  	_ =	swait.ge [sflag:s21], $0x1000  }
0x2c1: {  	[sflag:s21] =	ssyncset.done $0x0  }
0x2c2: {  	[sflag:s21] =	ssyncadd.s32 $0xFFFFF000  }
0x2c3: {  	_ =	swait.ge [sflag:s21], $0x1000  }
0x2c4: {  	[sflag:s21] =	ssyncset.done $0x0  }
0x2c5: {  	[sflag:s21] =	ssyncadd.s32 $0xFFFFF000  }
0x2c6: {  	[bflag:$0x0] =	sbarrier.arrive $0xFFFF  }
0x2c7: {  	s25 =	rddreg [dreg:$0x10]  }
0x2c8: {  	s0 =	ssub.s32 $0x2, s25  }
0x2c9: {  	s29 =	sshrl.u32 s0, $0x1  }
0x2ca: {  	s29 =	ssub.s32 s0, s29  }
0x2cb: {  	s29 =	smax.u32 s29, $0x1  }
0x2cc: {  	p0 =	sne.s32 s29, $0x1  }
.Ltmp0:
0x2cd: {  	s28 =	rddreg [dreg:$0xd];
	(pc) =	sbr.rel @!p0 .LBB2_3-.Ltmp0, $4  }
0x2ce: {  	s30 =	rddreg [dreg:$0xe]  }
0x2cf: {  	s31 =	rddreg [dreg:$0xf]  }
0x2d0: {  	[hbm:s28], [sflag:s30] =	dma.local [spmem:s31], $0x9E0  }
0x2d1: {  	_ =	swait.ge [sflag:s5], $0x9E0;
	s29 =	sadd.s32 $0xFFFFFFFF, s29  }
0x2d2: {  	s7 =	simm.s32 $0x0;
	s8 =	simm.s32 $0x4F00  }
.LBB2_2:
0x2d3: {  	s30 =	rddreg [dreg:$0x4]  }
0x2d4: {  	[sflag:s5] =	ssyncset.done $0x0;
	s0 =	rddreg [dreg:$0xe]  }
0x2d5: {  	s1 =	rddreg [dreg:$0xf];
	[sflag:s5] =	ssyncadd.s32 $0xFFFFF620  }
0x2d6: {  	[spmem:s1], [sflag:s0] =	dma.local [hbm:s30], $0x9E0  }
0x2d7: {  	_ =	swait.ge [sflag:s5], $0x9E0  }
0x2d8: {  	[sflag:s5] =	ssyncset.done $0x0  }
0x2d9: {  	[sflag:s5] =	ssyncadd.s32 $0xFFFFF620  }
0x2da: {  	[bflag:$0x0] =	sbarrier.arrive $0xFFFF  }
0x2db: {  	s6 =	rddreg [dreg:$0x5]  }
0x2dc: {  	[tilespmem:s8], [sflag:$0x6] =	stream.linear.gather [hbm4b:s6+s7], $0xA00, $0x38;
	[tilespmem:$0xA300] =	vst v63  }
0x2dd: {  	_ =	swait.ge [sflag:s5], $0xA00  }
0x2de: {  	[sflag:s5] =	ssyncset.done $0x0  }
0x2df: {  	s0 =	simm.s32 $0x5900;
	s12 =	rddreg [dreg:$0x6];
	[sflag:s5] =	ssyncadd.s32 $0xFFFFF600  }
0x2e0: {  	[tilespmem:s0], [sflag:$0x6] =	stream.linear.gather [hbm4b:s12+s7], $0xA00, $0x38;
	[tilespmem:$0xA300] =	vst v63  }
0x2e1: {  	_ =	swait.ge [sflag:s5], $0xA00  }
0x2e2: {  	[sflag:s5] =	ssyncset.done $0x0  }
0x2e3: {  	[sflag:s5] =	ssyncadd.s32 $0xFFFFF600  }
0x2e4: {  	[tilespmem:s11], [sflag:$0x1] =	stream.indirect.gather [hbm4b:s9+s10], $0x20, s8, s10, $0xb8;
	[tilespmem:$0xA300] =	vst v63  }
0x2e5: {  	s14 =	simm.s32 $0x4F80  }
0x2e6: {  	[tilespmem:s13], [sflag:$0x2] =	stream.indirect.gather [hbm4b:s9+s10], $0x20, s14, s10, $0xb8;
	[tilespmem:$0xA300] =	vst v63  }
0x2e7: {  	s17 =	simm.s32 $0x5000  }
0x2e8: {  	[tilespmem:s15], [sflag:$0x3] =	stream.indirect.gather [hbm4b:s9+s10], $0x20, s17, s10, $0xb8;
	[tilespmem:$0xA300] =	vst v63  }
0x2e9: {  	_ =	swait.ge [sflag:s16], $0x1000  }
0x2ea: {  	[sflag:s16] =	ssyncset.done $0x0  }
0x2eb: {  	[sflag:s16] =	ssyncadd.s32 $0xFFFFF000  }
0x2ec: {  	[spmem:s2] =	stream.indirect.scatter.add.f32 [tilespmem:s11], [sflag:$0x5], $0x20, s0, s10, $0xb8;
	[tilespmem:$0xA300] =	vst v63  }
0x2ed: {  	s20 =	simm.s32 $0x5080  }
0x2ee: {  	[tilespmem:s18], [sflag:$0x4] =	stream.indirect.gather [hbm4b:s9+s10], $0x20, s20, s10, $0xb8;
	[tilespmem:$0xA300] =	vst v63  }
0x2ef: {  	_ =	swait.ge [sflag:s19], $0x1000  }
0x2f0: {  	[sflag:s19] =	ssyncset.done $0x0  }
0x2f1: {  	s22 =	simm.s32 $0x5980;
	[sflag:s19] =	ssyncadd.s32 $0xFFFFF000  }
0x2f2: {  	[spmem:s2] =	stream.indirect.scatter.add.f32 [tilespmem:s13], [sflag:$0x5], $0x20, s22, s10, $0xb8;
	[tilespmem:$0xA300] =	vst v63  }
0x2f3: {  	_ =	swait.ge [sflag:s21], $0x1000  }
0x2f4: {  	[sflag:s21] =	ssyncset.done $0x0  }
0x2f5: {  	s24 =	simm.s32 $0x5100;
	[sflag:s21] =	ssyncadd.s32 $0xFFFFF000  }
0x2f6: {  	[tilespmem:s11], [sflag:$0x1] =	stream.indirect.gather [hbm4b:s9+s10], $0x20, s24, s10, $0xb8;
	[tilespmem:$0xA300] =	vst v63  }
0x2f7: {  	_ =	swait.ge [sflag:s23], $0x1000  }
0x2f8: {  	[sflag:s23] =	ssyncset.done $0x0  }
0x2f9: {  	s25 =	simm.s32 $0x5A00;
	[sflag:s23] =	ssyncadd.s32 $0xFFFFF000  }
0x2fa: {  	[spmem:s2] =	stream.indirect.scatter.add.f32 [tilespmem:s15], [sflag:$0x5], $0x20, s25, s10, $0xb8;
	[tilespmem:$0xA300] =	vst v63  }
0x2fb: {  	_ =	swait.ge [sflag:s21], $0x1000  }
0x2fc: {  	[sflag:s21] =	ssyncset.done $0x0  }
0x2fd: {  	s28 =	simm.s32 $0x5180;
	[sflag:s21] =	ssyncadd.s32 $0xFFFFF000  }
0x2fe: {  	[tilespmem:s13], [sflag:$0x2] =	stream.indirect.gather [hbm4b:s9+s10], $0x20, s28, s10, $0xb8;
	[tilespmem:$0xA300] =	vst v63  }
0x2ff: {  	_ =	swait.ge [sflag:s26], $0x1000  }
0x300: {  	[sflag:s26] =	ssyncset.done $0x0  }
0x301: {  	s30 =	simm.s32 $0x5A80;
	[sflag:s26] =	ssyncadd.s32 $0xFFFFF000  }
0x302: {  	[spmem:s2] =	stream.indirect.scatter.add.f32 [tilespmem:s18], [sflag:$0x5], $0x20, s30, s10, $0xb8;
	[tilespmem:$0xA300] =	vst v63  }
0x303: {  	_ =	swait.ge [sflag:s21], $0x1000  }
0x304: {  	[sflag:s21] =	ssyncset.done $0x0  }
0x305: {  	s31 =	simm.s32 $0x5200;
	[sflag:s21] =	ssyncadd.s32 $0xFFFFF000  }
0x306: {  	[tilespmem:s15], [sflag:$0x3] =	stream.indirect.gather [hbm4b:s9+s10], $0x20, s31, s10, $0xb8;
	[tilespmem:$0xA300] =	vst v63  }
0x307: {  	_ =	swait.ge [sflag:s16], $0x1000  }
0x308: {  	[sflag:s16] =	ssyncset.done $0x0  }
0x309: {  	s4 =	simm.s32 $0x5B00;
	[sflag:s16] =	ssyncadd.s32 $0xFFFFF000  }
0x30a: {  	[spmem:s2] =	stream.indirect.scatter.add.f32 [tilespmem:s11], [sflag:$0x5], $0x20, s4, s10, $0xb8;
	[tilespmem:$0xA300] =	vst v63  }
0x30b: {  	_ =	swait.ge [sflag:s21], $0x1000  }
0x30c: {  	[sflag:s21] =	ssyncset.done $0x0  }
0x30d: {  	s6 =	simm.s32 $0x5280;
	[sflag:s21] =	ssyncadd.s32 $0xFFFFF000  }
0x30e: {  	[tilespmem:s18], [sflag:$0x4] =	stream.indirect.gather [hbm4b:s9+s10], $0x20, s6, s10, $0xb8;
	[tilespmem:$0xA300] =	vst v63  }
0x30f: {  	_ =	swait.ge [sflag:s19], $0x1000  }
0x310: {  	[sflag:s19] =	ssyncset.done $0x0  }
0x311: {  	s12 =	simm.s32 $0x5B80;
	[sflag:s19] =	ssyncadd.s32 $0xFFFFF000  }
0x312: {  	[spmem:s2] =	stream.indirect.scatter.add.f32 [tilespmem:s13], [sflag:$0x5], $0x20, s12, s10, $0xb8;
	[tilespmem:$0xA300] =	vst v63  }
0x313: {  	_ =	swait.ge [sflag:s21], $0x1000  }
0x314: {  	[sflag:s21] =	ssyncset.done $0x0  }
0x315: {  	s14 =	simm.s32 $0x5300;
	[sflag:s21] =	ssyncadd.s32 $0xFFFFF000  }
0x316: {  	[tilespmem:s11], [sflag:$0x1] =	stream.indirect.gather [hbm4b:s9+s10], $0x20, s14, s10, $0xb8;
	[tilespmem:$0xA300] =	vst v63  }
0x317: {  	_ =	swait.ge [sflag:s23], $0x1000  }
0x318: {  	[sflag:s23] =	ssyncset.done $0x0  }
0x319: {  	s17 =	simm.s32 $0x5C00;
	[sflag:s23] =	ssyncadd.s32 $0xFFFFF000  }
0x31a: {  	[spmem:s2] =	stream.indirect.scatter.add.f32 [tilespmem:s15], [sflag:$0x5], $0x20, s17, s10, $0xb8;
	[tilespmem:$0xA300] =	vst v63  }
0x31b: {  	_ =	swait.ge [sflag:s21], $0x1000  }
0x31c: {  	[sflag:s21] =	ssyncset.done $0x0  }
0x31d: {  	s20 =	simm.s32 $0x5380;
	[sflag:s21] =	ssyncadd.s32 $0xFFFFF000  }
0x31e: {  	[tilespmem:s13], [sflag:$0x2] =	stream.indirect.gather [hbm4b:s9+s10], $0x20, s20, s10, $0xb8;
	[tilespmem:$0xA300] =	vst v63  }
0x31f: {  	_ =	swait.ge [sflag:s26], $0x1000  }
0x320: {  	[sflag:s26] =	ssyncset.done $0x0  }
0x321: {  	s22 =	simm.s32 $0x5C80;
	[sflag:s26] =	ssyncadd.s32 $0xFFFFF000  }
0x322: {  	[spmem:s2] =	stream.indirect.scatter.add.f32 [tilespmem:s18], [sflag:$0x5], $0x20, s22, s10, $0xb8;
	[tilespmem:$0xA300] =	vst v63  }
0x323: {  	_ =	swait.ge [sflag:s21], $0x1000  }
0x324: {  	[sflag:s21] =	ssyncset.done $0x0  }
0x325: {  	s24 =	simm.s32 $0x5400;
	[sflag:s21] =	ssyncadd.s32 $0xFFFFF000  }
0x326: {  	[tilespmem:s15], [sflag:$0x3] =	stream.indirect.gather [hbm4b:s9+s10], $0x20, s24, s10, $0xb8;
	[tilespmem:$0xA300] =	vst v63  }
0x327: {  	_ =	swait.ge [sflag:s16], $0x1000  }
0x328: {  	[sflag:s16] =	ssyncset.done $0x0  }
0x329: {  	s25 =	simm.s32 $0x5D00;
	[sflag:s16] =	ssyncadd.s32 $0xFFFFF000  }
0x32a: {  	[spmem:s2] =	stream.indirect.scatter.add.f32 [tilespmem:s11], [sflag:$0x5], $0x20, s25, s10, $0xb8;
	[tilespmem:$0xA300] =	vst v63  }
0x32b: {  	_ =	swait.ge [sflag:s21], $0x1000  }
0x32c: {  	[sflag:s21] =	ssyncset.done $0x0  }
0x32d: {  	s28 =	simm.s32 $0x5480;
	[sflag:s21] =	ssyncadd.s32 $0xFFFFF000  }
0x32e: {  	[tilespmem:s18], [sflag:$0x4] =	stream.indirect.gather [hbm4b:s9+s10], $0x20, s28, s10, $0xb8;
	[tilespmem:$0xA300] =	vst v63  }
0x32f: {  	_ =	swait.ge [sflag:s19], $0x1000  }
0x330: {  	[sflag:s19] =	ssyncset.done $0x0  }
0x331: {  	s31 =	simm.s32 $0x5D80;
	[sflag:s19] =	ssyncadd.s32 $0xFFFFF000  }
0x332: {  	[spmem:s2] =	stream.indirect.scatter.add.f32 [tilespmem:s13], [sflag:$0x5], $0x20, s31, s10, $0xb8;
	[tilespmem:$0xA300] =	vst v63  }
0x333: {  	_ =	swait.ge [sflag:s21], $0x1000  }
0x334: {  	[sflag:s21] =	ssyncset.done $0x0  }
0x335: {  	s1 =	simm.s32 $0x5500;
	[sflag:s21] =	ssyncadd.s32 $0xFFFFF000  }
0x336: {  	[tilespmem:s11], [sflag:$0x1] =	stream.indirect.gather [hbm4b:s9+s10], $0x20, s1, s10, $0xb8;
	[tilespmem:$0xA300] =	vst v63  }
0x337: {  	_ =	swait.ge [sflag:s23], $0x1000  }
0x338: {  	[sflag:s23] =	ssyncset.done $0x0  }
0x339: {  	s4 =	simm.s32 $0x5E00;
	[sflag:s23] =	ssyncadd.s32 $0xFFFFF000  }
0x33a: {  	[spmem:s2] =	stream.indirect.scatter.add.f32 [tilespmem:s15], [sflag:$0x5], $0x20, s4, s10, $0xb8;
	[tilespmem:$0xA300] =	vst v63  }
0x33b: {  	_ =	swait.ge [sflag:s21], $0x1000  }
0x33c: {  	[sflag:s21] =	ssyncset.done $0x0  }
0x33d: {  	s6 =	simm.s32 $0x5580;
	[sflag:s21] =	ssyncadd.s32 $0xFFFFF000  }
0x33e: {  	[tilespmem:s13], [sflag:$0x2] =	stream.indirect.gather [hbm4b:s9+s10], $0x20, s6, s10, $0xb8;
	[tilespmem:$0xA300] =	vst v63  }
0x33f: {  	_ =	swait.ge [sflag:s26], $0x1000  }
0x340: {  	[sflag:s26] =	ssyncset.done $0x0  }
0x341: {  	s12 =	simm.s32 $0x5E80;
	[sflag:s26] =	ssyncadd.s32 $0xFFFFF000  }
0x342: {  	[spmem:s2] =	stream.indirect.scatter.add.f32 [tilespmem:s18], [sflag:$0x5], $0x20, s12, s10, $0xb8;
	[tilespmem:$0xA300] =	vst v63  }
0x343: {  	_ =	swait.ge [sflag:s21], $0x1000  }
0x344: {  	[sflag:s21] =	ssyncset.done $0x0  }
0x345: {  	s14 =	simm.s32 $0x5600;
	[sflag:s21] =	ssyncadd.s32 $0xFFFFF000  }
0x346: {  	[tilespmem:s15], [sflag:$0x3] =	stream.indirect.gather [hbm4b:s9+s10], $0x20, s14, s10, $0xb8;
	[tilespmem:$0xA300] =	vst v63  }
0x347: {  	_ =	swait.ge [sflag:s16], $0x1000  }
0x348: {  	[sflag:s16] =	ssyncset.done $0x0  }
0x349: {  	s17 =	simm.s32 $0x5F00;
	[sflag:s16] =	ssyncadd.s32 $0xFFFFF000  }
0x34a: {  	[spmem:s2] =	stream.indirect.scatter.add.f32 [tilespmem:s11], [sflag:$0x5], $0x20, s17, s10, $0xb8;
	[tilespmem:$0xA300] =	vst v63  }
0x34b: {  	_ =	swait.ge [sflag:s21], $0x1000  }
0x34c: {  	[sflag:s21] =	ssyncset.done $0x0  }
0x34d: {  	s20 =	simm.s32 $0x5680;
	[sflag:s21] =	ssyncadd.s32 $0xFFFFF000  }
0x34e: {  	[tilespmem:s18], [sflag:$0x4] =	stream.indirect.gather [hbm4b:s9+s10], $0x20, s20, s10, $0xb8;
	[tilespmem:$0xA300] =	vst v63  }
0x34f: {  	_ =	swait.ge [sflag:s19], $0x1000  }
0x350: {  	[sflag:s19] =	ssyncset.done $0x0  }
0x351: {  	s22 =	simm.s32 $0x5F80;
	[sflag:s19] =	ssyncadd.s32 $0xFFFFF000  }
0x352: {  	[spmem:s2] =	stream.indirect.scatter.add.f32 [tilespmem:s13], [sflag:$0x5], $0x20, s22, s10, $0xb8;
	[tilespmem:$0xA300] =	vst v63  }
0x353: {  	_ =	swait.ge [sflag:s21], $0x1000  }
0x354: {  	[sflag:s21] =	ssyncset.done $0x0  }
0x355: {  	s24 =	simm.s32 $0x5700;
	[sflag:s21] =	ssyncadd.s32 $0xFFFFF000  }
0x356: {  	[tilespmem:s11], [sflag:$0x1] =	stream.indirect.gather [hbm4b:s9+s10], $0x20, s24, s10, $0xb8;
	[tilespmem:$0xA300] =	vst v63  }
0x357: {  	_ =	swait.ge [sflag:s23], $0x1000  }
0x358: {  	[sflag:s23] =	ssyncset.done $0x0  }
0x359: {  	s25 =	simm.s32 $0x6000;
	[sflag:s23] =	ssyncadd.s32 $0xFFFFF000  }
0x35a: {  	[spmem:s2] =	stream.indirect.scatter.add.f32 [tilespmem:s15], [sflag:$0x5], $0x20, s25, s10, $0xb8;
	[tilespmem:$0xA300] =	vst v63  }
0x35b: {  	_ =	swait.ge [sflag:s21], $0x1000  }
0x35c: {  	[sflag:s21] =	ssyncset.done $0x0  }
0x35d: {  	s1 =	simm.s32 $0x5780;
	[sflag:s21] =	ssyncadd.s32 $0xFFFFF000  }
0x35e: {  	[tilespmem:s13], [sflag:$0x2] =	stream.indirect.gather [hbm4b:s9+s10], $0x20, s1, s10, $0xb8;
	[tilespmem:$0xA300] =	vst v63  }
0x35f: {  	_ =	swait.ge [sflag:s26], $0x1000  }
0x360: {  	[sflag:s26] =	ssyncset.done $0x0  }
0x361: {  	s4 =	simm.s32 $0x6080;
	[sflag:s26] =	ssyncadd.s32 $0xFFFFF000  }
0x362: {  	[spmem:s2] =	stream.indirect.scatter.add.f32 [tilespmem:s18], [sflag:$0x5], $0x20, s4, s10, $0xb8;
	[tilespmem:$0xA300] =	vst v63  }
0x363: {  	_ =	swait.ge [sflag:s21], $0x1000  }
0x364: {  	[sflag:s21] =	ssyncset.done $0x0  }
0x365: {  	s6 =	simm.s32 $0x5800;
	[sflag:s21] =	ssyncadd.s32 $0xFFFFF000  }
0x366: {  	[tilespmem:s15], [sflag:$0x3] =	stream.indirect.gather [hbm4b:s9+s10], $0x20, s6, s10, $0xb8;
	[tilespmem:$0xA300] =	vst v63  }
0x367: {  	_ =	swait.ge [sflag:s16], $0x1000  }
0x368: {  	[sflag:s16] =	ssyncset.done $0x0  }
0x369: {  	s12 =	simm.s32 $0x6100;
	[sflag:s16] =	ssyncadd.s32 $0xFFFFF000  }
0x36a: {  	[spmem:s2] =	stream.indirect.scatter.add.f32 [tilespmem:s11], [sflag:$0x5], $0x20, s12, s10, $0xb8;
	[tilespmem:$0xA300] =	vst v63  }
0x36b: {  	_ =	swait.ge [sflag:s21], $0x1000  }
0x36c: {  	[sflag:s21] =	ssyncset.done $0x0  }
0x36d: {  	s14 =	simm.s32 $0x5880;
	[sflag:s21] =	ssyncadd.s32 $0xFFFFF000  }
0x36e: {  	[tilespmem:s18], [sflag:$0x4] =	stream.indirect.gather [hbm4b:s9+s10], $0x20, s14, s10, $0xb8;
	[tilespmem:$0xA300] =	vst v63  }
0x36f: {  	_ =	swait.ge [sflag:s19], $0x1000  }
0x370: {  	[sflag:s19] =	ssyncset.done $0x0  }
0x371: {  	s17 =	simm.s32 $0x6180;
	[sflag:s19] =	ssyncadd.s32 $0xFFFFF000  }
0x372: {  	[spmem:s2] =	stream.indirect.scatter.add.f32 [tilespmem:s13], [sflag:$0x5], $0x20, s17, s10, $0xb8;
	[tilespmem:$0xA300] =	vst v63  }
0x373: {  	_ =	swait.ge [sflag:s21], $0x1000  }
0x374: {  	[sflag:s21] =	ssyncset.done $0x0  }
0x375: {  	[sflag:s21] =	ssyncadd.s32 $0xFFFFF000  }
0x376: {  	_ =	swait.ge [sflag:s23], $0x1000  }
0x377: {  	[sflag:s23] =	ssyncset.done $0x0  }
0x378: {  	s20 =	simm.s32 $0x6200;
	[sflag:s23] =	ssyncadd.s32 $0xFFFFF000  }
0x379: {  	[spmem:s2] =	stream.indirect.scatter.add.f32 [tilespmem:s15], [sflag:$0x5], $0x20, s20, s10, $0xb8;
	[tilespmem:$0xA300] =	vst v63  }
0x37a: {  	_ =	swait.ge [sflag:s21], $0x1000  }
0x37b: {  	[sflag:s21] =	ssyncset.done $0x0  }
0x37c: {  	[sflag:s21] =	ssyncadd.s32 $0xFFFFF000  }
0x37d: {  	_ =	swait.ge [sflag:s26], $0x1000  }
0x37e: {  	[sflag:s26] =	ssyncset.done $0x0  }
0x37f: {  	s22 =	simm.s32 $0x6280;
	[sflag:s26] =	ssyncadd.s32 $0xFFFFF000  }
0x380: {  	[spmem:s2] =	stream.indirect.scatter.add.f32 [tilespmem:s18], [sflag:$0x5], $0x20, s22, s10, $0xb8;
	[tilespmem:$0xA300] =	vst v63  }
0x381: {  	_ =	swait.ge [sflag:s21], $0x1000  }
0x382: {  	[sflag:s21] =	ssyncset.done $0x0  }
0x383: {  	[sflag:s21] =	ssyncadd.s32 $0xFFFFF000  }
0x384: {  	_ =	swait.ge [sflag:s21], $0x1000  }
0x385: {  	[sflag:s21] =	ssyncset.done $0x0  }
0x386: {  	s24 =	rddreg [dreg:$0x7];
	[sflag:s21] =	ssyncadd.s32 $0xFFFFF000  }
0x387: {  	[tilespmem:s8], [sflag:$0x6] =	stream.linear.gather [hbm4b:s24+s7], $0xA00, $0x38;
	[tilespmem:$0xA300] =	vst v63  }
0x388: {  	_ =	swait.ge [sflag:s5], $0xA00  }
0x389: {  	[sflag:s5] =	ssyncset.done $0x0  }
0x38a: {  	s25 =	rddreg [dreg:$0x8];
	[sflag:s5] =	ssyncadd.s32 $0xFFFFF600  }
0x38b: {  	[tilespmem:s0], [sflag:$0x6] =	stream.linear.gather [hbm4b:s25+s7], $0xA00, $0x38;
	[tilespmem:$0xA300] =	vst v63  }
0x38c: {  	_ =	swait.ge [sflag:s5], $0xA00  }
0x38d: {  	[sflag:s5] =	ssyncset.done $0x0  }
0x38e: {  	[sflag:s5] =	ssyncadd.s32 $0xFFFFF600  }
0x38f: {  	[tilespmem:s11], [sflag:$0x1] =	stream.indirect.gather [hbm4b:s9+s10], $0x20, s8, s10, $0xb8;
	[tilespmem:$0xA300] =	vst v63  }
0x390: {  	s1 =	simm.s32 $0x4F80  }
0x391: {  	[tilespmem:s13], [sflag:$0x2] =	stream.indirect.gather [hbm4b:s9+s10], $0x20, s1, s10, $0xb8;
	[tilespmem:$0xA300] =	vst v63  }
0x392: {  	s3 =	simm.s32 $0x5000  }
0x393: {  	[tilespmem:s15], [sflag:$0x3] =	stream.indirect.gather [hbm4b:s9+s10], $0x20, s3, s10, $0xb8;
	[tilespmem:$0xA300] =	vst v63  }
0x394: {  	_ =	swait.ge [sflag:s16], $0x1000  }
0x395: {  	[sflag:s16] =	ssyncset.done $0x0  }
0x396: {  	[sflag:s16] =	ssyncadd.s32 $0xFFFFF000  }
0x397: {  	[spmem:s2] =	stream.indirect.scatter.add.f32 [tilespmem:s11], [sflag:$0x5], $0x20, s0, s10, $0xb8;
	[tilespmem:$0xA300] =	vst v63  }
0x398: {  	s4 =	simm.s32 $0x5080  }
0x399: {  	[tilespmem:s18], [sflag:$0x4] =	stream.indirect.gather [hbm4b:s9+s10], $0x20, s4, s10, $0xb8;
	[tilespmem:$0xA300] =	vst v63  }
0x39a: {  	_ =	swait.ge [sflag:s19], $0x1000  }
0x39b: {  	[sflag:s19] =	ssyncset.done $0x0  }
0x39c: {  	s6 =	simm.s32 $0x5980;
	[sflag:s19] =	ssyncadd.s32 $0xFFFFF000  }
0x39d: {  	[spmem:s2] =	stream.indirect.scatter.add.f32 [tilespmem:s13], [sflag:$0x5], $0x20, s6, s10, $0xb8;
	[tilespmem:$0xA300] =	vst v63  }
0x39e: {  	_ =	swait.ge [sflag:s21], $0x1000  }
0x39f: {  	[sflag:s21] =	ssyncset.done $0x0  }
0x3a0: {  	s12 =	simm.s32 $0x5100;
	[sflag:s21] =	ssyncadd.s32 $0xFFFFF000  }
0x3a1: {  	[tilespmem:s11], [sflag:$0x1] =	stream.indirect.gather [hbm4b:s9+s10], $0x20, s12, s10, $0xb8;
	[tilespmem:$0xA300] =	vst v63  }
0x3a2: {  	_ =	swait.ge [sflag:s23], $0x1000  }
0x3a3: {  	[sflag:s23] =	ssyncset.done $0x0  }
0x3a4: {  	s14 =	simm.s32 $0x5A00;
	[sflag:s23] =	ssyncadd.s32 $0xFFFFF000  }
0x3a5: {  	[spmem:s2] =	stream.indirect.scatter.add.f32 [tilespmem:s15], [sflag:$0x5], $0x20, s14, s10, $0xb8;
	[tilespmem:$0xA300] =	vst v63  }
0x3a6: {  	_ =	swait.ge [sflag:s21], $0x1000  }
0x3a7: {  	[sflag:s21] =	ssyncset.done $0x0  }
0x3a8: {  	s17 =	simm.s32 $0x5180;
	[sflag:s21] =	ssyncadd.s32 $0xFFFFF000  }
0x3a9: {  	[tilespmem:s13], [sflag:$0x2] =	stream.indirect.gather [hbm4b:s9+s10], $0x20, s17, s10, $0xb8;
	[tilespmem:$0xA300] =	vst v63  }
0x3aa: {  	_ =	swait.ge [sflag:s26], $0x1000  }
0x3ab: {  	[sflag:s26] =	ssyncset.done $0x0  }
0x3ac: {  	s20 =	simm.s32 $0x5A80;
	[sflag:s26] =	ssyncadd.s32 $0xFFFFF000  }
0x3ad: {  	[spmem:s2] =	stream.indirect.scatter.add.f32 [tilespmem:s18], [sflag:$0x5], $0x20, s20, s10, $0xb8;
	[tilespmem:$0xA300] =	vst v63  }
0x3ae: {  	_ =	swait.ge [sflag:s21], $0x1000  }
0x3af: {  	[sflag:s21] =	ssyncset.done $0x0  }
0x3b0: {  	s22 =	simm.s32 $0x5200;
	[sflag:s21] =	ssyncadd.s32 $0xFFFFF000  }
0x3b1: {  	[tilespmem:s15], [sflag:$0x3] =	stream.indirect.gather [hbm4b:s9+s10], $0x20, s22, s10, $0xb8;
	[tilespmem:$0xA300] =	vst v63  }
0x3b2: {  	_ =	swait.ge [sflag:s16], $0x1000  }
0x3b3: {  	[sflag:s16] =	ssyncset.done $0x0  }
0x3b4: {  	s24 =	simm.s32 $0x5B00;
	[sflag:s16] =	ssyncadd.s32 $0xFFFFF000  }
0x3b5: {  	[spmem:s2] =	stream.indirect.scatter.add.f32 [tilespmem:s11], [sflag:$0x5], $0x20, s24, s10, $0xb8;
	[tilespmem:$0xA300] =	vst v63  }
0x3b6: {  	_ =	swait.ge [sflag:s21], $0x1000  }
0x3b7: {  	[sflag:s21] =	ssyncset.done $0x0  }
0x3b8: {  	s25 =	simm.s32 $0x5280;
	[sflag:s21] =	ssyncadd.s32 $0xFFFFF000  }
0x3b9: {  	[tilespmem:s18], [sflag:$0x4] =	stream.indirect.gather [hbm4b:s9+s10], $0x20, s25, s10, $0xb8;
	[tilespmem:$0xA300] =	vst v63  }
0x3ba: {  	_ =	swait.ge [sflag:s19], $0x1000  }
0x3bb: {  	[sflag:s19] =	ssyncset.done $0x0  }
0x3bc: {  	s3 =	simm.s32 $0x5B80;
	[sflag:s19] =	ssyncadd.s32 $0xFFFFF000  }
0x3bd: {  	[spmem:s2] =	stream.indirect.scatter.add.f32 [tilespmem:s13], [sflag:$0x5], $0x20, s3, s10, $0xb8;
	[tilespmem:$0xA300] =	vst v63  }
0x3be: {  	_ =	swait.ge [sflag:s21], $0x1000  }
0x3bf: {  	[sflag:s21] =	ssyncset.done $0x0  }
0x3c0: {  	s30 =	simm.s32 $0x5300;
	[sflag:s21] =	ssyncadd.s32 $0xFFFFF000  }
0x3c1: {  	[tilespmem:s11], [sflag:$0x1] =	stream.indirect.gather [hbm4b:s9+s10], $0x20, s30, s10, $0xb8;
	[tilespmem:$0xA300] =	vst v63  }
0x3c2: {  	_ =	swait.ge [sflag:s23], $0x1000  }
0x3c3: {  	[sflag:s23] =	ssyncset.done $0x0  }
0x3c4: {  	s30 =	simm.s32 $0x5C00;
	[sflag:s23] =	ssyncadd.s32 $0xFFFFF000  }
0x3c5: {  	[spmem:s2] =	stream.indirect.scatter.add.f32 [tilespmem:s15], [sflag:$0x5], $0x20, s30, s10, $0xb8;
	[tilespmem:$0xA300] =	vst v63  }
0x3c6: {  	_ =	swait.ge [sflag:s21], $0x1000  }
0x3c7: {  	[sflag:s21] =	ssyncset.done $0x0  }
0x3c8: {  	s30 =	simm.s32 $0x5380;
	[sflag:s21] =	ssyncadd.s32 $0xFFFFF000  }
0x3c9: {  	[tilespmem:s13], [sflag:$0x2] =	stream.indirect.gather [hbm4b:s9+s10], $0x20, s30, s10, $0xb8;
	[tilespmem:$0xA300] =	vst v63  }
0x3ca: {  	_ =	swait.ge [sflag:s26], $0x1000  }
0x3cb: {  	[sflag:s26] =	ssyncset.done $0x0  }
0x3cc: {  	s30 =	simm.s32 $0x5C80;
	[sflag:s26] =	ssyncadd.s32 $0xFFFFF000  }
0x3cd: {  	[spmem:s2] =	stream.indirect.scatter.add.f32 [tilespmem:s18], [sflag:$0x5], $0x20, s30, s10, $0xb8;
	[tilespmem:$0xA300] =	vst v63  }
0x3ce: {  	_ =	swait.ge [sflag:s21], $0x1000  }
0x3cf: {  	[sflag:s21] =	ssyncset.done $0x0  }
0x3d0: {  	s30 =	simm.s32 $0x5400;
	[sflag:s21] =	ssyncadd.s32 $0xFFFFF000  }
0x3d1: {  	[tilespmem:s15], [sflag:$0x3] =	stream.indirect.gather [hbm4b:s9+s10], $0x20, s30, s10, $0xb8;
	[tilespmem:$0xA300] =	vst v63  }
0x3d2: {  	_ =	swait.ge [sflag:s16], $0x1000  }
0x3d3: {  	[sflag:s16] =	ssyncset.done $0x0  }
0x3d4: {  	s30 =	simm.s32 $0x5D00;
	[sflag:s16] =	ssyncadd.s32 $0xFFFFF000  }
0x3d5: {  	[spmem:s2] =	stream.indirect.scatter.add.f32 [tilespmem:s11], [sflag:$0x5], $0x20, s30, s10, $0xb8;
	[tilespmem:$0xA300] =	vst v63  }
0x3d6: {  	_ =	swait.ge [sflag:s21], $0x1000  }
0x3d7: {  	[sflag:s21] =	ssyncset.done $0x0  }
0x3d8: {  	s30 =	simm.s32 $0x5480;
	[sflag:s21] =	ssyncadd.s32 $0xFFFFF000  }
0x3d9: {  	[tilespmem:s18], [sflag:$0x4] =	stream.indirect.gather [hbm4b:s9+s10], $0x20, s30, s10, $0xb8;
	[tilespmem:$0xA300] =	vst v63  }
0x3da: {  	_ =	swait.ge [sflag:s19], $0x1000  }
0x3db: {  	[sflag:s19] =	ssyncset.done $0x0  }
0x3dc: {  	s30 =	simm.s32 $0x5D80;
	[sflag:s19] =	ssyncadd.s32 $0xFFFFF000  }
0x3dd: {  	[spmem:s2] =	stream.indirect.scatter.add.f32 [tilespmem:s13], [sflag:$0x5], $0x20, s30, s10, $0xb8;
	[tilespmem:$0xA300] =	vst v63  }
0x3de: {  	_ =	swait.ge [sflag:s21], $0x1000  }
0x3df: {  	[sflag:s21] =	ssyncset.done $0x0  }
0x3e0: {  	s30 =	simm.s32 $0x5500;
	[sflag:s21] =	ssyncadd.s32 $0xFFFFF000  }
0x3e1: {  	[tilespmem:s11], [sflag:$0x1] =	stream.indirect.gather [hbm4b:s9+s10], $0x20, s30, s10, $0xb8;
	[tilespmem:$0xA300] =	vst v63  }
0x3e2: {  	_ =	swait.ge [sflag:s23], $0x1000  }
0x3e3: {  	[sflag:s23] =	ssyncset.done $0x0  }
0x3e4: {  	s30 =	simm.s32 $0x5E00;
	[sflag:s23] =	ssyncadd.s32 $0xFFFFF000  }
0x3e5: {  	[spmem:s2] =	stream.indirect.scatter.add.f32 [tilespmem:s15], [sflag:$0x5], $0x20, s30, s10, $0xb8;
	[tilespmem:$0xA300] =	vst v63  }
0x3e6: {  	_ =	swait.ge [sflag:s21], $0x1000  }
0x3e7: {  	[sflag:s21] =	ssyncset.done $0x0  }
0x3e8: {  	s30 =	simm.s32 $0x5580;
	[sflag:s21] =	ssyncadd.s32 $0xFFFFF000  }
0x3e9: {  	[tilespmem:s13], [sflag:$0x2] =	stream.indirect.gather [hbm4b:s9+s10], $0x20, s30, s10, $0xb8;
	[tilespmem:$0xA300] =	vst v63  }
0x3ea: {  	_ =	swait.ge [sflag:s26], $0x1000  }
0x3eb: {  	[sflag:s26] =	ssyncset.done $0x0  }
0x3ec: {  	s30 =	simm.s32 $0x5E80;
	[sflag:s26] =	ssyncadd.s32 $0xFFFFF000  }
0x3ed: {  	[spmem:s2] =	stream.indirect.scatter.add.f32 [tilespmem:s18], [sflag:$0x5], $0x20, s30, s10, $0xb8;
	[tilespmem:$0xA300] =	vst v63  }
0x3ee: {  	_ =	swait.ge [sflag:s21], $0x1000  }
0x3ef: {  	[sflag:s21] =	ssyncset.done $0x0  }
0x3f0: {  	s28 =	simm.s32 $0x5600;
	[sflag:s21] =	ssyncadd.s32 $0xFFFFF000  }
0x3f1: {  	[tilespmem:s15], [sflag:$0x3] =	stream.indirect.gather [hbm4b:s9+s10], $0x20, s28, s10, $0xb8;
	[tilespmem:$0xA300] =	vst v63  }
0x3f2: {  	_ =	swait.ge [sflag:s16], $0x1000  }
0x3f3: {  	[sflag:s16] =	ssyncset.done $0x0  }
0x3f4: {  	s31 =	simm.s32 $0x5F00;
	[sflag:s16] =	ssyncadd.s32 $0xFFFFF000  }
0x3f5: {  	[spmem:s2] =	stream.indirect.scatter.add.f32 [tilespmem:s11], [sflag:$0x5], $0x20, s31, s10, $0xb8;
	[tilespmem:$0xA300] =	vst v63  }
0x3f6: {  	_ =	swait.ge [sflag:s21], $0x1000  }
0x3f7: {  	[sflag:s21] =	ssyncset.done $0x0  }
0x3f8: {  	s31 =	simm.s32 $0x5680;
	[sflag:s21] =	ssyncadd.s32 $0xFFFFF000  }
0x3f9: {  	[tilespmem:s18], [sflag:$0x4] =	stream.indirect.gather [hbm4b:s9+s10], $0x20, s31, s10, $0xb8;
	[tilespmem:$0xA300] =	vst v63  }
0x3fa: {  	_ =	swait.ge [sflag:s19], $0x1000  }
0x3fb: {  	[sflag:s19] =	ssyncset.done $0x0  }
0x3fc: {  	s30 =	simm.s32 $0x5F80;
	[sflag:s19] =	ssyncadd.s32 $0xFFFFF000  }
0x3fd: {  	[spmem:s2] =	stream.indirect.scatter.add.f32 [tilespmem:s13], [sflag:$0x5], $0x20, s30, s10, $0xb8;
	[tilespmem:$0xA300] =	vst v63  }
0x3fe: {  	_ =	swait.ge [sflag:s21], $0x1000  }
0x3ff: {  	[sflag:s21] =	ssyncset.done $0x0  }
0x400: {  	s31 =	simm.s32 $0x5700;
	[sflag:s21] =	ssyncadd.s32 $0xFFFFF000  }
0x401: {  	[tilespmem:s11], [sflag:$0x1] =	stream.indirect.gather [hbm4b:s9+s10], $0x20, s31, s10, $0xb8;
	[tilespmem:$0xA300] =	vst v63  }
0x402: {  	_ =	swait.ge [sflag:s23], $0x1000  }
0x403: {  	[sflag:s23] =	ssyncset.done $0x0  }
0x404: {  	s30 =	simm.s32 $0x6000;
	[sflag:s23] =	ssyncadd.s32 $0xFFFFF000  }
0x405: {  	[spmem:s2] =	stream.indirect.scatter.add.f32 [tilespmem:s15], [sflag:$0x5], $0x20, s30, s10, $0xb8;
	[tilespmem:$0xA300] =	vst v63  }
0x406: {  	_ =	swait.ge [sflag:s21], $0x1000  }
0x407: {  	[sflag:s21] =	ssyncset.done $0x0  }
0x408: {  	s31 =	simm.s32 $0x5780;
	[sflag:s21] =	ssyncadd.s32 $0xFFFFF000  }
0x409: {  	[tilespmem:s13], [sflag:$0x2] =	stream.indirect.gather [hbm4b:s9+s10], $0x20, s31, s10, $0xb8;
	[tilespmem:$0xA300] =	vst v63  }
0x40a: {  	_ =	swait.ge [sflag:s26], $0x1000  }
0x40b: {  	[sflag:s26] =	ssyncset.done $0x0  }
0x40c: {  	s30 =	simm.s32 $0x6080;
	[sflag:s26] =	ssyncadd.s32 $0xFFFFF000  }
0x40d: {  	[spmem:s2] =	stream.indirect.scatter.add.f32 [tilespmem:s18], [sflag:$0x5], $0x20, s30, s10, $0xb8;
	[tilespmem:$0xA300] =	vst v63  }
0x40e: {  	_ =	swait.ge [sflag:s21], $0x1000  }
0x40f: {  	[sflag:s21] =	ssyncset.done $0x0  }
0x410: {  	s31 =	simm.s32 $0x5800;
	[sflag:s21] =	ssyncadd.s32 $0xFFFFF000  }
0x411: {  	[tilespmem:s15], [sflag:$0x3] =	stream.indirect.gather [hbm4b:s9+s10], $0x20, s31, s10, $0xb8;
	[tilespmem:$0xA300] =	vst v63  }
0x412: {  	_ =	swait.ge [sflag:s16], $0x1000  }
0x413: {  	[sflag:s16] =	ssyncset.done $0x0  }
0x414: {  	s30 =	simm.s32 $0x6100;
	[sflag:s16] =	ssyncadd.s32 $0xFFFFF000  }
0x415: {  	[spmem:s2] =	stream.indirect.scatter.add.f32 [tilespmem:s11], [sflag:$0x5], $0x20, s30, s10, $0xb8;
	[tilespmem:$0xA300] =	vst v63  }
0x416: {  	_ =	swait.ge [sflag:s21], $0x1000  }
0x417: {  	[sflag:s21] =	ssyncset.done $0x0  }
0x418: {  	s31 =	simm.s32 $0x5880;
	[sflag:s21] =	ssyncadd.s32 $0xFFFFF000  }
0x419: {  	[tilespmem:s18], [sflag:$0x4] =	stream.indirect.gather [hbm4b:s9+s10], $0x20, s31, s10, $0xb8;
	[tilespmem:$0xA300] =	vst v63  }
0x41a: {  	_ =	swait.ge [sflag:s19], $0x1000  }
0x41b: {  	[sflag:s19] =	ssyncset.done $0x0  }
0x41c: {  	s30 =	simm.s32 $0x6180;
	[sflag:s19] =	ssyncadd.s32 $0xFFFFF000  }
0x41d: {  	[spmem:s2] =	stream.indirect.scatter.add.f32 [tilespmem:s13], [sflag:$0x5], $0x20, s30, s10, $0xb8;
	[tilespmem:$0xA300] =	vst v63  }
0x41e: {  	_ =	swait.ge [sflag:s21], $0x1000  }
0x41f: {  	[sflag:s21] =	ssyncset.done $0x0  }
0x420: {  	[sflag:s21] =	ssyncadd.s32 $0xFFFFF000  }
0x421: {  	_ =	swait.ge [sflag:s23], $0x1000  }
0x422: {  	[sflag:s23] =	ssyncset.done $0x0  }
0x423: {  	s31 =	simm.s32 $0x6200;
	[sflag:s23] =	ssyncadd.s32 $0xFFFFF000  }
0x424: {  	[spmem:s2] =	stream.indirect.scatter.add.f32 [tilespmem:s15], [sflag:$0x5], $0x20, s31, s10, $0xb8;
	[tilespmem:$0xA300] =	vst v63  }
0x425: {  	_ =	swait.ge [sflag:s21], $0x1000  }
0x426: {  	[sflag:s21] =	ssyncset.done $0x0  }
0x427: {  	[sflag:s21] =	ssyncadd.s32 $0xFFFFF000  }
0x428: {  	_ =	swait.ge [sflag:s26], $0x1000  }
0x429: {  	[sflag:s26] =	ssyncset.done $0x0  }
0x42a: {  	s30 =	simm.s32 $0x6280;
	[sflag:s26] =	ssyncadd.s32 $0xFFFFF000  }
0x42b: {  	[spmem:s2] =	stream.indirect.scatter.add.f32 [tilespmem:s18], [sflag:$0x5], $0x20, s30, s10, $0xb8;
	[tilespmem:$0xA300] =	vst v63  }
0x42c: {  	_ =	swait.ge [sflag:s21], $0x1000  }
0x42d: {  	[sflag:s21] =	ssyncset.done $0x0  }
0x42e: {  	[sflag:s21] =	ssyncadd.s32 $0xFFFFF000  }
0x42f: {  	_ =	swait.ge [sflag:s21], $0x1000  }
0x430: {  	[sflag:s21] =	ssyncset.done $0x0  }
0x431: {  	s31 =	rddreg [dreg:$0x9];
	[sflag:s21] =	ssyncadd.s32 $0xFFFFF000  }
0x432: {  	[tilespmem:s8], [sflag:$0x6] =	stream.linear.gather [hbm4b:s31+s7], $0xA00, $0x38;
	[tilespmem:$0xA300] =	vst v63  }
0x433: {  	_ =	swait.ge [sflag:s5], $0xA00  }
0x434: {  	[sflag:s5] =	ssyncset.done $0x0  }
0x435: {  	s28 =	rddreg [dreg:$0xa];
	[sflag:s5] =	ssyncadd.s32 $0xFFFFF600  }
0x436: {  	[tilespmem:s0], [sflag:$0x6] =	stream.linear.gather [hbm4b:s28+s7], $0xA00, $0x38;
	[tilespmem:$0xA300] =	vst v63  }
0x437: {  	_ =	swait.ge [sflag:s5], $0xA00  }
0x438: {  	[sflag:s5] =	ssyncset.done $0x0  }
0x439: {  	[sflag:s5] =	ssyncadd.s32 $0xFFFFF600  }
0x43a: {  	[tilespmem:s11], [sflag:$0x1] =	stream.indirect.gather [hbm4b:s9+s10], $0x20, s8, s10, $0xb8;
	[tilespmem:$0xA300] =	vst v63  }
0x43b: {  	_ = 	snop  }
0x43c: {  	[tilespmem:s13], [sflag:$0x2] =	stream.indirect.gather [hbm4b:s9+s10], $0x20, s1, s10, $0xb8;
	[tilespmem:$0xA300] =	vst v63  }
0x43d: {  	s30 =	simm.s32 $0x5000  }
0x43e: {  	[tilespmem:s15], [sflag:$0x3] =	stream.indirect.gather [hbm4b:s9+s10], $0x20, s30, s10, $0xb8;
	[tilespmem:$0xA300] =	vst v63  }
0x43f: {  	_ =	swait.ge [sflag:s16], $0x1000  }
0x440: {  	[sflag:s16] =	ssyncset.done $0x0  }
0x441: {  	[sflag:s16] =	ssyncadd.s32 $0xFFFFF000  }
0x442: {  	[spmem:s2] =	stream.indirect.scatter.add.f32 [tilespmem:s11], [sflag:$0x5], $0x20, s0, s10, $0xb8;
	[tilespmem:$0xA300] =	vst v63  }
0x443: {  	_ = 	snop  }
0x444: {  	[tilespmem:s18], [sflag:$0x4] =	stream.indirect.gather [hbm4b:s9+s10], $0x20, s4, s10, $0xb8;
	[tilespmem:$0xA300] =	vst v63  }
0x445: {  	_ =	swait.ge [sflag:s19], $0x1000  }
0x446: {  	[sflag:s19] =	ssyncset.done $0x0  }
0x447: {  	[sflag:s19] =	ssyncadd.s32 $0xFFFFF000  }
0x448: {  	[spmem:s2] =	stream.indirect.scatter.add.f32 [tilespmem:s13], [sflag:$0x5], $0x20, s6, s10, $0xb8;
	[tilespmem:$0xA300] =	vst v63  }
0x449: {  	_ =	swait.ge [sflag:s21], $0x1000  }
0x44a: {  	[sflag:s21] =	ssyncset.done $0x0  }
0x44b: {  	[sflag:s21] =	ssyncadd.s32 $0xFFFFF000  }
0x44c: {  	[tilespmem:s11], [sflag:$0x1] =	stream.indirect.gather [hbm4b:s9+s10], $0x20, s12, s10, $0xb8;
	[tilespmem:$0xA300] =	vst v63  }
0x44d: {  	_ =	swait.ge [sflag:s23], $0x1000  }
0x44e: {  	[sflag:s23] =	ssyncset.done $0x0  }
0x44f: {  	[sflag:s23] =	ssyncadd.s32 $0xFFFFF000  }
0x450: {  	[spmem:s2] =	stream.indirect.scatter.add.f32 [tilespmem:s15], [sflag:$0x5], $0x20, s14, s10, $0xb8;
	[tilespmem:$0xA300] =	vst v63  }
0x451: {  	_ =	swait.ge [sflag:s21], $0x1000  }
0x452: {  	[sflag:s21] =	ssyncset.done $0x0  }
0x453: {  	[sflag:s21] =	ssyncadd.s32 $0xFFFFF000  }
0x454: {  	[tilespmem:s13], [sflag:$0x2] =	stream.indirect.gather [hbm4b:s9+s10], $0x20, s17, s10, $0xb8;
	[tilespmem:$0xA300] =	vst v63  }
0x455: {  	_ =	swait.ge [sflag:s26], $0x1000  }
0x456: {  	[sflag:s26] =	ssyncset.done $0x0  }
0x457: {  	[sflag:s26] =	ssyncadd.s32 $0xFFFFF000  }
0x458: {  	[spmem:s2] =	stream.indirect.scatter.add.f32 [tilespmem:s18], [sflag:$0x5], $0x20, s20, s10, $0xb8;
	[tilespmem:$0xA300] =	vst v63  }
0x459: {  	_ =	swait.ge [sflag:s21], $0x1000  }
0x45a: {  	[sflag:s21] =	ssyncset.done $0x0  }
0x45b: {  	[sflag:s21] =	ssyncadd.s32 $0xFFFFF000  }
0x45c: {  	[tilespmem:s15], [sflag:$0x3] =	stream.indirect.gather [hbm4b:s9+s10], $0x20, s22, s10, $0xb8;
	[tilespmem:$0xA300] =	vst v63  }
0x45d: {  	_ =	swait.ge [sflag:s16], $0x1000  }
0x45e: {  	[sflag:s16] =	ssyncset.done $0x0  }
0x45f: {  	[sflag:s16] =	ssyncadd.s32 $0xFFFFF000  }
0x460: {  	[spmem:s2] =	stream.indirect.scatter.add.f32 [tilespmem:s11], [sflag:$0x5], $0x20, s24, s10, $0xb8;
	[tilespmem:$0xA300] =	vst v63  }
0x461: {  	_ =	swait.ge [sflag:s21], $0x1000  }
0x462: {  	[sflag:s21] =	ssyncset.done $0x0  }
0x463: {  	[sflag:s21] =	ssyncadd.s32 $0xFFFFF000  }
0x464: {  	[tilespmem:s18], [sflag:$0x4] =	stream.indirect.gather [hbm4b:s9+s10], $0x20, s25, s10, $0xb8;
	[tilespmem:$0xA300] =	vst v63  }
0x465: {  	_ =	swait.ge [sflag:s19], $0x1000  }
0x466: {  	[sflag:s19] =	ssyncset.done $0x0  }
0x467: {  	[sflag:s19] =	ssyncadd.s32 $0xFFFFF000  }
0x468: {  	[spmem:s2] =	stream.indirect.scatter.add.f32 [tilespmem:s13], [sflag:$0x5], $0x20, s3, s10, $0xb8;
	[tilespmem:$0xA300] =	vst v63  }
0x469: {  	_ =	swait.ge [sflag:s21], $0x1000  }
0x46a: {  	[sflag:s21] =	ssyncset.done $0x0  }
0x46b: {  	s31 =	simm.s32 $0x5300;
	[sflag:s21] =	ssyncadd.s32 $0xFFFFF000  }
0x46c: {  	[tilespmem:s11], [sflag:$0x1] =	stream.indirect.gather [hbm4b:s9+s10], $0x20, s31, s10, $0xb8;
	[tilespmem:$0xA300] =	vst v63  }
0x46d: {  	_ =	swait.ge [sflag:s23], $0x1000  }
0x46e: {  	[sflag:s23] =	ssyncset.done $0x0  }
0x46f: {  	s30 =	simm.s32 $0x5C00;
	[sflag:s23] =	ssyncadd.s32 $0xFFFFF000  }
0x470: {  	[spmem:s2] =	stream.indirect.scatter.add.f32 [tilespmem:s15], [sflag:$0x5], $0x20, s30, s10, $0xb8;
	[tilespmem:$0xA300] =	vst v63  }
0x471: {  	_ =	swait.ge [sflag:s21], $0x1000  }
0x472: {  	[sflag:s21] =	ssyncset.done $0x0  }
0x473: {  	s31 =	simm.s32 $0x5380;
	[sflag:s21] =	ssyncadd.s32 $0xFFFFF000  }
0x474: {  	[tilespmem:s13], [sflag:$0x2] =	stream.indirect.gather [hbm4b:s9+s10], $0x20, s31, s10, $0xb8;
	[tilespmem:$0xA300] =	vst v63  }
0x475: {  	_ =	swait.ge [sflag:s26], $0x1000  }
0x476: {  	[sflag:s26] =	ssyncset.done $0x0  }
0x477: {  	s30 =	simm.s32 $0x5C80;
	[sflag:s26] =	ssyncadd.s32 $0xFFFFF000  }
0x478: {  	[spmem:s2] =	stream.indirect.scatter.add.f32 [tilespmem:s18], [sflag:$0x5], $0x20, s30, s10, $0xb8;
	[tilespmem:$0xA300] =	vst v63  }
0x479: {  	_ =	swait.ge [sflag:s21], $0x1000  }
0x47a: {  	[sflag:s21] =	ssyncset.done $0x0  }
0x47b: {  	s30 =	simm.s32 $0x5400;
	[sflag:s21] =	ssyncadd.s32 $0xFFFFF000  }
0x47c: {  	[tilespmem:s15], [sflag:$0x3] =	stream.indirect.gather [hbm4b:s9+s10], $0x20, s30, s10, $0xb8;
	[tilespmem:$0xA300] =	vst v63  }
0x47d: {  	_ =	swait.ge [sflag:s16], $0x1000  }
0x47e: {  	[sflag:s16] =	ssyncset.done $0x0  }
0x47f: {  	s30 =	simm.s32 $0x5D00;
	[sflag:s16] =	ssyncadd.s32 $0xFFFFF000  }
0x480: {  	[spmem:s2] =	stream.indirect.scatter.add.f32 [tilespmem:s11], [sflag:$0x5], $0x20, s30, s10, $0xb8;
	[tilespmem:$0xA300] =	vst v63  }
0x481: {  	_ =	swait.ge [sflag:s21], $0x1000  }
0x482: {  	[sflag:s21] =	ssyncset.done $0x0  }
0x483: {  	s30 =	simm.s32 $0x5480;
	[sflag:s21] =	ssyncadd.s32 $0xFFFFF000  }
0x484: {  	[tilespmem:s18], [sflag:$0x4] =	stream.indirect.gather [hbm4b:s9+s10], $0x20, s30, s10, $0xb8;
	[tilespmem:$0xA300] =	vst v63  }
0x485: {  	_ =	swait.ge [sflag:s19], $0x1000  }
0x486: {  	[sflag:s19] =	ssyncset.done $0x0  }
0x487: {  	s30 =	simm.s32 $0x5D80;
	[sflag:s19] =	ssyncadd.s32 $0xFFFFF000  }
0x488: {  	[spmem:s2] =	stream.indirect.scatter.add.f32 [tilespmem:s13], [sflag:$0x5], $0x20, s30, s10, $0xb8;
	[tilespmem:$0xA300] =	vst v63  }
0x489: {  	_ =	swait.ge [sflag:s21], $0x1000  }
0x48a: {  	[sflag:s21] =	ssyncset.done $0x0  }
0x48b: {  	s30 =	simm.s32 $0x5500;
	[sflag:s21] =	ssyncadd.s32 $0xFFFFF000  }
0x48c: {  	[tilespmem:s11], [sflag:$0x1] =	stream.indirect.gather [hbm4b:s9+s10], $0x20, s30, s10, $0xb8;
	[tilespmem:$0xA300] =	vst v63  }
0x48d: {  	_ =	swait.ge [sflag:s23], $0x1000  }
0x48e: {  	[sflag:s23] =	ssyncset.done $0x0  }
0x48f: {  	s30 =	simm.s32 $0x5E00;
	[sflag:s23] =	ssyncadd.s32 $0xFFFFF000  }
0x490: {  	[spmem:s2] =	stream.indirect.scatter.add.f32 [tilespmem:s15], [sflag:$0x5], $0x20, s30, s10, $0xb8;
	[tilespmem:$0xA300] =	vst v63  }
0x491: {  	_ =	swait.ge [sflag:s21], $0x1000  }
0x492: {  	[sflag:s21] =	ssyncset.done $0x0  }
0x493: {  	s30 =	simm.s32 $0x5580;
	[sflag:s21] =	ssyncadd.s32 $0xFFFFF000  }
0x494: {  	[tilespmem:s13], [sflag:$0x2] =	stream.indirect.gather [hbm4b:s9+s10], $0x20, s30, s10, $0xb8;
	[tilespmem:$0xA300] =	vst v63  }
0x495: {  	_ =	swait.ge [sflag:s26], $0x1000  }
0x496: {  	[sflag:s26] =	ssyncset.done $0x0  }
0x497: {  	s30 =	simm.s32 $0x5E80;
	[sflag:s26] =	ssyncadd.s32 $0xFFFFF000  }
0x498: {  	[spmem:s2] =	stream.indirect.scatter.add.f32 [tilespmem:s18], [sflag:$0x5], $0x20, s30, s10, $0xb8;
	[tilespmem:$0xA300] =	vst v63  }
0x499: {  	_ =	swait.ge [sflag:s21], $0x1000  }
0x49a: {  	[sflag:s21] =	ssyncset.done $0x0  }
0x49b: {  	s30 =	simm.s32 $0x5600;
	[sflag:s21] =	ssyncadd.s32 $0xFFFFF000  }
0x49c: {  	[tilespmem:s15], [sflag:$0x3] =	stream.indirect.gather [hbm4b:s9+s10], $0x20, s30, s10, $0xb8;
	[tilespmem:$0xA300] =	vst v63  }
0x49d: {  	_ =	swait.ge [sflag:s16], $0x1000  }
0x49e: {  	[sflag:s16] =	ssyncset.done $0x0  }
0x49f: {  	s30 =	simm.s32 $0x5F00;
	[sflag:s16] =	ssyncadd.s32 $0xFFFFF000  }
0x4a0: {  	[spmem:s2] =	stream.indirect.scatter.add.f32 [tilespmem:s11], [sflag:$0x5], $0x20, s30, s10, $0xb8;
	[tilespmem:$0xA300] =	vst v63  }
0x4a1: {  	_ =	swait.ge [sflag:s21], $0x1000  }
0x4a2: {  	[sflag:s21] =	ssyncset.done $0x0  }
0x4a3: {  	s30 =	simm.s32 $0x5680;
	[sflag:s21] =	ssyncadd.s32 $0xFFFFF000  }
0x4a4: {  	[tilespmem:s18], [sflag:$0x4] =	stream.indirect.gather [hbm4b:s9+s10], $0x20, s30, s10, $0xb8;
	[tilespmem:$0xA300] =	vst v63  }
0x4a5: {  	_ =	swait.ge [sflag:s19], $0x1000  }
0x4a6: {  	[sflag:s19] =	ssyncset.done $0x0  }
0x4a7: {  	s30 =	simm.s32 $0x5F80;
	[sflag:s19] =	ssyncadd.s32 $0xFFFFF000  }
0x4a8: {  	[spmem:s2] =	stream.indirect.scatter.add.f32 [tilespmem:s13], [sflag:$0x5], $0x20, s30, s10, $0xb8;
	[tilespmem:$0xA300] =	vst v63  }
0x4a9: {  	_ =	swait.ge [sflag:s21], $0x1000  }
0x4aa: {  	[sflag:s21] =	ssyncset.done $0x0  }
0x4ab: {  	s30 =	simm.s32 $0x5700;
	[sflag:s21] =	ssyncadd.s32 $0xFFFFF000  }
0x4ac: {  	[tilespmem:s11], [sflag:$0x1] =	stream.indirect.gather [hbm4b:s9+s10], $0x20, s30, s10, $0xb8;
	[tilespmem:$0xA300] =	vst v63  }
0x4ad: {  	_ =	swait.ge [sflag:s23], $0x1000  }
0x4ae: {  	[sflag:s23] =	ssyncset.done $0x0  }
0x4af: {  	s30 =	simm.s32 $0x6000;
	[sflag:s23] =	ssyncadd.s32 $0xFFFFF000  }
0x4b0: {  	[spmem:s2] =	stream.indirect.scatter.add.f32 [tilespmem:s15], [sflag:$0x5], $0x20, s30, s10, $0xb8;
	[tilespmem:$0xA300] =	vst v63  }
0x4b1: {  	_ =	swait.ge [sflag:s21], $0x1000  }
0x4b2: {  	[sflag:s21] =	ssyncset.done $0x0  }
0x4b3: {  	s30 =	simm.s32 $0x5780;
	[sflag:s21] =	ssyncadd.s32 $0xFFFFF000  }
0x4b4: {  	[tilespmem:s13], [sflag:$0x2] =	stream.indirect.gather [hbm4b:s9+s10], $0x20, s30, s10, $0xb8;
	[tilespmem:$0xA300] =	vst v63  }
0x4b5: {  	_ =	swait.ge [sflag:s26], $0x1000  }
0x4b6: {  	[sflag:s26] =	ssyncset.done $0x0  }
0x4b7: {  	s30 =	simm.s32 $0x6080;
	[sflag:s26] =	ssyncadd.s32 $0xFFFFF000  }
0x4b8: {  	[spmem:s2] =	stream.indirect.scatter.add.f32 [tilespmem:s18], [sflag:$0x5], $0x20, s30, s10, $0xb8;
	[tilespmem:$0xA300] =	vst v63  }
0x4b9: {  	_ =	swait.ge [sflag:s21], $0x1000  }
0x4ba: {  	[sflag:s21] =	ssyncset.done $0x0  }
0x4bb: {  	s30 =	simm.s32 $0x5800;
	[sflag:s21] =	ssyncadd.s32 $0xFFFFF000  }
0x4bc: {  	[tilespmem:s15], [sflag:$0x3] =	stream.indirect.gather [hbm4b:s9+s10], $0x20, s30, s10, $0xb8;
	[tilespmem:$0xA300] =	vst v63  }
0x4bd: {  	_ =	swait.ge [sflag:s16], $0x1000  }
0x4be: {  	[sflag:s16] =	ssyncset.done $0x0  }
0x4bf: {  	s30 =	simm.s32 $0x6100;
	[sflag:s16] =	ssyncadd.s32 $0xFFFFF000  }
0x4c0: {  	[spmem:s2] =	stream.indirect.scatter.add.f32 [tilespmem:s11], [sflag:$0x5], $0x20, s30, s10, $0xb8;
	[tilespmem:$0xA300] =	vst v63  }
0x4c1: {  	_ =	swait.ge [sflag:s21], $0x1000  }
0x4c2: {  	[sflag:s21] =	ssyncset.done $0x0  }
0x4c3: {  	s30 =	simm.s32 $0x5880;
	[sflag:s21] =	ssyncadd.s32 $0xFFFFF000  }
0x4c4: {  	[tilespmem:s18], [sflag:$0x4] =	stream.indirect.gather [hbm4b:s9+s10], $0x20, s30, s10, $0xb8;
	[tilespmem:$0xA300] =	vst v63  }
0x4c5: {  	_ =	swait.ge [sflag:s19], $0x1000  }
0x4c6: {  	[sflag:s19] =	ssyncset.done $0x0  }
0x4c7: {  	s30 =	simm.s32 $0x6180;
	[sflag:s19] =	ssyncadd.s32 $0xFFFFF000  }
0x4c8: {  	[spmem:s2] =	stream.indirect.scatter.add.f32 [tilespmem:s13], [sflag:$0x5], $0x20, s30, s10, $0xb8;
	[tilespmem:$0xA300] =	vst v63  }
0x4c9: {  	_ =	swait.ge [sflag:s21], $0x1000  }
0x4ca: {  	[sflag:s21] =	ssyncset.done $0x0  }
0x4cb: {  	[sflag:s21] =	ssyncadd.s32 $0xFFFFF000  }
0x4cc: {  	_ =	swait.ge [sflag:s23], $0x1000  }
0x4cd: {  	[sflag:s23] =	ssyncset.done $0x0  }
0x4ce: {  	s30 =	simm.s32 $0x6200;
	[sflag:s23] =	ssyncadd.s32 $0xFFFFF000  }
0x4cf: {  	[spmem:s2] =	stream.indirect.scatter.add.f32 [tilespmem:s15], [sflag:$0x5], $0x20, s30, s10, $0xb8;
	[tilespmem:$0xA300] =	vst v63  }
0x4d0: {  	_ =	swait.ge [sflag:s21], $0x1000  }
0x4d1: {  	[sflag:s21] =	ssyncset.done $0x0  }
0x4d2: {  	[sflag:s21] =	ssyncadd.s32 $0xFFFFF000  }
0x4d3: {  	_ =	swait.ge [sflag:s26], $0x1000  }
0x4d4: {  	[sflag:s26] =	ssyncset.done $0x0  }
0x4d5: {  	s30 =	simm.s32 $0x6280;
	[sflag:s26] =	ssyncadd.s32 $0xFFFFF000  }
0x4d6: {  	[spmem:s2] =	stream.indirect.scatter.add.f32 [tilespmem:s18], [sflag:$0x5], $0x20, s30, s10, $0xb8;
	[tilespmem:$0xA300] =	vst v63  }
0x4d7: {  	_ =	swait.ge [sflag:s21], $0x1000  }
0x4d8: {  	[sflag:s21] =	ssyncset.done $0x0  }
0x4d9: {  	[sflag:s21] =	ssyncadd.s32 $0xFFFFF000  }
0x4da: {  	_ =	swait.ge [sflag:s21], $0x1000  }
0x4db: {  	[sflag:s21] =	ssyncset.done $0x0  }
0x4dc: {  	s30 =	rddreg [dreg:$0xb];
	[sflag:s21] =	ssyncadd.s32 $0xFFFFF000  }
0x4dd: {  	[tilespmem:s8], [sflag:$0x6] =	stream.linear.gather [hbm4b:s30+s7], $0xA00, $0x38;
	[tilespmem:$0xA300] =	vst v63  }
0x4de: {  	_ =	swait.ge [sflag:s5], $0xA00  }
0x4df: {  	[sflag:s5] =	ssyncset.done $0x0  }
0x4e0: {  	s30 =	rddreg [dreg:$0xc];
	[sflag:s5] =	ssyncadd.s32 $0xFFFFF600  }
0x4e1: {  	[tilespmem:s0], [sflag:$0x6] =	stream.linear.gather [hbm4b:s30+s7], $0xA00, $0x38;
	[tilespmem:$0xA300] =	vst v63  }
0x4e2: {  	_ =	swait.ge [sflag:s5], $0xA00  }
0x4e3: {  	[sflag:s5] =	ssyncset.done $0x0  }
0x4e4: {  	[sflag:s5] =	ssyncadd.s32 $0xFFFFF600  }
0x4e5: {  	[tilespmem:s11], [sflag:$0x1] =	stream.indirect.gather [hbm4b:s9+s10], $0x20, s8, s10, $0xb8;
	[tilespmem:$0xA300] =	vst v63  }
0x4e6: {  	s1 =	simm.s32 $0x4F80  }
0x4e7: {  	[tilespmem:s13], [sflag:$0x2] =	stream.indirect.gather [hbm4b:s9+s10], $0x20, s1, s10, $0xb8;
	[tilespmem:$0xA300] =	vst v63  }
0x4e8: {  	s30 =	simm.s32 $0x5000  }
0x4e9: {  	[tilespmem:s15], [sflag:$0x3] =	stream.indirect.gather [hbm4b:s9+s10], $0x20, s30, s10, $0xb8;
	[tilespmem:$0xA300] =	vst v63  }
0x4ea: {  	_ =	swait.ge [sflag:s16], $0x1000  }
0x4eb: {  	[sflag:s16] =	ssyncset.done $0x0  }
0x4ec: {  	[sflag:s16] =	ssyncadd.s32 $0xFFFFF000  }
0x4ed: {  	[spmem:s2] =	stream.indirect.scatter.add.f32 [tilespmem:s11], [sflag:$0x5], $0x20, s0, s10, $0xb8;
	[tilespmem:$0xA300] =	vst v63  }
0x4ee: {  	s4 =	simm.s32 $0x5080  }
0x4ef: {  	[tilespmem:s18], [sflag:$0x4] =	stream.indirect.gather [hbm4b:s9+s10], $0x20, s4, s10, $0xb8;
	[tilespmem:$0xA300] =	vst v63  }
0x4f0: {  	_ =	swait.ge [sflag:s19], $0x1000  }
0x4f1: {  	[sflag:s19] =	ssyncset.done $0x0  }
0x4f2: {  	s6 =	simm.s32 $0x5980;
	[sflag:s19] =	ssyncadd.s32 $0xFFFFF000  }
0x4f3: {  	[spmem:s2] =	stream.indirect.scatter.add.f32 [tilespmem:s13], [sflag:$0x5], $0x20, s6, s10, $0xb8;
	[tilespmem:$0xA300] =	vst v63  }
0x4f4: {  	_ =	swait.ge [sflag:s21], $0x1000  }
0x4f5: {  	[sflag:s21] =	ssyncset.done $0x0  }
0x4f6: {  	s12 =	simm.s32 $0x5100;
	[sflag:s21] =	ssyncadd.s32 $0xFFFFF000  }
0x4f7: {  	[tilespmem:s11], [sflag:$0x1] =	stream.indirect.gather [hbm4b:s9+s10], $0x20, s12, s10, $0xb8;
	[tilespmem:$0xA300] =	vst v63  }
0x4f8: {  	_ =	swait.ge [sflag:s23], $0x1000  }
0x4f9: {  	[sflag:s23] =	ssyncset.done $0x0  }
0x4fa: {  	s14 =	simm.s32 $0x5A00;
	[sflag:s23] =	ssyncadd.s32 $0xFFFFF000  }
0x4fb: {  	[spmem:s2] =	stream.indirect.scatter.add.f32 [tilespmem:s15], [sflag:$0x5], $0x20, s14, s10, $0xb8;
	[tilespmem:$0xA300] =	vst v63  }
0x4fc: {  	_ =	swait.ge [sflag:s21], $0x1000  }
0x4fd: {  	[sflag:s21] =	ssyncset.done $0x0  }
0x4fe: {  	s17 =	simm.s32 $0x5180;
	[sflag:s21] =	ssyncadd.s32 $0xFFFFF000  }
0x4ff: {  	[tilespmem:s13], [sflag:$0x2] =	stream.indirect.gather [hbm4b:s9+s10], $0x20, s17, s10, $0xb8;
	[tilespmem:$0xA300] =	vst v63  }
0x500: {  	_ =	swait.ge [sflag:s26], $0x1000  }
0x501: {  	[sflag:s26] =	ssyncset.done $0x0  }
0x502: {  	s20 =	simm.s32 $0x5A80;
	[sflag:s26] =	ssyncadd.s32 $0xFFFFF000  }
0x503: {  	[spmem:s2] =	stream.indirect.scatter.add.f32 [tilespmem:s18], [sflag:$0x5], $0x20, s20, s10, $0xb8;
	[tilespmem:$0xA300] =	vst v63  }
0x504: {  	_ =	swait.ge [sflag:s21], $0x1000  }
0x505: {  	[sflag:s21] =	ssyncset.done $0x0  }
0x506: {  	s22 =	simm.s32 $0x5200;
	[sflag:s21] =	ssyncadd.s32 $0xFFFFF000  }
0x507: {  	[tilespmem:s15], [sflag:$0x3] =	stream.indirect.gather [hbm4b:s9+s10], $0x20, s22, s10, $0xb8;
	[tilespmem:$0xA300] =	vst v63  }
0x508: {  	_ =	swait.ge [sflag:s16], $0x1000  }
0x509: {  	[sflag:s16] =	ssyncset.done $0x0  }
0x50a: {  	s24 =	simm.s32 $0x5B00;
	[sflag:s16] =	ssyncadd.s32 $0xFFFFF000  }
0x50b: {  	[spmem:s2] =	stream.indirect.scatter.add.f32 [tilespmem:s11], [sflag:$0x5], $0x20, s24, s10, $0xb8;
	[tilespmem:$0xA300] =	vst v63  }
0x50c: {  	_ =	swait.ge [sflag:s21], $0x1000  }
0x50d: {  	[sflag:s21] =	ssyncset.done $0x0  }
0x50e: {  	s25 =	simm.s32 $0x5280;
	[sflag:s21] =	ssyncadd.s32 $0xFFFFF000  }
0x50f: {  	[tilespmem:s18], [sflag:$0x4] =	stream.indirect.gather [hbm4b:s9+s10], $0x20, s25, s10, $0xb8;
	[tilespmem:$0xA300] =	vst v63  }
0x510: {  	_ =	swait.ge [sflag:s19], $0x1000  }
0x511: {  	[sflag:s19] =	ssyncset.done $0x0  }
0x512: {  	s3 =	simm.s32 $0x5B80;
	[sflag:s19] =	ssyncadd.s32 $0xFFFFF000  }
0x513: {  	[spmem:s2] =	stream.indirect.scatter.add.f32 [tilespmem:s13], [sflag:$0x5], $0x20, s3, s10, $0xb8;
	[tilespmem:$0xA300] =	vst v63  }
0x514: {  	_ =	swait.ge [sflag:s21], $0x1000  }
0x515: {  	[sflag:s21] =	ssyncset.done $0x0  }
0x516: {  	s1 =	simm.s32 $0x5300;
	[sflag:s21] =	ssyncadd.s32 $0xFFFFF000  }
0x517: {  	[tilespmem:s11], [sflag:$0x1] =	stream.indirect.gather [hbm4b:s9+s10], $0x20, s1, s10, $0xb8;
	[tilespmem:$0xA300] =	vst v63  }
0x518: {  	_ =	swait.ge [sflag:s23], $0x1000  }
0x519: {  	[sflag:s23] =	ssyncset.done $0x0  }
0x51a: {  	s28 =	simm.s32 $0x5C00;
	[sflag:s23] =	ssyncadd.s32 $0xFFFFF000  }
0x51b: {  	[spmem:s2] =	stream.indirect.scatter.add.f32 [tilespmem:s15], [sflag:$0x5], $0x20, s28, s10, $0xb8;
	[tilespmem:$0xA300] =	vst v63  }
0x51c: {  	_ =	swait.ge [sflag:s21], $0x1000  }
0x51d: {  	[sflag:s21] =	ssyncset.done $0x0  }
0x51e: {  	s31 =	simm.s32 $0x5380;
	[sflag:s21] =	ssyncadd.s32 $0xFFFFF000  }
0x51f: {  	[tilespmem:s13], [sflag:$0x2] =	stream.indirect.gather [hbm4b:s9+s10], $0x20, s31, s10, $0xb8;
	[tilespmem:$0xA300] =	vst v63  }
0x520: {  	_ =	swait.ge [sflag:s26], $0x1000  }
0x521: {  	[sflag:s26] =	ssyncset.done $0x0  }
0x522: {  	s3 =	simm.s32 $0x5C80;
	[sflag:s26] =	ssyncadd.s32 $0xFFFFF000  }
0x523: {  	[spmem:s2] =	stream.indirect.scatter.add.f32 [tilespmem:s18], [sflag:$0x5], $0x20, s3, s10, $0xb8;
	[tilespmem:$0xA300] =	vst v63  }
0x524: {  	_ =	swait.ge [sflag:s21], $0x1000  }
0x525: {  	[sflag:s21] =	ssyncset.done $0x0  }
0x526: {  	s4 =	simm.s32 $0x5400;
	[sflag:s21] =	ssyncadd.s32 $0xFFFFF000  }
0x527: {  	[tilespmem:s15], [sflag:$0x3] =	stream.indirect.gather [hbm4b:s9+s10], $0x20, s4, s10, $0xb8;
	[tilespmem:$0xA300] =	vst v63  }
0x528: {  	_ =	swait.ge [sflag:s16], $0x1000  }
0x529: {  	[sflag:s16] =	ssyncset.done $0x0  }
0x52a: {  	s6 =	simm.s32 $0x5D00;
	[sflag:s16] =	ssyncadd.s32 $0xFFFFF000  }
0x52b: {  	[spmem:s2] =	stream.indirect.scatter.add.f32 [tilespmem:s11], [sflag:$0x5], $0x20, s6, s10, $0xb8;
	[tilespmem:$0xA300] =	vst v63  }
0x52c: {  	_ =	swait.ge [sflag:s21], $0x1000  }
0x52d: {  	[sflag:s21] =	ssyncset.done $0x0  }
0x52e: {  	s12 =	simm.s32 $0x5480;
	[sflag:s21] =	ssyncadd.s32 $0xFFFFF000  }
0x52f: {  	[tilespmem:s18], [sflag:$0x4] =	stream.indirect.gather [hbm4b:s9+s10], $0x20, s12, s10, $0xb8;
	[tilespmem:$0xA300] =	vst v63  }
0x530: {  	_ =	swait.ge [sflag:s19], $0x1000  }
0x531: {  	[sflag:s19] =	ssyncset.done $0x0  }
0x532: {  	s14 =	simm.s32 $0x5D80;
	[sflag:s19] =	ssyncadd.s32 $0xFFFFF000  }
0x533: {  	[spmem:s2] =	stream.indirect.scatter.add.f32 [tilespmem:s13], [sflag:$0x5], $0x20, s14, s10, $0xb8;
	[tilespmem:$0xA300] =	vst v63  }
0x534: {  	_ =	swait.ge [sflag:s21], $0x1000  }
0x535: {  	[sflag:s21] =	ssyncset.done $0x0  }
0x536: {  	s17 =	simm.s32 $0x5500;
	[sflag:s21] =	ssyncadd.s32 $0xFFFFF000  }
0x537: {  	[tilespmem:s11], [sflag:$0x1] =	stream.indirect.gather [hbm4b:s9+s10], $0x20, s17, s10, $0xb8;
	[tilespmem:$0xA300] =	vst v63  }
0x538: {  	_ =	swait.ge [sflag:s23], $0x1000  }
0x539: {  	[sflag:s23] =	ssyncset.done $0x0  }
0x53a: {  	s20 =	simm.s32 $0x5E00;
	[sflag:s23] =	ssyncadd.s32 $0xFFFFF000  }
0x53b: {  	[spmem:s2] =	stream.indirect.scatter.add.f32 [tilespmem:s15], [sflag:$0x5], $0x20, s20, s10, $0xb8;
	[tilespmem:$0xA300] =	vst v63  }
0x53c: {  	_ =	swait.ge [sflag:s21], $0x1000  }
0x53d: {  	[sflag:s21] =	ssyncset.done $0x0  }
0x53e: {  	s22 =	simm.s32 $0x5580;
	[sflag:s21] =	ssyncadd.s32 $0xFFFFF000  }
0x53f: {  	[tilespmem:s13], [sflag:$0x2] =	stream.indirect.gather [hbm4b:s9+s10], $0x20, s22, s10, $0xb8;
	[tilespmem:$0xA300] =	vst v63  }
0x540: {  	_ =	swait.ge [sflag:s26], $0x1000  }
0x541: {  	[sflag:s26] =	ssyncset.done $0x0  }
0x542: {  	s24 =	simm.s32 $0x5E80;
	[sflag:s26] =	ssyncadd.s32 $0xFFFFF000  }
0x543: {  	[spmem:s2] =	stream.indirect.scatter.add.f32 [tilespmem:s18], [sflag:$0x5], $0x20, s24, s10, $0xb8;
	[tilespmem:$0xA300] =	vst v63  }
0x544: {  	_ =	swait.ge [sflag:s21], $0x1000  }
0x545: {  	[sflag:s21] =	ssyncset.done $0x0  }
0x546: {  	s25 =	simm.s32 $0x5600;
	[sflag:s21] =	ssyncadd.s32 $0xFFFFF000  }
0x547: {  	[tilespmem:s15], [sflag:$0x3] =	stream.indirect.gather [hbm4b:s9+s10], $0x20, s25, s10, $0xb8;
	[tilespmem:$0xA300] =	vst v63  }
0x548: {  	_ =	swait.ge [sflag:s16], $0x1000  }
0x549: {  	[sflag:s16] =	ssyncset.done $0x0  }
0x54a: {  	s28 =	simm.s32 $0x5F00;
	[sflag:s16] =	ssyncadd.s32 $0xFFFFF000  }
0x54b: {  	[spmem:s2] =	stream.indirect.scatter.add.f32 [tilespmem:s11], [sflag:$0x5], $0x20, s28, s10, $0xb8;
	[tilespmem:$0xA300] =	vst v63  }
0x54c: {  	_ =	swait.ge [sflag:s21], $0x1000  }
0x54d: {  	[sflag:s21] =	ssyncset.done $0x0  }
0x54e: {  	s30 =	simm.s32 $0x5680;
	[sflag:s21] =	ssyncadd.s32 $0xFFFFF000  }
0x54f: {  	[tilespmem:s18], [sflag:$0x4] =	stream.indirect.gather [hbm4b:s9+s10], $0x20, s30, s10, $0xb8;
	[tilespmem:$0xA300] =	vst v63  }
0x550: {  	_ =	swait.ge [sflag:s19], $0x1000  }
0x551: {  	[sflag:s19] =	ssyncset.done $0x0  }
0x552: {  	s31 =	simm.s32 $0x5F80;
	[sflag:s19] =	ssyncadd.s32 $0xFFFFF000  }
0x553: {  	[spmem:s2] =	stream.indirect.scatter.add.f32 [tilespmem:s13], [sflag:$0x5], $0x20, s31, s10, $0xb8;
	[tilespmem:$0xA300] =	vst v63  }
0x554: {  	_ =	swait.ge [sflag:s21], $0x1000  }
0x555: {  	[sflag:s21] =	ssyncset.done $0x0  }
0x556: {  	s1 =	simm.s32 $0x5700;
	[sflag:s21] =	ssyncadd.s32 $0xFFFFF000  }
0x557: {  	[tilespmem:s11], [sflag:$0x1] =	stream.indirect.gather [hbm4b:s9+s10], $0x20, s1, s10, $0xb8;
	[tilespmem:$0xA300] =	vst v63  }
0x558: {  	_ =	swait.ge [sflag:s23], $0x1000  }
0x559: {  	[sflag:s23] =	ssyncset.done $0x0  }
0x55a: {  	s3 =	simm.s32 $0x6000;
	[sflag:s23] =	ssyncadd.s32 $0xFFFFF000  }
0x55b: {  	[spmem:s2] =	stream.indirect.scatter.add.f32 [tilespmem:s15], [sflag:$0x5], $0x20, s3, s10, $0xb8;
	[tilespmem:$0xA300] =	vst v63  }
0x55c: {  	_ =	swait.ge [sflag:s21], $0x1000  }
0x55d: {  	[sflag:s21] =	ssyncset.done $0x0  }
0x55e: {  	s4 =	simm.s32 $0x5780;
	[sflag:s21] =	ssyncadd.s32 $0xFFFFF000  }
0x55f: {  	[tilespmem:s13], [sflag:$0x2] =	stream.indirect.gather [hbm4b:s9+s10], $0x20, s4, s10, $0xb8;
	[tilespmem:$0xA300] =	vst v63  }
0x560: {  	_ =	swait.ge [sflag:s26], $0x1000  }
0x561: {  	[sflag:s26] =	ssyncset.done $0x0  }
0x562: {  	s6 =	simm.s32 $0x6080;
	[sflag:s26] =	ssyncadd.s32 $0xFFFFF000  }
0x563: {  	[spmem:s2] =	stream.indirect.scatter.add.f32 [tilespmem:s18], [sflag:$0x5], $0x20, s6, s10, $0xb8;
	[tilespmem:$0xA300] =	vst v63  }
0x564: {  	_ =	swait.ge [sflag:s21], $0x1000  }
0x565: {  	[sflag:s21] =	ssyncset.done $0x0  }
0x566: {  	s12 =	simm.s32 $0x5800;
	[sflag:s21] =	ssyncadd.s32 $0xFFFFF000  }
0x567: {  	[tilespmem:s15], [sflag:$0x3] =	stream.indirect.gather [hbm4b:s9+s10], $0x20, s12, s10, $0xb8;
	[tilespmem:$0xA300] =	vst v63  }
0x568: {  	_ =	swait.ge [sflag:s16], $0x1000  }
0x569: {  	[sflag:s16] =	ssyncset.done $0x0  }
0x56a: {  	s14 =	simm.s32 $0x6100;
	[sflag:s16] =	ssyncadd.s32 $0xFFFFF000  }
0x56b: {  	[spmem:s2] =	stream.indirect.scatter.add.f32 [tilespmem:s11], [sflag:$0x5], $0x20, s14, s10, $0xb8;
	[tilespmem:$0xA300] =	vst v63  }
0x56c: {  	_ =	swait.ge [sflag:s21], $0x1000  }
0x56d: {  	[sflag:s21] =	ssyncset.done $0x0  }
0x56e: {  	s17 =	simm.s32 $0x5880;
	[sflag:s21] =	ssyncadd.s32 $0xFFFFF000  }
0x56f: {  	[tilespmem:s18], [sflag:$0x4] =	stream.indirect.gather [hbm4b:s9+s10], $0x20, s17, s10, $0xb8;
	[tilespmem:$0xA300] =	vst v63  }
0x570: {  	_ =	swait.ge [sflag:s19], $0x1000  }
0x571: {  	[sflag:s19] =	ssyncset.done $0x0  }
0x572: {  	s20 =	simm.s32 $0x6180;
	[sflag:s19] =	ssyncadd.s32 $0xFFFFF000  }
0x573: {  	[spmem:s2] =	stream.indirect.scatter.add.f32 [tilespmem:s13], [sflag:$0x5], $0x20, s20, s10, $0xb8;
	[tilespmem:$0xA300] =	vst v63  }
0x574: {  	_ =	swait.ge [sflag:s21], $0x1000  }
0x575: {  	[sflag:s21] =	ssyncset.done $0x0  }
0x576: {  	[sflag:s21] =	ssyncadd.s32 $0xFFFFF000  }
0x577: {  	_ =	swait.ge [sflag:s23], $0x1000  }
0x578: {  	[sflag:s23] =	ssyncset.done $0x0  }
0x579: {  	s22 =	simm.s32 $0x6200;
	[sflag:s23] =	ssyncadd.s32 $0xFFFFF000  }
0x57a: {  	[spmem:s2] =	stream.indirect.scatter.add.f32 [tilespmem:s15], [sflag:$0x5], $0x20, s22, s10, $0xb8;
	[tilespmem:$0xA300] =	vst v63  }
0x57b: {  	_ =	swait.ge [sflag:s21], $0x1000  }
0x57c: {  	[sflag:s21] =	ssyncset.done $0x0  }
0x57d: {  	[sflag:s21] =	ssyncadd.s32 $0xFFFFF000  }
0x57e: {  	_ =	swait.ge [sflag:s26], $0x1000  }
0x57f: {  	[sflag:s26] =	ssyncset.done $0x0  }
0x580: {  	s24 =	simm.s32 $0x6280;
	[sflag:s26] =	ssyncadd.s32 $0xFFFFF000  }
0x581: {  	[spmem:s2] =	stream.indirect.scatter.add.f32 [tilespmem:s18], [sflag:$0x5], $0x20, s24, s10, $0xb8;
	[tilespmem:$0xA300] =	vst v63  }
0x582: {  	_ =	swait.ge [sflag:s21], $0x1000  }
0x583: {  	[sflag:s21] =	ssyncset.done $0x0  }
0x584: {  	[sflag:s21] =	ssyncadd.s32 $0xFFFFF000  }
0x585: {  	_ =	swait.ge [sflag:s21], $0x1000  }
0x586: {  	[sflag:s21] =	ssyncset.done $0x0  }
0x587: {  	[sflag:s21] =	ssyncadd.s32 $0xFFFFF000  }
0x588: {  	p0 =	sne.s32 s29, $0x1;
	[bflag:$0x0] =	sbarrier.arrive $0xFFFF  }
.Ltmp1:
0x589: {  	s25 =	rddreg [dreg:$0xd];
	(pc) =	sbr.rel @p0 .LBB2_2-.Ltmp1, $4  }
0x58a: {  	s28 =	rddreg [dreg:$0xf]  }
0x58b: {  	s31 =	rddreg [dreg:$0xe]  }
0x58c: {  	[hbm:s25], [sflag:s31] =	dma.local [spmem:s28], $0x9E0  }
0x58d: {  	s29 =	sadd.s32 $0xFFFFFFFF, s29;
	_ =	swait.ge [sflag:s5], $0x9E0  }
.LBB2_3:
0x58e: {  	[sflag:s5] =	ssyncset.done $0x0  }
0x58f: {  	[sflag:s5] =	ssyncadd.s32 $0xFFFFF620  }
0x590: {  	_ =	sfence.sel $0x180000  }
0x591: {  	[bflag:$0x0] =	sbarrier.arrive $0xFFFF  }
0x592: {  	_ =	strace $0x9000004A  }
0x593: {  	s0 =	stileid.u32;
	[bflag:$0x2] =	sbarrier.arrive $0xFFFF  }
0x594: {  	p0 =	sne.s32 s0, $0x0;
	s0 =	rddreg [dreg:$0x3]  }
0x595: {  	s0 =	sadd.s32 @!p0 $0x100000, s0  }
0x596: {  	[sflag:s0] =	ssyncadd.tile.s32 @!p0 $0x1;
	_ =	shalt  }
.Lfunc_end2:
_tile_overlayer_lowered:
.L_overlay_start_2:
0x597: {  	(tag) =	ssettag $0x2  }
0x598: {  	s0 =	rddreg [dreg:$0x0];
	s2 =	stileid.u32  }
0x599: {  	s1 =	rddreg [dreg:$0x1];
	p0 =	sne.s32 s2, $0x0  }
0x59a: {  	s3 =	rddreg [dreg:$0x2];
	[bflag:$0x3] =	sbarrier.arrive $0xFFFF;
	s2 =	simm.s32 @!p0 $0x1C06  }
0x59b: {  	[timem:s3], [sflag:s2] =	dma.local @!p0 [hbm:s0], s1  }
0x59c: {  	s0 =	simm.s32 @!p0 $0x6  }
0x59d: {  	_ =	swait.ge @!p0 [sflag:s0], s1  }
0x59e: {  	s1 =	ssub.s32 @!p0 $0x0, s1;
	[sflag:s0] =	ssyncset.done @!p0 $0x0  }
0x59f: {  	[sflag:s0] =	ssyncadd.s32 @!p0 s1  }
0x5a0: {  	[bflag:$0x3] =	sbarrier.arrive $0xFFFF  }
0x5a1: {  	_ =	shalt  }

</sc_bundles>
